<compile_context>
chip_gen: v7x
topology: tpu7x:2x2x1
jax: 0.10.2.dev20260603
libtpu: 0.0.44.dev20260713+nightly
codegen_flags: <defaults>
</compile_context>

<pallas_src>
import functools

import jax
import jax.numpy as jnp
from jax import lax
from jax.experimental import pallas as pl
from jax.experimental.pallas import tpu as pltpu
from jax.experimental.pallas import tpu_sc as plsc

N_NODES = 10000
NPAD = 10240
NUM_RELS = 16
D = 128
H = 64
E = 320000
T = 16384
MARGIN = 9.0

NUM_TILES = 16
CB = 80
NCHUNK = 252
E_PAD = NUM_TILES * NCHUNK * CB
NROWS = E_PAD // CB
E_PER_TILE = NCHUNK * CB
ROWS_PER_TILE = NPAD // NUM_TILES
TBL_HALF = NUM_RELS * NPAD

_MESH = plsc.VectorSubcoreMesh(core_axis_name="c", subcore_axis_name="s")


def _tc_build_scaled(comp_flat, x):
  RB = 512

  def body(comp_ref, x_ref, o_ref):
    xb = x_ref[...]
    for kk in range(2 * NUM_RELS):
      o_ref[kk] = xb * comp_ref[kk]

  return pl.pallas_call(
      body,
      grid=(NPAD // RB,),
      in_specs=[
          pl.BlockSpec(memory_space=pltpu.SMEM),
          pl.BlockSpec((RB, D), lambda i: (i, 0)),
      ],
      out_specs=pl.BlockSpec((2 * NUM_RELS, RB, D), lambda i: (0, i, 0)),
      out_shape=jax.ShapeDtypeStruct((2 * NUM_RELS, NPAD, D), jnp.float32),
  )(comp_flat, x)


def _tc_edge_indices(src2d, typ2d, rel_emb):

  def body(src_ref, typ_ref, rel_ref, o_ref, cs_ref):
    base = typ_ref[...] * NPAD + src_ref[...]
    o_ref[0] = base
    o_ref[1] = base + TBL_HALF
    ph = rel_ref[...]
    cs_ref[...] = jnp.concatenate([jnp.cos(ph), jnp.sin(ph)], axis=1)

  return pl.pallas_call(
      body,
      out_shape=[jax.ShapeDtypeStruct((2, NROWS, CB), jnp.int32),
                 jax.ShapeDtypeStruct((NUM_RELS, D), jnp.float32)],
  )(src2d, typ2d, rel_emb)


def _make_sc_aggregate(with_cnt):

  @functools.partial(
      pl.kernel, mesh=_MESH,
      out_type=[jax.ShapeDtypeStruct((2, NPAD, D), jnp.float32),
                jax.ShapeDtypeStruct((NPAD,), jnp.float32)],
      scratch_types=[
          pltpu.VMEM((CB,), jnp.int32),
          pltpu.VMEM((CB,), jnp.int32),
          pltpu.VMEM((CB,), jnp.int32),
          pltpu.VMEM((CB,), jnp.int32),
          pltpu.VMEM((CB,), jnp.int32),
          pltpu.VMEM((CB,), jnp.int32),
          pltpu.VMEM((CB,), jnp.int32),
          pltpu.VMEM((CB,), jnp.int32),
          pltpu.VMEM((CB, D), jnp.float32),
          pltpu.VMEM((CB, D), jnp.float32),
          pltpu.VMEM((CB, D), jnp.float32),
          pltpu.VMEM((CB, D), jnp.float32),
          pltpu.VMEM((CB,), jnp.float32),
          pltpu.VMEM_SHARED((NPAD, D), jnp.float32),
          pltpu.VMEM_SHARED((NPAD,), jnp.float32),
          pltpu.SemaphoreType.DMA,
          pltpu.SemaphoreType.DMA,
          pltpu.SemaphoreType.DMA,
          pltpu.SemaphoreType.DMA,
          pltpu.SemaphoreType.DMA,
          pltpu.SemaphoreType.DMA,
          pltpu.SemaphoreType.DMA,
      ],
  )
  def k(tbl_hbm, idx_hbm, dst_hbm, zrows_hbm, zcnt_hbm,
        acc_out, cnt_out,
        idxs0, idxs1, idxs2, idxs3, dstc0, dstc1, dstc2, dstc3,
        rows0, rows1, rows2, rows3, ones_v, acc_sh, cnt_sh,
        gsem0, gsem1, sem2, ssem0, ssem1, csem0, csem1):
    c = lax.axis_index("c")
    s = lax.axis_index("s")
    rsl = pl.ds(s * ROWS_PER_TILE, ROWS_PER_TILE)
    pltpu.sync_copy(zrows_hbm.at[rsl], acc_sh.at[rsl])
    if with_cnt:
      pltpu.sync_copy(zcnt_hbm.at[rsl], cnt_sh.at[rsl])
    for j in range(CB // 16):
      ones_v[pl.ds(j * 16, 16)] = jnp.ones((16,), jnp.float32)
    plsc.subcore_barrier()

    ebase = s * E_PER_TILE
    ibase = c * E_PAD + ebase
    rows = [rows0, rows1, rows2, rows3]
    dstc = [dstc0, dstc1, dstc2, dstc3]
    idxs = [idxs0, idxs1, idxs2, idxs3]
    gsem = [gsem0, gsem1]
    ssem = [ssem0, ssem1]
    csem = [csem0, csem1]

    def idxdma(chunk, j):
      pltpu.async_copy(idx_hbm.at[pl.ds(ibase + chunk * CB, CB)],
                       idxs[j], sem2)

    def dstdma(chunk, j):
      pltpu.async_copy(dst_hbm.at[pl.ds(ebase + chunk * CB, CB)],
                       dstc[j], sem2)

    def fdrain(n):
      for _ in range(n):
        pltpu.make_async_copy(dst_hbm.at[pl.ds(0, CB)], dstc0, sem2).wait()

    def gstart(j):
      pltpu.async_copy(tbl_hbm.at[idxs[j]], rows[j], gsem[j % 2])

    def gwait(j):
      pltpu.make_async_copy(tbl_hbm.at[idxs[0]], rows[j],
                            gsem[j % 2]).wait()

    def sstart(j):
      pltpu.async_copy(rows[j], acc_sh.at[dstc[j]], ssem[j % 2], add=True)
      if with_cnt:
        @pl.when(c == 0)
        def _():
          pltpu.async_copy(ones_v, cnt_sh.at[dstc[j]], csem[j % 2], add=True)

    def swait(j):
      pltpu.make_async_copy(rows0, acc_sh.at[dstc0], ssem[j % 2]).wait()
      if with_cnt:
        @pl.when(c == 0)
        def _():
          pltpu.make_async_copy(ones_v, cnt_sh.at[dstc0], csem[j % 2]).wait()

    def slot(q, j, do_swait=True, drain_n=2, g2=True, d2=True, i3=True):
      if do_swait:
        swait(j)
      fdrain(drain_n)
      gwait(j)
      sstart(j)
      if g2:
        gstart((j + 2) % 4)
      if d2:
        dstdma(q + 2, (j + 2) % 4)
      if i3:
        idxdma(q + 3, (j + 3) % 4)

    dstdma(0, 0)
    idxdma(0, 0)
    dstdma(1, 1)
    idxdma(1, 1)
    fdrain(4)
    gstart(0)
    gstart(1)
    idxdma(2, 2)
    slot(0, 0, do_swait=False, drain_n=1)
    slot(1, 1, do_swait=False)
    slot(2, 2)
    slot(3, 3)

    def body(it, carry):
      q0 = it * 4
      slot(q0 + 0, 0)
      slot(q0 + 1, 1)
      slot(q0 + 2, 2)
      slot(q0 + 3, 3)
      return carry

    lax.fori_loop(1, NCHUNK // 4 - 1, body, 0)
    q0 = NCHUNK - 4
    slot(q0 + 0, 0)
    slot(q0 + 1, 1, i3=False)
    slot(q0 + 2, 2, drain_n=1, g2=False, d2=False, i3=False)
    slot(q0 + 3, 3, drain_n=0, g2=False, d2=False, i3=False)
    swait(0)
    swait(1)

    plsc.subcore_barrier()
    pltpu.sync_copy(acc_sh.at[rsl], acc_out.at[c, rsl])
    if with_cnt:
      @pl.when(c == 0)
      def _():
        pltpu.sync_copy(cnt_sh.at[rsl], cnt_out.at[rsl])

  return k


def _tc_combine(acc0, acc1, x, cnt2d, b0, b1, root, bias2d, relu,
                next_comp=None):
  RB = 512

  def compute(a0_ref, a1_ref, x_ref, cnt_ref, b0_ref, b1_ref, root_ref,
              bias_ref):
    msg = jnp.dot(a0_ref[...], b0_ref[...], preferred_element_type=jnp.float32)
    msg = msg + jnp.dot(a1_ref[...], b1_ref[...],
                        preferred_element_type=jnp.float32)
    denom = jnp.maximum(cnt_ref[...], 1.0)
    o = msg / denom + jnp.dot(x_ref[...], root_ref[...],
                              preferred_element_type=jnp.float32)
    o = o + bias_ref[...]
    if relu:
      o = jnp.maximum(o, 0.0)
    return o

  row_specs = [
      pl.BlockSpec((RB, D), lambda i: (i, 0)),
      pl.BlockSpec((RB, D), lambda i: (i, 0)),
      pl.BlockSpec((RB, D), lambda i: (i, 0)),
      pl.BlockSpec((RB, 1), lambda i: (i, 0)),
      pl.BlockSpec((D, D), lambda i: (0, 0)),
      pl.BlockSpec((D, D), lambda i: (0, 0)),
      pl.BlockSpec((D, D), lambda i: (0, 0)),
      pl.BlockSpec((1, D), lambda i: (0, 0)),
  ]

  if next_comp is None:
    def body(a0_ref, a1_ref, x_ref, cnt_ref, b0_ref, b1_ref, root_ref,
             bias_ref, o_ref):
      o_ref[...] = compute(a0_ref, a1_ref, x_ref, cnt_ref, b0_ref, b1_ref,
                           root_ref, bias_ref)

    return pl.pallas_call(
        body,
        grid=(NPAD // RB,),
        in_specs=row_specs,
        out_specs=pl.BlockSpec((RB, D), lambda i: (i, 0)),
        out_shape=jax.ShapeDtypeStruct((NPAD, D), jnp.float32),
    )(acc0, acc1, x, cnt2d, b0, b1, root, bias2d)

  def body2(comp_ref, a0_ref, a1_ref, x_ref, cnt_ref, b0_ref, b1_ref,
            root_ref, bias_ref, o_ref, t_ref):
    o = compute(a0_ref, a1_ref, x_ref, cnt_ref, b0_ref, b1_ref,
                root_ref, bias_ref)
    o_ref[...] = o
    for kk in range(2 * NUM_RELS):
      t_ref[kk] = o * comp_ref[kk]

  return pl.pallas_call(
      body2,
      grid=(NPAD // RB,),
      in_specs=[pl.BlockSpec(memory_space=pltpu.SMEM)] + row_specs,
      out_specs=[
          pl.BlockSpec((RB, D), lambda i: (i, 0)),
          pl.BlockSpec((2 * NUM_RELS, RB, D), lambda i: (0, i, 0)),
      ],
      out_shape=[
          jax.ShapeDtypeStruct((NPAD, D), jnp.float32),
          jax.ShapeDtypeStruct((2 * NUM_RELS, NPAD, D), jnp.float32),
      ],
  )(next_comp, acc0, acc1, x, cnt2d, b0, b1, root, bias2d)


NW = 32
T_PER_W = T // NW
TCHUNK = 128
TITERS = T_PER_W // TCHUNK


@functools.partial(
    pl.kernel, mesh=_MESH,
    out_type=[jax.ShapeDtypeStruct((T, D), jnp.float32),
              jax.ShapeDtypeStruct((T, D), jnp.float32)],
    scratch_types=[
        pltpu.VMEM((TCHUNK,), jnp.int32),
        pltpu.VMEM((TCHUNK,), jnp.int32),
        pltpu.VMEM((2, TCHUNK, D), jnp.float32),
        pltpu.VMEM((2, TCHUNK, D), jnp.float32),
        pltpu.SemaphoreType.DMA,
        pltpu.SemaphoreType.DMA,
    ],
)
def _sc_triple_gather(x_hbm, hidx_hbm, tidx_hbm,
                      hrows_out, trows_out,
                      hi_v, ti_v, hb_v, tb_v, gsemh, gsemt):
  c = lax.axis_index("c")
  s = lax.axis_index("s")
  wid = s * 2 + c
  base = wid * T_PER_W

  def fetch_idx(it):
    sl = pl.ds(base + it * TCHUNK, TCHUNK)
    pltpu.sync_copy(hidx_hbm.at[sl], hi_v)
    pltpu.sync_copy(tidx_hbm.at[sl], ti_v)

  def gstart(b):
    pltpu.async_copy(x_hbm.at[hi_v], hb_v.at[b], gsemh)
    pltpu.async_copy(x_hbm.at[ti_v], tb_v.at[b], gsemt)

  def gwait(b):
    pltpu.make_async_copy(x_hbm.at[hi_v], hb_v.at[b], gsemh).wait()
    pltpu.make_async_copy(x_hbm.at[ti_v], tb_v.at[b], gsemt).wait()

  def put(it, b):
    sl = pl.ds(base + it * TCHUNK, TCHUNK)
    pltpu.sync_copy(hb_v.at[b], hrows_out.at[sl])
    pltpu.sync_copy(tb_v.at[b], trows_out.at[sl])

  fetch_idx(0)
  gstart(0)
  for it in range(TITERS):
    b = it % 2
    gwait(b)
    if it + 1 < TITERS:
      fetch_idx(it + 1)
      gstart(1 - b)
    put(it, b)


def _tc_score(hrows, trows, ridx2d, cs_tbl):
  RB = 512

  def body(h_ref, t_ref, r_ref, cs_ref, o_ref):
    h = h_ref[...]
    t = t_ref[...]
    rid = r_ref[...]
    p = jnp.zeros((RB, D), jnp.float32)
    for kk in range(NUM_RELS):
      p = p + jnp.where(rid == kk, 1.0, 0.0) * cs_ref[kk][None, :]
    r_re = p[:, :H]
    r_im = p[:, H:]
    h_re = h[:, :H]
    h_im = h[:, H:]
    s_re = h_re * r_re - h_im * r_im - t[:, :H]
    s_im = h_re * r_im + h_im * r_re - t[:, H:]
    dist = jnp.sqrt(s_re * s_re + s_im * s_im).sum(axis=1, keepdims=True)
    o_ref[...] = MARGIN - dist

  return pl.pallas_call(
      body,
      grid=(T // RB,),
      in_specs=[
          pl.BlockSpec((RB, D), lambda i: (i, 0)),
          pl.BlockSpec((RB, D), lambda i: (i, 0)),
          pl.BlockSpec((RB, 1), lambda i: (i, 0)),
          pl.BlockSpec((NUM_RELS, D), lambda i: (0, 0)),
      ],
      out_specs=pl.BlockSpec((RB, 1), lambda i: (i, 0)),
      out_shape=jax.ShapeDtypeStruct((T, 1), jnp.float32),
  )(hrows, trows, ridx2d, cs_tbl)


_sc_agg_cnt = _make_sc_aggregate(with_cnt=True)
_sc_agg_nocnt = _make_sc_aggregate(with_cnt=False)


def kernel(node_emb, rel_emb, basis1, comp1, root1, bias1,
           basis2, comp2, root2, bias2,
           edge_index, edge_type, h_idx, r_idx, t_idx):
  src = edge_index[0].astype(jnp.int32)
  dst = edge_index[1].astype(jnp.int32)
  typ = edge_type.astype(jnp.int32)
  npad_e = E_PAD - E
  pad_ar = jnp.arange(npad_e, dtype=jnp.int32)
  pad_dst = N_NODES + pad_ar % (NPAD - N_NODES)
  pad_src = pad_ar % N_NODES
  src2d = jnp.concatenate([src, pad_src]).reshape(NROWS, CB)
  dst1d = jnp.concatenate([dst, pad_dst])
  typ2d = jnp.concatenate(
      [typ, jnp.zeros((npad_e,), jnp.int32)]).reshape(NROWS, CB)

  idx1d, cs_tbl = _tc_edge_indices(src2d, typ2d, rel_emb)
  idx1d = idx1d.reshape(2 * E_PAD)
  zrows = jnp.zeros((NPAD, D), jnp.float32)
  zcnt = jnp.zeros((NPAD,), jnp.float32)
  x0 = jnp.zeros((NPAD, D), jnp.float32).at[:N_NODES].set(node_emb)

  scaled1 = _tc_build_scaled(
      comp1.T.reshape(2 * NUM_RELS).astype(jnp.float32), x0
  ).reshape(2 * TBL_HALF, D)
  acc, cnt = _sc_agg_cnt(scaled1, idx1d, dst1d, zrows, zcnt)
  cnt2d = cnt.reshape(NPAD, 1)
  x1, scaled2 = _tc_combine(
      acc[0], acc[1], x0, cnt2d, basis1[0], basis1[1],
      root1, bias1.reshape(1, D), relu=True,
      next_comp=comp2.T.reshape(2 * NUM_RELS).astype(jnp.float32))

  acc2, _ = _sc_agg_nocnt(scaled2.reshape(2 * TBL_HALF, D),
                          idx1d, dst1d, zrows, zcnt)
  x2 = _tc_combine(acc2[0], acc2[1], x1, cnt2d, basis2[0], basis2[1],
                   root2, bias2.reshape(1, D), relu=False)

  hrows, trows = _sc_triple_gather(
      x2, h_idx.astype(jnp.int32), t_idx.astype(jnp.int32))
  return _tc_score(hrows, trows, r_idx.astype(jnp.int32).reshape(T, 1),
                   cs_tbl).reshape(T)

# --- scband reference (transcript-rebuilt; emitter-appended) ---
"""Pipeline reference for scband-rgcn-rotat-e-28140625724165 (READ-ONLY COPY).

The authoritative reference and input builder live on the scoring server;
editing this copy changes nothing except your own understanding.
"""

import jax, jax.numpy as jnp
import numpy as np
import math

N_NODES = 10000
NUM_RELS = 16
HIDDEN = 64
IN_DIM = 2 * HIDDEN   # 128
OUT_DIM = 2 * HIDDEN  # 128
NUM_BASES = 2
N_EDGES = 320000
N_TRIPLES = 16384
MARGIN = 9.0


def setup_inputs(seed: int = 0) -> dict:
    key = jax.random.key(seed)
    ks = jax.random.split(key, 16)
    # forward args
    edge_index = jax.random.randint(ks[0], (2, N_EDGES), 0, N_NODES, dtype=jnp.int64 if jax.config.jax_enable_x64 else jnp.int32)
    edge_type = jax.random.randint(ks[1], (N_EDGES,), 0, NUM_RELS, dtype=jnp.int32)
    h_idx = jax.random.randint(ks[2], (N_TRIPLES,), 0, N_NODES, dtype=jnp.int32)
    r_idx = jax.random.randint(ks[3], (N_TRIPLES,), 0, NUM_RELS, dtype=jnp.int32)
    t_idx = jax.random.randint(ks[4], (N_TRIPLES,), 0, N_NODES, dtype=jnp.int32)
    # learned parameters
    xav = lambda k, shp: jax.random.normal(k, shp, dtype=jnp.float32) * math.sqrt(2.0 / (shp[-2] + shp[-1]))
    node_emb = xav(ks[5], (N_NODES, IN_DIM))
    rel_emb = jax.random.uniform(ks[6], (NUM_RELS, HIDDEN), dtype=jnp.float32, minval=-math.pi, maxval=math.pi)
    basis1 = xav(ks[7], (NUM_BASES, IN_DIM, OUT_DIM))
    comp1 = jax.random.normal(ks[8], (NUM_RELS, NUM_BASES), dtype=jnp.float32) * 0.5
    root1 = xav(ks[9], (IN_DIM, OUT_DIM))
    bias1 = jnp.zeros((OUT_DIM,), dtype=jnp.float32)
    basis2 = xav(ks[10], (NUM_BASES, OUT_DIM, OUT_DIM))
    comp2 = jax.random.normal(ks[11], (NUM_RELS, NUM_BASES), dtype=jnp.float32) * 0.5
    root2 = xav(ks[12], (OUT_DIM, OUT_DIM))
    bias2 = jnp.zeros((OUT_DIM,), dtype=jnp.float32)
    return {
        'node_emb': node_emb, 'rel_emb': rel_emb,
        'basis1': basis1, 'comp1': comp1, 'root1': root1, 'bias1': bias1,
        'basis2': basis2, 'comp2': comp2, 'root2': root2, 'bias2': bias2,
        'edge_index': edge_index, 'edge_type': edge_type,
        'h_idx': h_idx, 'r_idx': r_idx, 't_idx': t_idx,
    }


def _rgcn_layer(x, basis, comp, root, bias, edge_index, edge_type, num_nodes):
    # Basis-decomposition RGCNConv (PyG semantics, aggr='mean').
    # W_r = sum_b comp[r, b] * basis[b]  -> [R, in, out]
    W = jnp.einsum('rb,bio->rio', comp, basis)
    # Transform all node features under every relation: [R, N, out]
    xW = jnp.einsum('ni,rio->rno', x, W)
    src = edge_index[0]
    dst = edge_index[1]
    msg = xW[edge_type, src]  # gather [E, out]
    agg = jax.ops.segment_sum(msg, dst, num_segments=num_nodes)
    cnt = jax.ops.segment_sum(jnp.ones((msg.shape[0],), msg.dtype), dst, num_segments=num_nodes)
    agg = agg / jnp.maximum(cnt, 1.0)[:, None]
    return agg + x @ root + bias


def _rotate_score(h, r_phase, t, margin):
    h_re, h_im = jnp.split(h, 2, axis=-1)
    t_re, t_im = jnp.split(t, 2, axis=-1)
    r_re = jnp.cos(r_phase)
    r_im = jnp.sin(r_phase)
    h_prime_re = h_re * r_re - h_im * r_im
    h_prime_im = h_re * r_im + h_im * r_re
    score_re = h_prime_re - t_re
    score_im = h_prime_im - t_im
    dist = jnp.sqrt(score_re ** 2 + score_im ** 2).sum(axis=-1)
    return margin - dist


def reference(node_emb, rel_emb, basis1, comp1, root1, bias1, basis2, comp2, root2, bias2, edge_index, edge_type, h_idx, r_idx, t_idx):
    x = node_emb
    x = _rgcn_layer(x, basis1, comp1, root1, bias1, edge_index, edge_type, N_NODES)
    x = jax.nn.relu(x)
    # dropout: eval mode (identity)
    x = _rgcn_layer(x, basis2, comp2, root2, bias2, edge_index, edge_type, N_NODES)
    head_emb = x[h_idx]
    tail_emb = x[t_idx]
    relation_phases = rel_emb[r_idx]
    return _rotate_score(head_emb, relation_phases, tail_emb, MARGIN)

if __name__ == "__main__":
    import jax
    _d = setup_inputs()
    print(jax.jit(kernel)(*tuple(_d.values())))

</pallas_src>

<mosaic_0001>
#map = affine_map<(d0, d1) -> (0, 0)>
#map1 = affine_map<(d0, d1) -> (0)>
#map2 = affine_map<(d0, d1) -> (0, 0, 0)>
module attributes {stable_mosaic.version = 14 : i64} {
  func.func @k(%arg0: i32, %arg1: i32, %arg2: memref<327680x128xf32, #tpu.memory_space<hbm>>, %arg3: memref<645120xi32, #tpu.memory_space<hbm>>, %arg4: memref<322560xi32, #tpu.memory_space<hbm>>, %arg5: memref<10240x128xf32, #tpu.memory_space<hbm>>, %arg6: memref<10240xf32, #tpu.memory_space<hbm>>, %arg7: memref<2x10240x128xf32, #tpu.memory_space<hbm>>, %arg8: memref<10240xf32, #tpu.memory_space<hbm>>, %arg9: memref<80xi32, #tpu.memory_space<vmem>>, %arg10: memref<80xi32, #tpu.memory_space<vmem>>, %arg11: memref<80xi32, #tpu.memory_space<vmem>>, %arg12: memref<80xi32, #tpu.memory_space<vmem>>, %arg13: memref<80xi32, #tpu.memory_space<vmem>>, %arg14: memref<80xi32, #tpu.memory_space<vmem>>, %arg15: memref<80xi32, #tpu.memory_space<vmem>>, %arg16: memref<80xi32, #tpu.memory_space<vmem>>, %arg17: memref<80x128xf32, #tpu.memory_space<vmem>>, %arg18: memref<80x128xf32, #tpu.memory_space<vmem>>, %arg19: memref<80x128xf32, #tpu.memory_space<vmem>>, %arg20: memref<80x128xf32, #tpu.memory_space<vmem>>, %arg21: memref<80xf32, #tpu.memory_space<vmem>>, %arg22: memref<10240x128xf32, #tpu.memory_space<vmem_shared>>, %arg23: memref<10240xf32, #tpu.memory_space<vmem_shared>>, %arg24: memref<!tpu.dma_semaphore, #tpu.memory_space<semaphore_mem>>, %arg25: memref<!tpu.dma_semaphore, #tpu.memory_space<semaphore_mem>>, %arg26: memref<!tpu.dma_semaphore, #tpu.memory_space<semaphore_mem>>, %arg27: memref<!tpu.dma_semaphore, #tpu.memory_space<semaphore_mem>>, %arg28: memref<!tpu.dma_semaphore, #tpu.memory_space<semaphore_mem>>, %arg29: memref<!tpu.dma_semaphore, #tpu.memory_space<semaphore_mem>>, %arg30: memref<!tpu.dma_semaphore, #tpu.memory_space<semaphore_mem>>) attributes {dimension_semantics = [#tpu.dimension_semantics<core_parallel>, #tpu.dimension_semantics<subcore_parallel>], iteration_bounds = array<i64: 2, 16>, scalar_prefetch = 0 : i64, scratch_operands = 22 : i64, tpu.core_type = #tpu.core_type<sc_vector_subcore>, window_params = [{transform_indices = #map}, {transform_indices = #map1}, {transform_indices = #map1}, {transform_indices = #map}, {transform_indices = #map1}, {transform_indices = #map2}, {transform_indices = #map1}]} {
    %mul3A = arith.constant 640 : i32
    %mul3A_0 = arith.muli %arg1, %mul3A : i32
    "tpu.region"() ({
      %run_scoped3A = tpu.sem_alloc : memref<!tpu.dma_semaphore, #tpu.memory_space<semaphore_mem>>
      %dma_start3A_343 = arith.constant 0 : i32
      %dma_start3A_344 = tpu.memref_slice %arg22[%mul3A_0, %dma_start3A_343] : memref<10240x128xf32, #tpu.memory_space<vmem_shared>> -> memref<640x128xf32, #tpu.memory_space<vmem_shared>>
      %dma_start3A_345 = arith.constant 0 : i32
      %dma_start3A_346 = tpu.memref_slice %arg5[%mul3A_0, %dma_start3A_345] : memref<10240x128xf32, #tpu.memory_space<hbm>> -> memref<640x128xf32, #tpu.memory_space<hbm>>
      tpu.enqueue_dma source(%dma_start3A_346 : memref<640x128xf32, #tpu.memory_space<hbm>>) target(%dma_start3A_344 : memref<640x128xf32, #tpu.memory_space<vmem_shared>>) target_semaphore(%run_scoped3A : memref<!tpu.dma_semaphore, #tpu.memory_space<semaphore_mem>>)
      %dma_wait3A_347 = arith.constant 0 : i32
      %dma_wait3A_348 = tpu.memref_slice %arg22[%mul3A_0, %dma_wait3A_347] : memref<10240x128xf32, #tpu.memory_space<vmem_shared>> -> memref<640x128xf32, #tpu.memory_space<vmem_shared>>
      %dma_wait3A_349 = arith.constant 0 : i32
      %dma_wait3A_350 = tpu.memref_slice %arg5[%mul3A_0, %dma_wait3A_349] : memref<10240x128xf32, #tpu.memory_space<hbm>> -> memref<640x128xf32, #tpu.memory_space<hbm>>
      tpu.wait_dma2 semaphore(%run_scoped3A : memref<!tpu.dma_semaphore, #tpu.memory_space<semaphore_mem>>) src(%dma_wait3A_350 : memref<640x128xf32, #tpu.memory_space<hbm>>) dst(%dma_wait3A_348 : memref<640x128xf32, #tpu.memory_space<vmem_shared>>)
      tpu.yield
    }) : () -> ()
    "tpu.region"() ({
      %run_scoped3A = tpu.sem_alloc : memref<!tpu.dma_semaphore, #tpu.memory_space<semaphore_mem>>
      %dma_start3A_343 = tpu.memref_slice %arg23[%mul3A_0] : memref<10240xf32, #tpu.memory_space<vmem_shared>> -> memref<640xf32, #tpu.memory_space<vmem_shared>>
      %dma_start3A_344 = tpu.memref_slice %arg6[%mul3A_0] : memref<10240xf32, #tpu.memory_space<hbm>> -> memref<640xf32, #tpu.memory_space<hbm>>
      tpu.enqueue_dma source(%dma_start3A_344 : memref<640xf32, #tpu.memory_space<hbm>>) target(%dma_start3A_343 : memref<640xf32, #tpu.memory_space<vmem_shared>>) target_semaphore(%run_scoped3A : memref<!tpu.dma_semaphore, #tpu.memory_space<semaphore_mem>>)
      %dma_wait3A_345 = tpu.memref_slice %arg23[%mul3A_0] : memref<10240xf32, #tpu.memory_space<vmem_shared>> -> memref<640xf32, #tpu.memory_space<vmem_shared>>
      %dma_wait3A_346 = tpu.memref_slice %arg6[%mul3A_0] : memref<10240xf32, #tpu.memory_space<hbm>> -> memref<640xf32, #tpu.memory_space<hbm>>
      tpu.wait_dma2 semaphore(%run_scoped3A : memref<!tpu.dma_semaphore, #tpu.memory_space<semaphore_mem>>) src(%dma_wait3A_346 : memref<640xf32, #tpu.memory_space<hbm>>) dst(%dma_wait3A_345 : memref<640xf32, #tpu.memory_space<vmem_shared>>)
      tpu.yield
    }) : () -> ()
    %broadcast_in_dim3A = arith.constant 1.000000e+00 : f32
    %broadcast_in_dim3A_1 = vector.broadcast %broadcast_in_dim3A : f32 to vector<16xf32>
    %swap3A = arith.constant 0 : index
    %swap3A_2 = tpu.vector_load %arg21[%swap3A] {strides = array<i32>} : memref<80xf32, #tpu.memory_space<vmem>>, vector<16xf32>,
    %swap3A_3 = vector.shape_cast %swap3A_2 : vector<16xf32> to vector<16xf32>
    %swap3A_4 = vector.shape_cast %broadcast_in_dim3A_1 : vector<16xf32> to vector<16xf32>
    tpu.vector_store %arg21[%swap3A], %swap3A_4 {strides = array<i32>} : memref<80xf32, #tpu.memory_space<vmem>>, vector<16xf32>,
    %broadcast_in_dim3A_5 = arith.constant 1.000000e+00 : f32
    %broadcast_in_dim3A_6 = vector.broadcast %broadcast_in_dim3A_5 : f32 to vector<16xf32>
    %swap3A_7 = arith.constant 16 : index
    %swap3A_8 = tpu.vector_load %arg21[%swap3A_7] {strides = array<i32>} : memref<80xf32, #tpu.memory_space<vmem>>, vector<16xf32>,
    %swap3A_9 = vector.shape_cast %swap3A_8 : vector<16xf32> to vector<16xf32>
    %swap3A_10 = vector.shape_cast %broadcast_in_dim3A_6 : vector<16xf32> to vector<16xf32>
    tpu.vector_store %arg21[%swap3A_7], %swap3A_10 {strides = array<i32>} : memref<80xf32, #tpu.memory_space<vmem>>, vector<16xf32>,
    %broadcast_in_dim3A_11 = arith.constant 1.000000e+00 : f32
    %broadcast_in_dim3A_12 = vector.broadcast %broadcast_in_dim3A_11 : f32 to vector<16xf32>
    %swap3A_13 = arith.constant 32 : index
    %swap3A_14 = tpu.vector_load %arg21[%swap3A_13] {strides = array<i32>} : memref<80xf32, #tpu.memory_space<vmem>>, vector<16xf32>,
    %swap3A_15 = vector.shape_cast %swap3A_14 : vector<16xf32> to vector<16xf32>
    %swap3A_16 = vector.shape_cast %broadcast_in_dim3A_12 : vector<16xf32> to vector<16xf32>
    tpu.vector_store %arg21[%swap3A_13], %swap3A_16 {strides = array<i32>} : memref<80xf32, #tpu.memory_space<vmem>>, vector<16xf32>,
    %broadcast_in_dim3A_17 = arith.constant 1.000000e+00 : f32
    %broadcast_in_dim3A_18 = vector.broadcast %broadcast_in_dim3A_17 : f32 to vector<16xf32>
    %swap3A_19 = arith.constant 48 : index
    %swap3A_20 = tpu.vector_load %arg21[%swap3A_19] {strides = array<i32>} : memref<80xf32, #tpu.memory_space<vmem>>, vector<16xf32>,
    %swap3A_21 = vector.shape_cast %swap3A_20 : vector<16xf32> to vector<16xf32>
    %swap3A_22 = vector.shape_cast %broadcast_in_dim3A_18 : vector<16xf32> to vector<16xf32>
    tpu.vector_store %arg21[%swap3A_19], %swap3A_22 {strides = array<i32>} : memref<80xf32, #tpu.memory_space<vmem>>, vector<16xf32>,
    %broadcast_in_dim3A_23 = arith.constant 1.000000e+00 : f32
    %broadcast_in_dim3A_24 = vector.broadcast %broadcast_in_dim3A_23 : f32 to vector<16xf32>
    %swap3A_25 = arith.constant 64 : index
    %swap3A_26 = tpu.vector_load %arg21[%swap3A_25] {strides = array<i32>} : memref<80xf32, #tpu.memory_space<vmem>>, vector<16xf32>,
    %swap3A_27 = vector.shape_cast %swap3A_26 : vector<16xf32> to vector<16xf32>
    %swap3A_28 = vector.shape_cast %broadcast_in_dim3A_24 : vector<16xf32> to vector<16xf32>
    tpu.vector_store %arg21[%swap3A_25], %swap3A_28 {strides = array<i32>} : memref<80xf32, #tpu.memory_space<vmem>>, vector<16xf32>,
    %barrier3A = arith.constant 0 : index
    tpu.barrier barrier_id(%barrier3A)
    %mul3A_29 = arith.constant 20160 : i32
    %mul3A_30 = arith.muli %arg1, %mul3A_29 : i32
    %mul3A_31 = arith.constant 322560 : i32
    %mul3A_32 = arith.muli %arg0, %mul3A_31 : i32
    %add3A = arith.addi %mul3A_32, %mul3A_30 : i32
    %add3A_33 = arith.constant 0 : i32
    %add3A_34 = arith.addi %mul3A_30, %add3A_33 : i32
    %dma_start3A = tpu.memref_slice %arg4[%add3A_34] : memref<322560xi32, #tpu.memory_space<hbm>> -> memref<80xi32, #tpu.memory_space<hbm>>
    %dma_start3A_35 = tpu.memref_slice %arg4[%add3A_34] : memref<322560xi32, #tpu.memory_space<hbm>> -> memref<80xi32, #tpu.memory_space<hbm>>
    tpu.enqueue_dma source(%dma_start3A_35 : memref<80xi32, #tpu.memory_space<hbm>>) target(%arg13 : memref<80xi32, #tpu.memory_space<vmem>>) target_semaphore(%arg26 : memref<!tpu.dma_semaphore, #tpu.memory_space<semaphore_mem>>)
    %add3A_36 = arith.constant 0 : i32
    %add3A_37 = arith.addi %add3A, %add3A_36 : i32
    %dma_start3A_38 = tpu.memref_slice %arg3[%add3A_37] : memref<645120xi32, #tpu.memory_space<hbm>> -> memref<80xi32, #tpu.memory_space<hbm>>
    %dma_start3A_39 = tpu.memref_slice %arg3[%add3A_37] : memref<645120xi32, #tpu.memory_space<hbm>> -> memref<80xi32, #tpu.memory_space<hbm>>
    tpu.enqueue_dma source(%dma_start3A_39 : memref<80xi32, #tpu.memory_space<hbm>>) target(%arg9 : memref<80xi32, #tpu.memory_space<vmem>>) target_semaphore(%arg26 : memref<!tpu.dma_semaphore, #tpu.memory_space<semaphore_mem>>)
    %add3A_40 = arith.constant 80 : i32
    %add3A_41 = arith.addi %mul3A_30, %add3A_40 : i32
    %dma_start3A_42 = tpu.memref_slice %arg4[%add3A_41] : memref<322560xi32, #tpu.memory_space<hbm>> -> memref<80xi32, #tpu.memory_space<hbm>>
    %dma_start3A_43 = tpu.memref_slice %arg4[%add3A_41] : memref<322560xi32, #tpu.memory_space<hbm>> -> memref<80xi32, #tpu.memory_space<hbm>>
    tpu.enqueue_dma source(%dma_start3A_43 : memref<80xi32, #tpu.memory_space<hbm>>) target(%arg14 : memref<80xi32, #tpu.memory_space<vmem>>) target_semaphore(%arg26 : memref<!tpu.dma_semaphore, #tpu.memory_space<semaphore_mem>>)
    %add3A_44 = arith.constant 80 : i32
    %add3A_45 = arith.addi %add3A, %add3A_44 : i32
    %dma_start3A_46 = tpu.memref_slice %arg3[%add3A_45] : memref<645120xi32, #tpu.memory_space<hbm>> -> memref<80xi32, #tpu.memory_space<hbm>>
    %dma_start3A_47 = tpu.memref_slice %arg3[%add3A_45] : memref<645120xi32, #tpu.memory_space<hbm>> -> memref<80xi32, #tpu.memory_space<hbm>>
    tpu.enqueue_dma source(%dma_start3A_47 : memref<80xi32, #tpu.memory_space<hbm>>) target(%arg10 : memref<80xi32, #tpu.memory_space<vmem>>) target_semaphore(%arg26 : memref<!tpu.dma_semaphore, #tpu.memory_space<semaphore_mem>>)
    %dma_wait3A = arith.constant 0 : i32
    %dma_wait3A_48 = tpu.memref_slice %arg4[%dma_wait3A] : memref<322560xi32, #tpu.memory_space<hbm>> -> memref<80xi32, #tpu.memory_space<hbm>>
    %dma_wait3A_49 = arith.constant 0 : i32
    %dma_wait3A_50 = tpu.memref_slice %arg4[%dma_wait3A_49] : memref<322560xi32, #tpu.memory_space<hbm>> -> memref<80xi32, #tpu.memory_space<hbm>>
    tpu.wait_dma2 semaphore(%arg26 : memref<!tpu.dma_semaphore, #tpu.memory_space<semaphore_mem>>) src(%dma_wait3A_50 : memref<80xi32, #tpu.memory_space<hbm>>) dst(%arg13 : memref<80xi32, #tpu.memory_space<vmem>>)
    %dma_wait3A_51 = arith.constant 0 : i32
    %dma_wait3A_52 = tpu.memref_slice %arg4[%dma_wait3A_51] : memref<322560xi32, #tpu.memory_space<hbm>> -> memref<80xi32, #tpu.memory_space<hbm>>
    %dma_wait3A_53 = arith.constant 0 : i32
    %dma_wait3A_54 = tpu.memref_slice %arg4[%dma_wait3A_53] : memref<322560xi32, #tpu.memory_space<hbm>> -> memref<80xi32, #tpu.memory_space<hbm>>
    tpu.wait_dma2 semaphore(%arg26 : memref<!tpu.dma_semaphore, #tpu.memory_space<semaphore_mem>>) src(%dma_wait3A_54 : memref<80xi32, #tpu.memory_space<hbm>>) dst(%arg13 : memref<80xi32, #tpu.memory_space<vmem>>)
    %dma_wait3A_55 = arith.constant 0 : i32
    %dma_wait3A_56 = tpu.memref_slice %arg4[%dma_wait3A_55] : memref<322560xi32, #tpu.memory_space<hbm>> -> memref<80xi32, #tpu.memory_space<hbm>>
    %dma_wait3A_57 = arith.constant 0 : i32
    %dma_wait3A_58 = tpu.memref_slice %arg4[%dma_wait3A_57] : memref<322560xi32, #tpu.memory_space<hbm>> -> memref<80xi32, #tpu.memory_space<hbm>>
    tpu.wait_dma2 semaphore(%arg26 : memref<!tpu.dma_semaphore, #tpu.memory_space<semaphore_mem>>) src(%dma_wait3A_58 : memref<80xi32, #tpu.memory_space<hbm>>) dst(%arg13 : memref<80xi32, #tpu.memory_space<vmem>>)
    %dma_wait3A_59 = arith.constant 0 : i32
    %dma_wait3A_60 = tpu.memref_slice %arg4[%dma_wait3A_59] : memref<322560xi32, #tpu.memory_space<hbm>> -> memref<80xi32, #tpu.memory_space<hbm>>
    %dma_wait3A_61 = arith.constant 0 : i32
    %dma_wait3A_62 = tpu.memref_slice %arg4[%dma_wait3A_61] : memref<322560xi32, #tpu.memory_space<hbm>> -> memref<80xi32, #tpu.memory_space<hbm>>
    tpu.wait_dma2 semaphore(%arg26 : memref<!tpu.dma_semaphore, #tpu.memory_space<semaphore_mem>>) src(%dma_wait3A_62 : memref<80xi32, #tpu.memory_space<hbm>>) dst(%arg13 : memref<80xi32, #tpu.memory_space<vmem>>)
    %dma_start3A_63 = arith.constant 0 : i32
    %dma_start3A_64 = arith.constant 0 : i32
    %dma_start3A_65 = tpu.memref_slice %arg2[%dma_start3A_63, %dma_start3A_64] : memref<327680x128xf32, #tpu.memory_space<hbm>> -> memref<327680x128xf32, #tpu.memory_space<hbm>>
    tpu.enqueue_indirect_dma source(%dma_start3A_65 : memref<327680x128xf32, #tpu.memory_space<hbm>>) target(%arg17 : memref<80x128xf32, #tpu.memory_space<vmem>>) offsets(%arg9 : memref<80xi32, #tpu.memory_space<vmem>>) semaphore(%arg24 : memref<!tpu.dma_semaphore, #tpu.memory_space<semaphore_mem>>)
    %dma_start3A_66 = arith.constant 0 : i32
    %dma_start3A_67 = arith.constant 0 : i32
    %dma_start3A_68 = tpu.memref_slice %arg2[%dma_start3A_66, %dma_start3A_67] : memref<327680x128xf32, #tpu.memory_space<hbm>> -> memref<327680x128xf32, #tpu.memory_space<hbm>>
    tpu.enqueue_indirect_dma source(%dma_start3A_68 : memref<327680x128xf32, #tpu.memory_space<hbm>>) target(%arg18 : memref<80x128xf32, #tpu.memory_space<vmem>>) offsets(%arg10 : memref<80xi32, #tpu.memory_space<vmem>>) semaphore(%arg25 : memref<!tpu.dma_semaphore, #tpu.memory_space<semaphore_mem>>)
    %add3A_69 = arith.constant 160 : i32
    %add3A_70 = arith.addi %add3A, %add3A_69 : i32
    %dma_start3A_71 = tpu.memref_slice %arg3[%add3A_70] : memref<645120xi32, #tpu.memory_space<hbm>> -> memref<80xi32, #tpu.memory_space<hbm>>
    %dma_start3A_72 = tpu.memref_slice %arg3[%add3A_70] : memref<645120xi32, #tpu.memory_space<hbm>> -> memref<80xi32, #tpu.memory_space<hbm>>
    tpu.enqueue_dma source(%dma_start3A_72 : memref<80xi32, #tpu.memory_space<hbm>>) target(%arg11 : memref<80xi32, #tpu.memory_space<vmem>>) target_semaphore(%arg26 : memref<!tpu.dma_semaphore, #tpu.memory_space<semaphore_mem>>)
    %dma_wait3A_73 = arith.constant 0 : i32
    %dma_wait3A_74 = tpu.memref_slice %arg4[%dma_wait3A_73] : memref<322560xi32, #tpu.memory_space<hbm>> -> memref<80xi32, #tpu.memory_space<hbm>>
    %dma_wait3A_75 = arith.constant 0 : i32
    %dma_wait3A_76 = tpu.memref_slice %arg4[%dma_wait3A_75] : memref<322560xi32, #tpu.memory_space<hbm>> -> memref<80xi32, #tpu.memory_space<hbm>>
    tpu.wait_dma2 semaphore(%arg26 : memref<!tpu.dma_semaphore, #tpu.memory_space<semaphore_mem>>) src(%dma_wait3A_76 : memref<80xi32, #tpu.memory_space<hbm>>) dst(%arg13 : memref<80xi32, #tpu.memory_space<vmem>>)
    %dma_wait3A_77 = arith.constant 0 : i32
    %dma_wait3A_78 = arith.constant 0 : i32
    %dma_wait3A_79 = tpu.memref_slice %arg2[%dma_wait3A_77, %dma_wait3A_78] : memref<327680x128xf32, #tpu.memory_space<hbm>> -> memref<327680x128xf32, #tpu.memory_space<hbm>>
    tpu.wait_indirect_dma semaphore(%arg24 : memref<!tpu.dma_semaphore, #tpu.memory_space<semaphore_mem>>) src(%dma_wait3A_79 : memref<327680x128xf32, #tpu.memory_space<hbm>>) dst(%arg17 : memref<80x128xf32, #tpu.memory_space<vmem>>)
    %dma_start3A_80 = arith.constant 0 : i32
    %dma_start3A_81 = arith.constant 0 : i32
    %dma_start3A_82 = tpu.memref_slice %arg22[%dma_start3A_80, %dma_start3A_81] : memref<10240x128xf32, #tpu.memory_space<vmem_shared>> -> memref<10240x128xf32, #tpu.memory_space<vmem_shared>>
    tpu.enqueue_indirect_dma source(%arg17 : memref<80x128xf32, #tpu.memory_space<vmem>>) target(%dma_start3A_82 : memref<10240x128xf32, #tpu.memory_space<vmem_shared>>) offsets(%arg13 : memref<80xi32, #tpu.memory_space<vmem>>) semaphore(%arg27 : memref<!tpu.dma_semaphore, #tpu.memory_space<semaphore_mem>>) {add = true}
    %eq3A = arith.constant 0 : i32
    %eq3A_83 = arith.cmpi eq, %arg0, %eq3A : i32
    %convert_element_type3A = arith.extui %eq3A_83 : i1 to i32
    %cond3A = arith.constant 0 : i32
    %cond3A_84 = arith.cmpi ne, %convert_element_type3A, %cond3A : i32
    scf.if %cond3A_84 {
      %dma_start3A_343 = arith.constant 0 : i32
      %dma_start3A_344 = tpu.memref_slice %arg23[%dma_start3A_343] : memref<10240xf32, #tpu.memory_space<vmem_shared>> -> memref<10240xf32, #tpu.memory_space<vmem_shared>>
      tpu.enqueue_indirect_dma source(%arg21 : memref<80xf32, #tpu.memory_space<vmem>>) target(%dma_start3A_344 : memref<10240xf32, #tpu.memory_space<vmem_shared>>) offsets(%arg13 : memref<80xi32, #tpu.memory_space<vmem>>) semaphore(%arg29 : memref<!tpu.dma_semaphore, #tpu.memory_space<semaphore_mem>>) {add = true}
    } else {
    }
    %dma_start3A_85 = arith.constant 0 : i32
    %dma_start3A_86 = arith.constant 0 : i32
    %dma_start3A_87 = tpu.memref_slice %arg2[%dma_start3A_85, %dma_start3A_86] : memref<327680x128xf32, #tpu.memory_space<hbm>> -> memref<327680x128xf32, #tpu.memory_space<hbm>>
    tpu.enqueue_indirect_dma source(%dma_start3A_87 : memref<327680x128xf32, #tpu.memory_space<hbm>>) target(%arg19 : memref<80x128xf32, #tpu.memory_space<vmem>>) offsets(%arg11 : memref<80xi32, #tpu.memory_space<vmem>>) semaphore(%arg24 : memref<!tpu.dma_semaphore, #tpu.memory_space<semaphore_mem>>)
    %add3A_88 = arith.constant 160 : i32
    %add3A_89 = arith.addi %mul3A_30, %add3A_88 : i32
    %dma_start3A_90 = tpu.memref_slice %arg4[%add3A_89] : memref<322560xi32, #tpu.memory_space<hbm>> -> memref<80xi32, #tpu.memory_space<hbm>>
    %dma_start3A_91 = tpu.memref_slice %arg4[%add3A_89] : memref<322560xi32, #tpu.memory_space<hbm>> -> memref<80xi32, #tpu.memory_space<hbm>>
    tpu.enqueue_dma source(%dma_start3A_91 : memref<80xi32, #tpu.memory_space<hbm>>) target(%arg15 : memref<80xi32, #tpu.memory_space<vmem>>) target_semaphore(%arg26 : memref<!tpu.dma_semaphore, #tpu.memory_space<semaphore_mem>>)
    %add3A_92 = arith.constant 240 : i32
    %add3A_93 = arith.addi %add3A, %add3A_92 : i32
    %dma_start3A_94 = tpu.memref_slice %arg3[%add3A_93] : memref<645120xi32, #tpu.memory_space<hbm>> -> memref<80xi32, #tpu.memory_space<hbm>>
    %dma_start3A_95 = tpu.memref_slice %arg3[%add3A_93] : memref<645120xi32, #tpu.memory_space<hbm>> -> memref<80xi32, #tpu.memory_space<hbm>>
    tpu.enqueue_dma source(%dma_start3A_95 : memref<80xi32, #tpu.memory_space<hbm>>) target(%arg12 : memref<80xi32, #tpu.memory_space<vmem>>) target_semaphore(%arg26 : memref<!tpu.dma_semaphore, #tpu.memory_space<semaphore_mem>>)
    %dma_wait3A_96 = arith.constant 0 : i32
    %dma_wait3A_97 = tpu.memref_slice %arg4[%dma_wait3A_96] : memref<322560xi32, #tpu.memory_space<hbm>> -> memref<80xi32, #tpu.memory_space<hbm>>
    %dma_wait3A_98 = arith.constant 0 : i32
    %dma_wait3A_99 = tpu.memref_slice %arg4[%dma_wait3A_98] : memref<322560xi32, #tpu.memory_space<hbm>> -> memref<80xi32, #tpu.memory_space<hbm>>
    tpu.wait_dma2 semaphore(%arg26 : memref<!tpu.dma_semaphore, #tpu.memory_space<semaphore_mem>>) src(%dma_wait3A_99 : memref<80xi32, #tpu.memory_space<hbm>>) dst(%arg13 : memref<80xi32, #tpu.memory_space<vmem>>)
    %dma_wait3A_100 = arith.constant 0 : i32
    %dma_wait3A_101 = tpu.memref_slice %arg4[%dma_wait3A_100] : memref<322560xi32, #tpu.memory_space<hbm>> -> memref<80xi32, #tpu.memory_space<hbm>>
    %dma_wait3A_102 = arith.constant 0 : i32
    %dma_wait3A_103 = tpu.memref_slice %arg4[%dma_wait3A_102] : memref<322560xi32, #tpu.memory_space<hbm>> -> memref<80xi32, #tpu.memory_space<hbm>>
    tpu.wait_dma2 semaphore(%arg26 : memref<!tpu.dma_semaphore, #tpu.memory_space<semaphore_mem>>) src(%dma_wait3A_103 : memref<80xi32, #tpu.memory_space<hbm>>) dst(%arg13 : memref<80xi32, #tpu.memory_space<vmem>>)
    %dma_wait3A_104 = arith.constant 0 : i32
    %dma_wait3A_105 = arith.constant 0 : i32
    %dma_wait3A_106 = tpu.memref_slice %arg2[%dma_wait3A_104, %dma_wait3A_105] : memref<327680x128xf32, #tpu.memory_space<hbm>> -> memref<327680x128xf32, #tpu.memory_space<hbm>>
    tpu.wait_indirect_dma semaphore(%arg25 : memref<!tpu.dma_semaphore, #tpu.memory_space<semaphore_mem>>) src(%dma_wait3A_106 : memref<327680x128xf32, #tpu.memory_space<hbm>>) dst(%arg18 : memref<80x128xf32, #tpu.memory_space<vmem>>)
    %dma_start3A_107 = arith.constant 0 : i32
    %dma_start3A_108 = arith.constant 0 : i32
    %dma_start3A_109 = tpu.memref_slice %arg22[%dma_start3A_107, %dma_start3A_108] : memref<10240x128xf32, #tpu.memory_space<vmem_shared>> -> memref<10240x128xf32, #tpu.memory_space<vmem_shared>>
    tpu.enqueue_indirect_dma source(%arg18 : memref<80x128xf32, #tpu.memory_space<vmem>>) target(%dma_start3A_109 : memref<10240x128xf32, #tpu.memory_space<vmem_shared>>) offsets(%arg14 : memref<80xi32, #tpu.memory_space<vmem>>) semaphore(%arg28 : memref<!tpu.dma_semaphore, #tpu.memory_space<semaphore_mem>>) {add = true}
    %eq3A_110 = arith.constant 0 : i32
    %eq3A_111 = arith.cmpi eq, %arg0, %eq3A_110 : i32
    %convert_element_type3A_112 = arith.extui %eq3A_111 : i1 to i32
    %cond3A_113 = arith.constant 0 : i32
    %cond3A_114 = arith.cmpi ne, %convert_element_type3A_112, %cond3A_113 : i32
    scf.if %cond3A_114 {
      %dma_start3A_343 = arith.constant 0 : i32
      %dma_start3A_344 = tpu.memref_slice %arg23[%dma_start3A_343] : memref<10240xf32, #tpu.memory_space<vmem_shared>> -> memref<10240xf32, #tpu.memory_space<vmem_shared>>
      tpu.enqueue_indirect_dma source(%arg21 : memref<80xf32, #tpu.memory_space<vmem>>) target(%dma_start3A_344 : memref<10240xf32, #tpu.memory_space<vmem_shared>>) offsets(%arg14 : memref<80xi32, #tpu.memory_space<vmem>>) semaphore(%arg30 : memref<!tpu.dma_semaphore, #tpu.memory_space<semaphore_mem>>) {add = true}
    } else {
    }
    %dma_start3A_115 = arith.constant 0 : i32
    %dma_start3A_116 = arith.constant 0 : i32
    %dma_start3A_117 = tpu.memref_slice %arg2[%dma_start3A_115, %dma_start3A_116] : memref<327680x128xf32, #tpu.memory_space<hbm>> -> memref<327680x128xf32, #tpu.memory_space<hbm>>
    tpu.enqueue_indirect_dma source(%dma_start3A_117 : memref<327680x128xf32, #tpu.memory_space<hbm>>) target(%arg20 : memref<80x128xf32, #tpu.memory_space<vmem>>) offsets(%arg12 : memref<80xi32, #tpu.memory_space<vmem>>) semaphore(%arg25 : memref<!tpu.dma_semaphore, #tpu.memory_space<semaphore_mem>>)
    %add3A_118 = arith.constant 240 : i32
    %add3A_119 = arith.addi %mul3A_30, %add3A_118 : i32
    %dma_start3A_120 = tpu.memref_slice %arg4[%add3A_119] : memref<322560xi32, #tpu.memory_space<hbm>> -> memref<80xi32, #tpu.memory_space<hbm>>
    %dma_start3A_121 = tpu.memref_slice %arg4[%add3A_119] : memref<322560xi32, #tpu.memory_space<hbm>> -> memref<80xi32, #tpu.memory_space<hbm>>
    tpu.enqueue_dma source(%dma_start3A_121 : memref<80xi32, #tpu.memory_space<hbm>>) target(%arg16 : memref<80xi32, #tpu.memory_space<vmem>>) target_semaphore(%arg26 : memref<!tpu.dma_semaphore, #tpu.memory_space<semaphore_mem>>)
    %add3A_122 = arith.constant 320 : i32
    %add3A_123 = arith.addi %add3A, %add3A_122 : i32
    %dma_start3A_124 = tpu.memref_slice %arg3[%add3A_123] : memref<645120xi32, #tpu.memory_space<hbm>> -> memref<80xi32, #tpu.memory_space<hbm>>
    %dma_start3A_125 = tpu.memref_slice %arg3[%add3A_123] : memref<645120xi32, #tpu.memory_space<hbm>> -> memref<80xi32, #tpu.memory_space<hbm>>
    tpu.enqueue_dma source(%dma_start3A_125 : memref<80xi32, #tpu.memory_space<hbm>>) target(%arg9 : memref<80xi32, #tpu.memory_space<vmem>>) target_semaphore(%arg26 : memref<!tpu.dma_semaphore, #tpu.memory_space<semaphore_mem>>)
    %dma_wait3A_126 = arith.constant 0 : i32
    %dma_wait3A_127 = arith.constant 0 : i32
    %dma_wait3A_128 = tpu.memref_slice %arg22[%dma_wait3A_126, %dma_wait3A_127] : memref<10240x128xf32, #tpu.memory_space<vmem_shared>> -> memref<10240x128xf32, #tpu.memory_space<vmem_shared>>
    tpu.wait_indirect_dma semaphore(%arg27 : memref<!tpu.dma_semaphore, #tpu.memory_space<semaphore_mem>>) src(%arg17 : memref<80x128xf32, #tpu.memory_space<vmem>>) dst(%dma_wait3A_128 : memref<10240x128xf32, #tpu.memory_space<vmem_shared>>)
    %eq3A_129 = arith.constant 0 : i32
    %eq3A_130 = arith.cmpi eq, %arg0, %eq3A_129 : i32
    %convert_element_type3A_131 = arith.extui %eq3A_130 : i1 to i32
    %cond3A_132 = arith.constant 0 : i32
    %cond3A_133 = arith.cmpi ne, %convert_element_type3A_131, %cond3A_132 : i32
    scf.if %cond3A_133 {
      %dma_wait3A_343 = arith.constant 0 : i32
      %dma_wait3A_344 = tpu.memref_slice %arg23[%dma_wait3A_343] : memref<10240xf32, #tpu.memory_space<vmem_shared>> -> memref<10240xf32, #tpu.memory_space<vmem_shared>>
      tpu.wait_indirect_dma semaphore(%arg29 : memref<!tpu.dma_semaphore, #tpu.memory_space<semaphore_mem>>) src(%arg21 : memref<80xf32, #tpu.memory_space<vmem>>) dst(%dma_wait3A_344 : memref<10240xf32, #tpu.memory_space<vmem_shared>>)
    } else {
    }
    %dma_wait3A_134 = arith.constant 0 : i32
    %dma_wait3A_135 = tpu.memref_slice %arg4[%dma_wait3A_134] : memref<322560xi32, #tpu.memory_space<hbm>> -> memref<80xi32, #tpu.memory_space<hbm>>
    %dma_wait3A_136 = arith.constant 0 : i32
    %dma_wait3A_137 = tpu.memref_slice %arg4[%dma_wait3A_136] : memref<322560xi32, #tpu.memory_space<hbm>> -> memref<80xi32, #tpu.memory_space<hbm>>
    tpu.wait_dma2 semaphore(%arg26 : memref<!tpu.dma_semaphore, #tpu.memory_space<semaphore_mem>>) src(%dma_wait3A_137 : memref<80xi32, #tpu.memory_space<hbm>>) dst(%arg13 : memref<80xi32, #tpu.memory_space<vmem>>)
    %dma_wait3A_138 = arith.constant 0 : i32
    %dma_wait3A_139 = tpu.memref_slice %arg4[%dma_wait3A_138] : memref<322560xi32, #tpu.memory_space<hbm>> -> memref<80xi32, #tpu.memory_space<hbm>>
    %dma_wait3A_140 = arith.constant 0 : i32
    %dma_wait3A_141 = tpu.memref_slice %arg4[%dma_wait3A_140] : memref<322560xi32, #tpu.memory_space<hbm>> -> memref<80xi32, #tpu.memory_space<hbm>>
    tpu.wait_dma2 semaphore(%arg26 : memref<!tpu.dma_semaphore, #tpu.memory_space<semaphore_mem>>) src(%dma_wait3A_141 : memref<80xi32, #tpu.memory_space<hbm>>) dst(%arg13 : memref<80xi32, #tpu.memory_space<vmem>>)
    %dma_wait3A_142 = arith.constant 0 : i32
    %dma_wait3A_143 = arith.constant 0 : i32
    %dma_wait3A_144 = tpu.memref_slice %arg2[%dma_wait3A_142, %dma_wait3A_143] : memref<327680x128xf32, #tpu.memory_space<hbm>> -> memref<327680x128xf32, #tpu.memory_space<hbm>>
    tpu.wait_indirect_dma semaphore(%arg24 : memref<!tpu.dma_semaphore, #tpu.memory_space<semaphore_mem>>) src(%dma_wait3A_144 : memref<327680x128xf32, #tpu.memory_space<hbm>>) dst(%arg19 : memref<80x128xf32, #tpu.memory_space<vmem>>)
    %dma_start3A_145 = arith.constant 0 : i32
    %dma_start3A_146 = arith.constant 0 : i32
    %dma_start3A_147 = tpu.memref_slice %arg22[%dma_start3A_145, %dma_start3A_146] : memref<10240x128xf32, #tpu.memory_space<vmem_shared>> -> memref<10240x128xf32, #tpu.memory_space<vmem_shared>>
    tpu.enqueue_indirect_dma source(%arg19 : memref<80x128xf32, #tpu.memory_space<vmem>>) target(%dma_start3A_147 : memref<10240x128xf32, #tpu.memory_space<vmem_shared>>) offsets(%arg15 : memref<80xi32, #tpu.memory_space<vmem>>) semaphore(%arg27 : memref<!tpu.dma_semaphore, #tpu.memory_space<semaphore_mem>>) {add = true}
    %eq3A_148 = arith.constant 0 : i32
    %eq3A_149 = arith.cmpi eq, %arg0, %eq3A_148 : i32
    %convert_element_type3A_150 = arith.extui %eq3A_149 : i1 to i32
    %cond3A_151 = arith.constant 0 : i32
    %cond3A_152 = arith.cmpi ne, %convert_element_type3A_150, %cond3A_151 : i32
    scf.if %cond3A_152 {
      %dma_start3A_343 = arith.constant 0 : i32
      %dma_start3A_344 = tpu.memref_slice %arg23[%dma_start3A_343] : memref<10240xf32, #tpu.memory_space<vmem_shared>> -> memref<10240xf32, #tpu.memory_space<vmem_shared>>
      tpu.enqueue_indirect_dma source(%arg21 : memref<80xf32, #tpu.memory_space<vmem>>) target(%dma_start3A_344 : memref<10240xf32, #tpu.memory_space<vmem_shared>>) offsets(%arg15 : memref<80xi32, #tpu.memory_space<vmem>>) semaphore(%arg29 : memref<!tpu.dma_semaphore, #tpu.memory_space<semaphore_mem>>) {add = true}
    } else {
    }
    %dma_start3A_153 = arith.constant 0 : i32
    %dma_start3A_154 = arith.constant 0 : i32
    %dma_start3A_155 = tpu.memref_slice %arg2[%dma_start3A_153, %dma_start3A_154] : memref<327680x128xf32, #tpu.memory_space<hbm>> -> memref<327680x128xf32, #tpu.memory_space<hbm>>
    tpu.enqueue_indirect_dma source(%dma_start3A_155 : memref<327680x128xf32, #tpu.memory_space<hbm>>) target(%arg17 : memref<80x128xf32, #tpu.memory_space<vmem>>) offsets(%arg9 : memref<80xi32, #tpu.memory_space<vmem>>) semaphore(%arg24 : memref<!tpu.dma_semaphore, #tpu.memory_space<semaphore_mem>>)
    %add3A_156 = arith.constant 320 : i32
    %add3A_157 = arith.addi %mul3A_30, %add3A_156 : i32
    %dma_start3A_158 = tpu.memref_slice %arg4[%add3A_157] : memref<322560xi32, #tpu.memory_space<hbm>> -> memref<80xi32, #tpu.memory_space<hbm>>
    %dma_start3A_159 = tpu.memref_slice %arg4[%add3A_157] : memref<322560xi32, #tpu.memory_space<hbm>> -> memref<80xi32, #tpu.memory_space<hbm>>
    tpu.enqueue_dma source(%dma_start3A_159 : memref<80xi32, #tpu.memory_space<hbm>>) target(%arg13 : memref<80xi32, #tpu.memory_space<vmem>>) target_semaphore(%arg26 : memref<!tpu.dma_semaphore, #tpu.memory_space<semaphore_mem>>)
    %add3A_160 = arith.constant 400 : i32
    %add3A_161 = arith.addi %add3A, %add3A_160 : i32
    %dma_start3A_162 = tpu.memref_slice %arg3[%add3A_161] : memref<645120xi32, #tpu.memory_space<hbm>> -> memref<80xi32, #tpu.memory_space<hbm>>
    %dma_start3A_163 = tpu.memref_slice %arg3[%add3A_161] : memref<645120xi32, #tpu.memory_space<hbm>> -> memref<80xi32, #tpu.memory_space<hbm>>
    tpu.enqueue_dma source(%dma_start3A_163 : memref<80xi32, #tpu.memory_space<hbm>>) target(%arg10 : memref<80xi32, #tpu.memory_space<vmem>>) target_semaphore(%arg26 : memref<!tpu.dma_semaphore, #tpu.memory_space<semaphore_mem>>)
    %dma_wait3A_164 = arith.constant 0 : i32
    %dma_wait3A_165 = arith.constant 0 : i32
    %dma_wait3A_166 = tpu.memref_slice %arg22[%dma_wait3A_164, %dma_wait3A_165] : memref<10240x128xf32, #tpu.memory_space<vmem_shared>> -> memref<10240x128xf32, #tpu.memory_space<vmem_shared>>
    tpu.wait_indirect_dma semaphore(%arg28 : memref<!tpu.dma_semaphore, #tpu.memory_space<semaphore_mem>>) src(%arg17 : memref<80x128xf32, #tpu.memory_space<vmem>>) dst(%dma_wait3A_166 : memref<10240x128xf32, #tpu.memory_space<vmem_shared>>)
    %eq3A_167 = arith.constant 0 : i32
    %eq3A_168 = arith.cmpi eq, %arg0, %eq3A_167 : i32
    %convert_element_type3A_169 = arith.extui %eq3A_168 : i1 to i32
    %cond3A_170 = arith.constant 0 : i32
    %cond3A_171 = arith.cmpi ne, %convert_element_type3A_169, %cond3A_170 : i32
    scf.if %cond3A_171 {
      %dma_wait3A_343 = arith.constant 0 : i32
      %dma_wait3A_344 = tpu.memref_slice %arg23[%dma_wait3A_343] : memref<10240xf32, #tpu.memory_space<vmem_shared>> -> memref<10240xf32, #tpu.memory_space<vmem_shared>>
      tpu.wait_indirect_dma semaphore(%arg30 : memref<!tpu.dma_semaphore, #tpu.memory_space<semaphore_mem>>) src(%arg21 : memref<80xf32, #tpu.memory_space<vmem>>) dst(%dma_wait3A_344 : memref<10240xf32, #tpu.memory_space<vmem_shared>>)
    } else {
    }
    %dma_wait3A_172 = arith.constant 0 : i32
    %dma_wait3A_173 = tpu.memref_slice %arg4[%dma_wait3A_172] : memref<322560xi32, #tpu.memory_space<hbm>> -> memref<80xi32, #tpu.memory_space<hbm>>
    %dma_wait3A_174 = arith.constant 0 : i32
    %dma_wait3A_175 = tpu.memref_slice %arg4[%dma_wait3A_174] : memref<322560xi32, #tpu.memory_space<hbm>> -> memref<80xi32, #tpu.memory_space<hbm>>
    tpu.wait_dma2 semaphore(%arg26 : memref<!tpu.dma_semaphore, #tpu.memory_space<semaphore_mem>>) src(%dma_wait3A_175 : memref<80xi32, #tpu.memory_space<hbm>>) dst(%arg13 : memref<80xi32, #tpu.memory_space<vmem>>)
    %dma_wait3A_176 = arith.constant 0 : i32
    %dma_wait3A_177 = tpu.memref_slice %arg4[%dma_wait3A_176] : memref<322560xi32, #tpu.memory_space<hbm>> -> memref<80xi32, #tpu.memory_space<hbm>>
    %dma_wait3A_178 = arith.constant 0 : i32
    %dma_wait3A_179 = tpu.memref_slice %arg4[%dma_wait3A_178] : memref<322560xi32, #tpu.memory_space<hbm>> -> memref<80xi32, #tpu.memory_space<hbm>>
    tpu.wait_dma2 semaphore(%arg26 : memref<!tpu.dma_semaphore, #tpu.memory_space<semaphore_mem>>) src(%dma_wait3A_179 : memref<80xi32, #tpu.memory_space<hbm>>) dst(%arg13 : memref<80xi32, #tpu.memory_space<vmem>>)
    %dma_wait3A_180 = arith.constant 0 : i32
    %dma_wait3A_181 = arith.constant 0 : i32
    %dma_wait3A_182 = tpu.memref_slice %arg2[%dma_wait3A_180, %dma_wait3A_181] : memref<327680x128xf32, #tpu.memory_space<hbm>> -> memref<327680x128xf32, #tpu.memory_space<hbm>>
    tpu.wait_indirect_dma semaphore(%arg25 : memref<!tpu.dma_semaphore, #tpu.memory_space<semaphore_mem>>) src(%dma_wait3A_182 : memref<327680x128xf32, #tpu.memory_space<hbm>>) dst(%arg20 : memref<80x128xf32, #tpu.memory_space<vmem>>)
    %dma_start3A_183 = arith.constant 0 : i32
    %dma_start3A_184 = arith.constant 0 : i32
    %dma_start3A_185 = tpu.memref_slice %arg22[%dma_start3A_183, %dma_start3A_184] : memref<10240x128xf32, #tpu.memory_space<vmem_shared>> -> memref<10240x128xf32, #tpu.memory_space<vmem_shared>>
    tpu.enqueue_indirect_dma source(%arg20 : memref<80x128xf32, #tpu.memory_space<vmem>>) target(%dma_start3A_185 : memref<10240x128xf32, #tpu.memory_space<vmem_shared>>) offsets(%arg16 : memref<80xi32, #tpu.memory_space<vmem>>) semaphore(%arg28 : memref<!tpu.dma_semaphore, #tpu.memory_space<semaphore_mem>>) {add = true}
    %eq3A_186 = arith.constant 0 : i32
    %eq3A_187 = arith.cmpi eq, %arg0, %eq3A_186 : i32
    %convert_element_type3A_188 = arith.extui %eq3A_187 : i1 to i32
    %cond3A_189 = arith.constant 0 : i32
    %cond3A_190 = arith.cmpi ne, %convert_element_type3A_188, %cond3A_189 : i32
    scf.if %cond3A_190 {
      %dma_start3A_343 = arith.constant 0 : i32
      %dma_start3A_344 = tpu.memref_slice %arg23[%dma_start3A_343] : memref<10240xf32, #tpu.memory_space<vmem_shared>> -> memref<10240xf32, #tpu.memory_space<vmem_shared>>
      tpu.enqueue_indirect_dma source(%arg21 : memref<80xf32, #tpu.memory_space<vmem>>) target(%dma_start3A_344 : memref<10240xf32, #tpu.memory_space<vmem_shared>>) offsets(%arg16 : memref<80xi32, #tpu.memory_space<vmem>>) semaphore(%arg30 : memref<!tpu.dma_semaphore, #tpu.memory_space<semaphore_mem>>) {add = true}
    } else {
    }
    %dma_start3A_191 = arith.constant 0 : i32
    %dma_start3A_192 = arith.constant 0 : i32
    %dma_start3A_193 = tpu.memref_slice %arg2[%dma_start3A_191, %dma_start3A_192] : memref<327680x128xf32, #tpu.memory_space<hbm>> -> memref<327680x128xf32, #tpu.memory_space<hbm>>
    tpu.enqueue_indirect_dma source(%dma_start3A_193 : memref<327680x128xf32, #tpu.memory_space<hbm>>) target(%arg18 : memref<80x128xf32, #tpu.memory_space<vmem>>) offsets(%arg10 : memref<80xi32, #tpu.memory_space<vmem>>) semaphore(%arg25 : memref<!tpu.dma_semaphore, #tpu.memory_space<semaphore_mem>>)
    %add3A_194 = arith.constant 400 : i32
    %add3A_195 = arith.addi %mul3A_30, %add3A_194 : i32
    %dma_start3A_196 = tpu.memref_slice %arg4[%add3A_195] : memref<322560xi32, #tpu.memory_space<hbm>> -> memref<80xi32, #tpu.memory_space<hbm>>
    %dma_start3A_197 = tpu.memref_slice %arg4[%add3A_195] : memref<322560xi32, #tpu.memory_space<hbm>> -> memref<80xi32, #tpu.memory_space<hbm>>
    tpu.enqueue_dma source(%dma_start3A_197 : memref<80xi32, #tpu.memory_space<hbm>>) target(%arg14 : memref<80xi32, #tpu.memory_space<vmem>>) target_semaphore(%arg26 : memref<!tpu.dma_semaphore, #tpu.memory_space<semaphore_mem>>)
    %add3A_198 = arith.constant 480 : i32
    %add3A_199 = arith.addi %add3A, %add3A_198 : i32
    %dma_start3A_200 = tpu.memref_slice %arg3[%add3A_199] : memref<645120xi32, #tpu.memory_space<hbm>> -> memref<80xi32, #tpu.memory_space<hbm>>
    %dma_start3A_201 = tpu.memref_slice %arg3[%add3A_199] : memref<645120xi32, #tpu.memory_space<hbm>> -> memref<80xi32, #tpu.memory_space<hbm>>
    tpu.enqueue_dma source(%dma_start3A_201 : memref<80xi32, #tpu.memory_space<hbm>>) target(%arg11 : memref<80xi32, #tpu.memory_space<vmem>>) target_semaphore(%arg26 : memref<!tpu.dma_semaphore, #tpu.memory_space<semaphore_mem>>)
    %scan3A = arith.constant 0 : i32
    %scan3A_202 = arith.constant 1 : i32
    %scan3A_203 = arith.constant 61 : i32
    %scan3A_204 = arith.addi %scan3A_202, %scan3A_203 : i32
    %scan3A_205 = arith.constant 1 : i32
    scf.for %scan3A_343 = %scan3A_202 to %scan3A_204 step %scan3A_205  : i32 {
      %mul3A_344 = arith.constant 4 : i32
      %mul3A_345 = arith.muli %scan3A_343, %mul3A_344 : i32
      %add3A_346 = arith.constant 0 : i32
      %add3A_347 = arith.addi %mul3A_345, %add3A_346 : i32
      %dma_wait3A_348 = arith.constant 0 : i32
      %dma_wait3A_349 = arith.constant 0 : i32
      %dma_wait3A_350 = tpu.memref_slice %arg22[%dma_wait3A_348, %dma_wait3A_349] : memref<10240x128xf32, #tpu.memory_space<vmem_shared>> -> memref<10240x128xf32, #tpu.memory_space<vmem_shared>>
      tpu.wait_indirect_dma semaphore(%arg27 : memref<!tpu.dma_semaphore, #tpu.memory_space<semaphore_mem>>) src(%arg17 : memref<80x128xf32, #tpu.memory_space<vmem>>) dst(%dma_wait3A_350 : memref<10240x128xf32, #tpu.memory_space<vmem_shared>>)
      %eq3A_351 = arith.constant 0 : i32
      %eq3A_352 = arith.cmpi eq, %arg0, %eq3A_351 : i32
      %convert_element_type3A_353 = arith.extui %eq3A_352 : i1 to i32
      %cond3A_354 = arith.constant 0 : i32
      %cond3A_355 = arith.cmpi ne, %convert_element_type3A_353, %cond3A_354 : i32
      scf.if %cond3A_355 {
        %dma_wait3A_530 = arith.constant 0 : i32
        %dma_wait3A_531 = tpu.memref_slice %arg23[%dma_wait3A_530] : memref<10240xf32, #tpu.memory_space<vmem_shared>> -> memref<10240xf32, #tpu.memory_space<vmem_shared>>
        tpu.wait_indirect_dma semaphore(%arg29 : memref<!tpu.dma_semaphore, #tpu.memory_space<semaphore_mem>>) src(%arg21 : memref<80xf32, #tpu.memory_space<vmem>>) dst(%dma_wait3A_531 : memref<10240xf32, #tpu.memory_space<vmem_shared>>)
      } else {
      }
      %dma_wait3A_356 = arith.constant 0 : i32
      %dma_wait3A_357 = tpu.memref_slice %arg4[%dma_wait3A_356] : memref<322560xi32, #tpu.memory_space<hbm>> -> memref<80xi32, #tpu.memory_space<hbm>>
      %dma_wait3A_358 = arith.constant 0 : i32
      %dma_wait3A_359 = tpu.memref_slice %arg4[%dma_wait3A_358] : memref<322560xi32, #tpu.memory_space<hbm>> -> memref<80xi32, #tpu.memory_space<hbm>>
      tpu.wait_dma2 semaphore(%arg26 : memref<!tpu.dma_semaphore, #tpu.memory_space<semaphore_mem>>) src(%dma_wait3A_359 : memref<80xi32, #tpu.memory_space<hbm>>) dst(%arg13 : memref<80xi32, #tpu.memory_space<vmem>>)
      %dma_wait3A_360 = arith.constant 0 : i32
      %dma_wait3A_361 = tpu.memref_slice %arg4[%dma_wait3A_360] : memref<322560xi32, #tpu.memory_space<hbm>> -> memref<80xi32, #tpu.memory_space<hbm>>
      %dma_wait3A_362 = arith.constant 0 : i32
      %dma_wait3A_363 = tpu.memref_slice %arg4[%dma_wait3A_362] : memref<322560xi32, #tpu.memory_space<hbm>> -> memref<80xi32, #tpu.memory_space<hbm>>
      tpu.wait_dma2 semaphore(%arg26 : memref<!tpu.dma_semaphore, #tpu.memory_space<semaphore_mem>>) src(%dma_wait3A_363 : memref<80xi32, #tpu.memory_space<hbm>>) dst(%arg13 : memref<80xi32, #tpu.memory_space<vmem>>)
      %dma_wait3A_364 = arith.constant 0 : i32
      %dma_wait3A_365 = arith.constant 0 : i32
      %dma_wait3A_366 = tpu.memref_slice %arg2[%dma_wait3A_364, %dma_wait3A_365] : memref<327680x128xf32, #tpu.memory_space<hbm>> -> memref<327680x128xf32, #tpu.memory_space<hbm>>
      tpu.wait_indirect_dma semaphore(%arg24 : memref<!tpu.dma_semaphore, #tpu.memory_space<semaphore_mem>>) src(%dma_wait3A_366 : memref<327680x128xf32, #tpu.memory_space<hbm>>) dst(%arg17 : memref<80x128xf32, #tpu.memory_space<vmem>>)
      %dma_start3A_367 = arith.constant 0 : i32
      %dma_start3A_368 = arith.constant 0 : i32
      %dma_start3A_369 = tpu.memref_slice %arg22[%dma_start3A_367, %dma_start3A_368] : memref<10240x128xf32, #tpu.memory_space<vmem_shared>> -> memref<10240x128xf32, #tpu.memory_space<vmem_shared>>
      tpu.enqueue_indirect_dma source(%arg17 : memref<80x128xf32, #tpu.memory_space<vmem>>) target(%dma_start3A_369 : memref<10240x128xf32, #tpu.memory_space<vmem_shared>>) offsets(%arg13 : memref<80xi32, #tpu.memory_space<vmem>>) semaphore(%arg27 : memref<!tpu.dma_semaphore, #tpu.memory_space<semaphore_mem>>) {add = true}
      %eq3A_370 = arith.constant 0 : i32
      %eq3A_371 = arith.cmpi eq, %arg0, %eq3A_370 : i32
      %convert_element_type3A_372 = arith.extui %eq3A_371 : i1 to i32
      %cond3A_373 = arith.constant 0 : i32
      %cond3A_374 = arith.cmpi ne, %convert_element_type3A_372, %cond3A_373 : i32
      scf.if %cond3A_374 {
        %dma_start3A_530 = arith.constant 0 : i32
        %dma_start3A_531 = tpu.memref_slice %arg23[%dma_start3A_530] : memref<10240xf32, #tpu.memory_space<vmem_shared>> -> memref<10240xf32, #tpu.memory_space<vmem_shared>>
        tpu.enqueue_indirect_dma source(%arg21 : memref<80xf32, #tpu.memory_space<vmem>>) target(%dma_start3A_531 : memref<10240xf32, #tpu.memory_space<vmem_shared>>) offsets(%arg13 : memref<80xi32, #tpu.memory_space<vmem>>) semaphore(%arg29 : memref<!tpu.dma_semaphore, #tpu.memory_space<semaphore_mem>>) {add = true}
      } else {
      }
      %dma_start3A_375 = arith.constant 0 : i32
      %dma_start3A_376 = arith.constant 0 : i32
      %dma_start3A_377 = tpu.memref_slice %arg2[%dma_start3A_375, %dma_start3A_376] : memref<327680x128xf32, #tpu.memory_space<hbm>> -> memref<327680x128xf32, #tpu.memory_space<hbm>>
      tpu.enqueue_indirect_dma source(%dma_start3A_377 : memref<327680x128xf32, #tpu.memory_space<hbm>>) target(%arg19 : memref<80x128xf32, #tpu.memory_space<vmem>>) offsets(%arg11 : memref<80xi32, #tpu.memory_space<vmem>>) semaphore(%arg24 : memref<!tpu.dma_semaphore, #tpu.memory_space<semaphore_mem>>)
      %add3A_378 = arith.constant 2 : i32
      %add3A_379 = arith.addi %add3A_347, %add3A_378 : i32
      %mul3A_380 = arith.constant 80 : i32
      %mul3A_381 = arith.muli %add3A_379, %mul3A_380 : i32
      %add3A_382 = arith.addi %mul3A_30, %mul3A_381 : i32
      %dma_start3A_383 = tpu.memref_slice %arg4[%add3A_382] : memref<322560xi32, #tpu.memory_space<hbm>> -> memref<80xi32, #tpu.memory_space<hbm>>
      %dma_start3A_384 = tpu.memref_slice %arg4[%add3A_382] : memref<322560xi32, #tpu.memory_space<hbm>> -> memref<80xi32, #tpu.memory_space<hbm>>
      tpu.enqueue_dma source(%dma_start3A_384 : memref<80xi32, #tpu.memory_space<hbm>>) target(%arg15 : memref<80xi32, #tpu.memory_space<vmem>>) target_semaphore(%arg26 : memref<!tpu.dma_semaphore, #tpu.memory_space<semaphore_mem>>)
      %add3A_385 = arith.constant 3 : i32
      %add3A_386 = arith.addi %add3A_347, %add3A_385 : i32
      %mul3A_387 = arith.constant 80 : i32
      %mul3A_388 = arith.muli %add3A_386, %mul3A_387 : i32
      %add3A_389 = arith.addi %add3A, %mul3A_388 : i32
      %dma_start3A_390 = tpu.memref_slice %arg3[%add3A_389] : memref<645120xi32, #tpu.memory_space<hbm>> -> memref<80xi32, #tpu.memory_space<hbm>>
      %dma_start3A_391 = tpu.memref_slice %arg3[%add3A_389] : memref<645120xi32, #tpu.memory_space<hbm>> -> memref<80xi32, #tpu.memory_space<hbm>>
      tpu.enqueue_dma source(%dma_start3A_391 : memref<80xi32, #tpu.memory_space<hbm>>) target(%arg12 : memref<80xi32, #tpu.memory_space<vmem>>) target_semaphore(%arg26 : memref<!tpu.dma_semaphore, #tpu.memory_space<semaphore_mem>>)
      %add3A_392 = arith.constant 1 : i32
      %add3A_393 = arith.addi %mul3A_345, %add3A_392 : i32
      %dma_wait3A_394 = arith.constant 0 : i32
      %dma_wait3A_395 = arith.constant 0 : i32
      %dma_wait3A_396 = tpu.memref_slice %arg22[%dma_wait3A_394, %dma_wait3A_395] : memref<10240x128xf32, #tpu.memory_space<vmem_shared>> -> memref<10240x128xf32, #tpu.memory_space<vmem_shared>>
      tpu.wait_indirect_dma semaphore(%arg28 : memref<!tpu.dma_semaphore, #tpu.memory_space<semaphore_mem>>) src(%arg17 : memref<80x128xf32, #tpu.memory_space<vmem>>) dst(%dma_wait3A_396 : memref<10240x128xf32, #tpu.memory_space<vmem_shared>>)
      %eq3A_397 = arith.constant 0 : i32
      %eq3A_398 = arith.cmpi eq, %arg0, %eq3A_397 : i32
      %convert_element_type3A_399 = arith.extui %eq3A_398 : i1 to i32
      %cond3A_400 = arith.constant 0 : i32
      %cond3A_401 = arith.cmpi ne, %convert_element_type3A_399, %cond3A_400 : i32
      scf.if %cond3A_401 {
        %dma_wait3A_530 = arith.constant 0 : i32
        %dma_wait3A_531 = tpu.memref_slice %arg23[%dma_wait3A_530] : memref<10240xf32, #tpu.memory_space<vmem_shared>> -> memref<10240xf32, #tpu.memory_space<vmem_shared>>
        tpu.wait_indirect_dma semaphore(%arg30 : memref<!tpu.dma_semaphore, #tpu.memory_space<semaphore_mem>>) src(%arg21 : memref<80xf32, #tpu.memory_space<vmem>>) dst(%dma_wait3A_531 : memref<10240xf32, #tpu.memory_space<vmem_shared>>)
      } else {
      }
      %dma_wait3A_402 = arith.constant 0 : i32
      %dma_wait3A_403 = tpu.memref_slice %arg4[%dma_wait3A_402] : memref<322560xi32, #tpu.memory_space<hbm>> -> memref<80xi32, #tpu.memory_space<hbm>>
      %dma_wait3A_404 = arith.constant 0 : i32
      %dma_wait3A_405 = tpu.memref_slice %arg4[%dma_wait3A_404] : memref<322560xi32, #tpu.memory_space<hbm>> -> memref<80xi32, #tpu.memory_space<hbm>>
      tpu.wait_dma2 semaphore(%arg26 : memref<!tpu.dma_semaphore, #tpu.memory_space<semaphore_mem>>) src(%dma_wait3A_405 : memref<80xi32, #tpu.memory_space<hbm>>) dst(%arg13 : memref<80xi32, #tpu.memory_space<vmem>>)
      %dma_wait3A_406 = arith.constant 0 : i32
      %dma_wait3A_407 = tpu.memref_slice %arg4[%dma_wait3A_406] : memref<322560xi32, #tpu.memory_space<hbm>> -> memref<80xi32, #tpu.memory_space<hbm>>
      %dma_wait3A_408 = arith.constant 0 : i32
      %dma_wait3A_409 = tpu.memref_slice %arg4[%dma_wait3A_408] : memref<322560xi32, #tpu.memory_space<hbm>> -> memref<80xi32, #tpu.memory_space<hbm>>
      tpu.wait_dma2 semaphore(%arg26 : memref<!tpu.dma_semaphore, #tpu.memory_space<semaphore_mem>>) src(%dma_wait3A_409 : memref<80xi32, #tpu.memory_space<hbm>>) dst(%arg13 : memref<80xi32, #tpu.memory_space<vmem>>)
      %dma_wait3A_410 = arith.constant 0 : i32
      %dma_wait3A_411 = arith.constant 0 : i32
      %dma_wait3A_412 = tpu.memref_slice %arg2[%dma_wait3A_410, %dma_wait3A_411] : memref<327680x128xf32, #tpu.memory_space<hbm>> -> memref<327680x128xf32, #tpu.memory_space<hbm>>
      tpu.wait_indirect_dma semaphore(%arg25 : memref<!tpu.dma_semaphore, #tpu.memory_space<semaphore_mem>>) src(%dma_wait3A_412 : memref<327680x128xf32, #tpu.memory_space<hbm>>) dst(%arg18 : memref<80x128xf32, #tpu.memory_space<vmem>>)
      %dma_start3A_413 = arith.constant 0 : i32
      %dma_start3A_414 = arith.constant 0 : i32
      %dma_start3A_415 = tpu.memref_slice %arg22[%dma_start3A_413, %dma_start3A_414] : memref<10240x128xf32, #tpu.memory_space<vmem_shared>> -> memref<10240x128xf32, #tpu.memory_space<vmem_shared>>
      tpu.enqueue_indirect_dma source(%arg18 : memref<80x128xf32, #tpu.memory_space<vmem>>) target(%dma_start3A_415 : memref<10240x128xf32, #tpu.memory_space<vmem_shared>>) offsets(%arg14 : memref<80xi32, #tpu.memory_space<vmem>>) semaphore(%arg28 : memref<!tpu.dma_semaphore, #tpu.memory_space<semaphore_mem>>) {add = true}
      %eq3A_416 = arith.constant 0 : i32
      %eq3A_417 = arith.cmpi eq, %arg0, %eq3A_416 : i32
      %convert_element_type3A_418 = arith.extui %eq3A_417 : i1 to i32
      %cond3A_419 = arith.constant 0 : i32
      %cond3A_420 = arith.cmpi ne, %convert_element_type3A_418, %cond3A_419 : i32
      scf.if %cond3A_420 {
        %dma_start3A_530 = arith.constant 0 : i32
        %dma_start3A_531 = tpu.memref_slice %arg23[%dma_start3A_530] : memref<10240xf32, #tpu.memory_space<vmem_shared>> -> memref<10240xf32, #tpu.memory_space<vmem_shared>>
        tpu.enqueue_indirect_dma source(%arg21 : memref<80xf32, #tpu.memory_space<vmem>>) target(%dma_start3A_531 : memref<10240xf32, #tpu.memory_space<vmem_shared>>) offsets(%arg14 : memref<80xi32, #tpu.memory_space<vmem>>) semaphore(%arg30 : memref<!tpu.dma_semaphore, #tpu.memory_space<semaphore_mem>>) {add = true}
      } else {
      }
      %dma_start3A_421 = arith.constant 0 : i32
      %dma_start3A_422 = arith.constant 0 : i32
      %dma_start3A_423 = tpu.memref_slice %arg2[%dma_start3A_421, %dma_start3A_422] : memref<327680x128xf32, #tpu.memory_space<hbm>> -> memref<327680x128xf32, #tpu.memory_space<hbm>>
      tpu.enqueue_indirect_dma source(%dma_start3A_423 : memref<327680x128xf32, #tpu.memory_space<hbm>>) target(%arg20 : memref<80x128xf32, #tpu.memory_space<vmem>>) offsets(%arg12 : memref<80xi32, #tpu.memory_space<vmem>>) semaphore(%arg25 : memref<!tpu.dma_semaphore, #tpu.memory_space<semaphore_mem>>)
      %add3A_424 = arith.constant 2 : i32
      %add3A_425 = arith.addi %add3A_393, %add3A_424 : i32
      %mul3A_426 = arith.constant 80 : i32
      %mul3A_427 = arith.muli %add3A_425, %mul3A_426 : i32
      %add3A_428 = arith.addi %mul3A_30, %mul3A_427 : i32
      %dma_start3A_429 = tpu.memref_slice %arg4[%add3A_428] : memref<322560xi32, #tpu.memory_space<hbm>> -> memref<80xi32, #tpu.memory_space<hbm>>
      %dma_start3A_430 = tpu.memref_slice %arg4[%add3A_428] : memref<322560xi32, #tpu.memory_space<hbm>> -> memref<80xi32, #tpu.memory_space<hbm>>
      tpu.enqueue_dma source(%dma_start3A_430 : memref<80xi32, #tpu.memory_space<hbm>>) target(%arg16 : memref<80xi32, #tpu.memory_space<vmem>>) target_semaphore(%arg26 : memref<!tpu.dma_semaphore, #tpu.memory_space<semaphore_mem>>)
      %add3A_431 = arith.constant 3 : i32
      %add3A_432 = arith.addi %add3A_393, %add3A_431 : i32
      %mul3A_433 = arith.constant 80 : i32
      %mul3A_434 = arith.muli %add3A_432, %mul3A_433 : i32
      %add3A_435 = arith.addi %add3A, %mul3A_434 : i32
      %dma_start3A_436 = tpu.memref_slice %arg3[%add3A_435] : memref<645120xi32, #tpu.memory_space<hbm>> -> memref<80xi32, #tpu.memory_space<hbm>>
      %dma_start3A_437 = tpu.memref_slice %arg3[%add3A_435] : memref<645120xi32, #tpu.memory_space<hbm>> -> memref<80xi32, #tpu.memory_space<hbm>>
      tpu.enqueue_dma source(%dma_start3A_437 : memref<80xi32, #tpu.memory_space<hbm>>) target(%arg9 : memref<80xi32, #tpu.memory_space<vmem>>) target_semaphore(%arg26 : memref<!tpu.dma_semaphore, #tpu.memory_space<semaphore_mem>>)
      %add3A_438 = arith.constant 2 : i32
      %add3A_439 = arith.addi %mul3A_345, %add3A_438 : i32
      %dma_wait3A_440 = arith.constant 0 : i32
      %dma_wait3A_441 = arith.constant 0 : i32
      %dma_wait3A_442 = tpu.memref_slice %arg22[%dma_wait3A_440, %dma_wait3A_441] : memref<10240x128xf32, #tpu.memory_space<vmem_shared>> -> memref<10240x128xf32, #tpu.memory_space<vmem_shared>>
      tpu.wait_indirect_dma semaphore(%arg27 : memref<!tpu.dma_semaphore, #tpu.memory_space<semaphore_mem>>) src(%arg17 : memref<80x128xf32, #tpu.memory_space<vmem>>) dst(%dma_wait3A_442 : memref<10240x128xf32, #tpu.memory_space<vmem_shared>>)
      %eq3A_443 = arith.constant 0 : i32
      %eq3A_444 = arith.cmpi eq, %arg0, %eq3A_443 : i32
      %convert_element_type3A_445 = arith.extui %eq3A_444 : i1 to i32
      %cond3A_446 = arith.constant 0 : i32
      %cond3A_447 = arith.cmpi ne, %convert_element_type3A_445, %cond3A_446 : i32
      scf.if %cond3A_447 {
        %dma_wait3A_530 = arith.constant 0 : i32
        %dma_wait3A_531 = tpu.memref_slice %arg23[%dma_wait3A_530] : memref<10240xf32, #tpu.memory_space<vmem_shared>> -> memref<10240xf32, #tpu.memory_space<vmem_shared>>
        tpu.wait_indirect_dma semaphore(%arg29 : memref<!tpu.dma_semaphore, #tpu.memory_space<semaphore_mem>>) src(%arg21 : memref<80xf32, #tpu.memory_space<vmem>>) dst(%dma_wait3A_531 : memref<10240xf32, #tpu.memory_space<vmem_shared>>)
      } else {
      }
      %dma_wait3A_448 = arith.constant 0 : i32
      %dma_wait3A_449 = tpu.memref_slice %arg4[%dma_wait3A_448] : memref<322560xi32, #tpu.memory_space<hbm>> -> memref<80xi32, #tpu.memory_space<hbm>>
      %dma_wait3A_450 = arith.constant 0 : i32
      %dma_wait3A_451 = tpu.memref_slice %arg4[%dma_wait3A_450] : memref<322560xi32, #tpu.memory_space<hbm>> -> memref<80xi32, #tpu.memory_space<hbm>>
      tpu.wait_dma2 semaphore(%arg26 : memref<!tpu.dma_semaphore, #tpu.memory_space<semaphore_mem>>) src(%dma_wait3A_451 : memref<80xi32, #tpu.memory_space<hbm>>) dst(%arg13 : memref<80xi32, #tpu.memory_space<vmem>>)
      %dma_wait3A_452 = arith.constant 0 : i32
      %dma_wait3A_453 = tpu.memref_slice %arg4[%dma_wait3A_452] : memref<322560xi32, #tpu.memory_space<hbm>> -> memref<80xi32, #tpu.memory_space<hbm>>
      %dma_wait3A_454 = arith.constant 0 : i32
      %dma_wait3A_455 = tpu.memref_slice %arg4[%dma_wait3A_454] : memref<322560xi32, #tpu.memory_space<hbm>> -> memref<80xi32, #tpu.memory_space<hbm>>
      tpu.wait_dma2 semaphore(%arg26 : memref<!tpu.dma_semaphore, #tpu.memory_space<semaphore_mem>>) src(%dma_wait3A_455 : memref<80xi32, #tpu.memory_space<hbm>>) dst(%arg13 : memref<80xi32, #tpu.memory_space<vmem>>)
      %dma_wait3A_456 = arith.constant 0 : i32
      %dma_wait3A_457 = arith.constant 0 : i32
      %dma_wait3A_458 = tpu.memref_slice %arg2[%dma_wait3A_456, %dma_wait3A_457] : memref<327680x128xf32, #tpu.memory_space<hbm>> -> memref<327680x128xf32, #tpu.memory_space<hbm>>
      tpu.wait_indirect_dma semaphore(%arg24 : memref<!tpu.dma_semaphore, #tpu.memory_space<semaphore_mem>>) src(%dma_wait3A_458 : memref<327680x128xf32, #tpu.memory_space<hbm>>) dst(%arg19 : memref<80x128xf32, #tpu.memory_space<vmem>>)
      %dma_start3A_459 = arith.constant 0 : i32
      %dma_start3A_460 = arith.constant 0 : i32
      %dma_start3A_461 = tpu.memref_slice %arg22[%dma_start3A_459, %dma_start3A_460] : memref<10240x128xf32, #tpu.memory_space<vmem_shared>> -> memref<10240x128xf32, #tpu.memory_space<vmem_shared>>
      tpu.enqueue_indirect_dma source(%arg19 : memref<80x128xf32, #tpu.memory_space<vmem>>) target(%dma_start3A_461 : memref<10240x128xf32, #tpu.memory_space<vmem_shared>>) offsets(%arg15 : memref<80xi32, #tpu.memory_space<vmem>>) semaphore(%arg27 : memref<!tpu.dma_semaphore, #tpu.memory_space<semaphore_mem>>) {add = true}
      %eq3A_462 = arith.constant 0 : i32
      %eq3A_463 = arith.cmpi eq, %arg0, %eq3A_462 : i32
      %convert_element_type3A_464 = arith.extui %eq3A_463 : i1 to i32
      %cond3A_465 = arith.constant 0 : i32
      %cond3A_466 = arith.cmpi ne, %convert_element_type3A_464, %cond3A_465 : i32
      scf.if %cond3A_466 {
        %dma_start3A_530 = arith.constant 0 : i32
        %dma_start3A_531 = tpu.memref_slice %arg23[%dma_start3A_530] : memref<10240xf32, #tpu.memory_space<vmem_shared>> -> memref<10240xf32, #tpu.memory_space<vmem_shared>>
        tpu.enqueue_indirect_dma source(%arg21 : memref<80xf32, #tpu.memory_space<vmem>>) target(%dma_start3A_531 : memref<10240xf32, #tpu.memory_space<vmem_shared>>) offsets(%arg15 : memref<80xi32, #tpu.memory_space<vmem>>) semaphore(%arg29 : memref<!tpu.dma_semaphore, #tpu.memory_space<semaphore_mem>>) {add = true}
      } else {
      }
      %dma_start3A_467 = arith.constant 0 : i32
      %dma_start3A_468 = arith.constant 0 : i32
      %dma_start3A_469 = tpu.memref_slice %arg2[%dma_start3A_467, %dma_start3A_468] : memref<327680x128xf32, #tpu.memory_space<hbm>> -> memref<327680x128xf32, #tpu.memory_space<hbm>>
      tpu.enqueue_indirect_dma source(%dma_start3A_469 : memref<327680x128xf32, #tpu.memory_space<hbm>>) target(%arg17 : memref<80x128xf32, #tpu.memory_space<vmem>>) offsets(%arg9 : memref<80xi32, #tpu.memory_space<vmem>>) semaphore(%arg24 : memref<!tpu.dma_semaphore, #tpu.memory_space<semaphore_mem>>)
      %add3A_470 = arith.constant 2 : i32
      %add3A_471 = arith.addi %add3A_439, %add3A_470 : i32
      %mul3A_472 = arith.constant 80 : i32
      %mul3A_473 = arith.muli %add3A_471, %mul3A_472 : i32
      %add3A_474 = arith.addi %mul3A_30, %mul3A_473 : i32
      %dma_start3A_475 = tpu.memref_slice %arg4[%add3A_474] : memref<322560xi32, #tpu.memory_space<hbm>> -> memref<80xi32, #tpu.memory_space<hbm>>
      %dma_start3A_476 = tpu.memref_slice %arg4[%add3A_474] : memref<322560xi32, #tpu.memory_space<hbm>> -> memref<80xi32, #tpu.memory_space<hbm>>
      tpu.enqueue_dma source(%dma_start3A_476 : memref<80xi32, #tpu.memory_space<hbm>>) target(%arg13 : memref<80xi32, #tpu.memory_space<vmem>>) target_semaphore(%arg26 : memref<!tpu.dma_semaphore, #tpu.memory_space<semaphore_mem>>)
      %add3A_477 = arith.constant 3 : i32
      %add3A_478 = arith.addi %add3A_439, %add3A_477 : i32
      %mul3A_479 = arith.constant 80 : i32
      %mul3A_480 = arith.muli %add3A_478, %mul3A_479 : i32
      %add3A_481 = arith.addi %add3A, %mul3A_480 : i32
      %dma_start3A_482 = tpu.memref_slice %arg3[%add3A_481] : memref<645120xi32, #tpu.memory_space<hbm>> -> memref<80xi32, #tpu.memory_space<hbm>>
      %dma_start3A_483 = tpu.memref_slice %arg3[%add3A_481] : memref<645120xi32, #tpu.memory_space<hbm>> -> memref<80xi32, #tpu.memory_space<hbm>>
      tpu.enqueue_dma source(%dma_start3A_483 : memref<80xi32, #tpu.memory_space<hbm>>) target(%arg10 : memref<80xi32, #tpu.memory_space<vmem>>) target_semaphore(%arg26 : memref<!tpu.dma_semaphore, #tpu.memory_space<semaphore_mem>>)
      %add3A_484 = arith.constant 3 : i32
      %add3A_485 = arith.addi %mul3A_345, %add3A_484 : i32
      %dma_wait3A_486 = arith.constant 0 : i32
      %dma_wait3A_487 = arith.constant 0 : i32
      %dma_wait3A_488 = tpu.memref_slice %arg22[%dma_wait3A_486, %dma_wait3A_487] : memref<10240x128xf32, #tpu.memory_space<vmem_shared>> -> memref<10240x128xf32, #tpu.memory_space<vmem_shared>>
      tpu.wait_indirect_dma semaphore(%arg28 : memref<!tpu.dma_semaphore, #tpu.memory_space<semaphore_mem>>) src(%arg17 : memref<80x128xf32, #tpu.memory_space<vmem>>) dst(%dma_wait3A_488 : memref<10240x128xf32, #tpu.memory_space<vmem_shared>>)
      %eq3A_489 = arith.constant 0 : i32
      %eq3A_490 = arith.cmpi eq, %arg0, %eq3A_489 : i32
      %convert_element_type3A_491 = arith.extui %eq3A_490 : i1 to i32
      %cond3A_492 = arith.constant 0 : i32
      %cond3A_493 = arith.cmpi ne, %convert_element_type3A_491, %cond3A_492 : i32
      scf.if %cond3A_493 {
        %dma_wait3A_530 = arith.constant 0 : i32
        %dma_wait3A_531 = tpu.memref_slice %arg23[%dma_wait3A_530] : memref<10240xf32, #tpu.memory_space<vmem_shared>> -> memref<10240xf32, #tpu.memory_space<vmem_shared>>
        tpu.wait_indirect_dma semaphore(%arg30 : memref<!tpu.dma_semaphore, #tpu.memory_space<semaphore_mem>>) src(%arg21 : memref<80xf32, #tpu.memory_space<vmem>>) dst(%dma_wait3A_531 : memref<10240xf32, #tpu.memory_space<vmem_shared>>)
      } else {
      }
      %dma_wait3A_494 = arith.constant 0 : i32
      %dma_wait3A_495 = tpu.memref_slice %arg4[%dma_wait3A_494] : memref<322560xi32, #tpu.memory_space<hbm>> -> memref<80xi32, #tpu.memory_space<hbm>>
      %dma_wait3A_496 = arith.constant 0 : i32
      %dma_wait3A_497 = tpu.memref_slice %arg4[%dma_wait3A_496] : memref<322560xi32, #tpu.memory_space<hbm>> -> memref<80xi32, #tpu.memory_space<hbm>>
      tpu.wait_dma2 semaphore(%arg26 : memref<!tpu.dma_semaphore, #tpu.memory_space<semaphore_mem>>) src(%dma_wait3A_497 : memref<80xi32, #tpu.memory_space<hbm>>) dst(%arg13 : memref<80xi32, #tpu.memory_space<vmem>>)
      %dma_wait3A_498 = arith.constant 0 : i32
      %dma_wait3A_499 = tpu.memref_slice %arg4[%dma_wait3A_498] : memref<322560xi32, #tpu.memory_space<hbm>> -> memref<80xi32, #tpu.memory_space<hbm>>
      %dma_wait3A_500 = arith.constant 0 : i32
      %dma_wait3A_501 = tpu.memref_slice %arg4[%dma_wait3A_500] : memref<322560xi32, #tpu.memory_space<hbm>> -> memref<80xi32, #tpu.memory_space<hbm>>
      tpu.wait_dma2 semaphore(%arg26 : memref<!tpu.dma_semaphore, #tpu.memory_space<semaphore_mem>>) src(%dma_wait3A_501 : memref<80xi32, #tpu.memory_space<hbm>>) dst(%arg13 : memref<80xi32, #tpu.memory_space<vmem>>)
      %dma_wait3A_502 = arith.constant 0 : i32
      %dma_wait3A_503 = arith.constant 0 : i32
      %dma_wait3A_504 = tpu.memref_slice %arg2[%dma_wait3A_502, %dma_wait3A_503] : memref<327680x128xf32, #tpu.memory_space<hbm>> -> memref<327680x128xf32, #tpu.memory_space<hbm>>
      tpu.wait_indirect_dma semaphore(%arg25 : memref<!tpu.dma_semaphore, #tpu.memory_space<semaphore_mem>>) src(%dma_wait3A_504 : memref<327680x128xf32, #tpu.memory_space<hbm>>) dst(%arg20 : memref<80x128xf32, #tpu.memory_space<vmem>>)
      %dma_start3A_505 = arith.constant 0 : i32
      %dma_start3A_506 = arith.constant 0 : i32
      %dma_start3A_507 = tpu.memref_slice %arg22[%dma_start3A_505, %dma_start3A_506] : memref<10240x128xf32, #tpu.memory_space<vmem_shared>> -> memref<10240x128xf32, #tpu.memory_space<vmem_shared>>
      tpu.enqueue_indirect_dma source(%arg20 : memref<80x128xf32, #tpu.memory_space<vmem>>) target(%dma_start3A_507 : memref<10240x128xf32, #tpu.memory_space<vmem_shared>>) offsets(%arg16 : memref<80xi32, #tpu.memory_space<vmem>>) semaphore(%arg28 : memref<!tpu.dma_semaphore, #tpu.memory_space<semaphore_mem>>) {add = true}
      %eq3A_508 = arith.constant 0 : i32
      %eq3A_509 = arith.cmpi eq, %arg0, %eq3A_508 : i32
      %convert_element_type3A_510 = arith.extui %eq3A_509 : i1 to i32
      %cond3A_511 = arith.constant 0 : i32
      %cond3A_512 = arith.cmpi ne, %convert_element_type3A_510, %cond3A_511 : i32
      scf.if %cond3A_512 {
        %dma_start3A_530 = arith.constant 0 : i32
        %dma_start3A_531 = tpu.memref_slice %arg23[%dma_start3A_530] : memref<10240xf32, #tpu.memory_space<vmem_shared>> -> memref<10240xf32, #tpu.memory_space<vmem_shared>>
        tpu.enqueue_indirect_dma source(%arg21 : memref<80xf32, #tpu.memory_space<vmem>>) target(%dma_start3A_531 : memref<10240xf32, #tpu.memory_space<vmem_shared>>) offsets(%arg16 : memref<80xi32, #tpu.memory_space<vmem>>) semaphore(%arg30 : memref<!tpu.dma_semaphore, #tpu.memory_space<semaphore_mem>>) {add = true}
      } else {
      }
      %dma_start3A_513 = arith.constant 0 : i32
      %dma_start3A_514 = arith.constant 0 : i32
      %dma_start3A_515 = tpu.memref_slice %arg2[%dma_start3A_513, %dma_start3A_514] : memref<327680x128xf32, #tpu.memory_space<hbm>> -> memref<327680x128xf32, #tpu.memory_space<hbm>>
      tpu.enqueue_indirect_dma source(%dma_start3A_515 : memref<327680x128xf32, #tpu.memory_space<hbm>>) target(%arg18 : memref<80x128xf32, #tpu.memory_space<vmem>>) offsets(%arg10 : memref<80xi32, #tpu.memory_space<vmem>>) semaphore(%arg25 : memref<!tpu.dma_semaphore, #tpu.memory_space<semaphore_mem>>)
      %add3A_516 = arith.constant 2 : i32
      %add3A_517 = arith.addi %add3A_485, %add3A_516 : i32
      %mul3A_518 = arith.constant 80 : i32
      %mul3A_519 = arith.muli %add3A_517, %mul3A_518 : i32
      %add3A_520 = arith.addi %mul3A_30, %mul3A_519 : i32
      %dma_start3A_521 = tpu.memref_slice %arg4[%add3A_520] : memref<322560xi32, #tpu.memory_space<hbm>> -> memref<80xi32, #tpu.memory_space<hbm>>
      %dma_start3A_522 = tpu.memref_slice %arg4[%add3A_520] : memref<322560xi32, #tpu.memory_space<hbm>> -> memref<80xi32, #tpu.memory_space<hbm>>
      tpu.enqueue_dma source(%dma_start3A_522 : memref<80xi32, #tpu.memory_space<hbm>>) target(%arg14 : memref<80xi32, #tpu.memory_space<vmem>>) target_semaphore(%arg26 : memref<!tpu.dma_semaphore, #tpu.memory_space<semaphore_mem>>)
      %add3A_523 = arith.constant 3 : i32
      %add3A_524 = arith.addi %add3A_485, %add3A_523 : i32
      %mul3A_525 = arith.constant 80 : i32
      %mul3A_526 = arith.muli %add3A_524, %mul3A_525 : i32
      %add3A_527 = arith.addi %add3A, %mul3A_526 : i32
      %dma_start3A_528 = tpu.memref_slice %arg3[%add3A_527] : memref<645120xi32, #tpu.memory_space<hbm>> -> memref<80xi32, #tpu.memory_space<hbm>>
      %dma_start3A_529 = tpu.memref_slice %arg3[%add3A_527] : memref<645120xi32, #tpu.memory_space<hbm>> -> memref<80xi32, #tpu.memory_space<hbm>>
      tpu.enqueue_dma source(%dma_start3A_529 : memref<80xi32, #tpu.memory_space<hbm>>) target(%arg11 : memref<80xi32, #tpu.memory_space<vmem>>) target_semaphore(%arg26 : memref<!tpu.dma_semaphore, #tpu.memory_space<semaphore_mem>>)
    }
    %scan3A_206 = arith.constant 61 : i32
    %dma_wait3A_207 = arith.constant 0 : i32
    %dma_wait3A_208 = arith.constant 0 : i32
    %dma_wait3A_209 = tpu.memref_slice %arg22[%dma_wait3A_207, %dma_wait3A_208] : memref<10240x128xf32, #tpu.memory_space<vmem_shared>> -> memref<10240x128xf32, #tpu.memory_space<vmem_shared>>
    tpu.wait_indirect_dma semaphore(%arg27 : memref<!tpu.dma_semaphore, #tpu.memory_space<semaphore_mem>>) src(%arg17 : memref<80x128xf32, #tpu.memory_space<vmem>>) dst(%dma_wait3A_209 : memref<10240x128xf32, #tpu.memory_space<vmem_shared>>)
    %eq3A_210 = arith.constant 0 : i32
    %eq3A_211 = arith.cmpi eq, %arg0, %eq3A_210 : i32
    %convert_element_type3A_212 = arith.extui %eq3A_211 : i1 to i32
    %cond3A_213 = arith.constant 0 : i32
    %cond3A_214 = arith.cmpi ne, %convert_element_type3A_212, %cond3A_213 : i32
    scf.if %cond3A_214 {
      %dma_wait3A_343 = arith.constant 0 : i32
      %dma_wait3A_344 = tpu.memref_slice %arg23[%dma_wait3A_343] : memref<10240xf32, #tpu.memory_space<vmem_shared>> -> memref<10240xf32, #tpu.memory_space<vmem_shared>>
      tpu.wait_indirect_dma semaphore(%arg29 : memref<!tpu.dma_semaphore, #tpu.memory_space<semaphore_mem>>) src(%arg21 : memref<80xf32, #tpu.memory_space<vmem>>) dst(%dma_wait3A_344 : memref<10240xf32, #tpu.memory_space<vmem_shared>>)
    } else {
    }
    %dma_wait3A_215 = arith.constant 0 : i32
    %dma_wait3A_216 = tpu.memref_slice %arg4[%dma_wait3A_215] : memref<322560xi32, #tpu.memory_space<hbm>> -> memref<80xi32, #tpu.memory_space<hbm>>
    %dma_wait3A_217 = arith.constant 0 : i32
    %dma_wait3A_218 = tpu.memref_slice %arg4[%dma_wait3A_217] : memref<322560xi32, #tpu.memory_space<hbm>> -> memref<80xi32, #tpu.memory_space<hbm>>
    tpu.wait_dma2 semaphore(%arg26 : memref<!tpu.dma_semaphore, #tpu.memory_space<semaphore_mem>>) src(%dma_wait3A_218 : memref<80xi32, #tpu.memory_space<hbm>>) dst(%arg13 : memref<80xi32, #tpu.memory_space<vmem>>)
    %dma_wait3A_219 = arith.constant 0 : i32
    %dma_wait3A_220 = tpu.memref_slice %arg4[%dma_wait3A_219] : memref<322560xi32, #tpu.memory_space<hbm>> -> memref<80xi32, #tpu.memory_space<hbm>>
    %dma_wait3A_221 = arith.constant 0 : i32
    %dma_wait3A_222 = tpu.memref_slice %arg4[%dma_wait3A_221] : memref<322560xi32, #tpu.memory_space<hbm>> -> memref<80xi32, #tpu.memory_space<hbm>>
    tpu.wait_dma2 semaphore(%arg26 : memref<!tpu.dma_semaphore, #tpu.memory_space<semaphore_mem>>) src(%dma_wait3A_222 : memref<80xi32, #tpu.memory_space<hbm>>) dst(%arg13 : memref<80xi32, #tpu.memory_space<vmem>>)
    %dma_wait3A_223 = arith.constant 0 : i32
    %dma_wait3A_224 = arith.constant 0 : i32
    %dma_wait3A_225 = tpu.memref_slice %arg2[%dma_wait3A_223, %dma_wait3A_224] : memref<327680x128xf32, #tpu.memory_space<hbm>> -> memref<327680x128xf32, #tpu.memory_space<hbm>>
    tpu.wait_indirect_dma semaphore(%arg24 : memref<!tpu.dma_semaphore, #tpu.memory_space<semaphore_mem>>) src(%dma_wait3A_225 : memref<327680x128xf32, #tpu.memory_space<hbm>>) dst(%arg17 : memref<80x128xf32, #tpu.memory_space<vmem>>)
    %dma_start3A_226 = arith.constant 0 : i32
    %dma_start3A_227 = arith.constant 0 : i32
    %dma_start3A_228 = tpu.memref_slice %arg22[%dma_start3A_226, %dma_start3A_227] : memref<10240x128xf32, #tpu.memory_space<vmem_shared>> -> memref<10240x128xf32, #tpu.memory_space<vmem_shared>>
    tpu.enqueue_indirect_dma source(%arg17 : memref<80x128xf32, #tpu.memory_space<vmem>>) target(%dma_start3A_228 : memref<10240x128xf32, #tpu.memory_space<vmem_shared>>) offsets(%arg13 : memref<80xi32, #tpu.memory_space<vmem>>) semaphore(%arg27 : memref<!tpu.dma_semaphore, #tpu.memory_space<semaphore_mem>>) {add = true}
    %eq3A_229 = arith.constant 0 : i32
    %eq3A_230 = arith.cmpi eq, %arg0, %eq3A_229 : i32
    %convert_element_type3A_231 = arith.extui %eq3A_230 : i1 to i32
    %cond3A_232 = arith.constant 0 : i32
    %cond3A_233 = arith.cmpi ne, %convert_element_type3A_231, %cond3A_232 : i32
    scf.if %cond3A_233 {
      %dma_start3A_343 = arith.constant 0 : i32
      %dma_start3A_344 = tpu.memref_slice %arg23[%dma_start3A_343] : memref<10240xf32, #tpu.memory_space<vmem_shared>> -> memref<10240xf32, #tpu.memory_space<vmem_shared>>
      tpu.enqueue_indirect_dma source(%arg21 : memref<80xf32, #tpu.memory_space<vmem>>) target(%dma_start3A_344 : memref<10240xf32, #tpu.memory_space<vmem_shared>>) offsets(%arg13 : memref<80xi32, #tpu.memory_space<vmem>>) semaphore(%arg29 : memref<!tpu.dma_semaphore, #tpu.memory_space<semaphore_mem>>) {add = true}
    } else {
    }
    %dma_start3A_234 = arith.constant 0 : i32
    %dma_start3A_235 = arith.constant 0 : i32
    %dma_start3A_236 = tpu.memref_slice %arg2[%dma_start3A_234, %dma_start3A_235] : memref<327680x128xf32, #tpu.memory_space<hbm>> -> memref<327680x128xf32, #tpu.memory_space<hbm>>
    tpu.enqueue_indirect_dma source(%dma_start3A_236 : memref<327680x128xf32, #tpu.memory_space<hbm>>) target(%arg19 : memref<80x128xf32, #tpu.memory_space<vmem>>) offsets(%arg11 : memref<80xi32, #tpu.memory_space<vmem>>) semaphore(%arg24 : memref<!tpu.dma_semaphore, #tpu.memory_space<semaphore_mem>>)
    %add3A_237 = arith.constant 20000 : i32
    %add3A_238 = arith.addi %mul3A_30, %add3A_237 : i32
    %dma_start3A_239 = tpu.memref_slice %arg4[%add3A_238] : memref<322560xi32, #tpu.memory_space<hbm>> -> memref<80xi32, #tpu.memory_space<hbm>>
    %dma_start3A_240 = tpu.memref_slice %arg4[%add3A_238] : memref<322560xi32, #tpu.memory_space<hbm>> -> memref<80xi32, #tpu.memory_space<hbm>>
    tpu.enqueue_dma source(%dma_start3A_240 : memref<80xi32, #tpu.memory_space<hbm>>) target(%arg15 : memref<80xi32, #tpu.memory_space<vmem>>) target_semaphore(%arg26 : memref<!tpu.dma_semaphore, #tpu.memory_space<semaphore_mem>>)
    %add3A_241 = arith.constant 20080 : i32
    %add3A_242 = arith.addi %add3A, %add3A_241 : i32
    %dma_start3A_243 = tpu.memref_slice %arg3[%add3A_242] : memref<645120xi32, #tpu.memory_space<hbm>> -> memref<80xi32, #tpu.memory_space<hbm>>
    %dma_start3A_244 = tpu.memref_slice %arg3[%add3A_242] : memref<645120xi32, #tpu.memory_space<hbm>> -> memref<80xi32, #tpu.memory_space<hbm>>
    tpu.enqueue_dma source(%dma_start3A_244 : memref<80xi32, #tpu.memory_space<hbm>>) target(%arg12 : memref<80xi32, #tpu.memory_space<vmem>>) target_semaphore(%arg26 : memref<!tpu.dma_semaphore, #tpu.memory_space<semaphore_mem>>)
    %dma_wait3A_245 = arith.constant 0 : i32
    %dma_wait3A_246 = arith.constant 0 : i32
    %dma_wait3A_247 = tpu.memref_slice %arg22[%dma_wait3A_245, %dma_wait3A_246] : memref<10240x128xf32, #tpu.memory_space<vmem_shared>> -> memref<10240x128xf32, #tpu.memory_space<vmem_shared>>
    tpu.wait_indirect_dma semaphore(%arg28 : memref<!tpu.dma_semaphore, #tpu.memory_space<semaphore_mem>>) src(%arg17 : memref<80x128xf32, #tpu.memory_space<vmem>>) dst(%dma_wait3A_247 : memref<10240x128xf32, #tpu.memory_space<vmem_shared>>)
    %eq3A_248 = arith.constant 0 : i32
    %eq3A_249 = arith.cmpi eq, %arg0, %eq3A_248 : i32
    %convert_element_type3A_250 = arith.extui %eq3A_249 : i1 to i32
    %cond3A_251 = arith.constant 0 : i32
    %cond3A_252 = arith.cmpi ne, %convert_element_type3A_250, %cond3A_251 : i32
    scf.if %cond3A_252 {
      %dma_wait3A_343 = arith.constant 0 : i32
      %dma_wait3A_344 = tpu.memref_slice %arg23[%dma_wait3A_343] : memref<10240xf32, #tpu.memory_space<vmem_shared>> -> memref<10240xf32, #tpu.memory_space<vmem_shared>>
      tpu.wait_indirect_dma semaphore(%arg30 : memref<!tpu.dma_semaphore, #tpu.memory_space<semaphore_mem>>) src(%arg21 : memref<80xf32, #tpu.memory_space<vmem>>) dst(%dma_wait3A_344 : memref<10240xf32, #tpu.memory_space<vmem_shared>>)
    } else {
    }
    %dma_wait3A_253 = arith.constant 0 : i32
    %dma_wait3A_254 = tpu.memref_slice %arg4[%dma_wait3A_253] : memref<322560xi32, #tpu.memory_space<hbm>> -> memref<80xi32, #tpu.memory_space<hbm>>
    %dma_wait3A_255 = arith.constant 0 : i32
    %dma_wait3A_256 = tpu.memref_slice %arg4[%dma_wait3A_255] : memref<322560xi32, #tpu.memory_space<hbm>> -> memref<80xi32, #tpu.memory_space<hbm>>
    tpu.wait_dma2 semaphore(%arg26 : memref<!tpu.dma_semaphore, #tpu.memory_space<semaphore_mem>>) src(%dma_wait3A_256 : memref<80xi32, #tpu.memory_space<hbm>>) dst(%arg13 : memref<80xi32, #tpu.memory_space<vmem>>)
    %dma_wait3A_257 = arith.constant 0 : i32
    %dma_wait3A_258 = tpu.memref_slice %arg4[%dma_wait3A_257] : memref<322560xi32, #tpu.memory_space<hbm>> -> memref<80xi32, #tpu.memory_space<hbm>>
    %dma_wait3A_259 = arith.constant 0 : i32
    %dma_wait3A_260 = tpu.memref_slice %arg4[%dma_wait3A_259] : memref<322560xi32, #tpu.memory_space<hbm>> -> memref<80xi32, #tpu.memory_space<hbm>>
    tpu.wait_dma2 semaphore(%arg26 : memref<!tpu.dma_semaphore, #tpu.memory_space<semaphore_mem>>) src(%dma_wait3A_260 : memref<80xi32, #tpu.memory_space<hbm>>) dst(%arg13 : memref<80xi32, #tpu.memory_space<vmem>>)
    %dma_wait3A_261 = arith.constant 0 : i32
    %dma_wait3A_262 = arith.constant 0 : i32
    %dma_wait3A_263 = tpu.memref_slice %arg2[%dma_wait3A_261, %dma_wait3A_262] : memref<327680x128xf32, #tpu.memory_space<hbm>> -> memref<327680x128xf32, #tpu.memory_space<hbm>>
    tpu.wait_indirect_dma semaphore(%arg25 : memref<!tpu.dma_semaphore, #tpu.memory_space<semaphore_mem>>) src(%dma_wait3A_263 : memref<327680x128xf32, #tpu.memory_space<hbm>>) dst(%arg18 : memref<80x128xf32, #tpu.memory_space<vmem>>)
    %dma_start3A_264 = arith.constant 0 : i32
    %dma_start3A_265 = arith.constant 0 : i32
    %dma_start3A_266 = tpu.memref_slice %arg22[%dma_start3A_264, %dma_start3A_265] : memref<10240x128xf32, #tpu.memory_space<vmem_shared>> -> memref<10240x128xf32, #tpu.memory_space<vmem_shared>>
    tpu.enqueue_indirect_dma source(%arg18 : memref<80x128xf32, #tpu.memory_space<vmem>>) target(%dma_start3A_266 : memref<10240x128xf32, #tpu.memory_space<vmem_shared>>) offsets(%arg14 : memref<80xi32, #tpu.memory_space<vmem>>) semaphore(%arg28 : memref<!tpu.dma_semaphore, #tpu.memory_space<semaphore_mem>>) {add = true}
    %eq3A_267 = arith.constant 0 : i32
    %eq3A_268 = arith.cmpi eq, %arg0, %eq3A_267 : i32
    %convert_element_type3A_269 = arith.extui %eq3A_268 : i1 to i32
    %cond3A_270 = arith.constant 0 : i32
    %cond3A_271 = arith.cmpi ne, %convert_element_type3A_269, %cond3A_270 : i32
    scf.if %cond3A_271 {
      %dma_start3A_343 = arith.constant 0 : i32
      %dma_start3A_344 = tpu.memref_slice %arg23[%dma_start3A_343] : memref<10240xf32, #tpu.memory_space<vmem_shared>> -> memref<10240xf32, #tpu.memory_space<vmem_shared>>
      tpu.enqueue_indirect_dma source(%arg21 : memref<80xf32, #tpu.memory_space<vmem>>) target(%dma_start3A_344 : memref<10240xf32, #tpu.memory_space<vmem_shared>>) offsets(%arg14 : memref<80xi32, #tpu.memory_space<vmem>>) semaphore(%arg30 : memref<!tpu.dma_semaphore, #tpu.memory_space<semaphore_mem>>) {add = true}
    } else {
    }
    %dma_start3A_272 = arith.constant 0 : i32
    %dma_start3A_273 = arith.constant 0 : i32
    %dma_start3A_274 = tpu.memref_slice %arg2[%dma_start3A_272, %dma_start3A_273] : memref<327680x128xf32, #tpu.memory_space<hbm>> -> memref<327680x128xf32, #tpu.memory_space<hbm>>
    tpu.enqueue_indirect_dma source(%dma_start3A_274 : memref<327680x128xf32, #tpu.memory_space<hbm>>) target(%arg20 : memref<80x128xf32, #tpu.memory_space<vmem>>) offsets(%arg12 : memref<80xi32, #tpu.memory_space<vmem>>) semaphore(%arg25 : memref<!tpu.dma_semaphore, #tpu.memory_space<semaphore_mem>>)
    %add3A_275 = arith.constant 20080 : i32
    %add3A_276 = arith.addi %mul3A_30, %add3A_275 : i32
    %dma_start3A_277 = tpu.memref_slice %arg4[%add3A_276] : memref<322560xi32, #tpu.memory_space<hbm>> -> memref<80xi32, #tpu.memory_space<hbm>>
    %dma_start3A_278 = tpu.memref_slice %arg4[%add3A_276] : memref<322560xi32, #tpu.memory_space<hbm>> -> memref<80xi32, #tpu.memory_space<hbm>>
    tpu.enqueue_dma source(%dma_start3A_278 : memref<80xi32, #tpu.memory_space<hbm>>) target(%arg16 : memref<80xi32, #tpu.memory_space<vmem>>) target_semaphore(%arg26 : memref<!tpu.dma_semaphore, #tpu.memory_space<semaphore_mem>>)
    %dma_wait3A_279 = arith.constant 0 : i32
    %dma_wait3A_280 = arith.constant 0 : i32
    %dma_wait3A_281 = tpu.memref_slice %arg22[%dma_wait3A_279, %dma_wait3A_280] : memref<10240x128xf32, #tpu.memory_space<vmem_shared>> -> memref<10240x128xf32, #tpu.memory_space<vmem_shared>>
    tpu.wait_indirect_dma semaphore(%arg27 : memref<!tpu.dma_semaphore, #tpu.memory_space<semaphore_mem>>) src(%arg17 : memref<80x128xf32, #tpu.memory_space<vmem>>) dst(%dma_wait3A_281 : memref<10240x128xf32, #tpu.memory_space<vmem_shared>>)
    %eq3A_282 = arith.constant 0 : i32
    %eq3A_283 = arith.cmpi eq, %arg0, %eq3A_282 : i32
    %convert_element_type3A_284 = arith.extui %eq3A_283 : i1 to i32
    %cond3A_285 = arith.constant 0 : i32
    %cond3A_286 = arith.cmpi ne, %convert_element_type3A_284, %cond3A_285 : i32
    scf.if %cond3A_286 {
      %dma_wait3A_343 = arith.constant 0 : i32
      %dma_wait3A_344 = tpu.memref_slice %arg23[%dma_wait3A_343] : memref<10240xf32, #tpu.memory_space<vmem_shared>> -> memref<10240xf32, #tpu.memory_space<vmem_shared>>
      tpu.wait_indirect_dma semaphore(%arg29 : memref<!tpu.dma_semaphore, #tpu.memory_space<semaphore_mem>>) src(%arg21 : memref<80xf32, #tpu.memory_space<vmem>>) dst(%dma_wait3A_344 : memref<10240xf32, #tpu.memory_space<vmem_shared>>)
    } else {
    }
    %dma_wait3A_287 = arith.constant 0 : i32
    %dma_wait3A_288 = tpu.memref_slice %arg4[%dma_wait3A_287] : memref<322560xi32, #tpu.memory_space<hbm>> -> memref<80xi32, #tpu.memory_space<hbm>>
    %dma_wait3A_289 = arith.constant 0 : i32
    %dma_wait3A_290 = tpu.memref_slice %arg4[%dma_wait3A_289] : memref<322560xi32, #tpu.memory_space<hbm>> -> memref<80xi32, #tpu.memory_space<hbm>>
    tpu.wait_dma2 semaphore(%arg26 : memref<!tpu.dma_semaphore, #tpu.memory_space<semaphore_mem>>) src(%dma_wait3A_290 : memref<80xi32, #tpu.memory_space<hbm>>) dst(%arg13 : memref<80xi32, #tpu.memory_space<vmem>>)
    %dma_wait3A_291 = arith.constant 0 : i32
    %dma_wait3A_292 = arith.constant 0 : i32
    %dma_wait3A_293 = tpu.memref_slice %arg2[%dma_wait3A_291, %dma_wait3A_292] : memref<327680x128xf32, #tpu.memory_space<hbm>> -> memref<327680x128xf32, #tpu.memory_space<hbm>>
    tpu.wait_indirect_dma semaphore(%arg24 : memref<!tpu.dma_semaphore, #tpu.memory_space<semaphore_mem>>) src(%dma_wait3A_293 : memref<327680x128xf32, #tpu.memory_space<hbm>>) dst(%arg19 : memref<80x128xf32, #tpu.memory_space<vmem>>)
    %dma_start3A_294 = arith.constant 0 : i32
    %dma_start3A_295 = arith.constant 0 : i32
    %dma_start3A_296 = tpu.memref_slice %arg22[%dma_start3A_294, %dma_start3A_295] : memref<10240x128xf32, #tpu.memory_space<vmem_shared>> -> memref<10240x128xf32, #tpu.memory_space<vmem_shared>>
    tpu.enqueue_indirect_dma source(%arg19 : memref<80x128xf32, #tpu.memory_space<vmem>>) target(%dma_start3A_296 : memref<10240x128xf32, #tpu.memory_space<vmem_shared>>) offsets(%arg15 : memref<80xi32, #tpu.memory_space<vmem>>) semaphore(%arg27 : memref<!tpu.dma_semaphore, #tpu.memory_space<semaphore_mem>>) {add = true}
    %eq3A_297 = arith.constant 0 : i32
    %eq3A_298 = arith.cmpi eq, %arg0, %eq3A_297 : i32
    %convert_element_type3A_299 = arith.extui %eq3A_298 : i1 to i32
    %cond3A_300 = arith.constant 0 : i32
    %cond3A_301 = arith.cmpi ne, %convert_element_type3A_299, %cond3A_300 : i32
    scf.if %cond3A_301 {
      %dma_start3A_343 = arith.constant 0 : i32
      %dma_start3A_344 = tpu.memref_slice %arg23[%dma_start3A_343] : memref<10240xf32, #tpu.memory_space<vmem_shared>> -> memref<10240xf32, #tpu.memory_space<vmem_shared>>
      tpu.enqueue_indirect_dma source(%arg21 : memref<80xf32, #tpu.memory_space<vmem>>) target(%dma_start3A_344 : memref<10240xf32, #tpu.memory_space<vmem_shared>>) offsets(%arg15 : memref<80xi32, #tpu.memory_space<vmem>>) semaphore(%arg29 : memref<!tpu.dma_semaphore, #tpu.memory_space<semaphore_mem>>) {add = true}
    } else {
    }
    %dma_wait3A_302 = arith.constant 0 : i32
    %dma_wait3A_303 = arith.constant 0 : i32
    %dma_wait3A_304 = tpu.memref_slice %arg22[%dma_wait3A_302, %dma_wait3A_303] : memref<10240x128xf32, #tpu.memory_space<vmem_shared>> -> memref<10240x128xf32, #tpu.memory_space<vmem_shared>>
    tpu.wait_indirect_dma semaphore(%arg28 : memref<!tpu.dma_semaphore, #tpu.memory_space<semaphore_mem>>) src(%arg17 : memref<80x128xf32, #tpu.memory_space<vmem>>) dst(%dma_wait3A_304 : memref<10240x128xf32, #tpu.memory_space<vmem_shared>>)
    %eq3A_305 = arith.constant 0 : i32
    %eq3A_306 = arith.cmpi eq, %arg0, %eq3A_305 : i32
    %convert_element_type3A_307 = arith.extui %eq3A_306 : i1 to i32
    %cond3A_308 = arith.constant 0 : i32
    %cond3A_309 = arith.cmpi ne, %convert_element_type3A_307, %cond3A_308 : i32
    scf.if %cond3A_309 {
      %dma_wait3A_343 = arith.constant 0 : i32
      %dma_wait3A_344 = tpu.memref_slice %arg23[%dma_wait3A_343] : memref<10240xf32, #tpu.memory_space<vmem_shared>> -> memref<10240xf32, #tpu.memory_space<vmem_shared>>
      tpu.wait_indirect_dma semaphore(%arg30 : memref<!tpu.dma_semaphore, #tpu.memory_space<semaphore_mem>>) src(%arg21 : memref<80xf32, #tpu.memory_space<vmem>>) dst(%dma_wait3A_344 : memref<10240xf32, #tpu.memory_space<vmem_shared>>)
    } else {
    }
    %dma_wait3A_310 = arith.constant 0 : i32
    %dma_wait3A_311 = arith.constant 0 : i32
    %dma_wait3A_312 = tpu.memref_slice %arg2[%dma_wait3A_310, %dma_wait3A_311] : memref<327680x128xf32, #tpu.memory_space<hbm>> -> memref<327680x128xf32, #tpu.memory_space<hbm>>
    tpu.wait_indirect_dma semaphore(%arg25 : memref<!tpu.dma_semaphore, #tpu.memory_space<semaphore_mem>>) src(%dma_wait3A_312 : memref<327680x128xf32, #tpu.memory_space<hbm>>) dst(%arg20 : memref<80x128xf32, #tpu.memory_space<vmem>>)
    %dma_start3A_313 = arith.constant 0 : i32
    %dma_start3A_314 = arith.constant 0 : i32
    %dma_start3A_315 = tpu.memref_slice %arg22[%dma_start3A_313, %dma_start3A_314] : memref<10240x128xf32, #tpu.memory_space<vmem_shared>> -> memref<10240x128xf32, #tpu.memory_space<vmem_shared>>
    tpu.enqueue_indirect_dma source(%arg20 : memref<80x128xf32, #tpu.memory_space<vmem>>) target(%dma_start3A_315 : memref<10240x128xf32, #tpu.memory_space<vmem_shared>>) offsets(%arg16 : memref<80xi32, #tpu.memory_space<vmem>>) semaphore(%arg28 : memref<!tpu.dma_semaphore, #tpu.memory_space<semaphore_mem>>) {add = true}
    %eq3A_316 = arith.constant 0 : i32
    %eq3A_317 = arith.cmpi eq, %arg0, %eq3A_316 : i32
    %convert_element_type3A_318 = arith.extui %eq3A_317 : i1 to i32
    %cond3A_319 = arith.constant 0 : i32
    %cond3A_320 = arith.cmpi ne, %convert_element_type3A_318, %cond3A_319 : i32
    scf.if %cond3A_320 {
      %dma_start3A_343 = arith.constant 0 : i32
      %dma_start3A_344 = tpu.memref_slice %arg23[%dma_start3A_343] : memref<10240xf32, #tpu.memory_space<vmem_shared>> -> memref<10240xf32, #tpu.memory_space<vmem_shared>>
      tpu.enqueue_indirect_dma source(%arg21 : memref<80xf32, #tpu.memory_space<vmem>>) target(%dma_start3A_344 : memref<10240xf32, #tpu.memory_space<vmem_shared>>) offsets(%arg16 : memref<80xi32, #tpu.memory_space<vmem>>) semaphore(%arg30 : memref<!tpu.dma_semaphore, #tpu.memory_space<semaphore_mem>>) {add = true}
    } else {
    }
    %dma_wait3A_321 = arith.constant 0 : i32
    %dma_wait3A_322 = arith.constant 0 : i32
    %dma_wait3A_323 = tpu.memref_slice %arg22[%dma_wait3A_321, %dma_wait3A_322] : memref<10240x128xf32, #tpu.memory_space<vmem_shared>> -> memref<10240x128xf32, #tpu.memory_space<vmem_shared>>
    tpu.wait_indirect_dma semaphore(%arg27 : memref<!tpu.dma_semaphore, #tpu.memory_space<semaphore_mem>>) src(%arg17 : memref<80x128xf32, #tpu.memory_space<vmem>>) dst(%dma_wait3A_323 : memref<10240x128xf32, #tpu.memory_space<vmem_shared>>)
    %eq3A_324 = arith.constant 0 : i32
    %eq3A_325 = arith.cmpi eq, %arg0, %eq3A_324 : i32
    %convert_element_type3A_326 = arith.extui %eq3A_325 : i1 to i32
    %cond3A_327 = arith.constant 0 : i32
    %cond3A_328 = arith.cmpi ne, %convert_element_type3A_326, %cond3A_327 : i32
    scf.if %cond3A_328 {
      %dma_wait3A_343 = arith.constant 0 : i32
      %dma_wait3A_344 = tpu.memref_slice %arg23[%dma_wait3A_343] : memref<10240xf32, #tpu.memory_space<vmem_shared>> -> memref<10240xf32, #tpu.memory_space<vmem_shared>>
      tpu.wait_indirect_dma semaphore(%arg29 : memref<!tpu.dma_semaphore, #tpu.memory_space<semaphore_mem>>) src(%arg21 : memref<80xf32, #tpu.memory_space<vmem>>) dst(%dma_wait3A_344 : memref<10240xf32, #tpu.memory_space<vmem_shared>>)
    } else {
    }
    %dma_wait3A_329 = arith.constant 0 : i32
    %dma_wait3A_330 = arith.constant 0 : i32
    %dma_wait3A_331 = tpu.memref_slice %arg22[%dma_wait3A_329, %dma_wait3A_330] : memref<10240x128xf32, #tpu.memory_space<vmem_shared>> -> memref<10240x128xf32, #tpu.memory_space<vmem_shared>>
    tpu.wait_indirect_dma semaphore(%arg28 : memref<!tpu.dma_semaphore, #tpu.memory_space<semaphore_mem>>) src(%arg17 : memref<80x128xf32, #tpu.memory_space<vmem>>) dst(%dma_wait3A_331 : memref<10240x128xf32, #tpu.memory_space<vmem_shared>>)
    %eq3A_332 = arith.constant 0 : i32
    %eq3A_333 = arith.cmpi eq, %arg0, %eq3A_332 : i32
    %convert_element_type3A_334 = arith.extui %eq3A_333 : i1 to i32
    %cond3A_335 = arith.constant 0 : i32
    %cond3A_336 = arith.cmpi ne, %convert_element_type3A_334, %cond3A_335 : i32
    scf.if %cond3A_336 {
      %dma_wait3A_343 = arith.constant 0 : i32
      %dma_wait3A_344 = tpu.memref_slice %arg23[%dma_wait3A_343] : memref<10240xf32, #tpu.memory_space<vmem_shared>> -> memref<10240xf32, #tpu.memory_space<vmem_shared>>
      tpu.wait_indirect_dma semaphore(%arg30 : memref<!tpu.dma_semaphore, #tpu.memory_space<semaphore_mem>>) src(%arg21 : memref<80xf32, #tpu.memory_space<vmem>>) dst(%dma_wait3A_344 : memref<10240xf32, #tpu.memory_space<vmem_shared>>)
    } else {
    }
    %barrier3A_337 = arith.constant 0 : index
    tpu.barrier barrier_id(%barrier3A_337)
    "tpu.region"() ({
      %run_scoped3A = tpu.sem_alloc : memref<!tpu.dma_semaphore, #tpu.memory_space<semaphore_mem>>
      %dma_start3A_343 = arith.constant 0 : i32
      %dma_start3A_344 = tpu.memref_slice %arg7[%arg0, %mul3A_0, %dma_start3A_343] : memref<2x10240x128xf32, #tpu.memory_space<hbm>> -> memref<1x640x128xf32, #tpu.memory_space<hbm>>
      %dma_start3A_345 = tpu.memref_squeeze %dma_start3A_344 : memref<1x640x128xf32, #tpu.memory_space<hbm>> -> memref<640x128xf32, #tpu.memory_space<hbm>>
      %dma_start3A_346 = arith.constant 0 : i32
      %dma_start3A_347 = tpu.memref_slice %arg22[%mul3A_0, %dma_start3A_346] : memref<10240x128xf32, #tpu.memory_space<vmem_shared>> -> memref<640x128xf32, #tpu.memory_space<vmem_shared>>
      tpu.enqueue_dma source(%dma_start3A_347 : memref<640x128xf32, #tpu.memory_space<vmem_shared>>) target(%dma_start3A_345 : memref<640x128xf32, #tpu.memory_space<hbm>>) target_semaphore(%run_scoped3A : memref<!tpu.dma_semaphore, #tpu.memory_space<semaphore_mem>>)
      %dma_wait3A_348 = arith.constant 0 : i32
      %dma_wait3A_349 = tpu.memref_slice %arg7[%arg0, %mul3A_0, %dma_wait3A_348] : memref<2x10240x128xf32, #tpu.memory_space<hbm>> -> memref<1x640x128xf32, #tpu.memory_space<hbm>>
      %dma_wait3A_350 = tpu.memref_squeeze %dma_wait3A_349 : memref<1x640x128xf32, #tpu.memory_space<hbm>> -> memref<640x128xf32, #tpu.memory_space<hbm>>
      %dma_wait3A_351 = arith.constant 0 : i32
      %dma_wait3A_352 = tpu.memref_slice %arg22[%mul3A_0, %dma_wait3A_351] : memref<10240x128xf32, #tpu.memory_space<vmem_shared>> -> memref<640x128xf32, #tpu.memory_space<vmem_shared>>
      tpu.wait_dma2 semaphore(%run_scoped3A : memref<!tpu.dma_semaphore, #tpu.memory_space<semaphore_mem>>) src(%dma_wait3A_352 : memref<640x128xf32, #tpu.memory_space<vmem_shared>>) dst(%dma_wait3A_350 : memref<640x128xf32, #tpu.memory_space<hbm>>)
      tpu.yield
    }) : () -> ()
    %eq3A_338 = arith.constant 0 : i32
    %eq3A_339 = arith.cmpi eq, %arg0, %eq3A_338 : i32
    %convert_element_type3A_340 = arith.extui %eq3A_339 : i1 to i32
    %cond3A_341 = arith.constant 0 : i32
    %cond3A_342 = arith.cmpi ne, %convert_element_type3A_340, %cond3A_341 : i32
    scf.if %cond3A_342 {
      "tpu.region"() ({
        %run_scoped3A = tpu.sem_alloc : memref<!tpu.dma_semaphore, #tpu.memory_space<semaphore_mem>>
        %dma_start3A_343 = tpu.memref_slice %arg8[%mul3A_0] : memref<10240xf32, #tpu.memory_space<hbm>> -> memref<640xf32, #tpu.memory_space<hbm>>
        %dma_start3A_344 = tpu.memref_slice %arg23[%mul3A_0] : memref<10240xf32, #tpu.memory_space<vmem_shared>> -> memref<640xf32, #tpu.memory_space<vmem_shared>>
        tpu.enqueue_dma source(%dma_start3A_344 : memref<640xf32, #tpu.memory_space<vmem_shared>>) target(%dma_start3A_343 : memref<640xf32, #tpu.memory_space<hbm>>) target_semaphore(%run_scoped3A : memref<!tpu.dma_semaphore, #tpu.memory_space<semaphore_mem>>)
        %dma_wait3A_345 = tpu.memref_slice %arg8[%mul3A_0] : memref<10240xf32, #tpu.memory_space<hbm>> -> memref<640xf32, #tpu.memory_space<hbm>>
        %dma_wait3A_346 = tpu.memref_slice %arg23[%mul3A_0] : memref<10240xf32, #tpu.memory_space<vmem_shared>> -> memref<640xf32, #tpu.memory_space<vmem_shared>>
        tpu.wait_dma2 semaphore(%run_scoped3A : memref<!tpu.dma_semaphore, #tpu.memory_space<semaphore_mem>>) src(%dma_wait3A_346 : memref<640xf32, #tpu.memory_space<vmem_shared>>) dst(%dma_wait3A_345 : memref<640xf32, #tpu.memory_space<hbm>>)
        tpu.yield
      }) : () -> ()
    } else {
    }
    return
  }
}

#map = affine_map<(d0, d1) -> (0, 0)>
#map1 = affine_map<(d0, d1) -> (0)>
#map2 = affine_map<(d0, d1) -> (0, 0, 0)>
module attributes {stable_mosaic.version = 14 : i64} {
  func.func @k(%arg0: i32, %arg1: i32, %arg2: memref<327680x128xf32, #tpu.memory_space<hbm>>, %arg3: memref<645120xi32, #tpu.memory_space<hbm>>, %arg4: memref<322560xi32, #tpu.memory_space<hbm>>, %arg5: memref<10240x128xf32, #tpu.memory_space<hbm>>, %arg6: memref<10240xf32, #tpu.memory_space<hbm>>, %arg7: memref<2x10240x128xf32, #tpu.memory_space<hbm>>, %arg8: memref<10240xf32, #tpu.memory_space<hbm>>, %arg9: memref<80xi32, #tpu.memory_space<vmem>>, %arg10: memref<80xi32, #tpu.memory_space<vmem>>, %arg11: memref<80xi32, #tpu.memory_space<vmem>>, %arg12: memref<80xi32, #tpu.memory_space<vmem>>, %arg13: memref<80xi32, #tpu.memory_space<vmem>>, %arg14: memref<80xi32, #tpu.memory_space<vmem>>, %arg15: memref<80xi32, #tpu.memory_space<vmem>>, %arg16: memref<80xi32, #tpu.memory_space<vmem>>, %arg17: memref<80x128xf32, #tpu.memory_space<vmem>>, %arg18: memref<80x128xf32, #tpu.memory_space<vmem>>, %arg19: memref<80x128xf32, #tpu.memory_space<vmem>>, %arg20: memref<80x128xf32, #tpu.memory_space<vmem>>, %arg21: memref<80xf32, #tpu.memory_space<vmem>>, %arg22: memref<10240x128xf32, #tpu.memory_space<vmem_shared>>, %arg23: memref<10240xf32, #tpu.memory_space<vmem_shared>>, %arg24: memref<!tpu.dma_semaphore, #tpu.memory_space<semaphore_mem>>, %arg25: memref<!tpu.dma_semaphore, #tpu.memory_space<semaphore_mem>>, %arg26: memref<!tpu.dma_semaphore, #tpu.memory_space<semaphore_mem>>, %arg27: memref<!tpu.dma_semaphore, #tpu.memory_space<semaphore_mem>>, %arg28: memref<!tpu.dma_semaphore, #tpu.memory_space<semaphore_mem>>, %arg29: memref<!tpu.dma_semaphore, #tpu.memory_space<semaphore_mem>>, %arg30: memref<!tpu.dma_semaphore, #tpu.memory_space<semaphore_mem>>) attributes {dimension_semantics = [#tpu.dimension_semantics<core_parallel>, #tpu.dimension_semantics<subcore_parallel>], iteration_bounds = array<i64: 2, 16>, scalar_prefetch = 0 : i64, scratch_operands = 22 : i64, tpu.core_type = #tpu.core_type<sc_vector_subcore>, window_params = [{transform_indices = #map}, {transform_indices = #map1}, {transform_indices = #map1}, {transform_indices = #map}, {transform_indices = #map1}, {transform_indices = #map2}, {transform_indices = #map1}]} {
    %mul3A = arith.constant 640 : i32
    %mul3A_0 = arith.muli %arg1, %mul3A : i32
    "tpu.region"() ({
      %run_scoped3A = tpu.sem_alloc : memref<!tpu.dma_semaphore, #tpu.memory_space<semaphore_mem>>
      %dma_start3A_261 = arith.constant 0 : i32
      %dma_start3A_262 = tpu.memref_slice %arg22[%mul3A_0, %dma_start3A_261] : memref<10240x128xf32, #tpu.memory_space<vmem_shared>> -> memref<640x128xf32, #tpu.memory_space<vmem_shared>>
      %dma_start3A_263 = arith.constant 0 : i32
      %dma_start3A_264 = tpu.memref_slice %arg5[%mul3A_0, %dma_start3A_263] : memref<10240x128xf32, #tpu.memory_space<hbm>> -> memref<640x128xf32, #tpu.memory_space<hbm>>
      tpu.enqueue_dma source(%dma_start3A_264 : memref<640x128xf32, #tpu.memory_space<hbm>>) target(%dma_start3A_262 : memref<640x128xf32, #tpu.memory_space<vmem_shared>>) target_semaphore(%run_scoped3A : memref<!tpu.dma_semaphore, #tpu.memory_space<semaphore_mem>>)
      %dma_wait3A_265 = arith.constant 0 : i32
      %dma_wait3A_266 = tpu.memref_slice %arg22[%mul3A_0, %dma_wait3A_265] : memref<10240x128xf32, #tpu.memory_space<vmem_shared>> -> memref<640x128xf32, #tpu.memory_space<vmem_shared>>
      %dma_wait3A_267 = arith.constant 0 : i32
      %dma_wait3A_268 = tpu.memref_slice %arg5[%mul3A_0, %dma_wait3A_267] : memref<10240x128xf32, #tpu.memory_space<hbm>> -> memref<640x128xf32, #tpu.memory_space<hbm>>
      tpu.wait_dma2 semaphore(%run_scoped3A : memref<!tpu.dma_semaphore, #tpu.memory_space<semaphore_mem>>) src(%dma_wait3A_268 : memref<640x128xf32, #tpu.memory_space<hbm>>) dst(%dma_wait3A_266 : memref<640x128xf32, #tpu.memory_space<vmem_shared>>)
      tpu.yield
    }) : () -> ()
    %broadcast_in_dim3A = arith.constant 1.000000e+00 : f32
    %broadcast_in_dim3A_1 = vector.broadcast %broadcast_in_dim3A : f32 to vector<16xf32>
    %swap3A = arith.constant 0 : index
    %swap3A_2 = tpu.vector_load %arg21[%swap3A] {strides = array<i32>} : memref<80xf32, #tpu.memory_space<vmem>>, vector<16xf32>,
    %swap3A_3 = vector.shape_cast %swap3A_2 : vector<16xf32> to vector<16xf32>
    %swap3A_4 = vector.shape_cast %broadcast_in_dim3A_1 : vector<16xf32> to vector<16xf32>
    tpu.vector_store %arg21[%swap3A], %swap3A_4 {strides = array<i32>} : memref<80xf32, #tpu.memory_space<vmem>>, vector<16xf32>,
    %broadcast_in_dim3A_5 = arith.constant 1.000000e+00 : f32
    %broadcast_in_dim3A_6 = vector.broadcast %broadcast_in_dim3A_5 : f32 to vector<16xf32>
    %swap3A_7 = arith.constant 16 : index
    %swap3A_8 = tpu.vector_load %arg21[%swap3A_7] {strides = array<i32>} : memref<80xf32, #tpu.memory_space<vmem>>, vector<16xf32>,
    %swap3A_9 = vector.shape_cast %swap3A_8 : vector<16xf32> to vector<16xf32>
    %swap3A_10 = vector.shape_cast %broadcast_in_dim3A_6 : vector<16xf32> to vector<16xf32>
    tpu.vector_store %arg21[%swap3A_7], %swap3A_10 {strides = array<i32>} : memref<80xf32, #tpu.memory_space<vmem>>, vector<16xf32>,
    %broadcast_in_dim3A_11 = arith.constant 1.000000e+00 : f32
    %broadcast_in_dim3A_12 = vector.broadcast %broadcast_in_dim3A_11 : f32 to vector<16xf32>
    %swap3A_13 = arith.constant 32 : index
    %swap3A_14 = tpu.vector_load %arg21[%swap3A_13] {strides = array<i32>} : memref<80xf32, #tpu.memory_space<vmem>>, vector<16xf32>,
    %swap3A_15 = vector.shape_cast %swap3A_14 : vector<16xf32> to vector<16xf32>
    %swap3A_16 = vector.shape_cast %broadcast_in_dim3A_12 : vector<16xf32> to vector<16xf32>
    tpu.vector_store %arg21[%swap3A_13], %swap3A_16 {strides = array<i32>} : memref<80xf32, #tpu.memory_space<vmem>>, vector<16xf32>,
    %broadcast_in_dim3A_17 = arith.constant 1.000000e+00 : f32
    %broadcast_in_dim3A_18 = vector.broadcast %broadcast_in_dim3A_17 : f32 to vector<16xf32>
    %swap3A_19 = arith.constant 48 : index
    %swap3A_20 = tpu.vector_load %arg21[%swap3A_19] {strides = array<i32>} : memref<80xf32, #tpu.memory_space<vmem>>, vector<16xf32>,
    %swap3A_21 = vector.shape_cast %swap3A_20 : vector<16xf32> to vector<16xf32>
    %swap3A_22 = vector.shape_cast %broadcast_in_dim3A_18 : vector<16xf32> to vector<16xf32>
    tpu.vector_store %arg21[%swap3A_19], %swap3A_22 {strides = array<i32>} : memref<80xf32, #tpu.memory_space<vmem>>, vector<16xf32>,
    %broadcast_in_dim3A_23 = arith.constant 1.000000e+00 : f32
    %broadcast_in_dim3A_24 = vector.broadcast %broadcast_in_dim3A_23 : f32 to vector<16xf32>
    %swap3A_25 = arith.constant 64 : index
    %swap3A_26 = tpu.vector_load %arg21[%swap3A_25] {strides = array<i32>} : memref<80xf32, #tpu.memory_space<vmem>>, vector<16xf32>,
    %swap3A_27 = vector.shape_cast %swap3A_26 : vector<16xf32> to vector<16xf32>
    %swap3A_28 = vector.shape_cast %broadcast_in_dim3A_24 : vector<16xf32> to vector<16xf32>
    tpu.vector_store %arg21[%swap3A_25], %swap3A_28 {strides = array<i32>} : memref<80xf32, #tpu.memory_space<vmem>>, vector<16xf32>,
    %barrier3A = arith.constant 0 : index
    tpu.barrier barrier_id(%barrier3A)
    %mul3A_29 = arith.constant 20160 : i32
    %mul3A_30 = arith.muli %arg1, %mul3A_29 : i32
    %mul3A_31 = arith.constant 322560 : i32
    %mul3A_32 = arith.muli %arg0, %mul3A_31 : i32
    %add3A = arith.addi %mul3A_32, %mul3A_30 : i32
    %add3A_33 = arith.constant 0 : i32
    %add3A_34 = arith.addi %mul3A_30, %add3A_33 : i32
    %dma_start3A = tpu.memref_slice %arg4[%add3A_34] : memref<322560xi32, #tpu.memory_space<hbm>> -> memref<80xi32, #tpu.memory_space<hbm>>
    %dma_start3A_35 = tpu.memref_slice %arg4[%add3A_34] : memref<322560xi32, #tpu.memory_space<hbm>> -> memref<80xi32, #tpu.memory_space<hbm>>
    tpu.enqueue_dma source(%dma_start3A_35 : memref<80xi32, #tpu.memory_space<hbm>>) target(%arg13 : memref<80xi32, #tpu.memory_space<vmem>>) target_semaphore(%arg26 : memref<!tpu.dma_semaphore, #tpu.memory_space<semaphore_mem>>)
    %add3A_36 = arith.constant 0 : i32
    %add3A_37 = arith.addi %add3A, %add3A_36 : i32
    %dma_start3A_38 = tpu.memref_slice %arg3[%add3A_37] : memref<645120xi32, #tpu.memory_space<hbm>> -> memref<80xi32, #tpu.memory_space<hbm>>
    %dma_start3A_39 = tpu.memref_slice %arg3[%add3A_37] : memref<645120xi32, #tpu.memory_space<hbm>> -> memref<80xi32, #tpu.memory_space<hbm>>
    tpu.enqueue_dma source(%dma_start3A_39 : memref<80xi32, #tpu.memory_space<hbm>>) target(%arg9 : memref<80xi32, #tpu.memory_space<vmem>>) target_semaphore(%arg26 : memref<!tpu.dma_semaphore, #tpu.memory_space<semaphore_mem>>)
    %add3A_40 = arith.constant 80 : i32
    %add3A_41 = arith.addi %mul3A_30, %add3A_40 : i32
    %dma_start3A_42 = tpu.memref_slice %arg4[%add3A_41] : memref<322560xi32, #tpu.memory_space<hbm>> -> memref<80xi32, #tpu.memory_space<hbm>>
    %dma_start3A_43 = tpu.memref_slice %arg4[%add3A_41] : memref<322560xi32, #tpu.memory_space<hbm>> -> memref<80xi32, #tpu.memory_space<hbm>>
    tpu.enqueue_dma source(%dma_start3A_43 : memref<80xi32, #tpu.memory_space<hbm>>) target(%arg14 : memref<80xi32, #tpu.memory_space<vmem>>) target_semaphore(%arg26 : memref<!tpu.dma_semaphore, #tpu.memory_space<semaphore_mem>>)
    %add3A_44 = arith.constant 80 : i32
    %add3A_45 = arith.addi %add3A, %add3A_44 : i32
    %dma_start3A_46 = tpu.memref_slice %arg3[%add3A_45] : memref<645120xi32, #tpu.memory_space<hbm>> -> memref<80xi32, #tpu.memory_space<hbm>>
    %dma_start3A_47 = tpu.memref_slice %arg3[%add3A_45] : memref<645120xi32, #tpu.memory_space<hbm>> -> memref<80xi32, #tpu.memory_space<hbm>>
    tpu.enqueue_dma source(%dma_start3A_47 : memref<80xi32, #tpu.memory_space<hbm>>) target(%arg10 : memref<80xi32, #tpu.memory_space<vmem>>) target_semaphore(%arg26 : memref<!tpu.dma_semaphore, #tpu.memory_space<semaphore_mem>>)
    %dma_wait3A = arith.constant 0 : i32
    %dma_wait3A_48 = tpu.memref_slice %arg4[%dma_wait3A] : memref<322560xi32, #tpu.memory_space<hbm>> -> memref<80xi32, #tpu.memory_space<hbm>>
    %dma_wait3A_49 = arith.constant 0 : i32
    %dma_wait3A_50 = tpu.memref_slice %arg4[%dma_wait3A_49] : memref<322560xi32, #tpu.memory_space<hbm>> -> memref<80xi32, #tpu.memory_space<hbm>>
    tpu.wait_dma2 semaphore(%arg26 : memref<!tpu.dma_semaphore, #tpu.memory_space<semaphore_mem>>) src(%dma_wait3A_50 : memref<80xi32, #tpu.memory_space<hbm>>) dst(%arg13 : memref<80xi32, #tpu.memory_space<vmem>>)
    %dma_wait3A_51 = arith.constant 0 : i32
    %dma_wait3A_52 = tpu.memref_slice %arg4[%dma_wait3A_51] : memref<322560xi32, #tpu.memory_space<hbm>> -> memref<80xi32, #tpu.memory_space<hbm>>
    %dma_wait3A_53 = arith.constant 0 : i32
    %dma_wait3A_54 = tpu.memref_slice %arg4[%dma_wait3A_53] : memref<322560xi32, #tpu.memory_space<hbm>> -> memref<80xi32, #tpu.memory_space<hbm>>
    tpu.wait_dma2 semaphore(%arg26 : memref<!tpu.dma_semaphore, #tpu.memory_space<semaphore_mem>>) src(%dma_wait3A_54 : memref<80xi32, #tpu.memory_space<hbm>>) dst(%arg13 : memref<80xi32, #tpu.memory_space<vmem>>)
    %dma_wait3A_55 = arith.constant 0 : i32
    %dma_wait3A_56 = tpu.memref_slice %arg4[%dma_wait3A_55] : memref<322560xi32, #tpu.memory_space<hbm>> -> memref<80xi32, #tpu.memory_space<hbm>>
    %dma_wait3A_57 = arith.constant 0 : i32
    %dma_wait3A_58 = tpu.memref_slice %arg4[%dma_wait3A_57] : memref<322560xi32, #tpu.memory_space<hbm>> -> memref<80xi32, #tpu.memory_space<hbm>>
    tpu.wait_dma2 semaphore(%arg26 : memref<!tpu.dma_semaphore, #tpu.memory_space<semaphore_mem>>) src(%dma_wait3A_58 : memref<80xi32, #tpu.memory_space<hbm>>) dst(%arg13 : memref<80xi32, #tpu.memory_space<vmem>>)
    %dma_wait3A_59 = arith.constant 0 : i32
    %dma_wait3A_60 = tpu.memref_slice %arg4[%dma_wait3A_59] : memref<322560xi32, #tpu.memory_space<hbm>> -> memref<80xi32, #tpu.memory_space<hbm>>
    %dma_wait3A_61 = arith.constant 0 : i32
    %dma_wait3A_62 = tpu.memref_slice %arg4[%dma_wait3A_61] : memref<322560xi32, #tpu.memory_space<hbm>> -> memref<80xi32, #tpu.memory_space<hbm>>
    tpu.wait_dma2 semaphore(%arg26 : memref<!tpu.dma_semaphore, #tpu.memory_space<semaphore_mem>>) src(%dma_wait3A_62 : memref<80xi32, #tpu.memory_space<hbm>>) dst(%arg13 : memref<80xi32, #tpu.memory_space<vmem>>)
    %dma_start3A_63 = arith.constant 0 : i32
    %dma_start3A_64 = arith.constant 0 : i32
    %dma_start3A_65 = tpu.memref_slice %arg2[%dma_start3A_63, %dma_start3A_64] : memref<327680x128xf32, #tpu.memory_space<hbm>> -> memref<327680x128xf32, #tpu.memory_space<hbm>>
    tpu.enqueue_indirect_dma source(%dma_start3A_65 : memref<327680x128xf32, #tpu.memory_space<hbm>>) target(%arg17 : memref<80x128xf32, #tpu.memory_space<vmem>>) offsets(%arg9 : memref<80xi32, #tpu.memory_space<vmem>>) semaphore(%arg24 : memref<!tpu.dma_semaphore, #tpu.memory_space<semaphore_mem>>)
    %dma_start3A_66 = arith.constant 0 : i32
    %dma_start3A_67 = arith.constant 0 : i32
    %dma_start3A_68 = tpu.memref_slice %arg2[%dma_start3A_66, %dma_start3A_67] : memref<327680x128xf32, #tpu.memory_space<hbm>> -> memref<327680x128xf32, #tpu.memory_space<hbm>>
    tpu.enqueue_indirect_dma source(%dma_start3A_68 : memref<327680x128xf32, #tpu.memory_space<hbm>>) target(%arg18 : memref<80x128xf32, #tpu.memory_space<vmem>>) offsets(%arg10 : memref<80xi32, #tpu.memory_space<vmem>>) semaphore(%arg25 : memref<!tpu.dma_semaphore, #tpu.memory_space<semaphore_mem>>)
    %add3A_69 = arith.constant 160 : i32
    %add3A_70 = arith.addi %add3A, %add3A_69 : i32
    %dma_start3A_71 = tpu.memref_slice %arg3[%add3A_70] : memref<645120xi32, #tpu.memory_space<hbm>> -> memref<80xi32, #tpu.memory_space<hbm>>
    %dma_start3A_72 = tpu.memref_slice %arg3[%add3A_70] : memref<645120xi32, #tpu.memory_space<hbm>> -> memref<80xi32, #tpu.memory_space<hbm>>
    tpu.enqueue_dma source(%dma_start3A_72 : memref<80xi32, #tpu.memory_space<hbm>>) target(%arg11 : memref<80xi32, #tpu.memory_space<vmem>>) target_semaphore(%arg26 : memref<!tpu.dma_semaphore, #tpu.memory_space<semaphore_mem>>)
    %dma_wait3A_73 = arith.constant 0 : i32
    %dma_wait3A_74 = tpu.memref_slice %arg4[%dma_wait3A_73] : memref<322560xi32, #tpu.memory_space<hbm>> -> memref<80xi32, #tpu.memory_space<hbm>>
    %dma_wait3A_75 = arith.constant 0 : i32
    %dma_wait3A_76 = tpu.memref_slice %arg4[%dma_wait3A_75] : memref<322560xi32, #tpu.memory_space<hbm>> -> memref<80xi32, #tpu.memory_space<hbm>>
    tpu.wait_dma2 semaphore(%arg26 : memref<!tpu.dma_semaphore, #tpu.memory_space<semaphore_mem>>) src(%dma_wait3A_76 : memref<80xi32, #tpu.memory_space<hbm>>) dst(%arg13 : memref<80xi32, #tpu.memory_space<vmem>>)
    %dma_wait3A_77 = arith.constant 0 : i32
    %dma_wait3A_78 = arith.constant 0 : i32
    %dma_wait3A_79 = tpu.memref_slice %arg2[%dma_wait3A_77, %dma_wait3A_78] : memref<327680x128xf32, #tpu.memory_space<hbm>> -> memref<327680x128xf32, #tpu.memory_space<hbm>>
    tpu.wait_indirect_dma semaphore(%arg24 : memref<!tpu.dma_semaphore, #tpu.memory_space<semaphore_mem>>) src(%dma_wait3A_79 : memref<327680x128xf32, #tpu.memory_space<hbm>>) dst(%arg17 : memref<80x128xf32, #tpu.memory_space<vmem>>)
    %dma_start3A_80 = arith.constant 0 : i32
    %dma_start3A_81 = arith.constant 0 : i32
    %dma_start3A_82 = tpu.memref_slice %arg22[%dma_start3A_80, %dma_start3A_81] : memref<10240x128xf32, #tpu.memory_space<vmem_shared>> -> memref<10240x128xf32, #tpu.memory_space<vmem_shared>>
    tpu.enqueue_indirect_dma source(%arg17 : memref<80x128xf32, #tpu.memory_space<vmem>>) target(%dma_start3A_82 : memref<10240x128xf32, #tpu.memory_space<vmem_shared>>) offsets(%arg13 : memref<80xi32, #tpu.memory_space<vmem>>) semaphore(%arg27 : memref<!tpu.dma_semaphore, #tpu.memory_space<semaphore_mem>>) {add = true}
    %dma_start3A_83 = arith.constant 0 : i32
    %dma_start3A_84 = arith.constant 0 : i32
    %dma_start3A_85 = tpu.memref_slice %arg2[%dma_start3A_83, %dma_start3A_84] : memref<327680x128xf32, #tpu.memory_space<hbm>> -> memref<327680x128xf32, #tpu.memory_space<hbm>>
    tpu.enqueue_indirect_dma source(%dma_start3A_85 : memref<327680x128xf32, #tpu.memory_space<hbm>>) target(%arg19 : memref<80x128xf32, #tpu.memory_space<vmem>>) offsets(%arg11 : memref<80xi32, #tpu.memory_space<vmem>>) semaphore(%arg24 : memref<!tpu.dma_semaphore, #tpu.memory_space<semaphore_mem>>)
    %add3A_86 = arith.constant 160 : i32
    %add3A_87 = arith.addi %mul3A_30, %add3A_86 : i32
    %dma_start3A_88 = tpu.memref_slice %arg4[%add3A_87] : memref<322560xi32, #tpu.memory_space<hbm>> -> memref<80xi32, #tpu.memory_space<hbm>>
    %dma_start3A_89 = tpu.memref_slice %arg4[%add3A_87] : memref<322560xi32, #tpu.memory_space<hbm>> -> memref<80xi32, #tpu.memory_space<hbm>>
    tpu.enqueue_dma source(%dma_start3A_89 : memref<80xi32, #tpu.memory_space<hbm>>) target(%arg15 : memref<80xi32, #tpu.memory_space<vmem>>) target_semaphore(%arg26 : memref<!tpu.dma_semaphore, #tpu.memory_space<semaphore_mem>>)
    %add3A_90 = arith.constant 240 : i32
    %add3A_91 = arith.addi %add3A, %add3A_90 : i32
    %dma_start3A_92 = tpu.memref_slice %arg3[%add3A_91] : memref<645120xi32, #tpu.memory_space<hbm>> -> memref<80xi32, #tpu.memory_space<hbm>>
    %dma_start3A_93 = tpu.memref_slice %arg3[%add3A_91] : memref<645120xi32, #tpu.memory_space<hbm>> -> memref<80xi32, #tpu.memory_space<hbm>>
    tpu.enqueue_dma source(%dma_start3A_93 : memref<80xi32, #tpu.memory_space<hbm>>) target(%arg12 : memref<80xi32, #tpu.memory_space<vmem>>) target_semaphore(%arg26 : memref<!tpu.dma_semaphore, #tpu.memory_space<semaphore_mem>>)
    %dma_wait3A_94 = arith.constant 0 : i32
    %dma_wait3A_95 = tpu.memref_slice %arg4[%dma_wait3A_94] : memref<322560xi32, #tpu.memory_space<hbm>> -> memref<80xi32, #tpu.memory_space<hbm>>
    %dma_wait3A_96 = arith.constant 0 : i32
    %dma_wait3A_97 = tpu.memref_slice %arg4[%dma_wait3A_96] : memref<322560xi32, #tpu.memory_space<hbm>> -> memref<80xi32, #tpu.memory_space<hbm>>
    tpu.wait_dma2 semaphore(%arg26 : memref<!tpu.dma_semaphore, #tpu.memory_space<semaphore_mem>>) src(%dma_wait3A_97 : memref<80xi32, #tpu.memory_space<hbm>>) dst(%arg13 : memref<80xi32, #tpu.memory_space<vmem>>)
    %dma_wait3A_98 = arith.constant 0 : i32
    %dma_wait3A_99 = tpu.memref_slice %arg4[%dma_wait3A_98] : memref<322560xi32, #tpu.memory_space<hbm>> -> memref<80xi32, #tpu.memory_space<hbm>>
    %dma_wait3A_100 = arith.constant 0 : i32
    %dma_wait3A_101 = tpu.memref_slice %arg4[%dma_wait3A_100] : memref<322560xi32, #tpu.memory_space<hbm>> -> memref<80xi32, #tpu.memory_space<hbm>>
    tpu.wait_dma2 semaphore(%arg26 : memref<!tpu.dma_semaphore, #tpu.memory_space<semaphore_mem>>) src(%dma_wait3A_101 : memref<80xi32, #tpu.memory_space<hbm>>) dst(%arg13 : memref<80xi32, #tpu.memory_space<vmem>>)
    %dma_wait3A_102 = arith.constant 0 : i32
    %dma_wait3A_103 = arith.constant 0 : i32
    %dma_wait3A_104 = tpu.memref_slice %arg2[%dma_wait3A_102, %dma_wait3A_103] : memref<327680x128xf32, #tpu.memory_space<hbm>> -> memref<327680x128xf32, #tpu.memory_space<hbm>>
    tpu.wait_indirect_dma semaphore(%arg25 : memref<!tpu.dma_semaphore, #tpu.memory_space<semaphore_mem>>) src(%dma_wait3A_104 : memref<327680x128xf32, #tpu.memory_space<hbm>>) dst(%arg18 : memref<80x128xf32, #tpu.memory_space<vmem>>)
    %dma_start3A_105 = arith.constant 0 : i32
    %dma_start3A_106 = arith.constant 0 : i32
    %dma_start3A_107 = tpu.memref_slice %arg22[%dma_start3A_105, %dma_start3A_106] : memref<10240x128xf32, #tpu.memory_space<vmem_shared>> -> memref<10240x128xf32, #tpu.memory_space<vmem_shared>>
    tpu.enqueue_indirect_dma source(%arg18 : memref<80x128xf32, #tpu.memory_space<vmem>>) target(%dma_start3A_107 : memref<10240x128xf32, #tpu.memory_space<vmem_shared>>) offsets(%arg14 : memref<80xi32, #tpu.memory_space<vmem>>) semaphore(%arg28 : memref<!tpu.dma_semaphore, #tpu.memory_space<semaphore_mem>>) {add = true}
    %dma_start3A_108 = arith.constant 0 : i32
    %dma_start3A_109 = arith.constant 0 : i32
    %dma_start3A_110 = tpu.memref_slice %arg2[%dma_start3A_108, %dma_start3A_109] : memref<327680x128xf32, #tpu.memory_space<hbm>> -> memref<327680x128xf32, #tpu.memory_space<hbm>>
    tpu.enqueue_indirect_dma source(%dma_start3A_110 : memref<327680x128xf32, #tpu.memory_space<hbm>>) target(%arg20 : memref<80x128xf32, #tpu.memory_space<vmem>>) offsets(%arg12 : memref<80xi32, #tpu.memory_space<vmem>>) semaphore(%arg25 : memref<!tpu.dma_semaphore, #tpu.memory_space<semaphore_mem>>)
    %add3A_111 = arith.constant 240 : i32
    %add3A_112 = arith.addi %mul3A_30, %add3A_111 : i32
    %dma_start3A_113 = tpu.memref_slice %arg4[%add3A_112] : memref<322560xi32, #tpu.memory_space<hbm>> -> memref<80xi32, #tpu.memory_space<hbm>>
    %dma_start3A_114 = tpu.memref_slice %arg4[%add3A_112] : memref<322560xi32, #tpu.memory_space<hbm>> -> memref<80xi32, #tpu.memory_space<hbm>>
    tpu.enqueue_dma source(%dma_start3A_114 : memref<80xi32, #tpu.memory_space<hbm>>) target(%arg16 : memref<80xi32, #tpu.memory_space<vmem>>) target_semaphore(%arg26 : memref<!tpu.dma_semaphore, #tpu.memory_space<semaphore_mem>>)
    %add3A_115 = arith.constant 320 : i32
    %add3A_116 = arith.addi %add3A, %add3A_115 : i32
    %dma_start3A_117 = tpu.memref_slice %arg3[%add3A_116] : memref<645120xi32, #tpu.memory_space<hbm>> -> memref<80xi32, #tpu.memory_space<hbm>>
    %dma_start3A_118 = tpu.memref_slice %arg3[%add3A_116] : memref<645120xi32, #tpu.memory_space<hbm>> -> memref<80xi32, #tpu.memory_space<hbm>>
    tpu.enqueue_dma source(%dma_start3A_118 : memref<80xi32, #tpu.memory_space<hbm>>) target(%arg9 : memref<80xi32, #tpu.memory_space<vmem>>) target_semaphore(%arg26 : memref<!tpu.dma_semaphore, #tpu.memory_space<semaphore_mem>>)
    %dma_wait3A_119 = arith.constant 0 : i32
    %dma_wait3A_120 = arith.constant 0 : i32
    %dma_wait3A_121 = tpu.memref_slice %arg22[%dma_wait3A_119, %dma_wait3A_120] : memref<10240x128xf32, #tpu.memory_space<vmem_shared>> -> memref<10240x128xf32, #tpu.memory_space<vmem_shared>>
    tpu.wait_indirect_dma semaphore(%arg27 : memref<!tpu.dma_semaphore, #tpu.memory_space<semaphore_mem>>) src(%arg17 : memref<80x128xf32, #tpu.memory_space<vmem>>) dst(%dma_wait3A_121 : memref<10240x128xf32, #tpu.memory_space<vmem_shared>>)
    %dma_wait3A_122 = arith.constant 0 : i32
    %dma_wait3A_123 = tpu.memref_slice %arg4[%dma_wait3A_122] : memref<322560xi32, #tpu.memory_space<hbm>> -> memref<80xi32, #tpu.memory_space<hbm>>
    %dma_wait3A_124 = arith.constant 0 : i32
    %dma_wait3A_125 = tpu.memref_slice %arg4[%dma_wait3A_124] : memref<322560xi32, #tpu.memory_space<hbm>> -> memref<80xi32, #tpu.memory_space<hbm>>
    tpu.wait_dma2 semaphore(%arg26 : memref<!tpu.dma_semaphore, #tpu.memory_space<semaphore_mem>>) src(%dma_wait3A_125 : memref<80xi32, #tpu.memory_space<hbm>>) dst(%arg13 : memref<80xi32, #tpu.memory_space<vmem>>)
    %dma_wait3A_126 = arith.constant 0 : i32
    %dma_wait3A_127 = tpu.memref_slice %arg4[%dma_wait3A_126] : memref<322560xi32, #tpu.memory_space<hbm>> -> memref<80xi32, #tpu.memory_space<hbm>>
    %dma_wait3A_128 = arith.constant 0 : i32
    %dma_wait3A_129 = tpu.memref_slice %arg4[%dma_wait3A_128] : memref<322560xi32, #tpu.memory_space<hbm>> -> memref<80xi32, #tpu.memory_space<hbm>>
    tpu.wait_dma2 semaphore(%arg26 : memref<!tpu.dma_semaphore, #tpu.memory_space<semaphore_mem>>) src(%dma_wait3A_129 : memref<80xi32, #tpu.memory_space<hbm>>) dst(%arg13 : memref<80xi32, #tpu.memory_space<vmem>>)
    %dma_wait3A_130 = arith.constant 0 : i32
    %dma_wait3A_131 = arith.constant 0 : i32
    %dma_wait3A_132 = tpu.memref_slice %arg2[%dma_wait3A_130, %dma_wait3A_131] : memref<327680x128xf32, #tpu.memory_space<hbm>> -> memref<327680x128xf32, #tpu.memory_space<hbm>>
    tpu.wait_indirect_dma semaphore(%arg24 : memref<!tpu.dma_semaphore, #tpu.memory_space<semaphore_mem>>) src(%dma_wait3A_132 : memref<327680x128xf32, #tpu.memory_space<hbm>>) dst(%arg19 : memref<80x128xf32, #tpu.memory_space<vmem>>)
    %dma_start3A_133 = arith.constant 0 : i32
    %dma_start3A_134 = arith.constant 0 : i32
    %dma_start3A_135 = tpu.memref_slice %arg22[%dma_start3A_133, %dma_start3A_134] : memref<10240x128xf32, #tpu.memory_space<vmem_shared>> -> memref<10240x128xf32, #tpu.memory_space<vmem_shared>>
    tpu.enqueue_indirect_dma source(%arg19 : memref<80x128xf32, #tpu.memory_space<vmem>>) target(%dma_start3A_135 : memref<10240x128xf32, #tpu.memory_space<vmem_shared>>) offsets(%arg15 : memref<80xi32, #tpu.memory_space<vmem>>) semaphore(%arg27 : memref<!tpu.dma_semaphore, #tpu.memory_space<semaphore_mem>>) {add = true}
    %dma_start3A_136 = arith.constant 0 : i32
    %dma_start3A_137 = arith.constant 0 : i32
    %dma_start3A_138 = tpu.memref_slice %arg2[%dma_start3A_136, %dma_start3A_137] : memref<327680x128xf32, #tpu.memory_space<hbm>> -> memref<327680x128xf32, #tpu.memory_space<hbm>>
    tpu.enqueue_indirect_dma source(%dma_start3A_138 : memref<327680x128xf32, #tpu.memory_space<hbm>>) target(%arg17 : memref<80x128xf32, #tpu.memory_space<vmem>>) offsets(%arg9 : memref<80xi32, #tpu.memory_space<vmem>>) semaphore(%arg24 : memref<!tpu.dma_semaphore, #tpu.memory_space<semaphore_mem>>)
    %add3A_139 = arith.constant 320 : i32
    %add3A_140 = arith.addi %mul3A_30, %add3A_139 : i32
    %dma_start3A_141 = tpu.memref_slice %arg4[%add3A_140] : memref<322560xi32, #tpu.memory_space<hbm>> -> memref<80xi32, #tpu.memory_space<hbm>>
    %dma_start3A_142 = tpu.memref_slice %arg4[%add3A_140] : memref<322560xi32, #tpu.memory_space<hbm>> -> memref<80xi32, #tpu.memory_space<hbm>>
    tpu.enqueue_dma source(%dma_start3A_142 : memref<80xi32, #tpu.memory_space<hbm>>) target(%arg13 : memref<80xi32, #tpu.memory_space<vmem>>) target_semaphore(%arg26 : memref<!tpu.dma_semaphore, #tpu.memory_space<semaphore_mem>>)
    %add3A_143 = arith.constant 400 : i32
    %add3A_144 = arith.addi %add3A, %add3A_143 : i32
    %dma_start3A_145 = tpu.memref_slice %arg3[%add3A_144] : memref<645120xi32, #tpu.memory_space<hbm>> -> memref<80xi32, #tpu.memory_space<hbm>>
    %dma_start3A_146 = tpu.memref_slice %arg3[%add3A_144] : memref<645120xi32, #tpu.memory_space<hbm>> -> memref<80xi32, #tpu.memory_space<hbm>>
    tpu.enqueue_dma source(%dma_start3A_146 : memref<80xi32, #tpu.memory_space<hbm>>) target(%arg10 : memref<80xi32, #tpu.memory_space<vmem>>) target_semaphore(%arg26 : memref<!tpu.dma_semaphore, #tpu.memory_space<semaphore_mem>>)
    %dma_wait3A_147 = arith.constant 0 : i32
    %dma_wait3A_148 = arith.constant 0 : i32
    %dma_wait3A_149 = tpu.memref_slice %arg22[%dma_wait3A_147, %dma_wait3A_148] : memref<10240x128xf32, #tpu.memory_space<vmem_shared>> -> memref<10240x128xf32, #tpu.memory_space<vmem_shared>>
    tpu.wait_indirect_dma semaphore(%arg28 : memref<!tpu.dma_semaphore, #tpu.memory_space<semaphore_mem>>) src(%arg17 : memref<80x128xf32, #tpu.memory_space<vmem>>) dst(%dma_wait3A_149 : memref<10240x128xf32, #tpu.memory_space<vmem_shared>>)
    %dma_wait3A_150 = arith.constant 0 : i32
    %dma_wait3A_151 = tpu.memref_slice %arg4[%dma_wait3A_150] : memref<322560xi32, #tpu.memory_space<hbm>> -> memref<80xi32, #tpu.memory_space<hbm>>
    %dma_wait3A_152 = arith.constant 0 : i32
    %dma_wait3A_153 = tpu.memref_slice %arg4[%dma_wait3A_152] : memref<322560xi32, #tpu.memory_space<hbm>> -> memref<80xi32, #tpu.memory_space<hbm>>
    tpu.wait_dma2 semaphore(%arg26 : memref<!tpu.dma_semaphore, #tpu.memory_space<semaphore_mem>>) src(%dma_wait3A_153 : memref<80xi32, #tpu.memory_space<hbm>>) dst(%arg13 : memref<80xi32, #tpu.memory_space<vmem>>)
    %dma_wait3A_154 = arith.constant 0 : i32
    %dma_wait3A_155 = tpu.memref_slice %arg4[%dma_wait3A_154] : memref<322560xi32, #tpu.memory_space<hbm>> -> memref<80xi32, #tpu.memory_space<hbm>>
    %dma_wait3A_156 = arith.constant 0 : i32
    %dma_wait3A_157 = tpu.memref_slice %arg4[%dma_wait3A_156] : memref<322560xi32, #tpu.memory_space<hbm>> -> memref<80xi32, #tpu.memory_space<hbm>>
    tpu.wait_dma2 semaphore(%arg26 : memref<!tpu.dma_semaphore, #tpu.memory_space<semaphore_mem>>) src(%dma_wait3A_157 : memref<80xi32, #tpu.memory_space<hbm>>) dst(%arg13 : memref<80xi32, #tpu.memory_space<vmem>>)
    %dma_wait3A_158 = arith.constant 0 : i32
    %dma_wait3A_159 = arith.constant 0 : i32
    %dma_wait3A_160 = tpu.memref_slice %arg2[%dma_wait3A_158, %dma_wait3A_159] : memref<327680x128xf32, #tpu.memory_space<hbm>> -> memref<327680x128xf32, #tpu.memory_space<hbm>>
    tpu.wait_indirect_dma semaphore(%arg25 : memref<!tpu.dma_semaphore, #tpu.memory_space<semaphore_mem>>) src(%dma_wait3A_160 : memref<327680x128xf32, #tpu.memory_space<hbm>>) dst(%arg20 : memref<80x128xf32, #tpu.memory_space<vmem>>)
    %dma_start3A_161 = arith.constant 0 : i32
    %dma_start3A_162 = arith.constant 0 : i32
    %dma_start3A_163 = tpu.memref_slice %arg22[%dma_start3A_161, %dma_start3A_162] : memref<10240x128xf32, #tpu.memory_space<vmem_shared>> -> memref<10240x128xf32, #tpu.memory_space<vmem_shared>>
    tpu.enqueue_indirect_dma source(%arg20 : memref<80x128xf32, #tpu.memory_space<vmem>>) target(%dma_start3A_163 : memref<10240x128xf32, #tpu.memory_space<vmem_shared>>) offsets(%arg16 : memref<80xi32, #tpu.memory_space<vmem>>) semaphore(%arg28 : memref<!tpu.dma_semaphore, #tpu.memory_space<semaphore_mem>>) {add = true}
    %dma_start3A_164 = arith.constant 0 : i32
    %dma_start3A_165 = arith.constant 0 : i32
    %dma_start3A_166 = tpu.memref_slice %arg2[%dma_start3A_164, %dma_start3A_165] : memref<327680x128xf32, #tpu.memory_space<hbm>> -> memref<327680x128xf32, #tpu.memory_space<hbm>>
    tpu.enqueue_indirect_dma source(%dma_start3A_166 : memref<327680x128xf32, #tpu.memory_space<hbm>>) target(%arg18 : memref<80x128xf32, #tpu.memory_space<vmem>>) offsets(%arg10 : memref<80xi32, #tpu.memory_space<vmem>>) semaphore(%arg25 : memref<!tpu.dma_semaphore, #tpu.memory_space<semaphore_mem>>)
    %add3A_167 = arith.constant 400 : i32
    %add3A_168 = arith.addi %mul3A_30, %add3A_167 : i32
    %dma_start3A_169 = tpu.memref_slice %arg4[%add3A_168] : memref<322560xi32, #tpu.memory_space<hbm>> -> memref<80xi32, #tpu.memory_space<hbm>>
    %dma_start3A_170 = tpu.memref_slice %arg4[%add3A_168] : memref<322560xi32, #tpu.memory_space<hbm>> -> memref<80xi32, #tpu.memory_space<hbm>>
    tpu.enqueue_dma source(%dma_start3A_170 : memref<80xi32, #tpu.memory_space<hbm>>) target(%arg14 : memref<80xi32, #tpu.memory_space<vmem>>) target_semaphore(%arg26 : memref<!tpu.dma_semaphore, #tpu.memory_space<semaphore_mem>>)
    %add3A_171 = arith.constant 480 : i32
    %add3A_172 = arith.addi %add3A, %add3A_171 : i32
    %dma_start3A_173 = tpu.memref_slice %arg3[%add3A_172] : memref<645120xi32, #tpu.memory_space<hbm>> -> memref<80xi32, #tpu.memory_space<hbm>>
    %dma_start3A_174 = tpu.memref_slice %arg3[%add3A_172] : memref<645120xi32, #tpu.memory_space<hbm>> -> memref<80xi32, #tpu.memory_space<hbm>>
    tpu.enqueue_dma source(%dma_start3A_174 : memref<80xi32, #tpu.memory_space<hbm>>) target(%arg11 : memref<80xi32, #tpu.memory_space<vmem>>) target_semaphore(%arg26 : memref<!tpu.dma_semaphore, #tpu.memory_space<semaphore_mem>>)
    %scan3A = arith.constant 0 : i32
    %scan3A_175 = arith.constant 1 : i32
    %scan3A_176 = arith.constant 61 : i32
    %scan3A_177 = arith.addi %scan3A_175, %scan3A_176 : i32
    %scan3A_178 = arith.constant 1 : i32
    scf.for %scan3A_261 = %scan3A_175 to %scan3A_177 step %scan3A_178  : i32 {
      %mul3A_262 = arith.constant 4 : i32
      %mul3A_263 = arith.muli %scan3A_261, %mul3A_262 : i32
      %add3A_264 = arith.constant 0 : i32
      %add3A_265 = arith.addi %mul3A_263, %add3A_264 : i32
      %dma_wait3A_266 = arith.constant 0 : i32
      %dma_wait3A_267 = arith.constant 0 : i32
      %dma_wait3A_268 = tpu.memref_slice %arg22[%dma_wait3A_266, %dma_wait3A_267] : memref<10240x128xf32, #tpu.memory_space<vmem_shared>> -> memref<10240x128xf32, #tpu.memory_space<vmem_shared>>
      tpu.wait_indirect_dma semaphore(%arg27 : memref<!tpu.dma_semaphore, #tpu.memory_space<semaphore_mem>>) src(%arg17 : memref<80x128xf32, #tpu.memory_space<vmem>>) dst(%dma_wait3A_268 : memref<10240x128xf32, #tpu.memory_space<vmem_shared>>)
      %dma_wait3A_269 = arith.constant 0 : i32
      %dma_wait3A_270 = tpu.memref_slice %arg4[%dma_wait3A_269] : memref<322560xi32, #tpu.memory_space<hbm>> -> memref<80xi32, #tpu.memory_space<hbm>>
      %dma_wait3A_271 = arith.constant 0 : i32
      %dma_wait3A_272 = tpu.memref_slice %arg4[%dma_wait3A_271] : memref<322560xi32, #tpu.memory_space<hbm>> -> memref<80xi32, #tpu.memory_space<hbm>>
      tpu.wait_dma2 semaphore(%arg26 : memref<!tpu.dma_semaphore, #tpu.memory_space<semaphore_mem>>) src(%dma_wait3A_272 : memref<80xi32, #tpu.memory_space<hbm>>) dst(%arg13 : memref<80xi32, #tpu.memory_space<vmem>>)
      %dma_wait3A_273 = arith.constant 0 : i32
      %dma_wait3A_274 = tpu.memref_slice %arg4[%dma_wait3A_273] : memref<322560xi32, #tpu.memory_space<hbm>> -> memref<80xi32, #tpu.memory_space<hbm>>
      %dma_wait3A_275 = arith.constant 0 : i32
      %dma_wait3A_276 = tpu.memref_slice %arg4[%dma_wait3A_275] : memref<322560xi32, #tpu.memory_space<hbm>> -> memref<80xi32, #tpu.memory_space<hbm>>
      tpu.wait_dma2 semaphore(%arg26 : memref<!tpu.dma_semaphore, #tpu.memory_space<semaphore_mem>>) src(%dma_wait3A_276 : memref<80xi32, #tpu.memory_space<hbm>>) dst(%arg13 : memref<80xi32, #tpu.memory_space<vmem>>)
      %dma_wait3A_277 = arith.constant 0 : i32
      %dma_wait3A_278 = arith.constant 0 : i32
      %dma_wait3A_279 = tpu.memref_slice %arg2[%dma_wait3A_277, %dma_wait3A_278] : memref<327680x128xf32, #tpu.memory_space<hbm>> -> memref<327680x128xf32, #tpu.memory_space<hbm>>
      tpu.wait_indirect_dma semaphore(%arg24 : memref<!tpu.dma_semaphore, #tpu.memory_space<semaphore_mem>>) src(%dma_wait3A_279 : memref<327680x128xf32, #tpu.memory_space<hbm>>) dst(%arg17 : memref<80x128xf32, #tpu.memory_space<vmem>>)
      %dma_start3A_280 = arith.constant 0 : i32
      %dma_start3A_281 = arith.constant 0 : i32
      %dma_start3A_282 = tpu.memref_slice %arg22[%dma_start3A_280, %dma_start3A_281] : memref<10240x128xf32, #tpu.memory_space<vmem_shared>> -> memref<10240x128xf32, #tpu.memory_space<vmem_shared>>
      tpu.enqueue_indirect_dma source(%arg17 : memref<80x128xf32, #tpu.memory_space<vmem>>) target(%dma_start3A_282 : memref<10240x128xf32, #tpu.memory_space<vmem_shared>>) offsets(%arg13 : memref<80xi32, #tpu.memory_space<vmem>>) semaphore(%arg27 : memref<!tpu.dma_semaphore, #tpu.memory_space<semaphore_mem>>) {add = true}
      %dma_start3A_283 = arith.constant 0 : i32
      %dma_start3A_284 = arith.constant 0 : i32
      %dma_start3A_285 = tpu.memref_slice %arg2[%dma_start3A_283, %dma_start3A_284] : memref<327680x128xf32, #tpu.memory_space<hbm>> -> memref<327680x128xf32, #tpu.memory_space<hbm>>
      tpu.enqueue_indirect_dma source(%dma_start3A_285 : memref<327680x128xf32, #tpu.memory_space<hbm>>) target(%arg19 : memref<80x128xf32, #tpu.memory_space<vmem>>) offsets(%arg11 : memref<80xi32, #tpu.memory_space<vmem>>) semaphore(%arg24 : memref<!tpu.dma_semaphore, #tpu.memory_space<semaphore_mem>>)
      %add3A_286 = arith.constant 2 : i32
      %add3A_287 = arith.addi %add3A_265, %add3A_286 : i32
      %mul3A_288 = arith.constant 80 : i32
      %mul3A_289 = arith.muli %add3A_287, %mul3A_288 : i32
      %add3A_290 = arith.addi %mul3A_30, %mul3A_289 : i32
      %dma_start3A_291 = tpu.memref_slice %arg4[%add3A_290] : memref<322560xi32, #tpu.memory_space<hbm>> -> memref<80xi32, #tpu.memory_space<hbm>>
      %dma_start3A_292 = tpu.memref_slice %arg4[%add3A_290] : memref<322560xi32, #tpu.memory_space<hbm>> -> memref<80xi32, #tpu.memory_space<hbm>>
      tpu.enqueue_dma source(%dma_start3A_292 : memref<80xi32, #tpu.memory_space<hbm>>) target(%arg15 : memref<80xi32, #tpu.memory_space<vmem>>) target_semaphore(%arg26 : memref<!tpu.dma_semaphore, #tpu.memory_space<semaphore_mem>>)
      %add3A_293 = arith.constant 3 : i32
      %add3A_294 = arith.addi %add3A_265, %add3A_293 : i32
      %mul3A_295 = arith.constant 80 : i32
      %mul3A_296 = arith.muli %add3A_294, %mul3A_295 : i32
      %add3A_297 = arith.addi %add3A, %mul3A_296 : i32
      %dma_start3A_298 = tpu.memref_slice %arg3[%add3A_297] : memref<645120xi32, #tpu.memory_space<hbm>> -> memref<80xi32, #tpu.memory_space<hbm>>
      %dma_start3A_299 = tpu.memref_slice %arg3[%add3A_297] : memref<645120xi32, #tpu.memory_space<hbm>> -> memref<80xi32, #tpu.memory_space<hbm>>
      tpu.enqueue_dma source(%dma_start3A_299 : memref<80xi32, #tpu.memory_space<hbm>>) target(%arg12 : memref<80xi32, #tpu.memory_space<vmem>>) target_semaphore(%arg26 : memref<!tpu.dma_semaphore, #tpu.memory_space<semaphore_mem>>)
      %add3A_300 = arith.constant 1 : i32
      %add3A_301 = arith.addi %mul3A_263, %add3A_300 : i32
      %dma_wait3A_302 = arith.constant 0 : i32
      %dma_wait3A_303 = arith.constant 0 : i32
      %dma_wait3A_304 = tpu.memref_slice %arg22[%dma_wait3A_302, %dma_wait3A_303] : memref<10240x128xf32, #tpu.memory_space<vmem_shared>> -> memref<10240x128xf32, #tpu.memory_space<vmem_shared>>
      tpu.wait_indirect_dma semaphore(%arg28 : memref<!tpu.dma_semaphore, #tpu.memory_space<semaphore_mem>>) src(%arg17 : memref<80x128xf32, #tpu.memory_space<vmem>>) dst(%dma_wait3A_304 : memref<10240x128xf32, #tpu.memory_space<vmem_shared>>)
      %dma_wait3A_305 = arith.constant 0 : i32
      %dma_wait3A_306 = tpu.memref_slice %arg4[%dma_wait3A_305] : memref<322560xi32, #tpu.memory_space<hbm>> -> memref<80xi32, #tpu.memory_space<hbm>>
      %dma_wait3A_307 = arith.constant 0 : i32
      %dma_wait3A_308 = tpu.memref_slice %arg4[%dma_wait3A_307] : memref<322560xi32, #tpu.memory_space<hbm>> -> memref<80xi32, #tpu.memory_space<hbm>>
      tpu.wait_dma2 semaphore(%arg26 : memref<!tpu.dma_semaphore, #tpu.memory_space<semaphore_mem>>) src(%dma_wait3A_308 : memref<80xi32, #tpu.memory_space<hbm>>) dst(%arg13 : memref<80xi32, #tpu.memory_space<vmem>>)
      %dma_wait3A_309 = arith.constant 0 : i32
      %dma_wait3A_310 = tpu.memref_slice %arg4[%dma_wait3A_309] : memref<322560xi32, #tpu.memory_space<hbm>> -> memref<80xi32, #tpu.memory_space<hbm>>
      %dma_wait3A_311 = arith.constant 0 : i32
      %dma_wait3A_312 = tpu.memref_slice %arg4[%dma_wait3A_311] : memref<322560xi32, #tpu.memory_space<hbm>> -> memref<80xi32, #tpu.memory_space<hbm>>
      tpu.wait_dma2 semaphore(%arg26 : memref<!tpu.dma_semaphore, #tpu.memory_space<semaphore_mem>>) src(%dma_wait3A_312 : memref<80xi32, #tpu.memory_space<hbm>>) dst(%arg13 : memref<80xi32, #tpu.memory_space<vmem>>)
      %dma_wait3A_313 = arith.constant 0 : i32
      %dma_wait3A_314 = arith.constant 0 : i32
      %dma_wait3A_315 = tpu.memref_slice %arg2[%dma_wait3A_313, %dma_wait3A_314] : memref<327680x128xf32, #tpu.memory_space<hbm>> -> memref<327680x128xf32, #tpu.memory_space<hbm>>
      tpu.wait_indirect_dma semaphore(%arg25 : memref<!tpu.dma_semaphore, #tpu.memory_space<semaphore_mem>>) src(%dma_wait3A_315 : memref<327680x128xf32, #tpu.memory_space<hbm>>) dst(%arg18 : memref<80x128xf32, #tpu.memory_space<vmem>>)
      %dma_start3A_316 = arith.constant 0 : i32
      %dma_start3A_317 = arith.constant 0 : i32
      %dma_start3A_318 = tpu.memref_slice %arg22[%dma_start3A_316, %dma_start3A_317] : memref<10240x128xf32, #tpu.memory_space<vmem_shared>> -> memref<10240x128xf32, #tpu.memory_space<vmem_shared>>
      tpu.enqueue_indirect_dma source(%arg18 : memref<80x128xf32, #tpu.memory_space<vmem>>) target(%dma_start3A_318 : memref<10240x128xf32, #tpu.memory_space<vmem_shared>>) offsets(%arg14 : memref<80xi32, #tpu.memory_space<vmem>>) semaphore(%arg28 : memref<!tpu.dma_semaphore, #tpu.memory_space<semaphore_mem>>) {add = true}
      %dma_start3A_319 = arith.constant 0 : i32
      %dma_start3A_320 = arith.constant 0 : i32
      %dma_start3A_321 = tpu.memref_slice %arg2[%dma_start3A_319, %dma_start3A_320] : memref<327680x128xf32, #tpu.memory_space<hbm>> -> memref<327680x128xf32, #tpu.memory_space<hbm>>
      tpu.enqueue_indirect_dma source(%dma_start3A_321 : memref<327680x128xf32, #tpu.memory_space<hbm>>) target(%arg20 : memref<80x128xf32, #tpu.memory_space<vmem>>) offsets(%arg12 : memref<80xi32, #tpu.memory_space<vmem>>) semaphore(%arg25 : memref<!tpu.dma_semaphore, #tpu.memory_space<semaphore_mem>>)
      %add3A_322 = arith.constant 2 : i32
      %add3A_323 = arith.addi %add3A_301, %add3A_322 : i32
      %mul3A_324 = arith.constant 80 : i32
      %mul3A_325 = arith.muli %add3A_323, %mul3A_324 : i32
      %add3A_326 = arith.addi %mul3A_30, %mul3A_325 : i32
      %dma_start3A_327 = tpu.memref_slice %arg4[%add3A_326] : memref<322560xi32, #tpu.memory_space<hbm>> -> memref<80xi32, #tpu.memory_space<hbm>>
      %dma_start3A_328 = tpu.memref_slice %arg4[%add3A_326] : memref<322560xi32, #tpu.memory_space<hbm>> -> memref<80xi32, #tpu.memory_space<hbm>>
      tpu.enqueue_dma source(%dma_start3A_328 : memref<80xi32, #tpu.memory_space<hbm>>) target(%arg16 : memref<80xi32, #tpu.memory_space<vmem>>) target_semaphore(%arg26 : memref<!tpu.dma_semaphore, #tpu.memory_space<semaphore_mem>>)
      %add3A_329 = arith.constant 3 : i32
      %add3A_330 = arith.addi %add3A_301, %add3A_329 : i32
      %mul3A_331 = arith.constant 80 : i32
      %mul3A_332 = arith.muli %add3A_330, %mul3A_331 : i32
      %add3A_333 = arith.addi %add3A, %mul3A_332 : i32
      %dma_start3A_334 = tpu.memref_slice %arg3[%add3A_333] : memref<645120xi32, #tpu.memory_space<hbm>> -> memref<80xi32, #tpu.memory_space<hbm>>
      %dma_start3A_335 = tpu.memref_slice %arg3[%add3A_333] : memref<645120xi32, #tpu.memory_space<hbm>> -> memref<80xi32, #tpu.memory_space<hbm>>
      tpu.enqueue_dma source(%dma_start3A_335 : memref<80xi32, #tpu.memory_space<hbm>>) target(%arg9 : memref<80xi32, #tpu.memory_space<vmem>>) target_semaphore(%arg26 : memref<!tpu.dma_semaphore, #tpu.memory_space<semaphore_mem>>)
      %add3A_336 = arith.constant 2 : i32
      %add3A_337 = arith.addi %mul3A_263, %add3A_336 : i32
      %dma_wait3A_338 = arith.constant 0 : i32
      %dma_wait3A_339 = arith.constant 0 : i32
      %dma_wait3A_340 = tpu.memref_slice %arg22[%dma_wait3A_338, %dma_wait3A_339] : memref<10240x128xf32, #tpu.memory_space<vmem_shared>> -> memref<10240x128xf32, #tpu.memory_space<vmem_shared>>
      tpu.wait_indirect_dma semaphore(%arg27 : memref<!tpu.dma_semaphore, #tpu.memory_space<semaphore_mem>>) src(%arg17 : memref<80x128xf32, #tpu.memory_space<vmem>>) dst(%dma_wait3A_340 : memref<10240x128xf32, #tpu.memory_space<vmem_shared>>)
      %dma_wait3A_341 = arith.constant 0 : i32
      %dma_wait3A_342 = tpu.memref_slice %arg4[%dma_wait3A_341] : memref<322560xi32, #tpu.memory_space<hbm>> -> memref<80xi32, #tpu.memory_space<hbm>>
      %dma_wait3A_343 = arith.constant 0 : i32
      %dma_wait3A_344 = tpu.memref_slice %arg4[%dma_wait3A_343] : memref<322560xi32, #tpu.memory_space<hbm>> -> memref<80xi32, #tpu.memory_space<hbm>>
      tpu.wait_dma2 semaphore(%arg26 : memref<!tpu.dma_semaphore, #tpu.memory_space<semaphore_mem>>) src(%dma_wait3A_344 : memref<80xi32, #tpu.memory_space<hbm>>) dst(%arg13 : memref<80xi32, #tpu.memory_space<vmem>>)
      %dma_wait3A_345 = arith.constant 0 : i32
      %dma_wait3A_346 = tpu.memref_slice %arg4[%dma_wait3A_345] : memref<322560xi32, #tpu.memory_space<hbm>> -> memref<80xi32, #tpu.memory_space<hbm>>
      %dma_wait3A_347 = arith.constant 0 : i32
      %dma_wait3A_348 = tpu.memref_slice %arg4[%dma_wait3A_347] : memref<322560xi32, #tpu.memory_space<hbm>> -> memref<80xi32, #tpu.memory_space<hbm>>
      tpu.wait_dma2 semaphore(%arg26 : memref<!tpu.dma_semaphore, #tpu.memory_space<semaphore_mem>>) src(%dma_wait3A_348 : memref<80xi32, #tpu.memory_space<hbm>>) dst(%arg13 : memref<80xi32, #tpu.memory_space<vmem>>)
      %dma_wait3A_349 = arith.constant 0 : i32
      %dma_wait3A_350 = arith.constant 0 : i32
      %dma_wait3A_351 = tpu.memref_slice %arg2[%dma_wait3A_349, %dma_wait3A_350] : memref<327680x128xf32, #tpu.memory_space<hbm>> -> memref<327680x128xf32, #tpu.memory_space<hbm>>
      tpu.wait_indirect_dma semaphore(%arg24 : memref<!tpu.dma_semaphore, #tpu.memory_space<semaphore_mem>>) src(%dma_wait3A_351 : memref<327680x128xf32, #tpu.memory_space<hbm>>) dst(%arg19 : memref<80x128xf32, #tpu.memory_space<vmem>>)
      %dma_start3A_352 = arith.constant 0 : i32
      %dma_start3A_353 = arith.constant 0 : i32
      %dma_start3A_354 = tpu.memref_slice %arg22[%dma_start3A_352, %dma_start3A_353] : memref<10240x128xf32, #tpu.memory_space<vmem_shared>> -> memref<10240x128xf32, #tpu.memory_space<vmem_shared>>
      tpu.enqueue_indirect_dma source(%arg19 : memref<80x128xf32, #tpu.memory_space<vmem>>) target(%dma_start3A_354 : memref<10240x128xf32, #tpu.memory_space<vmem_shared>>) offsets(%arg15 : memref<80xi32, #tpu.memory_space<vmem>>) semaphore(%arg27 : memref<!tpu.dma_semaphore, #tpu.memory_space<semaphore_mem>>) {add = true}
      %dma_start3A_355 = arith.constant 0 : i32
      %dma_start3A_356 = arith.constant 0 : i32
      %dma_start3A_357 = tpu.memref_slice %arg2[%dma_start3A_355, %dma_start3A_356] : memref<327680x128xf32, #tpu.memory_space<hbm>> -> memref<327680x128xf32, #tpu.memory_space<hbm>>
      tpu.enqueue_indirect_dma source(%dma_start3A_357 : memref<327680x128xf32, #tpu.memory_space<hbm>>) target(%arg17 : memref<80x128xf32, #tpu.memory_space<vmem>>) offsets(%arg9 : memref<80xi32, #tpu.memory_space<vmem>>) semaphore(%arg24 : memref<!tpu.dma_semaphore, #tpu.memory_space<semaphore_mem>>)
      %add3A_358 = arith.constant 2 : i32
      %add3A_359 = arith.addi %add3A_337, %add3A_358 : i32
      %mul3A_360 = arith.constant 80 : i32
      %mul3A_361 = arith.muli %add3A_359, %mul3A_360 : i32
      %add3A_362 = arith.addi %mul3A_30, %mul3A_361 : i32
      %dma_start3A_363 = tpu.memref_slice %arg4[%add3A_362] : memref<322560xi32, #tpu.memory_space<hbm>> -> memref<80xi32, #tpu.memory_space<hbm>>
      %dma_start3A_364 = tpu.memref_slice %arg4[%add3A_362] : memref<322560xi32, #tpu.memory_space<hbm>> -> memref<80xi32, #tpu.memory_space<hbm>>
      tpu.enqueue_dma source(%dma_start3A_364 : memref<80xi32, #tpu.memory_space<hbm>>) target(%arg13 : memref<80xi32, #tpu.memory_space<vmem>>) target_semaphore(%arg26 : memref<!tpu.dma_semaphore, #tpu.memory_space<semaphore_mem>>)
      %add3A_365 = arith.constant 3 : i32
      %add3A_366 = arith.addi %add3A_337, %add3A_365 : i32
      %mul3A_367 = arith.constant 80 : i32
      %mul3A_368 = arith.muli %add3A_366, %mul3A_367 : i32
      %add3A_369 = arith.addi %add3A, %mul3A_368 : i32
      %dma_start3A_370 = tpu.memref_slice %arg3[%add3A_369] : memref<645120xi32, #tpu.memory_space<hbm>> -> memref<80xi32, #tpu.memory_space<hbm>>
      %dma_start3A_371 = tpu.memref_slice %arg3[%add3A_369] : memref<645120xi32, #tpu.memory_space<hbm>> -> memref<80xi32, #tpu.memory_space<hbm>>
      tpu.enqueue_dma source(%dma_start3A_371 : memref<80xi32, #tpu.memory_space<hbm>>) target(%arg10 : memref<80xi32, #tpu.memory_space<vmem>>) target_semaphore(%arg26 : memref<!tpu.dma_semaphore, #tpu.memory_space<semaphore_mem>>)
      %add3A_372 = arith.constant 3 : i32
      %add3A_373 = arith.addi %mul3A_263, %add3A_372 : i32
      %dma_wait3A_374 = arith.constant 0 : i32
      %dma_wait3A_375 = arith.constant 0 : i32
      %dma_wait3A_376 = tpu.memref_slice %arg22[%dma_wait3A_374, %dma_wait3A_375] : memref<10240x128xf32, #tpu.memory_space<vmem_shared>> -> memref<10240x128xf32, #tpu.memory_space<vmem_shared>>
      tpu.wait_indirect_dma semaphore(%arg28 : memref<!tpu.dma_semaphore, #tpu.memory_space<semaphore_mem>>) src(%arg17 : memref<80x128xf32, #tpu.memory_space<vmem>>) dst(%dma_wait3A_376 : memref<10240x128xf32, #tpu.memory_space<vmem_shared>>)
      %dma_wait3A_377 = arith.constant 0 : i32
      %dma_wait3A_378 = tpu.memref_slice %arg4[%dma_wait3A_377] : memref<322560xi32, #tpu.memory_space<hbm>> -> memref<80xi32, #tpu.memory_space<hbm>>
      %dma_wait3A_379 = arith.constant 0 : i32
      %dma_wait3A_380 = tpu.memref_slice %arg4[%dma_wait3A_379] : memref<322560xi32, #tpu.memory_space<hbm>> -> memref<80xi32, #tpu.memory_space<hbm>>
      tpu.wait_dma2 semaphore(%arg26 : memref<!tpu.dma_semaphore, #tpu.memory_space<semaphore_mem>>) src(%dma_wait3A_380 : memref<80xi32, #tpu.memory_space<hbm>>) dst(%arg13 : memref<80xi32, #tpu.memory_space<vmem>>)
      %dma_wait3A_381 = arith.constant 0 : i32
      %dma_wait3A_382 = tpu.memref_slice %arg4[%dma_wait3A_381] : memref<322560xi32, #tpu.memory_space<hbm>> -> memref<80xi32, #tpu.memory_space<hbm>>
      %dma_wait3A_383 = arith.constant 0 : i32
      %dma_wait3A_384 = tpu.memref_slice %arg4[%dma_wait3A_383] : memref<322560xi32, #tpu.memory_space<hbm>> -> memref<80xi32, #tpu.memory_space<hbm>>
      tpu.wait_dma2 semaphore(%arg26 : memref<!tpu.dma_semaphore, #tpu.memory_space<semaphore_mem>>) src(%dma_wait3A_384 : memref<80xi32, #tpu.memory_space<hbm>>) dst(%arg13 : memref<80xi32, #tpu.memory_space<vmem>>)
      %dma_wait3A_385 = arith.constant 0 : i32
      %dma_wait3A_386 = arith.constant 0 : i32
      %dma_wait3A_387 = tpu.memref_slice %arg2[%dma_wait3A_385, %dma_wait3A_386] : memref<327680x128xf32, #tpu.memory_space<hbm>> -> memref<327680x128xf32, #tpu.memory_space<hbm>>
      tpu.wait_indirect_dma semaphore(%arg25 : memref<!tpu.dma_semaphore, #tpu.memory_space<semaphore_mem>>) src(%dma_wait3A_387 : memref<327680x128xf32, #tpu.memory_space<hbm>>) dst(%arg20 : memref<80x128xf32, #tpu.memory_space<vmem>>)
      %dma_start3A_388 = arith.constant 0 : i32
      %dma_start3A_389 = arith.constant 0 : i32
      %dma_start3A_390 = tpu.memref_slice %arg22[%dma_start3A_388, %dma_start3A_389] : memref<10240x128xf32, #tpu.memory_space<vmem_shared>> -> memref<10240x128xf32, #tpu.memory_space<vmem_shared>>
      tpu.enqueue_indirect_dma source(%arg20 : memref<80x128xf32, #tpu.memory_space<vmem>>) target(%dma_start3A_390 : memref<10240x128xf32, #tpu.memory_space<vmem_shared>>) offsets(%arg16 : memref<80xi32, #tpu.memory_space<vmem>>) semaphore(%arg28 : memref<!tpu.dma_semaphore, #tpu.memory_space<semaphore_mem>>) {add = true}
      %dma_start3A_391 = arith.constant 0 : i32
      %dma_start3A_392 = arith.constant 0 : i32
      %dma_start3A_393 = tpu.memref_slice %arg2[%dma_start3A_391, %dma_start3A_392] : memref<327680x128xf32, #tpu.memory_space<hbm>> -> memref<327680x128xf32, #tpu.memory_space<hbm>>
      tpu.enqueue_indirect_dma source(%dma_start3A_393 : memref<327680x128xf32, #tpu.memory_space<hbm>>) target(%arg18 : memref<80x128xf32, #tpu.memory_space<vmem>>) offsets(%arg10 : memref<80xi32, #tpu.memory_space<vmem>>) semaphore(%arg25 : memref<!tpu.dma_semaphore, #tpu.memory_space<semaphore_mem>>)
      %add3A_394 = arith.constant 2 : i32
      %add3A_395 = arith.addi %add3A_373, %add3A_394 : i32
      %mul3A_396 = arith.constant 80 : i32
      %mul3A_397 = arith.muli %add3A_395, %mul3A_396 : i32
      %add3A_398 = arith.addi %mul3A_30, %mul3A_397 : i32
      %dma_start3A_399 = tpu.memref_slice %arg4[%add3A_398] : memref<322560xi32, #tpu.memory_space<hbm>> -> memref<80xi32, #tpu.memory_space<hbm>>
      %dma_start3A_400 = tpu.memref_slice %arg4[%add3A_398] : memref<322560xi32, #tpu.memory_space<hbm>> -> memref<80xi32, #tpu.memory_space<hbm>>
      tpu.enqueue_dma source(%dma_start3A_400 : memref<80xi32, #tpu.memory_space<hbm>>) target(%arg14 : memref<80xi32, #tpu.memory_space<vmem>>) target_semaphore(%arg26 : memref<!tpu.dma_semaphore, #tpu.memory_space<semaphore_mem>>)
      %add3A_401 = arith.constant 3 : i32
      %add3A_402 = arith.addi %add3A_373, %add3A_401 : i32
      %mul3A_403 = arith.constant 80 : i32
      %mul3A_404 = arith.muli %add3A_402, %mul3A_403 : i32
      %add3A_405 = arith.addi %add3A, %mul3A_404 : i32
      %dma_start3A_406 = tpu.memref_slice %arg3[%add3A_405] : memref<645120xi32, #tpu.memory_space<hbm>> -> memref<80xi32, #tpu.memory_space<hbm>>
      %dma_start3A_407 = tpu.memref_slice %arg3[%add3A_405] : memref<645120xi32, #tpu.memory_space<hbm>> -> memref<80xi32, #tpu.memory_space<hbm>>
      tpu.enqueue_dma source(%dma_start3A_407 : memref<80xi32, #tpu.memory_space<hbm>>) target(%arg11 : memref<80xi32, #tpu.memory_space<vmem>>) target_semaphore(%arg26 : memref<!tpu.dma_semaphore, #tpu.memory_space<semaphore_mem>>)
    }
    %scan3A_179 = arith.constant 61 : i32
    %dma_wait3A_180 = arith.constant 0 : i32
    %dma_wait3A_181 = arith.constant 0 : i32
    %dma_wait3A_182 = tpu.memref_slice %arg22[%dma_wait3A_180, %dma_wait3A_181] : memref<10240x128xf32, #tpu.memory_space<vmem_shared>> -> memref<10240x128xf32, #tpu.memory_space<vmem_shared>>
    tpu.wait_indirect_dma semaphore(%arg27 : memref<!tpu.dma_semaphore, #tpu.memory_space<semaphore_mem>>) src(%arg17 : memref<80x128xf32, #tpu.memory_space<vmem>>) dst(%dma_wait3A_182 : memref<10240x128xf32, #tpu.memory_space<vmem_shared>>)
    %dma_wait3A_183 = arith.constant 0 : i32
    %dma_wait3A_184 = tpu.memref_slice %arg4[%dma_wait3A_183] : memref<322560xi32, #tpu.memory_space<hbm>> -> memref<80xi32, #tpu.memory_space<hbm>>
    %dma_wait3A_185 = arith.constant 0 : i32
    %dma_wait3A_186 = tpu.memref_slice %arg4[%dma_wait3A_185] : memref<322560xi32, #tpu.memory_space<hbm>> -> memref<80xi32, #tpu.memory_space<hbm>>
    tpu.wait_dma2 semaphore(%arg26 : memref<!tpu.dma_semaphore, #tpu.memory_space<semaphore_mem>>) src(%dma_wait3A_186 : memref<80xi32, #tpu.memory_space<hbm>>) dst(%arg13 : memref<80xi32, #tpu.memory_space<vmem>>)
    %dma_wait3A_187 = arith.constant 0 : i32
    %dma_wait3A_188 = tpu.memref_slice %arg4[%dma_wait3A_187] : memref<322560xi32, #tpu.memory_space<hbm>> -> memref<80xi32, #tpu.memory_space<hbm>>
    %dma_wait3A_189 = arith.constant 0 : i32
    %dma_wait3A_190 = tpu.memref_slice %arg4[%dma_wait3A_189] : memref<322560xi32, #tpu.memory_space<hbm>> -> memref<80xi32, #tpu.memory_space<hbm>>
    tpu.wait_dma2 semaphore(%arg26 : memref<!tpu.dma_semaphore, #tpu.memory_space<semaphore_mem>>) src(%dma_wait3A_190 : memref<80xi32, #tpu.memory_space<hbm>>) dst(%arg13 : memref<80xi32, #tpu.memory_space<vmem>>)
    %dma_wait3A_191 = arith.constant 0 : i32
    %dma_wait3A_192 = arith.constant 0 : i32
    %dma_wait3A_193 = tpu.memref_slice %arg2[%dma_wait3A_191, %dma_wait3A_192] : memref<327680x128xf32, #tpu.memory_space<hbm>> -> memref<327680x128xf32, #tpu.memory_space<hbm>>
    tpu.wait_indirect_dma semaphore(%arg24 : memref<!tpu.dma_semaphore, #tpu.memory_space<semaphore_mem>>) src(%dma_wait3A_193 : memref<327680x128xf32, #tpu.memory_space<hbm>>) dst(%arg17 : memref<80x128xf32, #tpu.memory_space<vmem>>)
    %dma_start3A_194 = arith.constant 0 : i32
    %dma_start3A_195 = arith.constant 0 : i32
    %dma_start3A_196 = tpu.memref_slice %arg22[%dma_start3A_194, %dma_start3A_195] : memref<10240x128xf32, #tpu.memory_space<vmem_shared>> -> memref<10240x128xf32, #tpu.memory_space<vmem_shared>>
    tpu.enqueue_indirect_dma source(%arg17 : memref<80x128xf32, #tpu.memory_space<vmem>>) target(%dma_start3A_196 : memref<10240x128xf32, #tpu.memory_space<vmem_shared>>) offsets(%arg13 : memref<80xi32, #tpu.memory_space<vmem>>) semaphore(%arg27 : memref<!tpu.dma_semaphore, #tpu.memory_space<semaphore_mem>>) {add = true}
    %dma_start3A_197 = arith.constant 0 : i32
    %dma_start3A_198 = arith.constant 0 : i32
    %dma_start3A_199 = tpu.memref_slice %arg2[%dma_start3A_197, %dma_start3A_198] : memref<327680x128xf32, #tpu.memory_space<hbm>> -> memref<327680x128xf32, #tpu.memory_space<hbm>>
    tpu.enqueue_indirect_dma source(%dma_start3A_199 : memref<327680x128xf32, #tpu.memory_space<hbm>>) target(%arg19 : memref<80x128xf32, #tpu.memory_space<vmem>>) offsets(%arg11 : memref<80xi32, #tpu.memory_space<vmem>>) semaphore(%arg24 : memref<!tpu.dma_semaphore, #tpu.memory_space<semaphore_mem>>)
    %add3A_200 = arith.constant 20000 : i32
    %add3A_201 = arith.addi %mul3A_30, %add3A_200 : i32
    %dma_start3A_202 = tpu.memref_slice %arg4[%add3A_201] : memref<322560xi32, #tpu.memory_space<hbm>> -> memref<80xi32, #tpu.memory_space<hbm>>
    %dma_start3A_203 = tpu.memref_slice %arg4[%add3A_201] : memref<322560xi32, #tpu.memory_space<hbm>> -> memref<80xi32, #tpu.memory_space<hbm>>
    tpu.enqueue_dma source(%dma_start3A_203 : memref<80xi32, #tpu.memory_space<hbm>>) target(%arg15 : memref<80xi32, #tpu.memory_space<vmem>>) target_semaphore(%arg26 : memref<!tpu.dma_semaphore, #tpu.memory_space<semaphore_mem>>)
    %add3A_204 = arith.constant 20080 : i32
    %add3A_205 = arith.addi %add3A, %add3A_204 : i32
    %dma_start3A_206 = tpu.memref_slice %arg3[%add3A_205] : memref<645120xi32, #tpu.memory_space<hbm>> -> memref<80xi32, #tpu.memory_space<hbm>>
    %dma_start3A_207 = tpu.memref_slice %arg3[%add3A_205] : memref<645120xi32, #tpu.memory_space<hbm>> -> memref<80xi32, #tpu.memory_space<hbm>>
    tpu.enqueue_dma source(%dma_start3A_207 : memref<80xi32, #tpu.memory_space<hbm>>) target(%arg12 : memref<80xi32, #tpu.memory_space<vmem>>) target_semaphore(%arg26 : memref<!tpu.dma_semaphore, #tpu.memory_space<semaphore_mem>>)
    %dma_wait3A_208 = arith.constant 0 : i32
    %dma_wait3A_209 = arith.constant 0 : i32
    %dma_wait3A_210 = tpu.memref_slice %arg22[%dma_wait3A_208, %dma_wait3A_209] : memref<10240x128xf32, #tpu.memory_space<vmem_shared>> -> memref<10240x128xf32, #tpu.memory_space<vmem_shared>>
    tpu.wait_indirect_dma semaphore(%arg28 : memref<!tpu.dma_semaphore, #tpu.memory_space<semaphore_mem>>) src(%arg17 : memref<80x128xf32, #tpu.memory_space<vmem>>) dst(%dma_wait3A_210 : memref<10240x128xf32, #tpu.memory_space<vmem_shared>>)
    %dma_wait3A_211 = arith.constant 0 : i32
    %dma_wait3A_212 = tpu.memref_slice %arg4[%dma_wait3A_211] : memref<322560xi32, #tpu.memory_space<hbm>> -> memref<80xi32, #tpu.memory_space<hbm>>
    %dma_wait3A_213 = arith.constant 0 : i32
    %dma_wait3A_214 = tpu.memref_slice %arg4[%dma_wait3A_213] : memref<322560xi32, #tpu.memory_space<hbm>> -> memref<80xi32, #tpu.memory_space<hbm>>
    tpu.wait_dma2 semaphore(%arg26 : memref<!tpu.dma_semaphore, #tpu.memory_space<semaphore_mem>>) src(%dma_wait3A_214 : memref<80xi32, #tpu.memory_space<hbm>>) dst(%arg13 : memref<80xi32, #tpu.memory_space<vmem>>)
    %dma_wait3A_215 = arith.constant 0 : i32
    %dma_wait3A_216 = tpu.memref_slice %arg4[%dma_wait3A_215] : memref<322560xi32, #tpu.memory_space<hbm>> -> memref<80xi32, #tpu.memory_space<hbm>>
    %dma_wait3A_217 = arith.constant 0 : i32
    %dma_wait3A_218 = tpu.memref_slice %arg4[%dma_wait3A_217] : memref<322560xi32, #tpu.memory_space<hbm>> -> memref<80xi32, #tpu.memory_space<hbm>>
    tpu.wait_dma2 semaphore(%arg26 : memref<!tpu.dma_semaphore, #tpu.memory_space<semaphore_mem>>) src(%dma_wait3A_218 : memref<80xi32, #tpu.memory_space<hbm>>) dst(%arg13 : memref<80xi32, #tpu.memory_space<vmem>>)
    %dma_wait3A_219 = arith.constant 0 : i32
    %dma_wait3A_220 = arith.constant 0 : i32
    %dma_wait3A_221 = tpu.memref_slice %arg2[%dma_wait3A_219, %dma_wait3A_220] : memref<327680x128xf32, #tpu.memory_space<hbm>> -> memref<327680x128xf32, #tpu.memory_space<hbm>>
    tpu.wait_indirect_dma semaphore(%arg25 : memref<!tpu.dma_semaphore, #tpu.memory_space<semaphore_mem>>) src(%dma_wait3A_221 : memref<327680x128xf32, #tpu.memory_space<hbm>>) dst(%arg18 : memref<80x128xf32, #tpu.memory_space<vmem>>)
    %dma_start3A_222 = arith.constant 0 : i32
    %dma_start3A_223 = arith.constant 0 : i32
    %dma_start3A_224 = tpu.memref_slice %arg22[%dma_start3A_222, %dma_start3A_223] : memref<10240x128xf32, #tpu.memory_space<vmem_shared>> -> memref<10240x128xf32, #tpu.memory_space<vmem_shared>>
    tpu.enqueue_indirect_dma source(%arg18 : memref<80x128xf32, #tpu.memory_space<vmem>>) target(%dma_start3A_224 : memref<10240x128xf32, #tpu.memory_space<vmem_shared>>) offsets(%arg14 : memref<80xi32, #tpu.memory_space<vmem>>) semaphore(%arg28 : memref<!tpu.dma_semaphore, #tpu.memory_space<semaphore_mem>>) {add = true}
    %dma_start3A_225 = arith.constant 0 : i32
    %dma_start3A_226 = arith.constant 0 : i32
    %dma_start3A_227 = tpu.memref_slice %arg2[%dma_start3A_225, %dma_start3A_226] : memref<327680x128xf32, #tpu.memory_space<hbm>> -> memref<327680x128xf32, #tpu.memory_space<hbm>>
    tpu.enqueue_indirect_dma source(%dma_start3A_227 : memref<327680x128xf32, #tpu.memory_space<hbm>>) target(%arg20 : memref<80x128xf32, #tpu.memory_space<vmem>>) offsets(%arg12 : memref<80xi32, #tpu.memory_space<vmem>>) semaphore(%arg25 : memref<!tpu.dma_semaphore, #tpu.memory_space<semaphore_mem>>)
    %add3A_228 = arith.constant 20080 : i32
    %add3A_229 = arith.addi %mul3A_30, %add3A_228 : i32
    %dma_start3A_230 = tpu.memref_slice %arg4[%add3A_229] : memref<322560xi32, #tpu.memory_space<hbm>> -> memref<80xi32, #tpu.memory_space<hbm>>
    %dma_start3A_231 = tpu.memref_slice %arg4[%add3A_229] : memref<322560xi32, #tpu.memory_space<hbm>> -> memref<80xi32, #tpu.memory_space<hbm>>
    tpu.enqueue_dma source(%dma_start3A_231 : memref<80xi32, #tpu.memory_space<hbm>>) target(%arg16 : memref<80xi32, #tpu.memory_space<vmem>>) target_semaphore(%arg26 : memref<!tpu.dma_semaphore, #tpu.memory_space<semaphore_mem>>)
    %dma_wait3A_232 = arith.constant 0 : i32
    %dma_wait3A_233 = arith.constant 0 : i32
    %dma_wait3A_234 = tpu.memref_slice %arg22[%dma_wait3A_232, %dma_wait3A_233] : memref<10240x128xf32, #tpu.memory_space<vmem_shared>> -> memref<10240x128xf32, #tpu.memory_space<vmem_shared>>
    tpu.wait_indirect_dma semaphore(%arg27 : memref<!tpu.dma_semaphore, #tpu.memory_space<semaphore_mem>>) src(%arg17 : memref<80x128xf32, #tpu.memory_space<vmem>>) dst(%dma_wait3A_234 : memref<10240x128xf32, #tpu.memory_space<vmem_shared>>)
    %dma_wait3A_235 = arith.constant 0 : i32
    %dma_wait3A_236 = tpu.memref_slice %arg4[%dma_wait3A_235] : memref<322560xi32, #tpu.memory_space<hbm>> -> memref<80xi32, #tpu.memory_space<hbm>>
    %dma_wait3A_237 = arith.constant 0 : i32
    %dma_wait3A_238 = tpu.memref_slice %arg4[%dma_wait3A_237] : memref<322560xi32, #tpu.memory_space<hbm>> -> memref<80xi32, #tpu.memory_space<hbm>>
    tpu.wait_dma2 semaphore(%arg26 : memref<!tpu.dma_semaphore, #tpu.memory_space<semaphore_mem>>) src(%dma_wait3A_238 : memref<80xi32, #tpu.memory_space<hbm>>) dst(%arg13 : memref<80xi32, #tpu.memory_space<vmem>>)
    %dma_wait3A_239 = arith.constant 0 : i32
    %dma_wait3A_240 = arith.constant 0 : i32
    %dma_wait3A_241 = tpu.memref_slice %arg2[%dma_wait3A_239, %dma_wait3A_240] : memref<327680x128xf32, #tpu.memory_space<hbm>> -> memref<327680x128xf32, #tpu.memory_space<hbm>>
    tpu.wait_indirect_dma semaphore(%arg24 : memref<!tpu.dma_semaphore, #tpu.memory_space<semaphore_mem>>) src(%dma_wait3A_241 : memref<327680x128xf32, #tpu.memory_space<hbm>>) dst(%arg19 : memref<80x128xf32, #tpu.memory_space<vmem>>)
    %dma_start3A_242 = arith.constant 0 : i32
    %dma_start3A_243 = arith.constant 0 : i32
    %dma_start3A_244 = tpu.memref_slice %arg22[%dma_start3A_242, %dma_start3A_243] : memref<10240x128xf32, #tpu.memory_space<vmem_shared>> -> memref<10240x128xf32, #tpu.memory_space<vmem_shared>>
    tpu.enqueue_indirect_dma source(%arg19 : memref<80x128xf32, #tpu.memory_space<vmem>>) target(%dma_start3A_244 : memref<10240x128xf32, #tpu.memory_space<vmem_shared>>) offsets(%arg15 : memref<80xi32, #tpu.memory_space<vmem>>) semaphore(%arg27 : memref<!tpu.dma_semaphore, #tpu.memory_space<semaphore_mem>>) {add = true}
    %dma_wait3A_245 = arith.constant 0 : i32
    %dma_wait3A_246 = arith.constant 0 : i32
    %dma_wait3A_247 = tpu.memref_slice %arg22[%dma_wait3A_245, %dma_wait3A_246] : memref<10240x128xf32, #tpu.memory_space<vmem_shared>> -> memref<10240x128xf32, #tpu.memory_space<vmem_shared>>
    tpu.wait_indirect_dma semaphore(%arg28 : memref<!tpu.dma_semaphore, #tpu.memory_space<semaphore_mem>>) src(%arg17 : memref<80x128xf32, #tpu.memory_space<vmem>>) dst(%dma_wait3A_247 : memref<10240x128xf32, #tpu.memory_space<vmem_shared>>)
    %dma_wait3A_248 = arith.constant 0 : i32
    %dma_wait3A_249 = arith.constant 0 : i32
    %dma_wait3A_250 = tpu.memref_slice %arg2[%dma_wait3A_248, %dma_wait3A_249] : memref<327680x128xf32, #tpu.memory_space<hbm>> -> memref<327680x128xf32, #tpu.memory_space<hbm>>
    tpu.wait_indirect_dma semaphore(%arg25 : memref<!tpu.dma_semaphore, #tpu.memory_space<semaphore_mem>>) src(%dma_wait3A_250 : memref<327680x128xf32, #tpu.memory_space<hbm>>) dst(%arg20 : memref<80x128xf32, #tpu.memory_space<vmem>>)
    %dma_start3A_251 = arith.constant 0 : i32
    %dma_start3A_252 = arith.constant 0 : i32
    %dma_start3A_253 = tpu.memref_slice %arg22[%dma_start3A_251, %dma_start3A_252] : memref<10240x128xf32, #tpu.memory_space<vmem_shared>> -> memref<10240x128xf32, #tpu.memory_space<vmem_shared>>
    tpu.enqueue_indirect_dma source(%arg20 : memref<80x128xf32, #tpu.memory_space<vmem>>) target(%dma_start3A_253 : memref<10240x128xf32, #tpu.memory_space<vmem_shared>>) offsets(%arg16 : memref<80xi32, #tpu.memory_space<vmem>>) semaphore(%arg28 : memref<!tpu.dma_semaphore, #tpu.memory_space<semaphore_mem>>) {add = true}
    %dma_wait3A_254 = arith.constant 0 : i32
    %dma_wait3A_255 = arith.constant 0 : i32
    %dma_wait3A_256 = tpu.memref_slice %arg22[%dma_wait3A_254, %dma_wait3A_255] : memref<10240x128xf32, #tpu.memory_space<vmem_shared>> -> memref<10240x128xf32, #tpu.memory_space<vmem_shared>>
    tpu.wait_indirect_dma semaphore(%arg27 : memref<!tpu.dma_semaphore, #tpu.memory_space<semaphore_mem>>) src(%arg17 : memref<80x128xf32, #tpu.memory_space<vmem>>) dst(%dma_wait3A_256 : memref<10240x128xf32, #tpu.memory_space<vmem_shared>>)
    %dma_wait3A_257 = arith.constant 0 : i32
    %dma_wait3A_258 = arith.constant 0 : i32
    %dma_wait3A_259 = tpu.memref_slice %arg22[%dma_wait3A_257, %dma_wait3A_258] : memref<10240x128xf32, #tpu.memory_space<vmem_shared>> -> memref<10240x128xf32, #tpu.memory_space<vmem_shared>>
    tpu.wait_indirect_dma semaphore(%arg28 : memref<!tpu.dma_semaphore, #tpu.memory_space<semaphore_mem>>) src(%arg17 : memref<80x128xf32, #tpu.memory_space<vmem>>) dst(%dma_wait3A_259 : memref<10240x128xf32, #tpu.memory_space<vmem_shared>>)
    %barrier3A_260 = arith.constant 0 : index
    tpu.barrier barrier_id(%barrier3A_260)
    "tpu.region"() ({
      %run_scoped3A = tpu.sem_alloc : memref<!tpu.dma_semaphore, #tpu.memory_space<semaphore_mem>>
      %dma_start3A_261 = arith.constant 0 : i32
      %dma_start3A_262 = tpu.memref_slice %arg7[%arg0, %mul3A_0, %dma_start3A_261] : memref<2x10240x128xf32, #tpu.memory_space<hbm>> -> memref<1x640x128xf32, #tpu.memory_space<hbm>>
      %dma_start3A_263 = tpu.memref_squeeze %dma_start3A_262 : memref<1x640x128xf32, #tpu.memory_space<hbm>> -> memref<640x128xf32, #tpu.memory_space<hbm>>
      %dma_start3A_264 = arith.constant 0 : i32
      %dma_start3A_265 = tpu.memref_slice %arg22[%mul3A_0, %dma_start3A_264] : memref<10240x128xf32, #tpu.memory_space<vmem_shared>> -> memref<640x128xf32, #tpu.memory_space<vmem_shared>>
      tpu.enqueue_dma source(%dma_start3A_265 : memref<640x128xf32, #tpu.memory_space<vmem_shared>>) target(%dma_start3A_263 : memref<640x128xf32, #tpu.memory_space<hbm>>) target_semaphore(%run_scoped3A : memref<!tpu.dma_semaphore, #tpu.memory_space<semaphore_mem>>)
      %dma_wait3A_266 = arith.constant 0 : i32
      %dma_wait3A_267 = tpu.memref_slice %arg7[%arg0, %mul3A_0, %dma_wait3A_266] : memref<2x10240x128xf32, #tpu.memory_space<hbm>> -> memref<1x640x128xf32, #tpu.memory_space<hbm>>
      %dma_wait3A_268 = tpu.memref_squeeze %dma_wait3A_267 : memref<1x640x128xf32, #tpu.memory_space<hbm>> -> memref<640x128xf32, #tpu.memory_space<hbm>>
      %dma_wait3A_269 = arith.constant 0 : i32
      %dma_wait3A_270 = tpu.memref_slice %arg22[%mul3A_0, %dma_wait3A_269] : memref<10240x128xf32, #tpu.memory_space<vmem_shared>> -> memref<640x128xf32, #tpu.memory_space<vmem_shared>>
      tpu.wait_dma2 semaphore(%run_scoped3A : memref<!tpu.dma_semaphore, #tpu.memory_space<semaphore_mem>>) src(%dma_wait3A_270 : memref<640x128xf32, #tpu.memory_space<vmem_shared>>) dst(%dma_wait3A_268 : memref<640x128xf32, #tpu.memory_space<hbm>>)
      tpu.yield
    }) : () -> ()
    return
  }
}

#map = affine_map<(d0, d1) -> (0, 0)>
#map1 = affine_map<(d0, d1) -> (0)>
module attributes {stable_mosaic.version = 14 : i64} {
  func.func @_sc_triple_gather(%arg0: i32, %arg1: i32, %arg2: memref<10240x128xf32, #tpu.memory_space<hbm>>, %arg3: memref<16384xi32, #tpu.memory_space<hbm>>, %arg4: memref<16384xi32, #tpu.memory_space<hbm>>, %arg5: memref<16384x128xf32, #tpu.memory_space<hbm>>, %arg6: memref<16384x128xf32, #tpu.memory_space<hbm>>, %arg7: memref<128xi32, #tpu.memory_space<vmem>>, %arg8: memref<128xi32, #tpu.memory_space<vmem>>, %arg9: memref<2x128x128xf32, #tpu.memory_space<vmem>>, %arg10: memref<2x128x128xf32, #tpu.memory_space<vmem>>, %arg11: memref<!tpu.dma_semaphore, #tpu.memory_space<semaphore_mem>>, %arg12: memref<!tpu.dma_semaphore, #tpu.memory_space<semaphore_mem>>) attributes {dimension_semantics = [#tpu.dimension_semantics<core_parallel>, #tpu.dimension_semantics<subcore_parallel>], iteration_bounds = array<i64: 2, 16>, scalar_prefetch = 0 : i64, scratch_operands = 6 : i64, tpu.core_type = #tpu.core_type<sc_vector_subcore>, window_params = [{transform_indices = #map}, {transform_indices = #map1}, {transform_indices = #map1}, {transform_indices = #map}, {transform_indices = #map}]} {
    %mul3A = arith.constant 2 : i32
    %mul3A_0 = arith.muli %arg1, %mul3A : i32
    %add3A = arith.addi %mul3A_0, %arg0 : i32
    %mul3A_1 = arith.constant 512 : i32
    %mul3A_2 = arith.muli %add3A, %mul3A_1 : i32
    %add3A_3 = arith.constant 0 : i32
    %add3A_4 = arith.addi %mul3A_2, %add3A_3 : i32
    "tpu.region"() ({
      %run_scoped3A_152 = tpu.sem_alloc : memref<!tpu.dma_semaphore, #tpu.memory_space<semaphore_mem>>
      %dma_start3A_153 = tpu.memref_slice %arg3[%add3A_4] : memref<16384xi32, #tpu.memory_space<hbm>> -> memref<128xi32, #tpu.memory_space<hbm>>
      %dma_start3A_154 = tpu.memref_slice %arg3[%add3A_4] : memref<16384xi32, #tpu.memory_space<hbm>> -> memref<128xi32, #tpu.memory_space<hbm>>
      tpu.enqueue_dma source(%dma_start3A_154 : memref<128xi32, #tpu.memory_space<hbm>>) target(%arg7 : memref<128xi32, #tpu.memory_space<vmem>>) target_semaphore(%run_scoped3A_152 : memref<!tpu.dma_semaphore, #tpu.memory_space<semaphore_mem>>)
      %dma_wait3A_155 = tpu.memref_slice %arg3[%add3A_4] : memref<16384xi32, #tpu.memory_space<hbm>> -> memref<128xi32, #tpu.memory_space<hbm>>
      %dma_wait3A_156 = tpu.memref_slice %arg3[%add3A_4] : memref<16384xi32, #tpu.memory_space<hbm>> -> memref<128xi32, #tpu.memory_space<hbm>>
      tpu.wait_dma2 semaphore(%run_scoped3A_152 : memref<!tpu.dma_semaphore, #tpu.memory_space<semaphore_mem>>) src(%dma_wait3A_156 : memref<128xi32, #tpu.memory_space<hbm>>) dst(%arg7 : memref<128xi32, #tpu.memory_space<vmem>>)
      tpu.yield
    }) : () -> ()
    "tpu.region"() ({
      %run_scoped3A_152 = tpu.sem_alloc : memref<!tpu.dma_semaphore, #tpu.memory_space<semaphore_mem>>
      %dma_start3A_153 = tpu.memref_slice %arg4[%add3A_4] : memref<16384xi32, #tpu.memory_space<hbm>> -> memref<128xi32, #tpu.memory_space<hbm>>
      %dma_start3A_154 = tpu.memref_slice %arg4[%add3A_4] : memref<16384xi32, #tpu.memory_space<hbm>> -> memref<128xi32, #tpu.memory_space<hbm>>
      tpu.enqueue_dma source(%dma_start3A_154 : memref<128xi32, #tpu.memory_space<hbm>>) target(%arg8 : memref<128xi32, #tpu.memory_space<vmem>>) target_semaphore(%run_scoped3A_152 : memref<!tpu.dma_semaphore, #tpu.memory_space<semaphore_mem>>)
      %dma_wait3A_155 = tpu.memref_slice %arg4[%add3A_4] : memref<16384xi32, #tpu.memory_space<hbm>> -> memref<128xi32, #tpu.memory_space<hbm>>
      %dma_wait3A_156 = tpu.memref_slice %arg4[%add3A_4] : memref<16384xi32, #tpu.memory_space<hbm>> -> memref<128xi32, #tpu.memory_space<hbm>>
      tpu.wait_dma2 semaphore(%run_scoped3A_152 : memref<!tpu.dma_semaphore, #tpu.memory_space<semaphore_mem>>) src(%dma_wait3A_156 : memref<128xi32, #tpu.memory_space<hbm>>) dst(%arg8 : memref<128xi32, #tpu.memory_space<vmem>>)
      tpu.yield
    }) : () -> ()
    %dma_start3A = arith.constant 0 : i32
    %dma_start3A_5 = arith.constant 0 : i32
    %dma_start3A_6 = arith.constant 0 : i32
    %dma_start3A_7 = tpu.memref_slice %arg9[%dma_start3A, %dma_start3A_5, %dma_start3A_6] : memref<2x128x128xf32, #tpu.memory_space<vmem>> -> memref<1x128x128xf32, #tpu.memory_space<vmem>>
    %dma_start3A_8 = tpu.memref_squeeze %dma_start3A_7 : memref<1x128x128xf32, #tpu.memory_space<vmem>> -> memref<128x128xf32, #tpu.memory_space<vmem>>
    %dma_start3A_9 = arith.constant 0 : i32
    %dma_start3A_10 = arith.constant 0 : i32
    %dma_start3A_11 = tpu.memref_slice %arg2[%dma_start3A_9, %dma_start3A_10] : memref<10240x128xf32, #tpu.memory_space<hbm>> -> memref<10240x128xf32, #tpu.memory_space<hbm>>
    tpu.enqueue_indirect_dma source(%dma_start3A_11 : memref<10240x128xf32, #tpu.memory_space<hbm>>) target(%dma_start3A_8 : memref<128x128xf32, #tpu.memory_space<vmem>>) offsets(%arg7 : memref<128xi32, #tpu.memory_space<vmem>>) semaphore(%arg11 : memref<!tpu.dma_semaphore, #tpu.memory_space<semaphore_mem>>)
    %dma_start3A_12 = arith.constant 0 : i32
    %dma_start3A_13 = arith.constant 0 : i32
    %dma_start3A_14 = arith.constant 0 : i32
    %dma_start3A_15 = tpu.memref_slice %arg10[%dma_start3A_12, %dma_start3A_13, %dma_start3A_14] : memref<2x128x128xf32, #tpu.memory_space<vmem>> -> memref<1x128x128xf32, #tpu.memory_space<vmem>>
    %dma_start3A_16 = tpu.memref_squeeze %dma_start3A_15 : memref<1x128x128xf32, #tpu.memory_space<vmem>> -> memref<128x128xf32, #tpu.memory_space<vmem>>
    %dma_start3A_17 = arith.constant 0 : i32
    %dma_start3A_18 = arith.constant 0 : i32
    %dma_start3A_19 = tpu.memref_slice %arg2[%dma_start3A_17, %dma_start3A_18] : memref<10240x128xf32, #tpu.memory_space<hbm>> -> memref<10240x128xf32, #tpu.memory_space<hbm>>
    tpu.enqueue_indirect_dma source(%dma_start3A_19 : memref<10240x128xf32, #tpu.memory_space<hbm>>) target(%dma_start3A_16 : memref<128x128xf32, #tpu.memory_space<vmem>>) offsets(%arg8 : memref<128xi32, #tpu.memory_space<vmem>>) semaphore(%arg12 : memref<!tpu.dma_semaphore, #tpu.memory_space<semaphore_mem>>)
    %dma_wait3A = arith.constant 0 : i32
    %dma_wait3A_20 = arith.constant 0 : i32
    %dma_wait3A_21 = arith.constant 0 : i32
    %dma_wait3A_22 = tpu.memref_slice %arg9[%dma_wait3A, %dma_wait3A_20, %dma_wait3A_21] : memref<2x128x128xf32, #tpu.memory_space<vmem>> -> memref<1x128x128xf32, #tpu.memory_space<vmem>>
    %dma_wait3A_23 = tpu.memref_squeeze %dma_wait3A_22 : memref<1x128x128xf32, #tpu.memory_space<vmem>> -> memref<128x128xf32, #tpu.memory_space<vmem>>
    %dma_wait3A_24 = arith.constant 0 : i32
    %dma_wait3A_25 = arith.constant 0 : i32
    %dma_wait3A_26 = tpu.memref_slice %arg2[%dma_wait3A_24, %dma_wait3A_25] : memref<10240x128xf32, #tpu.memory_space<hbm>> -> memref<10240x128xf32, #tpu.memory_space<hbm>>
    tpu.wait_indirect_dma semaphore(%arg11 : memref<!tpu.dma_semaphore, #tpu.memory_space<semaphore_mem>>) src(%dma_wait3A_26 : memref<10240x128xf32, #tpu.memory_space<hbm>>) dst(%dma_wait3A_23 : memref<128x128xf32, #tpu.memory_space<vmem>>)
    %dma_wait3A_27 = arith.constant 0 : i32
    %dma_wait3A_28 = arith.constant 0 : i32
    %dma_wait3A_29 = arith.constant 0 : i32
    %dma_wait3A_30 = tpu.memref_slice %arg10[%dma_wait3A_27, %dma_wait3A_28, %dma_wait3A_29] : memref<2x128x128xf32, #tpu.memory_space<vmem>> -> memref<1x128x128xf32, #tpu.memory_space<vmem>>
    %dma_wait3A_31 = tpu.memref_squeeze %dma_wait3A_30 : memref<1x128x128xf32, #tpu.memory_space<vmem>> -> memref<128x128xf32, #tpu.memory_space<vmem>>
    %dma_wait3A_32 = arith.constant 0 : i32
    %dma_wait3A_33 = arith.constant 0 : i32
    %dma_wait3A_34 = tpu.memref_slice %arg2[%dma_wait3A_32, %dma_wait3A_33] : memref<10240x128xf32, #tpu.memory_space<hbm>> -> memref<10240x128xf32, #tpu.memory_space<hbm>>
    tpu.wait_indirect_dma semaphore(%arg12 : memref<!tpu.dma_semaphore, #tpu.memory_space<semaphore_mem>>) src(%dma_wait3A_34 : memref<10240x128xf32, #tpu.memory_space<hbm>>) dst(%dma_wait3A_31 : memref<128x128xf32, #tpu.memory_space<vmem>>)
    %add3A_35 = arith.constant 128 : i32
    %add3A_36 = arith.addi %mul3A_2, %add3A_35 : i32
    "tpu.region"() ({
      %run_scoped3A_152 = tpu.sem_alloc : memref<!tpu.dma_semaphore, #tpu.memory_space<semaphore_mem>>
      %dma_start3A_153 = tpu.memref_slice %arg3[%add3A_36] : memref<16384xi32, #tpu.memory_space<hbm>> -> memref<128xi32, #tpu.memory_space<hbm>>
      %dma_start3A_154 = tpu.memref_slice %arg3[%add3A_36] : memref<16384xi32, #tpu.memory_space<hbm>> -> memref<128xi32, #tpu.memory_space<hbm>>
      tpu.enqueue_dma source(%dma_start3A_154 : memref<128xi32, #tpu.memory_space<hbm>>) target(%arg7 : memref<128xi32, #tpu.memory_space<vmem>>) target_semaphore(%run_scoped3A_152 : memref<!tpu.dma_semaphore, #tpu.memory_space<semaphore_mem>>)
      %dma_wait3A_155 = tpu.memref_slice %arg3[%add3A_36] : memref<16384xi32, #tpu.memory_space<hbm>> -> memref<128xi32, #tpu.memory_space<hbm>>
      %dma_wait3A_156 = tpu.memref_slice %arg3[%add3A_36] : memref<16384xi32, #tpu.memory_space<hbm>> -> memref<128xi32, #tpu.memory_space<hbm>>
      tpu.wait_dma2 semaphore(%run_scoped3A_152 : memref<!tpu.dma_semaphore, #tpu.memory_space<semaphore_mem>>) src(%dma_wait3A_156 : memref<128xi32, #tpu.memory_space<hbm>>) dst(%arg7 : memref<128xi32, #tpu.memory_space<vmem>>)
      tpu.yield
    }) : () -> ()
    "tpu.region"() ({
      %run_scoped3A_152 = tpu.sem_alloc : memref<!tpu.dma_semaphore, #tpu.memory_space<semaphore_mem>>
      %dma_start3A_153 = tpu.memref_slice %arg4[%add3A_36] : memref<16384xi32, #tpu.memory_space<hbm>> -> memref<128xi32, #tpu.memory_space<hbm>>
      %dma_start3A_154 = tpu.memref_slice %arg4[%add3A_36] : memref<16384xi32, #tpu.memory_space<hbm>> -> memref<128xi32, #tpu.memory_space<hbm>>
      tpu.enqueue_dma source(%dma_start3A_154 : memref<128xi32, #tpu.memory_space<hbm>>) target(%arg8 : memref<128xi32, #tpu.memory_space<vmem>>) target_semaphore(%run_scoped3A_152 : memref<!tpu.dma_semaphore, #tpu.memory_space<semaphore_mem>>)
      %dma_wait3A_155 = tpu.memref_slice %arg4[%add3A_36] : memref<16384xi32, #tpu.memory_space<hbm>> -> memref<128xi32, #tpu.memory_space<hbm>>
      %dma_wait3A_156 = tpu.memref_slice %arg4[%add3A_36] : memref<16384xi32, #tpu.memory_space<hbm>> -> memref<128xi32, #tpu.memory_space<hbm>>
      tpu.wait_dma2 semaphore(%run_scoped3A_152 : memref<!tpu.dma_semaphore, #tpu.memory_space<semaphore_mem>>) src(%dma_wait3A_156 : memref<128xi32, #tpu.memory_space<hbm>>) dst(%arg8 : memref<128xi32, #tpu.memory_space<vmem>>)
      tpu.yield
    }) : () -> ()
    %dma_start3A_37 = arith.constant 1 : i32
    %dma_start3A_38 = arith.constant 0 : i32
    %dma_start3A_39 = arith.constant 0 : i32
    %dma_start3A_40 = tpu.memref_slice %arg9[%dma_start3A_37, %dma_start3A_38, %dma_start3A_39] : memref<2x128x128xf32, #tpu.memory_space<vmem>> -> memref<1x128x128xf32, #tpu.memory_space<vmem>>
    %dma_start3A_41 = tpu.memref_squeeze %dma_start3A_40 : memref<1x128x128xf32, #tpu.memory_space<vmem>> -> memref<128x128xf32, #tpu.memory_space<vmem>>
    %dma_start3A_42 = arith.constant 0 : i32
    %dma_start3A_43 = arith.constant 0 : i32
    %dma_start3A_44 = tpu.memref_slice %arg2[%dma_start3A_42, %dma_start3A_43] : memref<10240x128xf32, #tpu.memory_space<hbm>> -> memref<10240x128xf32, #tpu.memory_space<hbm>>
    tpu.enqueue_indirect_dma source(%dma_start3A_44 : memref<10240x128xf32, #tpu.memory_space<hbm>>) target(%dma_start3A_41 : memref<128x128xf32, #tpu.memory_space<vmem>>) offsets(%arg7 : memref<128xi32, #tpu.memory_space<vmem>>) semaphore(%arg11 : memref<!tpu.dma_semaphore, #tpu.memory_space<semaphore_mem>>)
    %dma_start3A_45 = arith.constant 1 : i32
    %dma_start3A_46 = arith.constant 0 : i32
    %dma_start3A_47 = arith.constant 0 : i32
    %dma_start3A_48 = tpu.memref_slice %arg10[%dma_start3A_45, %dma_start3A_46, %dma_start3A_47] : memref<2x128x128xf32, #tpu.memory_space<vmem>> -> memref<1x128x128xf32, #tpu.memory_space<vmem>>
    %dma_start3A_49 = tpu.memref_squeeze %dma_start3A_48 : memref<1x128x128xf32, #tpu.memory_space<vmem>> -> memref<128x128xf32, #tpu.memory_space<vmem>>
    %dma_start3A_50 = arith.constant 0 : i32
    %dma_start3A_51 = arith.constant 0 : i32
    %dma_start3A_52 = tpu.memref_slice %arg2[%dma_start3A_50, %dma_start3A_51] : memref<10240x128xf32, #tpu.memory_space<hbm>> -> memref<10240x128xf32, #tpu.memory_space<hbm>>
    tpu.enqueue_indirect_dma source(%dma_start3A_52 : memref<10240x128xf32, #tpu.memory_space<hbm>>) target(%dma_start3A_49 : memref<128x128xf32, #tpu.memory_space<vmem>>) offsets(%arg8 : memref<128xi32, #tpu.memory_space<vmem>>) semaphore(%arg12 : memref<!tpu.dma_semaphore, #tpu.memory_space<semaphore_mem>>)
    %add3A_53 = arith.constant 0 : i32
    %add3A_54 = arith.addi %mul3A_2, %add3A_53 : i32
    %run_scoped3A = arith.constant 0 : i32
    "tpu.region"() ({
      %run_scoped3A_152 = tpu.sem_alloc : memref<!tpu.dma_semaphore, #tpu.memory_space<semaphore_mem>>
      %dma_start3A_153 = arith.constant 0 : i32
      %dma_start3A_154 = arith.constant 0 : i32
      %dma_start3A_155 = tpu.memref_slice %arg9[%run_scoped3A, %dma_start3A_153, %dma_start3A_154] : memref<2x128x128xf32, #tpu.memory_space<vmem>> -> memref<1x128x128xf32, #tpu.memory_space<vmem>>
      %dma_start3A_156 = tpu.memref_squeeze %dma_start3A_155 : memref<1x128x128xf32, #tpu.memory_space<vmem>> -> memref<128x128xf32, #tpu.memory_space<vmem>>
      %dma_start3A_157 = arith.constant 0 : i32
      %dma_start3A_158 = tpu.memref_slice %arg5[%add3A_54, %dma_start3A_157] : memref<16384x128xf32, #tpu.memory_space<hbm>> -> memref<128x128xf32, #tpu.memory_space<hbm>>
      %dma_start3A_159 = arith.constant 0 : i32
      %dma_start3A_160 = tpu.memref_slice %arg5[%add3A_54, %dma_start3A_159] : memref<16384x128xf32, #tpu.memory_space<hbm>> -> memref<128x128xf32, #tpu.memory_space<hbm>>
      %dma_start3A_161 = arith.constant 0 : i32
      %dma_start3A_162 = arith.constant 0 : i32
      %dma_start3A_163 = tpu.memref_slice %arg9[%run_scoped3A, %dma_start3A_161, %dma_start3A_162] : memref<2x128x128xf32, #tpu.memory_space<vmem>> -> memref<1x128x128xf32, #tpu.memory_space<vmem>>
      %dma_start3A_164 = tpu.memref_squeeze %dma_start3A_163 : memref<1x128x128xf32, #tpu.memory_space<vmem>> -> memref<128x128xf32, #tpu.memory_space<vmem>>
      tpu.enqueue_dma source(%dma_start3A_164 : memref<128x128xf32, #tpu.memory_space<vmem>>) target(%dma_start3A_160 : memref<128x128xf32, #tpu.memory_space<hbm>>) target_semaphore(%run_scoped3A_152 : memref<!tpu.dma_semaphore, #tpu.memory_space<semaphore_mem>>)
      %dma_wait3A_165 = arith.constant 0 : i32
      %dma_wait3A_166 = arith.constant 0 : i32
      %dma_wait3A_167 = tpu.memref_slice %arg9[%run_scoped3A, %dma_wait3A_165, %dma_wait3A_166] : memref<2x128x128xf32, #tpu.memory_space<vmem>> -> memref<1x128x128xf32, #tpu.memory_space<vmem>>
      %dma_wait3A_168 = tpu.memref_squeeze %dma_wait3A_167 : memref<1x128x128xf32, #tpu.memory_space<vmem>> -> memref<128x128xf32, #tpu.memory_space<vmem>>
      %dma_wait3A_169 = arith.constant 0 : i32
      %dma_wait3A_170 = tpu.memref_slice %arg5[%add3A_54, %dma_wait3A_169] : memref<16384x128xf32, #tpu.memory_space<hbm>> -> memref<128x128xf32, #tpu.memory_space<hbm>>
      %dma_wait3A_171 = arith.constant 0 : i32
      %dma_wait3A_172 = tpu.memref_slice %arg5[%add3A_54, %dma_wait3A_171] : memref<16384x128xf32, #tpu.memory_space<hbm>> -> memref<128x128xf32, #tpu.memory_space<hbm>>
      %dma_wait3A_173 = arith.constant 0 : i32
      %dma_wait3A_174 = arith.constant 0 : i32
      %dma_wait3A_175 = tpu.memref_slice %arg9[%run_scoped3A, %dma_wait3A_173, %dma_wait3A_174] : memref<2x128x128xf32, #tpu.memory_space<vmem>> -> memref<1x128x128xf32, #tpu.memory_space<vmem>>
      %dma_wait3A_176 = tpu.memref_squeeze %dma_wait3A_175 : memref<1x128x128xf32, #tpu.memory_space<vmem>> -> memref<128x128xf32, #tpu.memory_space<vmem>>
      tpu.wait_dma2 semaphore(%run_scoped3A_152 : memref<!tpu.dma_semaphore, #tpu.memory_space<semaphore_mem>>) src(%dma_wait3A_176 : memref<128x128xf32, #tpu.memory_space<vmem>>) dst(%dma_wait3A_172 : memref<128x128xf32, #tpu.memory_space<hbm>>)
      tpu.yield
    }) : () -> ()
    %run_scoped3A_55 = arith.constant 0 : i32
    "tpu.region"() ({
      %run_scoped3A_152 = tpu.sem_alloc : memref<!tpu.dma_semaphore, #tpu.memory_space<semaphore_mem>>
      %dma_start3A_153 = arith.constant 0 : i32
      %dma_start3A_154 = arith.constant 0 : i32
      %dma_start3A_155 = tpu.memref_slice %arg10[%run_scoped3A_55, %dma_start3A_153, %dma_start3A_154] : memref<2x128x128xf32, #tpu.memory_space<vmem>> -> memref<1x128x128xf32, #tpu.memory_space<vmem>>
      %dma_start3A_156 = tpu.memref_squeeze %dma_start3A_155 : memref<1x128x128xf32, #tpu.memory_space<vmem>> -> memref<128x128xf32, #tpu.memory_space<vmem>>
      %dma_start3A_157 = arith.constant 0 : i32
      %dma_start3A_158 = tpu.memref_slice %arg6[%add3A_54, %dma_start3A_157] : memref<16384x128xf32, #tpu.memory_space<hbm>> -> memref<128x128xf32, #tpu.memory_space<hbm>>
      %dma_start3A_159 = arith.constant 0 : i32
      %dma_start3A_160 = tpu.memref_slice %arg6[%add3A_54, %dma_start3A_159] : memref<16384x128xf32, #tpu.memory_space<hbm>> -> memref<128x128xf32, #tpu.memory_space<hbm>>
      %dma_start3A_161 = arith.constant 0 : i32
      %dma_start3A_162 = arith.constant 0 : i32
      %dma_start3A_163 = tpu.memref_slice %arg10[%run_scoped3A_55, %dma_start3A_161, %dma_start3A_162] : memref<2x128x128xf32, #tpu.memory_space<vmem>> -> memref<1x128x128xf32, #tpu.memory_space<vmem>>
      %dma_start3A_164 = tpu.memref_squeeze %dma_start3A_163 : memref<1x128x128xf32, #tpu.memory_space<vmem>> -> memref<128x128xf32, #tpu.memory_space<vmem>>
      tpu.enqueue_dma source(%dma_start3A_164 : memref<128x128xf32, #tpu.memory_space<vmem>>) target(%dma_start3A_160 : memref<128x128xf32, #tpu.memory_space<hbm>>) target_semaphore(%run_scoped3A_152 : memref<!tpu.dma_semaphore, #tpu.memory_space<semaphore_mem>>)
      %dma_wait3A_165 = arith.constant 0 : i32
      %dma_wait3A_166 = arith.constant 0 : i32
      %dma_wait3A_167 = tpu.memref_slice %arg10[%run_scoped3A_55, %dma_wait3A_165, %dma_wait3A_166] : memref<2x128x128xf32, #tpu.memory_space<vmem>> -> memref<1x128x128xf32, #tpu.memory_space<vmem>>
      %dma_wait3A_168 = tpu.memref_squeeze %dma_wait3A_167 : memref<1x128x128xf32, #tpu.memory_space<vmem>> -> memref<128x128xf32, #tpu.memory_space<vmem>>
      %dma_wait3A_169 = arith.constant 0 : i32
      %dma_wait3A_170 = tpu.memref_slice %arg6[%add3A_54, %dma_wait3A_169] : memref<16384x128xf32, #tpu.memory_space<hbm>> -> memref<128x128xf32, #tpu.memory_space<hbm>>
      %dma_wait3A_171 = arith.constant 0 : i32
      %dma_wait3A_172 = tpu.memref_slice %arg6[%add3A_54, %dma_wait3A_171] : memref<16384x128xf32, #tpu.memory_space<hbm>> -> memref<128x128xf32, #tpu.memory_space<hbm>>
      %dma_wait3A_173 = arith.constant 0 : i32
      %dma_wait3A_174 = arith.constant 0 : i32
      %dma_wait3A_175 = tpu.memref_slice %arg10[%run_scoped3A_55, %dma_wait3A_173, %dma_wait3A_174] : memref<2x128x128xf32, #tpu.memory_space<vmem>> -> memref<1x128x128xf32, #tpu.memory_space<vmem>>
      %dma_wait3A_176 = tpu.memref_squeeze %dma_wait3A_175 : memref<1x128x128xf32, #tpu.memory_space<vmem>> -> memref<128x128xf32, #tpu.memory_space<vmem>>
      tpu.wait_dma2 semaphore(%run_scoped3A_152 : memref<!tpu.dma_semaphore, #tpu.memory_space<semaphore_mem>>) src(%dma_wait3A_176 : memref<128x128xf32, #tpu.memory_space<vmem>>) dst(%dma_wait3A_172 : memref<128x128xf32, #tpu.memory_space<hbm>>)
      tpu.yield
    }) : () -> ()
    %dma_wait3A_56 = arith.constant 1 : i32
    %dma_wait3A_57 = arith.constant 0 : i32
    %dma_wait3A_58 = arith.constant 0 : i32
    %dma_wait3A_59 = tpu.memref_slice %arg9[%dma_wait3A_56, %dma_wait3A_57, %dma_wait3A_58] : memref<2x128x128xf32, #tpu.memory_space<vmem>> -> memref<1x128x128xf32, #tpu.memory_space<vmem>>
    %dma_wait3A_60 = tpu.memref_squeeze %dma_wait3A_59 : memref<1x128x128xf32, #tpu.memory_space<vmem>> -> memref<128x128xf32, #tpu.memory_space<vmem>>
    %dma_wait3A_61 = arith.constant 0 : i32
    %dma_wait3A_62 = arith.constant 0 : i32
    %dma_wait3A_63 = tpu.memref_slice %arg2[%dma_wait3A_61, %dma_wait3A_62] : memref<10240x128xf32, #tpu.memory_space<hbm>> -> memref<10240x128xf32, #tpu.memory_space<hbm>>
    tpu.wait_indirect_dma semaphore(%arg11 : memref<!tpu.dma_semaphore, #tpu.memory_space<semaphore_mem>>) src(%dma_wait3A_63 : memref<10240x128xf32, #tpu.memory_space<hbm>>) dst(%dma_wait3A_60 : memref<128x128xf32, #tpu.memory_space<vmem>>)
    %dma_wait3A_64 = arith.constant 1 : i32
    %dma_wait3A_65 = arith.constant 0 : i32
    %dma_wait3A_66 = arith.constant 0 : i32
    %dma_wait3A_67 = tpu.memref_slice %arg10[%dma_wait3A_64, %dma_wait3A_65, %dma_wait3A_66] : memref<2x128x128xf32, #tpu.memory_space<vmem>> -> memref<1x128x128xf32, #tpu.memory_space<vmem>>
    %dma_wait3A_68 = tpu.memref_squeeze %dma_wait3A_67 : memref<1x128x128xf32, #tpu.memory_space<vmem>> -> memref<128x128xf32, #tpu.memory_space<vmem>>
    %dma_wait3A_69 = arith.constant 0 : i32
    %dma_wait3A_70 = arith.constant 0 : i32
    %dma_wait3A_71 = tpu.memref_slice %arg2[%dma_wait3A_69, %dma_wait3A_70] : memref<10240x128xf32, #tpu.memory_space<hbm>> -> memref<10240x128xf32, #tpu.memory_space<hbm>>
    tpu.wait_indirect_dma semaphore(%arg12 : memref<!tpu.dma_semaphore, #tpu.memory_space<semaphore_mem>>) src(%dma_wait3A_71 : memref<10240x128xf32, #tpu.memory_space<hbm>>) dst(%dma_wait3A_68 : memref<128x128xf32, #tpu.memory_space<vmem>>)
    %add3A_72 = arith.constant 256 : i32
    %add3A_73 = arith.addi %mul3A_2, %add3A_72 : i32
    "tpu.region"() ({
      %run_scoped3A_152 = tpu.sem_alloc : memref<!tpu.dma_semaphore, #tpu.memory_space<semaphore_mem>>
      %dma_start3A_153 = tpu.memref_slice %arg3[%add3A_73] : memref<16384xi32, #tpu.memory_space<hbm>> -> memref<128xi32, #tpu.memory_space<hbm>>
      %dma_start3A_154 = tpu.memref_slice %arg3[%add3A_73] : memref<16384xi32, #tpu.memory_space<hbm>> -> memref<128xi32, #tpu.memory_space<hbm>>
      tpu.enqueue_dma source(%dma_start3A_154 : memref<128xi32, #tpu.memory_space<hbm>>) target(%arg7 : memref<128xi32, #tpu.memory_space<vmem>>) target_semaphore(%run_scoped3A_152 : memref<!tpu.dma_semaphore, #tpu.memory_space<semaphore_mem>>)
      %dma_wait3A_155 = tpu.memref_slice %arg3[%add3A_73] : memref<16384xi32, #tpu.memory_space<hbm>> -> memref<128xi32, #tpu.memory_space<hbm>>
      %dma_wait3A_156 = tpu.memref_slice %arg3[%add3A_73] : memref<16384xi32, #tpu.memory_space<hbm>> -> memref<128xi32, #tpu.memory_space<hbm>>
      tpu.wait_dma2 semaphore(%run_scoped3A_152 : memref<!tpu.dma_semaphore, #tpu.memory_space<semaphore_mem>>) src(%dma_wait3A_156 : memref<128xi32, #tpu.memory_space<hbm>>) dst(%arg7 : memref<128xi32, #tpu.memory_space<vmem>>)
      tpu.yield
    }) : () -> ()
    "tpu.region"() ({
      %run_scoped3A_152 = tpu.sem_alloc : memref<!tpu.dma_semaphore, #tpu.memory_space<semaphore_mem>>
      %dma_start3A_153 = tpu.memref_slice %arg4[%add3A_73] : memref<16384xi32, #tpu.memory_space<hbm>> -> memref<128xi32, #tpu.memory_space<hbm>>
      %dma_start3A_154 = tpu.memref_slice %arg4[%add3A_73] : memref<16384xi32, #tpu.memory_space<hbm>> -> memref<128xi32, #tpu.memory_space<hbm>>
      tpu.enqueue_dma source(%dma_start3A_154 : memref<128xi32, #tpu.memory_space<hbm>>) target(%arg8 : memref<128xi32, #tpu.memory_space<vmem>>) target_semaphore(%run_scoped3A_152 : memref<!tpu.dma_semaphore, #tpu.memory_space<semaphore_mem>>)
      %dma_wait3A_155 = tpu.memref_slice %arg4[%add3A_73] : memref<16384xi32, #tpu.memory_space<hbm>> -> memref<128xi32, #tpu.memory_space<hbm>>
      %dma_wait3A_156 = tpu.memref_slice %arg4[%add3A_73] : memref<16384xi32, #tpu.memory_space<hbm>> -> memref<128xi32, #tpu.memory_space<hbm>>
      tpu.wait_dma2 semaphore(%run_scoped3A_152 : memref<!tpu.dma_semaphore, #tpu.memory_space<semaphore_mem>>) src(%dma_wait3A_156 : memref<128xi32, #tpu.memory_space<hbm>>) dst(%arg8 : memref<128xi32, #tpu.memory_space<vmem>>)
      tpu.yield
    }) : () -> ()
    %dma_start3A_74 = arith.constant 0 : i32
    %dma_start3A_75 = arith.constant 0 : i32
    %dma_start3A_76 = arith.constant 0 : i32
    %dma_start3A_77 = tpu.memref_slice %arg9[%dma_start3A_74, %dma_start3A_75, %dma_start3A_76] : memref<2x128x128xf32, #tpu.memory_space<vmem>> -> memref<1x128x128xf32, #tpu.memory_space<vmem>>
    %dma_start3A_78 = tpu.memref_squeeze %dma_start3A_77 : memref<1x128x128xf32, #tpu.memory_space<vmem>> -> memref<128x128xf32, #tpu.memory_space<vmem>>
    %dma_start3A_79 = arith.constant 0 : i32
    %dma_start3A_80 = arith.constant 0 : i32
    %dma_start3A_81 = tpu.memref_slice %arg2[%dma_start3A_79, %dma_start3A_80] : memref<10240x128xf32, #tpu.memory_space<hbm>> -> memref<10240x128xf32, #tpu.memory_space<hbm>>
    tpu.enqueue_indirect_dma source(%dma_start3A_81 : memref<10240x128xf32, #tpu.memory_space<hbm>>) target(%dma_start3A_78 : memref<128x128xf32, #tpu.memory_space<vmem>>) offsets(%arg7 : memref<128xi32, #tpu.memory_space<vmem>>) semaphore(%arg11 : memref<!tpu.dma_semaphore, #tpu.memory_space<semaphore_mem>>)
    %dma_start3A_82 = arith.constant 0 : i32
    %dma_start3A_83 = arith.constant 0 : i32
    %dma_start3A_84 = arith.constant 0 : i32
    %dma_start3A_85 = tpu.memref_slice %arg10[%dma_start3A_82, %dma_start3A_83, %dma_start3A_84] : memref<2x128x128xf32, #tpu.memory_space<vmem>> -> memref<1x128x128xf32, #tpu.memory_space<vmem>>
    %dma_start3A_86 = tpu.memref_squeeze %dma_start3A_85 : memref<1x128x128xf32, #tpu.memory_space<vmem>> -> memref<128x128xf32, #tpu.memory_space<vmem>>
    %dma_start3A_87 = arith.constant 0 : i32
    %dma_start3A_88 = arith.constant 0 : i32
    %dma_start3A_89 = tpu.memref_slice %arg2[%dma_start3A_87, %dma_start3A_88] : memref<10240x128xf32, #tpu.memory_space<hbm>> -> memref<10240x128xf32, #tpu.memory_space<hbm>>
    tpu.enqueue_indirect_dma source(%dma_start3A_89 : memref<10240x128xf32, #tpu.memory_space<hbm>>) target(%dma_start3A_86 : memref<128x128xf32, #tpu.memory_space<vmem>>) offsets(%arg8 : memref<128xi32, #tpu.memory_space<vmem>>) semaphore(%arg12 : memref<!tpu.dma_semaphore, #tpu.memory_space<semaphore_mem>>)
    %add3A_90 = arith.constant 128 : i32
    %add3A_91 = arith.addi %mul3A_2, %add3A_90 : i32
    %run_scoped3A_92 = arith.constant 1 : i32
    "tpu.region"() ({
      %run_scoped3A_152 = tpu.sem_alloc : memref<!tpu.dma_semaphore, #tpu.memory_space<semaphore_mem>>
      %dma_start3A_153 = arith.constant 0 : i32
      %dma_start3A_154 = arith.constant 0 : i32
      %dma_start3A_155 = tpu.memref_slice %arg9[%run_scoped3A_92, %dma_start3A_153, %dma_start3A_154] : memref<2x128x128xf32, #tpu.memory_space<vmem>> -> memref<1x128x128xf32, #tpu.memory_space<vmem>>
      %dma_start3A_156 = tpu.memref_squeeze %dma_start3A_155 : memref<1x128x128xf32, #tpu.memory_space<vmem>> -> memref<128x128xf32, #tpu.memory_space<vmem>>
      %dma_start3A_157 = arith.constant 0 : i32
      %dma_start3A_158 = tpu.memref_slice %arg5[%add3A_91, %dma_start3A_157] : memref<16384x128xf32, #tpu.memory_space<hbm>> -> memref<128x128xf32, #tpu.memory_space<hbm>>
      %dma_start3A_159 = arith.constant 0 : i32
      %dma_start3A_160 = tpu.memref_slice %arg5[%add3A_91, %dma_start3A_159] : memref<16384x128xf32, #tpu.memory_space<hbm>> -> memref<128x128xf32, #tpu.memory_space<hbm>>
      %dma_start3A_161 = arith.constant 0 : i32
      %dma_start3A_162 = arith.constant 0 : i32
      %dma_start3A_163 = tpu.memref_slice %arg9[%run_scoped3A_92, %dma_start3A_161, %dma_start3A_162] : memref<2x128x128xf32, #tpu.memory_space<vmem>> -> memref<1x128x128xf32, #tpu.memory_space<vmem>>
      %dma_start3A_164 = tpu.memref_squeeze %dma_start3A_163 : memref<1x128x128xf32, #tpu.memory_space<vmem>> -> memref<128x128xf32, #tpu.memory_space<vmem>>
      tpu.enqueue_dma source(%dma_start3A_164 : memref<128x128xf32, #tpu.memory_space<vmem>>) target(%dma_start3A_160 : memref<128x128xf32, #tpu.memory_space<hbm>>) target_semaphore(%run_scoped3A_152 : memref<!tpu.dma_semaphore, #tpu.memory_space<semaphore_mem>>)
      %dma_wait3A_165 = arith.constant 0 : i32
      %dma_wait3A_166 = arith.constant 0 : i32
      %dma_wait3A_167 = tpu.memref_slice %arg9[%run_scoped3A_92, %dma_wait3A_165, %dma_wait3A_166] : memref<2x128x128xf32, #tpu.memory_space<vmem>> -> memref<1x128x128xf32, #tpu.memory_space<vmem>>
      %dma_wait3A_168 = tpu.memref_squeeze %dma_wait3A_167 : memref<1x128x128xf32, #tpu.memory_space<vmem>> -> memref<128x128xf32, #tpu.memory_space<vmem>>
      %dma_wait3A_169 = arith.constant 0 : i32
      %dma_wait3A_170 = tpu.memref_slice %arg5[%add3A_91, %dma_wait3A_169] : memref<16384x128xf32, #tpu.memory_space<hbm>> -> memref<128x128xf32, #tpu.memory_space<hbm>>
      %dma_wait3A_171 = arith.constant 0 : i32
      %dma_wait3A_172 = tpu.memref_slice %arg5[%add3A_91, %dma_wait3A_171] : memref<16384x128xf32, #tpu.memory_space<hbm>> -> memref<128x128xf32, #tpu.memory_space<hbm>>
      %dma_wait3A_173 = arith.constant 0 : i32
      %dma_wait3A_174 = arith.constant 0 : i32
      %dma_wait3A_175 = tpu.memref_slice %arg9[%run_scoped3A_92, %dma_wait3A_173, %dma_wait3A_174] : memref<2x128x128xf32, #tpu.memory_space<vmem>> -> memref<1x128x128xf32, #tpu.memory_space<vmem>>
      %dma_wait3A_176 = tpu.memref_squeeze %dma_wait3A_175 : memref<1x128x128xf32, #tpu.memory_space<vmem>> -> memref<128x128xf32, #tpu.memory_space<vmem>>
      tpu.wait_dma2 semaphore(%run_scoped3A_152 : memref<!tpu.dma_semaphore, #tpu.memory_space<semaphore_mem>>) src(%dma_wait3A_176 : memref<128x128xf32, #tpu.memory_space<vmem>>) dst(%dma_wait3A_172 : memref<128x128xf32, #tpu.memory_space<hbm>>)
      tpu.yield
    }) : () -> ()
    %run_scoped3A_93 = arith.constant 1 : i32
    "tpu.region"() ({
      %run_scoped3A_152 = tpu.sem_alloc : memref<!tpu.dma_semaphore, #tpu.memory_space<semaphore_mem>>
      %dma_start3A_153 = arith.constant 0 : i32
      %dma_start3A_154 = arith.constant 0 : i32
      %dma_start3A_155 = tpu.memref_slice %arg10[%run_scoped3A_93, %dma_start3A_153, %dma_start3A_154] : memref<2x128x128xf32, #tpu.memory_space<vmem>> -> memref<1x128x128xf32, #tpu.memory_space<vmem>>
      %dma_start3A_156 = tpu.memref_squeeze %dma_start3A_155 : memref<1x128x128xf32, #tpu.memory_space<vmem>> -> memref<128x128xf32, #tpu.memory_space<vmem>>
      %dma_start3A_157 = arith.constant 0 : i32
      %dma_start3A_158 = tpu.memref_slice %arg6[%add3A_91, %dma_start3A_157] : memref<16384x128xf32, #tpu.memory_space<hbm>> -> memref<128x128xf32, #tpu.memory_space<hbm>>
      %dma_start3A_159 = arith.constant 0 : i32
      %dma_start3A_160 = tpu.memref_slice %arg6[%add3A_91, %dma_start3A_159] : memref<16384x128xf32, #tpu.memory_space<hbm>> -> memref<128x128xf32, #tpu.memory_space<hbm>>
      %dma_start3A_161 = arith.constant 0 : i32
      %dma_start3A_162 = arith.constant 0 : i32
      %dma_start3A_163 = tpu.memref_slice %arg10[%run_scoped3A_93, %dma_start3A_161, %dma_start3A_162] : memref<2x128x128xf32, #tpu.memory_space<vmem>> -> memref<1x128x128xf32, #tpu.memory_space<vmem>>
      %dma_start3A_164 = tpu.memref_squeeze %dma_start3A_163 : memref<1x128x128xf32, #tpu.memory_space<vmem>> -> memref<128x128xf32, #tpu.memory_space<vmem>>
      tpu.enqueue_dma source(%dma_start3A_164 : memref<128x128xf32, #tpu.memory_space<vmem>>) target(%dma_start3A_160 : memref<128x128xf32, #tpu.memory_space<hbm>>) target_semaphore(%run_scoped3A_152 : memref<!tpu.dma_semaphore, #tpu.memory_space<semaphore_mem>>)
      %dma_wait3A_165 = arith.constant 0 : i32
      %dma_wait3A_166 = arith.constant 0 : i32
      %dma_wait3A_167 = tpu.memref_slice %arg10[%run_scoped3A_93, %dma_wait3A_165, %dma_wait3A_166] : memref<2x128x128xf32, #tpu.memory_space<vmem>> -> memref<1x128x128xf32, #tpu.memory_space<vmem>>
      %dma_wait3A_168 = tpu.memref_squeeze %dma_wait3A_167 : memref<1x128x128xf32, #tpu.memory_space<vmem>> -> memref<128x128xf32, #tpu.memory_space<vmem>>
      %dma_wait3A_169 = arith.constant 0 : i32
      %dma_wait3A_170 = tpu.memref_slice %arg6[%add3A_91, %dma_wait3A_169] : memref<16384x128xf32, #tpu.memory_space<hbm>> -> memref<128x128xf32, #tpu.memory_space<hbm>>
      %dma_wait3A_171 = arith.constant 0 : i32
      %dma_wait3A_172 = tpu.memref_slice %arg6[%add3A_91, %dma_wait3A_171] : memref<16384x128xf32, #tpu.memory_space<hbm>> -> memref<128x128xf32, #tpu.memory_space<hbm>>
      %dma_wait3A_173 = arith.constant 0 : i32
      %dma_wait3A_174 = arith.constant 0 : i32
      %dma_wait3A_175 = tpu.memref_slice %arg10[%run_scoped3A_93, %dma_wait3A_173, %dma_wait3A_174] : memref<2x128x128xf32, #tpu.memory_space<vmem>> -> memref<1x128x128xf32, #tpu.memory_space<vmem>>
      %dma_wait3A_176 = tpu.memref_squeeze %dma_wait3A_175 : memref<1x128x128xf32, #tpu.memory_space<vmem>> -> memref<128x128xf32, #tpu.memory_space<vmem>>
      tpu.wait_dma2 semaphore(%run_scoped3A_152 : memref<!tpu.dma_semaphore, #tpu.memory_space<semaphore_mem>>) src(%dma_wait3A_176 : memref<128x128xf32, #tpu.memory_space<vmem>>) dst(%dma_wait3A_172 : memref<128x128xf32, #tpu.memory_space<hbm>>)
      tpu.yield
    }) : () -> ()
    %dma_wait3A_94 = arith.constant 0 : i32
    %dma_wait3A_95 = arith.constant 0 : i32
    %dma_wait3A_96 = arith.constant 0 : i32
    %dma_wait3A_97 = tpu.memref_slice %arg9[%dma_wait3A_94, %dma_wait3A_95, %dma_wait3A_96] : memref<2x128x128xf32, #tpu.memory_space<vmem>> -> memref<1x128x128xf32, #tpu.memory_space<vmem>>
    %dma_wait3A_98 = tpu.memref_squeeze %dma_wait3A_97 : memref<1x128x128xf32, #tpu.memory_space<vmem>> -> memref<128x128xf32, #tpu.memory_space<vmem>>
    %dma_wait3A_99 = arith.constant 0 : i32
    %dma_wait3A_100 = arith.constant 0 : i32
    %dma_wait3A_101 = tpu.memref_slice %arg2[%dma_wait3A_99, %dma_wait3A_100] : memref<10240x128xf32, #tpu.memory_space<hbm>> -> memref<10240x128xf32, #tpu.memory_space<hbm>>
    tpu.wait_indirect_dma semaphore(%arg11 : memref<!tpu.dma_semaphore, #tpu.memory_space<semaphore_mem>>) src(%dma_wait3A_101 : memref<10240x128xf32, #tpu.memory_space<hbm>>) dst(%dma_wait3A_98 : memref<128x128xf32, #tpu.memory_space<vmem>>)
    %dma_wait3A_102 = arith.constant 0 : i32
    %dma_wait3A_103 = arith.constant 0 : i32
    %dma_wait3A_104 = arith.constant 0 : i32
    %dma_wait3A_105 = tpu.memref_slice %arg10[%dma_wait3A_102, %dma_wait3A_103, %dma_wait3A_104] : memref<2x128x128xf32, #tpu.memory_space<vmem>> -> memref<1x128x128xf32, #tpu.memory_space<vmem>>
    %dma_wait3A_106 = tpu.memref_squeeze %dma_wait3A_105 : memref<1x128x128xf32, #tpu.memory_space<vmem>> -> memref<128x128xf32, #tpu.memory_space<vmem>>
    %dma_wait3A_107 = arith.constant 0 : i32
    %dma_wait3A_108 = arith.constant 0 : i32
    %dma_wait3A_109 = tpu.memref_slice %arg2[%dma_wait3A_107, %dma_wait3A_108] : memref<10240x128xf32, #tpu.memory_space<hbm>> -> memref<10240x128xf32, #tpu.memory_space<hbm>>
    tpu.wait_indirect_dma semaphore(%arg12 : memref<!tpu.dma_semaphore, #tpu.memory_space<semaphore_mem>>) src(%dma_wait3A_109 : memref<10240x128xf32, #tpu.memory_space<hbm>>) dst(%dma_wait3A_106 : memref<128x128xf32, #tpu.memory_space<vmem>>)
    %add3A_110 = arith.constant 384 : i32
    %add3A_111 = arith.addi %mul3A_2, %add3A_110 : i32
    "tpu.region"() ({
      %run_scoped3A_152 = tpu.sem_alloc : memref<!tpu.dma_semaphore, #tpu.memory_space<semaphore_mem>>
      %dma_start3A_153 = tpu.memref_slice %arg3[%add3A_111] : memref<16384xi32, #tpu.memory_space<hbm>> -> memref<128xi32, #tpu.memory_space<hbm>>
      %dma_start3A_154 = tpu.memref_slice %arg3[%add3A_111] : memref<16384xi32, #tpu.memory_space<hbm>> -> memref<128xi32, #tpu.memory_space<hbm>>
      tpu.enqueue_dma source(%dma_start3A_154 : memref<128xi32, #tpu.memory_space<hbm>>) target(%arg7 : memref<128xi32, #tpu.memory_space<vmem>>) target_semaphore(%run_scoped3A_152 : memref<!tpu.dma_semaphore, #tpu.memory_space<semaphore_mem>>)
      %dma_wait3A_155 = tpu.memref_slice %arg3[%add3A_111] : memref<16384xi32, #tpu.memory_space<hbm>> -> memref<128xi32, #tpu.memory_space<hbm>>
      %dma_wait3A_156 = tpu.memref_slice %arg3[%add3A_111] : memref<16384xi32, #tpu.memory_space<hbm>> -> memref<128xi32, #tpu.memory_space<hbm>>
      tpu.wait_dma2 semaphore(%run_scoped3A_152 : memref<!tpu.dma_semaphore, #tpu.memory_space<semaphore_mem>>) src(%dma_wait3A_156 : memref<128xi32, #tpu.memory_space<hbm>>) dst(%arg7 : memref<128xi32, #tpu.memory_space<vmem>>)
      tpu.yield
    }) : () -> ()
    "tpu.region"() ({
      %run_scoped3A_152 = tpu.sem_alloc : memref<!tpu.dma_semaphore, #tpu.memory_space<semaphore_mem>>
      %dma_start3A_153 = tpu.memref_slice %arg4[%add3A_111] : memref<16384xi32, #tpu.memory_space<hbm>> -> memref<128xi32, #tpu.memory_space<hbm>>
      %dma_start3A_154 = tpu.memref_slice %arg4[%add3A_111] : memref<16384xi32, #tpu.memory_space<hbm>> -> memref<128xi32, #tpu.memory_space<hbm>>
      tpu.enqueue_dma source(%dma_start3A_154 : memref<128xi32, #tpu.memory_space<hbm>>) target(%arg8 : memref<128xi32, #tpu.memory_space<vmem>>) target_semaphore(%run_scoped3A_152 : memref<!tpu.dma_semaphore, #tpu.memory_space<semaphore_mem>>)
      %dma_wait3A_155 = tpu.memref_slice %arg4[%add3A_111] : memref<16384xi32, #tpu.memory_space<hbm>> -> memref<128xi32, #tpu.memory_space<hbm>>
      %dma_wait3A_156 = tpu.memref_slice %arg4[%add3A_111] : memref<16384xi32, #tpu.memory_space<hbm>> -> memref<128xi32, #tpu.memory_space<hbm>>
      tpu.wait_dma2 semaphore(%run_scoped3A_152 : memref<!tpu.dma_semaphore, #tpu.memory_space<semaphore_mem>>) src(%dma_wait3A_156 : memref<128xi32, #tpu.memory_space<hbm>>) dst(%arg8 : memref<128xi32, #tpu.memory_space<vmem>>)
      tpu.yield
    }) : () -> ()
    %dma_start3A_112 = arith.constant 1 : i32
    %dma_start3A_113 = arith.constant 0 : i32
    %dma_start3A_114 = arith.constant 0 : i32
    %dma_start3A_115 = tpu.memref_slice %arg9[%dma_start3A_112, %dma_start3A_113, %dma_start3A_114] : memref<2x128x128xf32, #tpu.memory_space<vmem>> -> memref<1x128x128xf32, #tpu.memory_space<vmem>>
    %dma_start3A_116 = tpu.memref_squeeze %dma_start3A_115 : memref<1x128x128xf32, #tpu.memory_space<vmem>> -> memref<128x128xf32, #tpu.memory_space<vmem>>
    %dma_start3A_117 = arith.constant 0 : i32
    %dma_start3A_118 = arith.constant 0 : i32
    %dma_start3A_119 = tpu.memref_slice %arg2[%dma_start3A_117, %dma_start3A_118] : memref<10240x128xf32, #tpu.memory_space<hbm>> -> memref<10240x128xf32, #tpu.memory_space<hbm>>
    tpu.enqueue_indirect_dma source(%dma_start3A_119 : memref<10240x128xf32, #tpu.memory_space<hbm>>) target(%dma_start3A_116 : memref<128x128xf32, #tpu.memory_space<vmem>>) offsets(%arg7 : memref<128xi32, #tpu.memory_space<vmem>>) semaphore(%arg11 : memref<!tpu.dma_semaphore, #tpu.memory_space<semaphore_mem>>)
    %dma_start3A_120 = arith.constant 1 : i32
    %dma_start3A_121 = arith.constant 0 : i32
    %dma_start3A_122 = arith.constant 0 : i32
    %dma_start3A_123 = tpu.memref_slice %arg10[%dma_start3A_120, %dma_start3A_121, %dma_start3A_122] : memref<2x128x128xf32, #tpu.memory_space<vmem>> -> memref<1x128x128xf32, #tpu.memory_space<vmem>>
    %dma_start3A_124 = tpu.memref_squeeze %dma_start3A_123 : memref<1x128x128xf32, #tpu.memory_space<vmem>> -> memref<128x128xf32, #tpu.memory_space<vmem>>
    %dma_start3A_125 = arith.constant 0 : i32
    %dma_start3A_126 = arith.constant 0 : i32
    %dma_start3A_127 = tpu.memref_slice %arg2[%dma_start3A_125, %dma_start3A_126] : memref<10240x128xf32, #tpu.memory_space<hbm>> -> memref<10240x128xf32, #tpu.memory_space<hbm>>
    tpu.enqueue_indirect_dma source(%dma_start3A_127 : memref<10240x128xf32, #tpu.memory_space<hbm>>) target(%dma_start3A_124 : memref<128x128xf32, #tpu.memory_space<vmem>>) offsets(%arg8 : memref<128xi32, #tpu.memory_space<vmem>>) semaphore(%arg12 : memref<!tpu.dma_semaphore, #tpu.memory_space<semaphore_mem>>)
    %add3A_128 = arith.constant 256 : i32
    %add3A_129 = arith.addi %mul3A_2, %add3A_128 : i32
    %run_scoped3A_130 = arith.constant 0 : i32
    "tpu.region"() ({
      %run_scoped3A_152 = tpu.sem_alloc : memref<!tpu.dma_semaphore, #tpu.memory_space<semaphore_mem>>
      %dma_start3A_153 = arith.constant 0 : i32
      %dma_start3A_154 = arith.constant 0 : i32
      %dma_start3A_155 = tpu.memref_slice %arg9[%run_scoped3A_130, %dma_start3A_153, %dma_start3A_154] : memref<2x128x128xf32, #tpu.memory_space<vmem>> -> memref<1x128x128xf32, #tpu.memory_space<vmem>>
      %dma_start3A_156 = tpu.memref_squeeze %dma_start3A_155 : memref<1x128x128xf32, #tpu.memory_space<vmem>> -> memref<128x128xf32, #tpu.memory_space<vmem>>
      %dma_start3A_157 = arith.constant 0 : i32
      %dma_start3A_158 = tpu.memref_slice %arg5[%add3A_129, %dma_start3A_157] : memref<16384x128xf32, #tpu.memory_space<hbm>> -> memref<128x128xf32, #tpu.memory_space<hbm>>
      %dma_start3A_159 = arith.constant 0 : i32
      %dma_start3A_160 = tpu.memref_slice %arg5[%add3A_129, %dma_start3A_159] : memref<16384x128xf32, #tpu.memory_space<hbm>> -> memref<128x128xf32, #tpu.memory_space<hbm>>
      %dma_start3A_161 = arith.constant 0 : i32
      %dma_start3A_162 = arith.constant 0 : i32
      %dma_start3A_163 = tpu.memref_slice %arg9[%run_scoped3A_130, %dma_start3A_161, %dma_start3A_162] : memref<2x128x128xf32, #tpu.memory_space<vmem>> -> memref<1x128x128xf32, #tpu.memory_space<vmem>>
      %dma_start3A_164 = tpu.memref_squeeze %dma_start3A_163 : memref<1x128x128xf32, #tpu.memory_space<vmem>> -> memref<128x128xf32, #tpu.memory_space<vmem>>
      tpu.enqueue_dma source(%dma_start3A_164 : memref<128x128xf32, #tpu.memory_space<vmem>>) target(%dma_start3A_160 : memref<128x128xf32, #tpu.memory_space<hbm>>) target_semaphore(%run_scoped3A_152 : memref<!tpu.dma_semaphore, #tpu.memory_space<semaphore_mem>>)
      %dma_wait3A_165 = arith.constant 0 : i32
      %dma_wait3A_166 = arith.constant 0 : i32
      %dma_wait3A_167 = tpu.memref_slice %arg9[%run_scoped3A_130, %dma_wait3A_165, %dma_wait3A_166] : memref<2x128x128xf32, #tpu.memory_space<vmem>> -> memref<1x128x128xf32, #tpu.memory_space<vmem>>
      %dma_wait3A_168 = tpu.memref_squeeze %dma_wait3A_167 : memref<1x128x128xf32, #tpu.memory_space<vmem>> -> memref<128x128xf32, #tpu.memory_space<vmem>>
      %dma_wait3A_169 = arith.constant 0 : i32
      %dma_wait3A_170 = tpu.memref_slice %arg5[%add3A_129, %dma_wait3A_169] : memref<16384x128xf32, #tpu.memory_space<hbm>> -> memref<128x128xf32, #tpu.memory_space<hbm>>
      %dma_wait3A_171 = arith.constant 0 : i32
      %dma_wait3A_172 = tpu.memref_slice %arg5[%add3A_129, %dma_wait3A_171] : memref<16384x128xf32, #tpu.memory_space<hbm>> -> memref<128x128xf32, #tpu.memory_space<hbm>>
      %dma_wait3A_173 = arith.constant 0 : i32
      %dma_wait3A_174 = arith.constant 0 : i32
      %dma_wait3A_175 = tpu.memref_slice %arg9[%run_scoped3A_130, %dma_wait3A_173, %dma_wait3A_174] : memref<2x128x128xf32, #tpu.memory_space<vmem>> -> memref<1x128x128xf32, #tpu.memory_space<vmem>>
      %dma_wait3A_176 = tpu.memref_squeeze %dma_wait3A_175 : memref<1x128x128xf32, #tpu.memory_space<vmem>> -> memref<128x128xf32, #tpu.memory_space<vmem>>
      tpu.wait_dma2 semaphore(%run_scoped3A_152 : memref<!tpu.dma_semaphore, #tpu.memory_space<semaphore_mem>>) src(%dma_wait3A_176 : memref<128x128xf32, #tpu.memory_space<vmem>>) dst(%dma_wait3A_172 : memref<128x128xf32, #tpu.memory_space<hbm>>)
      tpu.yield
    }) : () -> ()
    %run_scoped3A_131 = arith.constant 0 : i32
    "tpu.region"() ({
      %run_scoped3A_152 = tpu.sem_alloc : memref<!tpu.dma_semaphore, #tpu.memory_space<semaphore_mem>>
      %dma_start3A_153 = arith.constant 0 : i32
      %dma_start3A_154 = arith.constant 0 : i32
      %dma_start3A_155 = tpu.memref_slice %arg10[%run_scoped3A_131, %dma_start3A_153, %dma_start3A_154] : memref<2x128x128xf32, #tpu.memory_space<vmem>> -> memref<1x128x128xf32, #tpu.memory_space<vmem>>
      %dma_start3A_156 = tpu.memref_squeeze %dma_start3A_155 : memref<1x128x128xf32, #tpu.memory_space<vmem>> -> memref<128x128xf32, #tpu.memory_space<vmem>>
      %dma_start3A_157 = arith.constant 0 : i32
      %dma_start3A_158 = tpu.memref_slice %arg6[%add3A_129, %dma_start3A_157] : memref<16384x128xf32, #tpu.memory_space<hbm>> -> memref<128x128xf32, #tpu.memory_space<hbm>>
      %dma_start3A_159 = arith.constant 0 : i32
      %dma_start3A_160 = tpu.memref_slice %arg6[%add3A_129, %dma_start3A_159] : memref<16384x128xf32, #tpu.memory_space<hbm>> -> memref<128x128xf32, #tpu.memory_space<hbm>>
      %dma_start3A_161 = arith.constant 0 : i32
      %dma_start3A_162 = arith.constant 0 : i32
      %dma_start3A_163 = tpu.memref_slice %arg10[%run_scoped3A_131, %dma_start3A_161, %dma_start3A_162] : memref<2x128x128xf32, #tpu.memory_space<vmem>> -> memref<1x128x128xf32, #tpu.memory_space<vmem>>
      %dma_start3A_164 = tpu.memref_squeeze %dma_start3A_163 : memref<1x128x128xf32, #tpu.memory_space<vmem>> -> memref<128x128xf32, #tpu.memory_space<vmem>>
      tpu.enqueue_dma source(%dma_start3A_164 : memref<128x128xf32, #tpu.memory_space<vmem>>) target(%dma_start3A_160 : memref<128x128xf32, #tpu.memory_space<hbm>>) target_semaphore(%run_scoped3A_152 : memref<!tpu.dma_semaphore, #tpu.memory_space<semaphore_mem>>)
      %dma_wait3A_165 = arith.constant 0 : i32
      %dma_wait3A_166 = arith.constant 0 : i32
      %dma_wait3A_167 = tpu.memref_slice %arg10[%run_scoped3A_131, %dma_wait3A_165, %dma_wait3A_166] : memref<2x128x128xf32, #tpu.memory_space<vmem>> -> memref<1x128x128xf32, #tpu.memory_space<vmem>>
      %dma_wait3A_168 = tpu.memref_squeeze %dma_wait3A_167 : memref<1x128x128xf32, #tpu.memory_space<vmem>> -> memref<128x128xf32, #tpu.memory_space<vmem>>
      %dma_wait3A_169 = arith.constant 0 : i32
      %dma_wait3A_170 = tpu.memref_slice %arg6[%add3A_129, %dma_wait3A_169] : memref<16384x128xf32, #tpu.memory_space<hbm>> -> memref<128x128xf32, #tpu.memory_space<hbm>>
      %dma_wait3A_171 = arith.constant 0 : i32
      %dma_wait3A_172 = tpu.memref_slice %arg6[%add3A_129, %dma_wait3A_171] : memref<16384x128xf32, #tpu.memory_space<hbm>> -> memref<128x128xf32, #tpu.memory_space<hbm>>
      %dma_wait3A_173 = arith.constant 0 : i32
      %dma_wait3A_174 = arith.constant 0 : i32
      %dma_wait3A_175 = tpu.memref_slice %arg10[%run_scoped3A_131, %dma_wait3A_173, %dma_wait3A_174] : memref<2x128x128xf32, #tpu.memory_space<vmem>> -> memref<1x128x128xf32, #tpu.memory_space<vmem>>
      %dma_wait3A_176 = tpu.memref_squeeze %dma_wait3A_175 : memref<1x128x128xf32, #tpu.memory_space<vmem>> -> memref<128x128xf32, #tpu.memory_space<vmem>>
      tpu.wait_dma2 semaphore(%run_scoped3A_152 : memref<!tpu.dma_semaphore, #tpu.memory_space<semaphore_mem>>) src(%dma_wait3A_176 : memref<128x128xf32, #tpu.memory_space<vmem>>) dst(%dma_wait3A_172 : memref<128x128xf32, #tpu.memory_space<hbm>>)
      tpu.yield
    }) : () -> ()
    %dma_wait3A_132 = arith.constant 1 : i32
    %dma_wait3A_133 = arith.constant 0 : i32
    %dma_wait3A_134 = arith.constant 0 : i32
    %dma_wait3A_135 = tpu.memref_slice %arg9[%dma_wait3A_132, %dma_wait3A_133, %dma_wait3A_134] : memref<2x128x128xf32, #tpu.memory_space<vmem>> -> memref<1x128x128xf32, #tpu.memory_space<vmem>>
    %dma_wait3A_136 = tpu.memref_squeeze %dma_wait3A_135 : memref<1x128x128xf32, #tpu.memory_space<vmem>> -> memref<128x128xf32, #tpu.memory_space<vmem>>
    %dma_wait3A_137 = arith.constant 0 : i32
    %dma_wait3A_138 = arith.constant 0 : i32
    %dma_wait3A_139 = tpu.memref_slice %arg2[%dma_wait3A_137, %dma_wait3A_138] : memref<10240x128xf32, #tpu.memory_space<hbm>> -> memref<10240x128xf32, #tpu.memory_space<hbm>>
    tpu.wait_indirect_dma semaphore(%arg11 : memref<!tpu.dma_semaphore, #tpu.memory_space<semaphore_mem>>) src(%dma_wait3A_139 : memref<10240x128xf32, #tpu.memory_space<hbm>>) dst(%dma_wait3A_136 : memref<128x128xf32, #tpu.memory_space<vmem>>)
    %dma_wait3A_140 = arith.constant 1 : i32
    %dma_wait3A_141 = arith.constant 0 : i32
    %dma_wait3A_142 = arith.constant 0 : i32
    %dma_wait3A_143 = tpu.memref_slice %arg10[%dma_wait3A_140, %dma_wait3A_141, %dma_wait3A_142] : memref<2x128x128xf32, #tpu.memory_space<vmem>> -> memref<1x128x128xf32, #tpu.memory_space<vmem>>
    %dma_wait3A_144 = tpu.memref_squeeze %dma_wait3A_143 : memref<1x128x128xf32, #tpu.memory_space<vmem>> -> memref<128x128xf32, #tpu.memory_space<vmem>>
    %dma_wait3A_145 = arith.constant 0 : i32
    %dma_wait3A_146 = arith.constant 0 : i32
    %dma_wait3A_147 = tpu.memref_slice %arg2[%dma_wait3A_145, %dma_wait3A_146] : memref<10240x128xf32, #tpu.memory_space<hbm>> -> memref<10240x128xf32, #tpu.memory_space<hbm>>
    tpu.wait_indirect_dma semaphore(%arg12 : memref<!tpu.dma_semaphore, #tpu.memory_space<semaphore_mem>>) src(%dma_wait3A_147 : memref<10240x128xf32, #tpu.memory_space<hbm>>) dst(%dma_wait3A_144 : memref<128x128xf32, #tpu.memory_space<vmem>>)
    %add3A_148 = arith.constant 384 : i32
    %add3A_149 = arith.addi %mul3A_2, %add3A_148 : i32
    %run_scoped3A_150 = arith.constant 1 : i32
    "tpu.region"() ({
      %run_scoped3A_152 = tpu.sem_alloc : memref<!tpu.dma_semaphore, #tpu.memory_space<semaphore_mem>>
      %dma_start3A_153 = arith.constant 0 : i32
      %dma_start3A_154 = arith.constant 0 : i32
      %dma_start3A_155 = tpu.memref_slice %arg9[%run_scoped3A_150, %dma_start3A_153, %dma_start3A_154] : memref<2x128x128xf32, #tpu.memory_space<vmem>> -> memref<1x128x128xf32, #tpu.memory_space<vmem>>
      %dma_start3A_156 = tpu.memref_squeeze %dma_start3A_155 : memref<1x128x128xf32, #tpu.memory_space<vmem>> -> memref<128x128xf32, #tpu.memory_space<vmem>>
      %dma_start3A_157 = arith.constant 0 : i32
      %dma_start3A_158 = tpu.memref_slice %arg5[%add3A_149, %dma_start3A_157] : memref<16384x128xf32, #tpu.memory_space<hbm>> -> memref<128x128xf32, #tpu.memory_space<hbm>>
      %dma_start3A_159 = arith.constant 0 : i32
      %dma_start3A_160 = tpu.memref_slice %arg5[%add3A_149, %dma_start3A_159] : memref<16384x128xf32, #tpu.memory_space<hbm>> -> memref<128x128xf32, #tpu.memory_space<hbm>>
      %dma_start3A_161 = arith.constant 0 : i32
      %dma_start3A_162 = arith.constant 0 : i32
      %dma_start3A_163 = tpu.memref_slice %arg9[%run_scoped3A_150, %dma_start3A_161, %dma_start3A_162] : memref<2x128x128xf32, #tpu.memory_space<vmem>> -> memref<1x128x128xf32, #tpu.memory_space<vmem>>
      %dma_start3A_164 = tpu.memref_squeeze %dma_start3A_163 : memref<1x128x128xf32, #tpu.memory_space<vmem>> -> memref<128x128xf32, #tpu.memory_space<vmem>>
      tpu.enqueue_dma source(%dma_start3A_164 : memref<128x128xf32, #tpu.memory_space<vmem>>) target(%dma_start3A_160 : memref<128x128xf32, #tpu.memory_space<hbm>>) target_semaphore(%run_scoped3A_152 : memref<!tpu.dma_semaphore, #tpu.memory_space<semaphore_mem>>)
      %dma_wait3A_165 = arith.constant 0 : i32
      %dma_wait3A_166 = arith.constant 0 : i32
      %dma_wait3A_167 = tpu.memref_slice %arg9[%run_scoped3A_150, %dma_wait3A_165, %dma_wait3A_166] : memref<2x128x128xf32, #tpu.memory_space<vmem>> -> memref<1x128x128xf32, #tpu.memory_space<vmem>>
      %dma_wait3A_168 = tpu.memref_squeeze %dma_wait3A_167 : memref<1x128x128xf32, #tpu.memory_space<vmem>> -> memref<128x128xf32, #tpu.memory_space<vmem>>
      %dma_wait3A_169 = arith.constant 0 : i32
      %dma_wait3A_170 = tpu.memref_slice %arg5[%add3A_149, %dma_wait3A_169] : memref<16384x128xf32, #tpu.memory_space<hbm>> -> memref<128x128xf32, #tpu.memory_space<hbm>>
      %dma_wait3A_171 = arith.constant 0 : i32
      %dma_wait3A_172 = tpu.memref_slice %arg5[%add3A_149, %dma_wait3A_171] : memref<16384x128xf32, #tpu.memory_space<hbm>> -> memref<128x128xf32, #tpu.memory_space<hbm>>
      %dma_wait3A_173 = arith.constant 0 : i32
      %dma_wait3A_174 = arith.constant 0 : i32
      %dma_wait3A_175 = tpu.memref_slice %arg9[%run_scoped3A_150, %dma_wait3A_173, %dma_wait3A_174] : memref<2x128x128xf32, #tpu.memory_space<vmem>> -> memref<1x128x128xf32, #tpu.memory_space<vmem>>
      %dma_wait3A_176 = tpu.memref_squeeze %dma_wait3A_175 : memref<1x128x128xf32, #tpu.memory_space<vmem>> -> memref<128x128xf32, #tpu.memory_space<vmem>>
      tpu.wait_dma2 semaphore(%run_scoped3A_152 : memref<!tpu.dma_semaphore, #tpu.memory_space<semaphore_mem>>) src(%dma_wait3A_176 : memref<128x128xf32, #tpu.memory_space<vmem>>) dst(%dma_wait3A_172 : memref<128x128xf32, #tpu.memory_space<hbm>>)
      tpu.yield
    }) : () -> ()
    %run_scoped3A_151 = arith.constant 1 : i32
    "tpu.region"() ({
      %run_scoped3A_152 = tpu.sem_alloc : memref<!tpu.dma_semaphore, #tpu.memory_space<semaphore_mem>>
      %dma_start3A_153 = arith.constant 0 : i32
      %dma_start3A_154 = arith.constant 0 : i32
      %dma_start3A_155 = tpu.memref_slice %arg10[%run_scoped3A_151, %dma_start3A_153, %dma_start3A_154] : memref<2x128x128xf32, #tpu.memory_space<vmem>> -> memref<1x128x128xf32, #tpu.memory_space<vmem>>
      %dma_start3A_156 = tpu.memref_squeeze %dma_start3A_155 : memref<1x128x128xf32, #tpu.memory_space<vmem>> -> memref<128x128xf32, #tpu.memory_space<vmem>>
      %dma_start3A_157 = arith.constant 0 : i32
      %dma_start3A_158 = tpu.memref_slice %arg6[%add3A_149, %dma_start3A_157] : memref<16384x128xf32, #tpu.memory_space<hbm>> -> memref<128x128xf32, #tpu.memory_space<hbm>>
      %dma_start3A_159 = arith.constant 0 : i32
      %dma_start3A_160 = tpu.memref_slice %arg6[%add3A_149, %dma_start3A_159] : memref<16384x128xf32, #tpu.memory_space<hbm>> -> memref<128x128xf32, #tpu.memory_space<hbm>>
      %dma_start3A_161 = arith.constant 0 : i32
      %dma_start3A_162 = arith.constant 0 : i32
      %dma_start3A_163 = tpu.memref_slice %arg10[%run_scoped3A_151, %dma_start3A_161, %dma_start3A_162] : memref<2x128x128xf32, #tpu.memory_space<vmem>> -> memref<1x128x128xf32, #tpu.memory_space<vmem>>
      %dma_start3A_164 = tpu.memref_squeeze %dma_start3A_163 : memref<1x128x128xf32, #tpu.memory_space<vmem>> -> memref<128x128xf32, #tpu.memory_space<vmem>>
      tpu.enqueue_dma source(%dma_start3A_164 : memref<128x128xf32, #tpu.memory_space<vmem>>) target(%dma_start3A_160 : memref<128x128xf32, #tpu.memory_space<hbm>>) target_semaphore(%run_scoped3A_152 : memref<!tpu.dma_semaphore, #tpu.memory_space<semaphore_mem>>)
      %dma_wait3A_165 = arith.constant 0 : i32
      %dma_wait3A_166 = arith.constant 0 : i32
      %dma_wait3A_167 = tpu.memref_slice %arg10[%run_scoped3A_151, %dma_wait3A_165, %dma_wait3A_166] : memref<2x128x128xf32, #tpu.memory_space<vmem>> -> memref<1x128x128xf32, #tpu.memory_space<vmem>>
      %dma_wait3A_168 = tpu.memref_squeeze %dma_wait3A_167 : memref<1x128x128xf32, #tpu.memory_space<vmem>> -> memref<128x128xf32, #tpu.memory_space<vmem>>
      %dma_wait3A_169 = arith.constant 0 : i32
      %dma_wait3A_170 = tpu.memref_slice %arg6[%add3A_149, %dma_wait3A_169] : memref<16384x128xf32, #tpu.memory_space<hbm>> -> memref<128x128xf32, #tpu.memory_space<hbm>>
      %dma_wait3A_171 = arith.constant 0 : i32
      %dma_wait3A_172 = tpu.memref_slice %arg6[%add3A_149, %dma_wait3A_171] : memref<16384x128xf32, #tpu.memory_space<hbm>> -> memref<128x128xf32, #tpu.memory_space<hbm>>
      %dma_wait3A_173 = arith.constant 0 : i32
      %dma_wait3A_174 = arith.constant 0 : i32
      %dma_wait3A_175 = tpu.memref_slice %arg10[%run_scoped3A_151, %dma_wait3A_173, %dma_wait3A_174] : memref<2x128x128xf32, #tpu.memory_space<vmem>> -> memref<1x128x128xf32, #tpu.memory_space<vmem>>
      %dma_wait3A_176 = tpu.memref_squeeze %dma_wait3A_175 : memref<1x128x128xf32, #tpu.memory_space<vmem>> -> memref<128x128xf32, #tpu.memory_space<vmem>>
      tpu.wait_dma2 semaphore(%run_scoped3A_152 : memref<!tpu.dma_semaphore, #tpu.memory_space<semaphore_mem>>) src(%dma_wait3A_176 : memref<128x128xf32, #tpu.memory_space<vmem>>) dst(%dma_wait3A_172 : memref<128x128xf32, #tpu.memory_space<hbm>>)
      tpu.yield
    }) : () -> ()
    return
  }
}

module attributes {stable_mosaic.version = 14 : i64} {
  func.func @body(%arg0: memref<4032x80xi32, #tpu.memory_space<vmem>>, %arg1: memref<4032x80xi32, #tpu.memory_space<vmem>>, %arg2: memref<16x64xf32, #tpu.memory_space<vmem>>, %arg3: memref<2x4032x80xi32, #tpu.memory_space<vmem>>, %arg4: memref<16x128xf32, #tpu.memory_space<vmem>>) attributes {dimension_semantics = [], scalar_prefetch = 0 : i64, scratch_operands = 0 : i64, tpu.core_type = #tpu.core_type<tc>} {
    %get3A = arith.constant 0 : index
    %get3A_0 = arith.constant 0 : index
    %get3A_1 = vector.load %arg1[%get3A, %get3A_0] : memref<4032x80xi32, #tpu.memory_space<vmem>>, vector<4032x80xi32>
    %mul3A = arith.constant 10240 : i32
    %mul3A_2 = vector.broadcast %mul3A : i32 to vector<4032x80xi32>
    %mul3A_3 = arith.muli %get3A_1, %mul3A_2 : vector<4032x80xi32>
    %get3A_4 = arith.constant 0 : index
    %get3A_5 = arith.constant 0 : index
    %get3A_6 = vector.load %arg0[%get3A_4, %get3A_5] : memref<4032x80xi32, #tpu.memory_space<vmem>>, vector<4032x80xi32>
    %add3A = arith.addi %mul3A_3, %get3A_6 : vector<4032x80xi32>
    %swap3A = arith.constant 0 : index
    %swap3A_7 = arith.constant 0 : index
    %swap3A_8 = arith.constant 0 : index
    %swap3A_9 = vector.load %arg3[%swap3A, %swap3A_7, %swap3A_8] : memref<2x4032x80xi32, #tpu.memory_space<vmem>>, vector<1x4032x80xi32>
    %swap3A_10 = vector.shape_cast %swap3A_9 : vector<1x4032x80xi32> to vector<4032x80xi32>
    %swap3A_11 = vector.shape_cast %add3A : vector<4032x80xi32> to vector<1x4032x80xi32>
    tpu.vector_store %arg3[%swap3A, %swap3A_7, %swap3A_8], %swap3A_11 {strides = array<i32>} : memref<2x4032x80xi32, #tpu.memory_space<vmem>>, vector<1x4032x80xi32>,
    %add3A_12 = arith.constant 163840 : i32
    %add3A_13 = vector.broadcast %add3A_12 : i32 to vector<4032x80xi32>
    %add3A_14 = arith.addi %add3A, %add3A_13 : vector<4032x80xi32>
    %swap3A_15 = arith.constant 1 : index
    %swap3A_16 = arith.constant 0 : index
    %swap3A_17 = arith.constant 0 : index
    %swap3A_18 = vector.load %arg3[%swap3A_15, %swap3A_16, %swap3A_17] : memref<2x4032x80xi32, #tpu.memory_space<vmem>>, vector<1x4032x80xi32>
    %swap3A_19 = vector.shape_cast %swap3A_18 : vector<1x4032x80xi32> to vector<4032x80xi32>
    %swap3A_20 = vector.shape_cast %add3A_14 : vector<4032x80xi32> to vector<1x4032x80xi32>
    tpu.vector_store %arg3[%swap3A_15, %swap3A_16, %swap3A_17], %swap3A_20 {strides = array<i32>} : memref<2x4032x80xi32, #tpu.memory_space<vmem>>, vector<1x4032x80xi32>,
    %get3A_21 = arith.constant 0 : index
    %get3A_22 = arith.constant 0 : index
    %get3A_23 = vector.load %arg2[%get3A_21, %get3A_22] : memref<16x64xf32, #tpu.memory_space<vmem>>, vector<16x64xf32>
    %cos3A = math.cos %get3A_23 : vector<16x64xf32>
    %sin3A = math.sin %get3A_23 : vector<16x64xf32>
    %concatenate3A = tpu.concatenate %cos3A, %sin3A in 1 : vector<16x64xf32>, vector<16x64xf32> -> vector<16x128xf32>
    %swap3A_24 = arith.constant 0 : index
    %swap3A_25 = arith.constant 0 : index
    %swap3A_26 = vector.load %arg4[%swap3A_24, %swap3A_25] : memref<16x128xf32, #tpu.memory_space<vmem>>, vector<16x128xf32>
    tpu.vector_store %arg4[%swap3A_24, %swap3A_25], %concatenate3A {strides = array<i32>} : memref<16x128xf32, #tpu.memory_space<vmem>>, vector<16x128xf32>,
    return
  }
}

module attributes {stable_mosaic.version = 14 : i64} {
  func.func @body(%arg0: i32, %arg1: memref<32xf32, #tpu.memory_space<smem>>, %arg2: memref<512x128xf32, #tpu.memory_space<vmem>>, %arg3: memref<32x512x128xf32, #tpu.memory_space<vmem>>) attributes {dimension_semantics = [#tpu.dimension_semantics<arbitrary>], iteration_bounds = array<i64: 20>, scalar_prefetch = 0 : i64, scratch_operands = 0 : i64, tpu.core_type = #tpu.core_type<tc>, window_params = [{transform_indices = @transform_0, window_bounds = array<i64: 32>}, {transform_indices = @transform_1, window_bounds = array<i64: 512, 128>}, {transform_indices = @transform_2, window_bounds = array<i64: 32, 512, 128>}]} {
    %get3A = arith.constant 0 : index
    %get3A_0 = arith.constant 0 : index
    %get3A_1 = vector.load %arg2[%get3A, %get3A_0] : memref<512x128xf32, #tpu.memory_space<vmem>>, vector<512x128xf32>
    %get3A_2 = arith.constant 0 : index
    %get3A_3 = memref.load %arg1[%get3A_2] : memref<32xf32, #tpu.memory_space<smem>>
    %mul3A = vector.broadcast %get3A_3 : f32 to vector<512x128xf32>
    %mul3A_4 = arith.mulf %get3A_1, %mul3A : vector<512x128xf32>
    %swap3A = arith.constant 0 : index
    %swap3A_5 = arith.constant 0 : index
    %swap3A_6 = arith.constant 0 : index
    %swap3A_7 = vector.load %arg3[%swap3A, %swap3A_5, %swap3A_6] : memref<32x512x128xf32, #tpu.memory_space<vmem>>, vector<1x512x128xf32>
    %swap3A_8 = vector.shape_cast %swap3A_7 : vector<1x512x128xf32> to vector<512x128xf32>
    %swap3A_9 = vector.shape_cast %mul3A_4 : vector<512x128xf32> to vector<1x512x128xf32>
    tpu.vector_store %arg3[%swap3A, %swap3A_5, %swap3A_6], %swap3A_9 {strides = array<i32>} : memref<32x512x128xf32, #tpu.memory_space<vmem>>, vector<1x512x128xf32>,
    %get3A_10 = arith.constant 1 : index
    %get3A_11 = memref.load %arg1[%get3A_10] : memref<32xf32, #tpu.memory_space<smem>>
    %mul3A_12 = vector.broadcast %get3A_11 : f32 to vector<512x128xf32>
    %mul3A_13 = arith.mulf %get3A_1, %mul3A_12 : vector<512x128xf32>
    %swap3A_14 = arith.constant 1 : index
    %swap3A_15 = arith.constant 0 : index
    %swap3A_16 = arith.constant 0 : index
    %swap3A_17 = vector.load %arg3[%swap3A_14, %swap3A_15, %swap3A_16] : memref<32x512x128xf32, #tpu.memory_space<vmem>>, vector<1x512x128xf32>
    %swap3A_18 = vector.shape_cast %swap3A_17 : vector<1x512x128xf32> to vector<512x128xf32>
    %swap3A_19 = vector.shape_cast %mul3A_13 : vector<512x128xf32> to vector<1x512x128xf32>
    tpu.vector_store %arg3[%swap3A_14, %swap3A_15, %swap3A_16], %swap3A_19 {strides = array<i32>} : memref<32x512x128xf32, #tpu.memory_space<vmem>>, vector<1x512x128xf32>,
    %get3A_20 = arith.constant 2 : index
    %get3A_21 = memref.load %arg1[%get3A_20] : memref<32xf32, #tpu.memory_space<smem>>
    %mul3A_22 = vector.broadcast %get3A_21 : f32 to vector<512x128xf32>
    %mul3A_23 = arith.mulf %get3A_1, %mul3A_22 : vector<512x128xf32>
    %swap3A_24 = arith.constant 2 : index
    %swap3A_25 = arith.constant 0 : index
    %swap3A_26 = arith.constant 0 : index
    %swap3A_27 = vector.load %arg3[%swap3A_24, %swap3A_25, %swap3A_26] : memref<32x512x128xf32, #tpu.memory_space<vmem>>, vector<1x512x128xf32>
    %swap3A_28 = vector.shape_cast %swap3A_27 : vector<1x512x128xf32> to vector<512x128xf32>
    %swap3A_29 = vector.shape_cast %mul3A_23 : vector<512x128xf32> to vector<1x512x128xf32>
    tpu.vector_store %arg3[%swap3A_24, %swap3A_25, %swap3A_26], %swap3A_29 {strides = array<i32>} : memref<32x512x128xf32, #tpu.memory_space<vmem>>, vector<1x512x128xf32>,
    %get3A_30 = arith.constant 3 : index
    %get3A_31 = memref.load %arg1[%get3A_30] : memref<32xf32, #tpu.memory_space<smem>>
    %mul3A_32 = vector.broadcast %get3A_31 : f32 to vector<512x128xf32>
    %mul3A_33 = arith.mulf %get3A_1, %mul3A_32 : vector<512x128xf32>
    %swap3A_34 = arith.constant 3 : index
    %swap3A_35 = arith.constant 0 : index
    %swap3A_36 = arith.constant 0 : index
    %swap3A_37 = vector.load %arg3[%swap3A_34, %swap3A_35, %swap3A_36] : memref<32x512x128xf32, #tpu.memory_space<vmem>>, vector<1x512x128xf32>
    %swap3A_38 = vector.shape_cast %swap3A_37 : vector<1x512x128xf32> to vector<512x128xf32>
    %swap3A_39 = vector.shape_cast %mul3A_33 : vector<512x128xf32> to vector<1x512x128xf32>
    tpu.vector_store %arg3[%swap3A_34, %swap3A_35, %swap3A_36], %swap3A_39 {strides = array<i32>} : memref<32x512x128xf32, #tpu.memory_space<vmem>>, vector<1x512x128xf32>,
    %get3A_40 = arith.constant 4 : index
    %get3A_41 = memref.load %arg1[%get3A_40] : memref<32xf32, #tpu.memory_space<smem>>
    %mul3A_42 = vector.broadcast %get3A_41 : f32 to vector<512x128xf32>
    %mul3A_43 = arith.mulf %get3A_1, %mul3A_42 : vector<512x128xf32>
    %swap3A_44 = arith.constant 4 : index
    %swap3A_45 = arith.constant 0 : index
    %swap3A_46 = arith.constant 0 : index
    %swap3A_47 = vector.load %arg3[%swap3A_44, %swap3A_45, %swap3A_46] : memref<32x512x128xf32, #tpu.memory_space<vmem>>, vector<1x512x128xf32>
    %swap3A_48 = vector.shape_cast %swap3A_47 : vector<1x512x128xf32> to vector<512x128xf32>
    %swap3A_49 = vector.shape_cast %mul3A_43 : vector<512x128xf32> to vector<1x512x128xf32>
    tpu.vector_store %arg3[%swap3A_44, %swap3A_45, %swap3A_46], %swap3A_49 {strides = array<i32>} : memref<32x512x128xf32, #tpu.memory_space<vmem>>, vector<1x512x128xf32>,
    %get3A_50 = arith.constant 5 : index
    %get3A_51 = memref.load %arg1[%get3A_50] : memref<32xf32, #tpu.memory_space<smem>>
    %mul3A_52 = vector.broadcast %get3A_51 : f32 to vector<512x128xf32>
    %mul3A_53 = arith.mulf %get3A_1, %mul3A_52 : vector<512x128xf32>
    %swap3A_54 = arith.constant 5 : index
    %swap3A_55 = arith.constant 0 : index
    %swap3A_56 = arith.constant 0 : index
    %swap3A_57 = vector.load %arg3[%swap3A_54, %swap3A_55, %swap3A_56] : memref<32x512x128xf32, #tpu.memory_space<vmem>>, vector<1x512x128xf32>
    %swap3A_58 = vector.shape_cast %swap3A_57 : vector<1x512x128xf32> to vector<512x128xf32>
    %swap3A_59 = vector.shape_cast %mul3A_53 : vector<512x128xf32> to vector<1x512x128xf32>
    tpu.vector_store %arg3[%swap3A_54, %swap3A_55, %swap3A_56], %swap3A_59 {strides = array<i32>} : memref<32x512x128xf32, #tpu.memory_space<vmem>>, vector<1x512x128xf32>,
    %get3A_60 = arith.constant 6 : index
    %get3A_61 = memref.load %arg1[%get3A_60] : memref<32xf32, #tpu.memory_space<smem>>
    %mul3A_62 = vector.broadcast %get3A_61 : f32 to vector<512x128xf32>
    %mul3A_63 = arith.mulf %get3A_1, %mul3A_62 : vector<512x128xf32>
    %swap3A_64 = arith.constant 6 : index
    %swap3A_65 = arith.constant 0 : index
    %swap3A_66 = arith.constant 0 : index
    %swap3A_67 = vector.load %arg3[%swap3A_64, %swap3A_65, %swap3A_66] : memref<32x512x128xf32, #tpu.memory_space<vmem>>, vector<1x512x128xf32>
    %swap3A_68 = vector.shape_cast %swap3A_67 : vector<1x512x128xf32> to vector<512x128xf32>
    %swap3A_69 = vector.shape_cast %mul3A_63 : vector<512x128xf32> to vector<1x512x128xf32>
    tpu.vector_store %arg3[%swap3A_64, %swap3A_65, %swap3A_66], %swap3A_69 {strides = array<i32>} : memref<32x512x128xf32, #tpu.memory_space<vmem>>, vector<1x512x128xf32>,
    %get3A_70 = arith.constant 7 : index
    %get3A_71 = memref.load %arg1[%get3A_70] : memref<32xf32, #tpu.memory_space<smem>>
    %mul3A_72 = vector.broadcast %get3A_71 : f32 to vector<512x128xf32>
    %mul3A_73 = arith.mulf %get3A_1, %mul3A_72 : vector<512x128xf32>
    %swap3A_74 = arith.constant 7 : index
    %swap3A_75 = arith.constant 0 : index
    %swap3A_76 = arith.constant 0 : index
    %swap3A_77 = vector.load %arg3[%swap3A_74, %swap3A_75, %swap3A_76] : memref<32x512x128xf32, #tpu.memory_space<vmem>>, vector<1x512x128xf32>
    %swap3A_78 = vector.shape_cast %swap3A_77 : vector<1x512x128xf32> to vector<512x128xf32>
    %swap3A_79 = vector.shape_cast %mul3A_73 : vector<512x128xf32> to vector<1x512x128xf32>
    tpu.vector_store %arg3[%swap3A_74, %swap3A_75, %swap3A_76], %swap3A_79 {strides = array<i32>} : memref<32x512x128xf32, #tpu.memory_space<vmem>>, vector<1x512x128xf32>,
    %get3A_80 = arith.constant 8 : index
    %get3A_81 = memref.load %arg1[%get3A_80] : memref<32xf32, #tpu.memory_space<smem>>
    %mul3A_82 = vector.broadcast %get3A_81 : f32 to vector<512x128xf32>
    %mul3A_83 = arith.mulf %get3A_1, %mul3A_82 : vector<512x128xf32>
    %swap3A_84 = arith.constant 8 : index
    %swap3A_85 = arith.constant 0 : index
    %swap3A_86 = arith.constant 0 : index
    %swap3A_87 = vector.load %arg3[%swap3A_84, %swap3A_85, %swap3A_86] : memref<32x512x128xf32, #tpu.memory_space<vmem>>, vector<1x512x128xf32>
    %swap3A_88 = vector.shape_cast %swap3A_87 : vector<1x512x128xf32> to vector<512x128xf32>
    %swap3A_89 = vector.shape_cast %mul3A_83 : vector<512x128xf32> to vector<1x512x128xf32>
    tpu.vector_store %arg3[%swap3A_84, %swap3A_85, %swap3A_86], %swap3A_89 {strides = array<i32>} : memref<32x512x128xf32, #tpu.memory_space<vmem>>, vector<1x512x128xf32>,
    %get3A_90 = arith.constant 9 : index
    %get3A_91 = memref.load %arg1[%get3A_90] : memref<32xf32, #tpu.memory_space<smem>>
    %mul3A_92 = vector.broadcast %get3A_91 : f32 to vector<512x128xf32>
    %mul3A_93 = arith.mulf %get3A_1, %mul3A_92 : vector<512x128xf32>
    %swap3A_94 = arith.constant 9 : index
    %swap3A_95 = arith.constant 0 : index
    %swap3A_96 = arith.constant 0 : index
    %swap3A_97 = vector.load %arg3[%swap3A_94, %swap3A_95, %swap3A_96] : memref<32x512x128xf32, #tpu.memory_space<vmem>>, vector<1x512x128xf32>
    %swap3A_98 = vector.shape_cast %swap3A_97 : vector<1x512x128xf32> to vector<512x128xf32>
    %swap3A_99 = vector.shape_cast %mul3A_93 : vector<512x128xf32> to vector<1x512x128xf32>
    tpu.vector_store %arg3[%swap3A_94, %swap3A_95, %swap3A_96], %swap3A_99 {strides = array<i32>} : memref<32x512x128xf32, #tpu.memory_space<vmem>>, vector<1x512x128xf32>,
    %get3A_100 = arith.constant 10 : index
    %get3A_101 = memref.load %arg1[%get3A_100] : memref<32xf32, #tpu.memory_space<smem>>
    %mul3A_102 = vector.broadcast %get3A_101 : f32 to vector<512x128xf32>
    %mul3A_103 = arith.mulf %get3A_1, %mul3A_102 : vector<512x128xf32>
    %swap3A_104 = arith.constant 10 : index
    %swap3A_105 = arith.constant 0 : index
    %swap3A_106 = arith.constant 0 : index
    %swap3A_107 = vector.load %arg3[%swap3A_104, %swap3A_105, %swap3A_106] : memref<32x512x128xf32, #tpu.memory_space<vmem>>, vector<1x512x128xf32>
    %swap3A_108 = vector.shape_cast %swap3A_107 : vector<1x512x128xf32> to vector<512x128xf32>
    %swap3A_109 = vector.shape_cast %mul3A_103 : vector<512x128xf32> to vector<1x512x128xf32>
    tpu.vector_store %arg3[%swap3A_104, %swap3A_105, %swap3A_106], %swap3A_109 {strides = array<i32>} : memref<32x512x128xf32, #tpu.memory_space<vmem>>, vector<1x512x128xf32>,
    %get3A_110 = arith.constant 11 : index
    %get3A_111 = memref.load %arg1[%get3A_110] : memref<32xf32, #tpu.memory_space<smem>>
    %mul3A_112 = vector.broadcast %get3A_111 : f32 to vector<512x128xf32>
    %mul3A_113 = arith.mulf %get3A_1, %mul3A_112 : vector<512x128xf32>
    %swap3A_114 = arith.constant 11 : index
    %swap3A_115 = arith.constant 0 : index
    %swap3A_116 = arith.constant 0 : index
    %swap3A_117 = vector.load %arg3[%swap3A_114, %swap3A_115, %swap3A_116] : memref<32x512x128xf32, #tpu.memory_space<vmem>>, vector<1x512x128xf32>
    %swap3A_118 = vector.shape_cast %swap3A_117 : vector<1x512x128xf32> to vector<512x128xf32>
    %swap3A_119 = vector.shape_cast %mul3A_113 : vector<512x128xf32> to vector<1x512x128xf32>
    tpu.vector_store %arg3[%swap3A_114, %swap3A_115, %swap3A_116], %swap3A_119 {strides = array<i32>} : memref<32x512x128xf32, #tpu.memory_space<vmem>>, vector<1x512x128xf32>,
    %get3A_120 = arith.constant 12 : index
    %get3A_121 = memref.load %arg1[%get3A_120] : memref<32xf32, #tpu.memory_space<smem>>
    %mul3A_122 = vector.broadcast %get3A_121 : f32 to vector<512x128xf32>
    %mul3A_123 = arith.mulf %get3A_1, %mul3A_122 : vector<512x128xf32>
    %swap3A_124 = arith.constant 12 : index
    %swap3A_125 = arith.constant 0 : index
    %swap3A_126 = arith.constant 0 : index
    %swap3A_127 = vector.load %arg3[%swap3A_124, %swap3A_125, %swap3A_126] : memref<32x512x128xf32, #tpu.memory_space<vmem>>, vector<1x512x128xf32>
    %swap3A_128 = vector.shape_cast %swap3A_127 : vector<1x512x128xf32> to vector<512x128xf32>
    %swap3A_129 = vector.shape_cast %mul3A_123 : vector<512x128xf32> to vector<1x512x128xf32>
    tpu.vector_store %arg3[%swap3A_124, %swap3A_125, %swap3A_126], %swap3A_129 {strides = array<i32>} : memref<32x512x128xf32, #tpu.memory_space<vmem>>, vector<1x512x128xf32>,
    %get3A_130 = arith.constant 13 : index
    %get3A_131 = memref.load %arg1[%get3A_130] : memref<32xf32, #tpu.memory_space<smem>>
    %mul3A_132 = vector.broadcast %get3A_131 : f32 to vector<512x128xf32>
    %mul3A_133 = arith.mulf %get3A_1, %mul3A_132 : vector<512x128xf32>
    %swap3A_134 = arith.constant 13 : index
    %swap3A_135 = arith.constant 0 : index
    %swap3A_136 = arith.constant 0 : index
    %swap3A_137 = vector.load %arg3[%swap3A_134, %swap3A_135, %swap3A_136] : memref<32x512x128xf32, #tpu.memory_space<vmem>>, vector<1x512x128xf32>
    %swap3A_138 = vector.shape_cast %swap3A_137 : vector<1x512x128xf32> to vector<512x128xf32>
    %swap3A_139 = vector.shape_cast %mul3A_133 : vector<512x128xf32> to vector<1x512x128xf32>
    tpu.vector_store %arg3[%swap3A_134, %swap3A_135, %swap3A_136], %swap3A_139 {strides = array<i32>} : memref<32x512x128xf32, #tpu.memory_space<vmem>>, vector<1x512x128xf32>,
    %get3A_140 = arith.constant 14 : index
    %get3A_141 = memref.load %arg1[%get3A_140] : memref<32xf32, #tpu.memory_space<smem>>
    %mul3A_142 = vector.broadcast %get3A_141 : f32 to vector<512x128xf32>
    %mul3A_143 = arith.mulf %get3A_1, %mul3A_142 : vector<512x128xf32>
    %swap3A_144 = arith.constant 14 : index
    %swap3A_145 = arith.constant 0 : index
    %swap3A_146 = arith.constant 0 : index
    %swap3A_147 = vector.load %arg3[%swap3A_144, %swap3A_145, %swap3A_146] : memref<32x512x128xf32, #tpu.memory_space<vmem>>, vector<1x512x128xf32>
    %swap3A_148 = vector.shape_cast %swap3A_147 : vector<1x512x128xf32> to vector<512x128xf32>
    %swap3A_149 = vector.shape_cast %mul3A_143 : vector<512x128xf32> to vector<1x512x128xf32>
    tpu.vector_store %arg3[%swap3A_144, %swap3A_145, %swap3A_146], %swap3A_149 {strides = array<i32>} : memref<32x512x128xf32, #tpu.memory_space<vmem>>, vector<1x512x128xf32>,
    %get3A_150 = arith.constant 15 : index
    %get3A_151 = memref.load %arg1[%get3A_150] : memref<32xf32, #tpu.memory_space<smem>>
    %mul3A_152 = vector.broadcast %get3A_151 : f32 to vector<512x128xf32>
    %mul3A_153 = arith.mulf %get3A_1, %mul3A_152 : vector<512x128xf32>
    %swap3A_154 = arith.constant 15 : index
    %swap3A_155 = arith.constant 0 : index
    %swap3A_156 = arith.constant 0 : index
    %swap3A_157 = vector.load %arg3[%swap3A_154, %swap3A_155, %swap3A_156] : memref<32x512x128xf32, #tpu.memory_space<vmem>>, vector<1x512x128xf32>
    %swap3A_158 = vector.shape_cast %swap3A_157 : vector<1x512x128xf32> to vector<512x128xf32>
    %swap3A_159 = vector.shape_cast %mul3A_153 : vector<512x128xf32> to vector<1x512x128xf32>
    tpu.vector_store %arg3[%swap3A_154, %swap3A_155, %swap3A_156], %swap3A_159 {strides = array<i32>} : memref<32x512x128xf32, #tpu.memory_space<vmem>>, vector<1x512x128xf32>,
    %get3A_160 = arith.constant 16 : index
    %get3A_161 = memref.load %arg1[%get3A_160] : memref<32xf32, #tpu.memory_space<smem>>
    %mul3A_162 = vector.broadcast %get3A_161 : f32 to vector<512x128xf32>
    %mul3A_163 = arith.mulf %get3A_1, %mul3A_162 : vector<512x128xf32>
    %swap3A_164 = arith.constant 16 : index
    %swap3A_165 = arith.constant 0 : index
    %swap3A_166 = arith.constant 0 : index
    %swap3A_167 = vector.load %arg3[%swap3A_164, %swap3A_165, %swap3A_166] : memref<32x512x128xf32, #tpu.memory_space<vmem>>, vector<1x512x128xf32>
    %swap3A_168 = vector.shape_cast %swap3A_167 : vector<1x512x128xf32> to vector<512x128xf32>
    %swap3A_169 = vector.shape_cast %mul3A_163 : vector<512x128xf32> to vector<1x512x128xf32>
    tpu.vector_store %arg3[%swap3A_164, %swap3A_165, %swap3A_166], %swap3A_169 {strides = array<i32>} : memref<32x512x128xf32, #tpu.memory_space<vmem>>, vector<1x512x128xf32>,
    %get3A_170 = arith.constant 17 : index
    %get3A_171 = memref.load %arg1[%get3A_170] : memref<32xf32, #tpu.memory_space<smem>>
    %mul3A_172 = vector.broadcast %get3A_171 : f32 to vector<512x128xf32>
    %mul3A_173 = arith.mulf %get3A_1, %mul3A_172 : vector<512x128xf32>
    %swap3A_174 = arith.constant 17 : index
    %swap3A_175 = arith.constant 0 : index
    %swap3A_176 = arith.constant 0 : index
    %swap3A_177 = vector.load %arg3[%swap3A_174, %swap3A_175, %swap3A_176] : memref<32x512x128xf32, #tpu.memory_space<vmem>>, vector<1x512x128xf32>
    %swap3A_178 = vector.shape_cast %swap3A_177 : vector<1x512x128xf32> to vector<512x128xf32>
    %swap3A_179 = vector.shape_cast %mul3A_173 : vector<512x128xf32> to vector<1x512x128xf32>
    tpu.vector_store %arg3[%swap3A_174, %swap3A_175, %swap3A_176], %swap3A_179 {strides = array<i32>} : memref<32x512x128xf32, #tpu.memory_space<vmem>>, vector<1x512x128xf32>,
    %get3A_180 = arith.constant 18 : index
    %get3A_181 = memref.load %arg1[%get3A_180] : memref<32xf32, #tpu.memory_space<smem>>
    %mul3A_182 = vector.broadcast %get3A_181 : f32 to vector<512x128xf32>
    %mul3A_183 = arith.mulf %get3A_1, %mul3A_182 : vector<512x128xf32>
    %swap3A_184 = arith.constant 18 : index
    %swap3A_185 = arith.constant 0 : index
    %swap3A_186 = arith.constant 0 : index
    %swap3A_187 = vector.load %arg3[%swap3A_184, %swap3A_185, %swap3A_186] : memref<32x512x128xf32, #tpu.memory_space<vmem>>, vector<1x512x128xf32>
    %swap3A_188 = vector.shape_cast %swap3A_187 : vector<1x512x128xf32> to vector<512x128xf32>
    %swap3A_189 = vector.shape_cast %mul3A_183 : vector<512x128xf32> to vector<1x512x128xf32>
    tpu.vector_store %arg3[%swap3A_184, %swap3A_185, %swap3A_186], %swap3A_189 {strides = array<i32>} : memref<32x512x128xf32, #tpu.memory_space<vmem>>, vector<1x512x128xf32>,
    %get3A_190 = arith.constant 19 : index
    %get3A_191 = memref.load %arg1[%get3A_190] : memref<32xf32, #tpu.memory_space<smem>>
    %mul3A_192 = vector.broadcast %get3A_191 : f32 to vector<512x128xf32>
    %mul3A_193 = arith.mulf %get3A_1, %mul3A_192 : vector<512x128xf32>
    %swap3A_194 = arith.constant 19 : index
    %swap3A_195 = arith.constant 0 : index
    %swap3A_196 = arith.constant 0 : index
    %swap3A_197 = vector.load %arg3[%swap3A_194, %swap3A_195, %swap3A_196] : memref<32x512x128xf32, #tpu.memory_space<vmem>>, vector<1x512x128xf32>
    %swap3A_198 = vector.shape_cast %swap3A_197 : vector<1x512x128xf32> to vector<512x128xf32>
    %swap3A_199 = vector.shape_cast %mul3A_193 : vector<512x128xf32> to vector<1x512x128xf32>
    tpu.vector_store %arg3[%swap3A_194, %swap3A_195, %swap3A_196], %swap3A_199 {strides = array<i32>} : memref<32x512x128xf32, #tpu.memory_space<vmem>>, vector<1x512x128xf32>,
    %get3A_200 = arith.constant 20 : index
    %get3A_201 = memref.load %arg1[%get3A_200] : memref<32xf32, #tpu.memory_space<smem>>
    %mul3A_202 = vector.broadcast %get3A_201 : f32 to vector<512x128xf32>
    %mul3A_203 = arith.mulf %get3A_1, %mul3A_202 : vector<512x128xf32>
    %swap3A_204 = arith.constant 20 : index
    %swap3A_205 = arith.constant 0 : index
    %swap3A_206 = arith.constant 0 : index
    %swap3A_207 = vector.load %arg3[%swap3A_204, %swap3A_205, %swap3A_206] : memref<32x512x128xf32, #tpu.memory_space<vmem>>, vector<1x512x128xf32>
    %swap3A_208 = vector.shape_cast %swap3A_207 : vector<1x512x128xf32> to vector<512x128xf32>
    %swap3A_209 = vector.shape_cast %mul3A_203 : vector<512x128xf32> to vector<1x512x128xf32>
    tpu.vector_store %arg3[%swap3A_204, %swap3A_205, %swap3A_206], %swap3A_209 {strides = array<i32>} : memref<32x512x128xf32, #tpu.memory_space<vmem>>, vector<1x512x128xf32>,
    %get3A_210 = arith.constant 21 : index
    %get3A_211 = memref.load %arg1[%get3A_210] : memref<32xf32, #tpu.memory_space<smem>>
    %mul3A_212 = vector.broadcast %get3A_211 : f32 to vector<512x128xf32>
    %mul3A_213 = arith.mulf %get3A_1, %mul3A_212 : vector<512x128xf32>
    %swap3A_214 = arith.constant 21 : index
    %swap3A_215 = arith.constant 0 : index
    %swap3A_216 = arith.constant 0 : index
    %swap3A_217 = vector.load %arg3[%swap3A_214, %swap3A_215, %swap3A_216] : memref<32x512x128xf32, #tpu.memory_space<vmem>>, vector<1x512x128xf32>
    %swap3A_218 = vector.shape_cast %swap3A_217 : vector<1x512x128xf32> to vector<512x128xf32>
    %swap3A_219 = vector.shape_cast %mul3A_213 : vector<512x128xf32> to vector<1x512x128xf32>
    tpu.vector_store %arg3[%swap3A_214, %swap3A_215, %swap3A_216], %swap3A_219 {strides = array<i32>} : memref<32x512x128xf32, #tpu.memory_space<vmem>>, vector<1x512x128xf32>,
    %get3A_220 = arith.constant 22 : index
    %get3A_221 = memref.load %arg1[%get3A_220] : memref<32xf32, #tpu.memory_space<smem>>
    %mul3A_222 = vector.broadcast %get3A_221 : f32 to vector<512x128xf32>
    %mul3A_223 = arith.mulf %get3A_1, %mul3A_222 : vector<512x128xf32>
    %swap3A_224 = arith.constant 22 : index
    %swap3A_225 = arith.constant 0 : index
    %swap3A_226 = arith.constant 0 : index
    %swap3A_227 = vector.load %arg3[%swap3A_224, %swap3A_225, %swap3A_226] : memref<32x512x128xf32, #tpu.memory_space<vmem>>, vector<1x512x128xf32>
    %swap3A_228 = vector.shape_cast %swap3A_227 : vector<1x512x128xf32> to vector<512x128xf32>
    %swap3A_229 = vector.shape_cast %mul3A_223 : vector<512x128xf32> to vector<1x512x128xf32>
    tpu.vector_store %arg3[%swap3A_224, %swap3A_225, %swap3A_226], %swap3A_229 {strides = array<i32>} : memref<32x512x128xf32, #tpu.memory_space<vmem>>, vector<1x512x128xf32>,
    %get3A_230 = arith.constant 23 : index
    %get3A_231 = memref.load %arg1[%get3A_230] : memref<32xf32, #tpu.memory_space<smem>>
    %mul3A_232 = vector.broadcast %get3A_231 : f32 to vector<512x128xf32>
    %mul3A_233 = arith.mulf %get3A_1, %mul3A_232 : vector<512x128xf32>
    %swap3A_234 = arith.constant 23 : index
    %swap3A_235 = arith.constant 0 : index
    %swap3A_236 = arith.constant 0 : index
    %swap3A_237 = vector.load %arg3[%swap3A_234, %swap3A_235, %swap3A_236] : memref<32x512x128xf32, #tpu.memory_space<vmem>>, vector<1x512x128xf32>
    %swap3A_238 = vector.shape_cast %swap3A_237 : vector<1x512x128xf32> to vector<512x128xf32>
    %swap3A_239 = vector.shape_cast %mul3A_233 : vector<512x128xf32> to vector<1x512x128xf32>
    tpu.vector_store %arg3[%swap3A_234, %swap3A_235, %swap3A_236], %swap3A_239 {strides = array<i32>} : memref<32x512x128xf32, #tpu.memory_space<vmem>>, vector<1x512x128xf32>,
    %get3A_240 = arith.constant 24 : index
    %get3A_241 = memref.load %arg1[%get3A_240] : memref<32xf32, #tpu.memory_space<smem>>
    %mul3A_242 = vector.broadcast %get3A_241 : f32 to vector<512x128xf32>
    %mul3A_243 = arith.mulf %get3A_1, %mul3A_242 : vector<512x128xf32>
    %swap3A_244 = arith.constant 24 : index
    %swap3A_245 = arith.constant 0 : index
    %swap3A_246 = arith.constant 0 : index
    %swap3A_247 = vector.load %arg3[%swap3A_244, %swap3A_245, %swap3A_246] : memref<32x512x128xf32, #tpu.memory_space<vmem>>, vector<1x512x128xf32>
    %swap3A_248 = vector.shape_cast %swap3A_247 : vector<1x512x128xf32> to vector<512x128xf32>
    %swap3A_249 = vector.shape_cast %mul3A_243 : vector<512x128xf32> to vector<1x512x128xf32>
    tpu.vector_store %arg3[%swap3A_244, %swap3A_245, %swap3A_246], %swap3A_249 {strides = array<i32>} : memref<32x512x128xf32, #tpu.memory_space<vmem>>, vector<1x512x128xf32>,
    %get3A_250 = arith.constant 25 : index
    %get3A_251 = memref.load %arg1[%get3A_250] : memref<32xf32, #tpu.memory_space<smem>>
    %mul3A_252 = vector.broadcast %get3A_251 : f32 to vector<512x128xf32>
    %mul3A_253 = arith.mulf %get3A_1, %mul3A_252 : vector<512x128xf32>
    %swap3A_254 = arith.constant 25 : index
    %swap3A_255 = arith.constant 0 : index
    %swap3A_256 = arith.constant 0 : index
    %swap3A_257 = vector.load %arg3[%swap3A_254, %swap3A_255, %swap3A_256] : memref<32x512x128xf32, #tpu.memory_space<vmem>>, vector<1x512x128xf32>
    %swap3A_258 = vector.shape_cast %swap3A_257 : vector<1x512x128xf32> to vector<512x128xf32>
    %swap3A_259 = vector.shape_cast %mul3A_253 : vector<512x128xf32> to vector<1x512x128xf32>
    tpu.vector_store %arg3[%swap3A_254, %swap3A_255, %swap3A_256], %swap3A_259 {strides = array<i32>} : memref<32x512x128xf32, #tpu.memory_space<vmem>>, vector<1x512x128xf32>,
    %get3A_260 = arith.constant 26 : index
    %get3A_261 = memref.load %arg1[%get3A_260] : memref<32xf32, #tpu.memory_space<smem>>
    %mul3A_262 = vector.broadcast %get3A_261 : f32 to vector<512x128xf32>
    %mul3A_263 = arith.mulf %get3A_1, %mul3A_262 : vector<512x128xf32>
    %swap3A_264 = arith.constant 26 : index
    %swap3A_265 = arith.constant 0 : index
    %swap3A_266 = arith.constant 0 : index
    %swap3A_267 = vector.load %arg3[%swap3A_264, %swap3A_265, %swap3A_266] : memref<32x512x128xf32, #tpu.memory_space<vmem>>, vector<1x512x128xf32>
    %swap3A_268 = vector.shape_cast %swap3A_267 : vector<1x512x128xf32> to vector<512x128xf32>
    %swap3A_269 = vector.shape_cast %mul3A_263 : vector<512x128xf32> to vector<1x512x128xf32>
    tpu.vector_store %arg3[%swap3A_264, %swap3A_265, %swap3A_266], %swap3A_269 {strides = array<i32>} : memref<32x512x128xf32, #tpu.memory_space<vmem>>, vector<1x512x128xf32>,
    %get3A_270 = arith.constant 27 : index
    %get3A_271 = memref.load %arg1[%get3A_270] : memref<32xf32, #tpu.memory_space<smem>>
    %mul3A_272 = vector.broadcast %get3A_271 : f32 to vector<512x128xf32>
    %mul3A_273 = arith.mulf %get3A_1, %mul3A_272 : vector<512x128xf32>
    %swap3A_274 = arith.constant 27 : index
    %swap3A_275 = arith.constant 0 : index
    %swap3A_276 = arith.constant 0 : index
    %swap3A_277 = vector.load %arg3[%swap3A_274, %swap3A_275, %swap3A_276] : memref<32x512x128xf32, #tpu.memory_space<vmem>>, vector<1x512x128xf32>
    %swap3A_278 = vector.shape_cast %swap3A_277 : vector<1x512x128xf32> to vector<512x128xf32>
    %swap3A_279 = vector.shape_cast %mul3A_273 : vector<512x128xf32> to vector<1x512x128xf32>
    tpu.vector_store %arg3[%swap3A_274, %swap3A_275, %swap3A_276], %swap3A_279 {strides = array<i32>} : memref<32x512x128xf32, #tpu.memory_space<vmem>>, vector<1x512x128xf32>,
    %get3A_280 = arith.constant 28 : index
    %get3A_281 = memref.load %arg1[%get3A_280] : memref<32xf32, #tpu.memory_space<smem>>
    %mul3A_282 = vector.broadcast %get3A_281 : f32 to vector<512x128xf32>
    %mul3A_283 = arith.mulf %get3A_1, %mul3A_282 : vector<512x128xf32>
    %swap3A_284 = arith.constant 28 : index
    %swap3A_285 = arith.constant 0 : index
    %swap3A_286 = arith.constant 0 : index
    %swap3A_287 = vector.load %arg3[%swap3A_284, %swap3A_285, %swap3A_286] : memref<32x512x128xf32, #tpu.memory_space<vmem>>, vector<1x512x128xf32>
    %swap3A_288 = vector.shape_cast %swap3A_287 : vector<1x512x128xf32> to vector<512x128xf32>
    %swap3A_289 = vector.shape_cast %mul3A_283 : vector<512x128xf32> to vector<1x512x128xf32>
    tpu.vector_store %arg3[%swap3A_284, %swap3A_285, %swap3A_286], %swap3A_289 {strides = array<i32>} : memref<32x512x128xf32, #tpu.memory_space<vmem>>, vector<1x512x128xf32>,
    %get3A_290 = arith.constant 29 : index
    %get3A_291 = memref.load %arg1[%get3A_290] : memref<32xf32, #tpu.memory_space<smem>>
    %mul3A_292 = vector.broadcast %get3A_291 : f32 to vector<512x128xf32>
    %mul3A_293 = arith.mulf %get3A_1, %mul3A_292 : vector<512x128xf32>
    %swap3A_294 = arith.constant 29 : index
    %swap3A_295 = arith.constant 0 : index
    %swap3A_296 = arith.constant 0 : index
    %swap3A_297 = vector.load %arg3[%swap3A_294, %swap3A_295, %swap3A_296] : memref<32x512x128xf32, #tpu.memory_space<vmem>>, vector<1x512x128xf32>
    %swap3A_298 = vector.shape_cast %swap3A_297 : vector<1x512x128xf32> to vector<512x128xf32>
    %swap3A_299 = vector.shape_cast %mul3A_293 : vector<512x128xf32> to vector<1x512x128xf32>
    tpu.vector_store %arg3[%swap3A_294, %swap3A_295, %swap3A_296], %swap3A_299 {strides = array<i32>} : memref<32x512x128xf32, #tpu.memory_space<vmem>>, vector<1x512x128xf32>,
    %get3A_300 = arith.constant 30 : index
    %get3A_301 = memref.load %arg1[%get3A_300] : memref<32xf32, #tpu.memory_space<smem>>
    %mul3A_302 = vector.broadcast %get3A_301 : f32 to vector<512x128xf32>
    %mul3A_303 = arith.mulf %get3A_1, %mul3A_302 : vector<512x128xf32>
    %swap3A_304 = arith.constant 30 : index
    %swap3A_305 = arith.constant 0 : index
    %swap3A_306 = arith.constant 0 : index
    %swap3A_307 = vector.load %arg3[%swap3A_304, %swap3A_305, %swap3A_306] : memref<32x512x128xf32, #tpu.memory_space<vmem>>, vector<1x512x128xf32>
    %swap3A_308 = vector.shape_cast %swap3A_307 : vector<1x512x128xf32> to vector<512x128xf32>
    %swap3A_309 = vector.shape_cast %mul3A_303 : vector<512x128xf32> to vector<1x512x128xf32>
    tpu.vector_store %arg3[%swap3A_304, %swap3A_305, %swap3A_306], %swap3A_309 {strides = array<i32>} : memref<32x512x128xf32, #tpu.memory_space<vmem>>, vector<1x512x128xf32>,
    %get3A_310 = arith.constant 31 : index
    %get3A_311 = memref.load %arg1[%get3A_310] : memref<32xf32, #tpu.memory_space<smem>>
    %mul3A_312 = vector.broadcast %get3A_311 : f32 to vector<512x128xf32>
    %mul3A_313 = arith.mulf %get3A_1, %mul3A_312 : vector<512x128xf32>
    %swap3A_314 = arith.constant 31 : index
    %swap3A_315 = arith.constant 0 : index
    %swap3A_316 = arith.constant 0 : index
    %swap3A_317 = vector.load %arg3[%swap3A_314, %swap3A_315, %swap3A_316] : memref<32x512x128xf32, #tpu.memory_space<vmem>>, vector<1x512x128xf32>
    %swap3A_318 = vector.shape_cast %swap3A_317 : vector<1x512x128xf32> to vector<512x128xf32>
    %swap3A_319 = vector.shape_cast %mul3A_313 : vector<512x128xf32> to vector<1x512x128xf32>
    tpu.vector_store %arg3[%swap3A_314, %swap3A_315, %swap3A_316], %swap3A_319 {strides = array<i32>} : memref<32x512x128xf32, #tpu.memory_space<vmem>>, vector<1x512x128xf32>,
    return
  }
  func.func @transform_0(%arg0: i32) -> i32 {
    %c0_i32 = arith.constant 0 : i32
    %c0_i32_0 = arith.constant 0 : i32
    return %c0_i32 : i32
  }
  func.func @transform_1(%arg0: i32) -> (i32, i32) {
    %c0_i32 = arith.constant 0 : i32
    %c0_i32_0 = arith.constant 0 : i32
    return %arg0, %c0_i32 : i32, i32
  }
  func.func @transform_2(%arg0: i32) -> (i32, i32, i32) {
    %c0_i32 = arith.constant 0 : i32
    %c0_i32_0 = arith.constant 0 : i32
    %c0_i32_1 = arith.constant 0 : i32
    return %c0_i32, %arg0, %c0_i32_0 : i32, i32, i32
  }
}

module attributes {stable_mosaic.version = 14 : i64} {
  func.func @body2(%arg0: i32, %arg1: memref<32xf32, #tpu.memory_space<smem>>, %arg2: memref<512x128xf32, #tpu.memory_space<vmem>>, %arg3: memref<512x128xf32, #tpu.memory_space<vmem>>, %arg4: memref<512x128xf32, #tpu.memory_space<vmem>>, %arg5: memref<512x1xf32, #tpu.memory_space<vmem>>, %arg6: memref<128x128xf32, #tpu.memory_space<vmem>>, %arg7: memref<128x128xf32, #tpu.memory_space<vmem>>, %arg8: memref<128x128xf32, #tpu.memory_space<vmem>>, %arg9: memref<1x128xf32, #tpu.memory_space<vmem>>, %arg10: memref<512x128xf32, #tpu.memory_space<vmem>>, %arg11: memref<32x512x128xf32, #tpu.memory_space<vmem>>) attributes {dimension_semantics = [#tpu.dimension_semantics<arbitrary>], iteration_bounds = array<i64: 20>, scalar_prefetch = 0 : i64, scratch_operands = 0 : i64, tpu.core_type = #tpu.core_type<tc>, window_params = [{transform_indices = @transform_0, window_bounds = array<i64: 32>}, {transform_indices = @transform_1, window_bounds = array<i64: 512, 128>}, {transform_indices = @transform_2, window_bounds = array<i64: 512, 128>}, {transform_indices = @transform_3, window_bounds = array<i64: 512, 128>}, {transform_indices = @transform_4, window_bounds = array<i64: 512, 1>}, {pipeline_mode = #tpu.pipeline_mode<synchronous>, transform_indices = @transform_5, window_bounds = array<i64: 128, 128>}, {pipeline_mode = #tpu.pipeline_mode<synchronous>, transform_indices = @transform_6, window_bounds = array<i64: 128, 128>}, {pipeline_mode = #tpu.pipeline_mode<synchronous>, transform_indices = @transform_7, window_bounds = array<i64: 128, 128>}, {pipeline_mode = #tpu.pipeline_mode<synchronous>, transform_indices = @transform_8, window_bounds = array<i64: 1, 128>}, {transform_indices = @transform_9, window_bounds = array<i64: 512, 128>}, {transform_indices = @transform_10, window_bounds = array<i64: 32, 512, 128>}]} {
    %get3A = arith.constant 0 : index
    %get3A_0 = arith.constant 0 : index
    %get3A_1 = vector.load %arg2[%get3A, %get3A_0] : memref<512x128xf32, #tpu.memory_space<vmem>>, vector<512x128xf32>
    %get3A_2 = arith.constant 0 : index
    %get3A_3 = arith.constant 0 : index
    %get3A_4 = vector.load %arg6[%get3A_2, %get3A_3] : memref<128x128xf32, #tpu.memory_space<vmem>>, vector<128x128xf32>
    %dot_general3A = arith.constant dense<0.000000e+00> : vector<512x128xf32>
    %dot_general3A_5 = tpu.matmul %get3A_1, %get3A_4, %dot_general3A {dimension_numbers = #tpu.dot_dimension_numbers<[1], [0], [0], [1], [0, 0, 1, 1], [], []>, transpose_lhs_hint = false} : vector<512x128xf32>, vector<128x128xf32>, vector<512x128xf32> -> vector<512x128xf32>
    %get3A_6 = arith.constant 0 : index
    %get3A_7 = arith.constant 0 : index
    %get3A_8 = vector.load %arg3[%get3A_6, %get3A_7] : memref<512x128xf32, #tpu.memory_space<vmem>>, vector<512x128xf32>
    %get3A_9 = arith.constant 0 : index
    %get3A_10 = arith.constant 0 : index
    %get3A_11 = vector.load %arg7[%get3A_9, %get3A_10] : memref<128x128xf32, #tpu.memory_space<vmem>>, vector<128x128xf32>
    %dot_general3A_12 = arith.constant dense<0.000000e+00> : vector<512x128xf32>
    %dot_general3A_13 = tpu.matmul %get3A_8, %get3A_11, %dot_general3A_12 {dimension_numbers = #tpu.dot_dimension_numbers<[1], [0], [0], [1], [0, 0, 1, 1], [], []>, transpose_lhs_hint = false} : vector<512x128xf32>, vector<128x128xf32>, vector<512x128xf32> -> vector<512x128xf32>
    %add3A = arith.addf %dot_general3A_5, %dot_general3A_13 : vector<512x128xf32>
    %get3A_14 = arith.constant 0 : index
    %get3A_15 = arith.constant 0 : index
    %get3A_16 = vector.load %arg5[%get3A_14, %get3A_15] : memref<512x1xf32, #tpu.memory_space<vmem>>, vector<512x1xf32>
    %max3A = arith.constant 1.000000e+00 : f32
    %max3A_17 = vector.broadcast %max3A : f32 to vector<512x1xf32>
    %max3A_18 = arith.maximumf %get3A_16, %max3A_17 : vector<512x1xf32>
    %div3A = vector.broadcast %max3A_18 : vector<512x1xf32> to vector<512x128xf32>
    %div3A_19 = arith.divf %add3A, %div3A : vector<512x128xf32>
    %get3A_20 = arith.constant 0 : index
    %get3A_21 = arith.constant 0 : index
    %get3A_22 = vector.load %arg4[%get3A_20, %get3A_21] : memref<512x128xf32, #tpu.memory_space<vmem>>, vector<512x128xf32>
    %get3A_23 = arith.constant 0 : index
    %get3A_24 = arith.constant 0 : index
    %get3A_25 = vector.load %arg8[%get3A_23, %get3A_24] : memref<128x128xf32, #tpu.memory_space<vmem>>, vector<128x128xf32>
    %dot_general3A_26 = arith.constant dense<0.000000e+00> : vector<512x128xf32>
    %dot_general3A_27 = tpu.matmul %get3A_22, %get3A_25, %dot_general3A_26 {dimension_numbers = #tpu.dot_dimension_numbers<[1], [0], [0], [1], [0, 0, 1, 1], [], []>, transpose_lhs_hint = false} : vector<512x128xf32>, vector<128x128xf32>, vector<512x128xf32> -> vector<512x128xf32>
    %add3A_28 = arith.addf %div3A_19, %dot_general3A_27 : vector<512x128xf32>
    %get3A_29 = arith.constant 0 : index
    %get3A_30 = arith.constant 0 : index
    %get3A_31 = vector.load %arg9[%get3A_29, %get3A_30] : memref<1x128xf32, #tpu.memory_space<vmem>>, vector<1x128xf32>
    %add3A_32 = vector.broadcast %get3A_31 : vector<1x128xf32> to vector<512x128xf32>
    %add3A_33 = arith.addf %add3A_28, %add3A_32 : vector<512x128xf32>
    %max3A_34 = arith.constant 0.000000e+00 : f32
    %max3A_35 = vector.broadcast %max3A_34 : f32 to vector<512x128xf32>
    %max3A_36 = arith.maximumf %add3A_33, %max3A_35 : vector<512x128xf32>
    %swap3A = arith.constant 0 : index
    %swap3A_37 = arith.constant 0 : index
    %swap3A_38 = vector.load %arg10[%swap3A, %swap3A_37] : memref<512x128xf32, #tpu.memory_space<vmem>>, vector<512x128xf32>
    tpu.vector_store %arg10[%swap3A, %swap3A_37], %max3A_36 {strides = array<i32>} : memref<512x128xf32, #tpu.memory_space<vmem>>, vector<512x128xf32>,
    %get3A_39 = arith.constant 0 : index
    %get3A_40 = memref.load %arg1[%get3A_39] : memref<32xf32, #tpu.memory_space<smem>>
    %mul3A = vector.broadcast %get3A_40 : f32 to vector<512x128xf32>
    %mul3A_41 = arith.mulf %max3A_36, %mul3A : vector<512x128xf32>
    %swap3A_42 = arith.constant 0 : index
    %swap3A_43 = arith.constant 0 : index
    %swap3A_44 = arith.constant 0 : index
    %swap3A_45 = vector.load %arg11[%swap3A_42, %swap3A_43, %swap3A_44] : memref<32x512x128xf32, #tpu.memory_space<vmem>>, vector<1x512x128xf32>
    %swap3A_46 = vector.shape_cast %swap3A_45 : vector<1x512x128xf32> to vector<512x128xf32>
    %swap3A_47 = vector.shape_cast %mul3A_41 : vector<512x128xf32> to vector<1x512x128xf32>
    tpu.vector_store %arg11[%swap3A_42, %swap3A_43, %swap3A_44], %swap3A_47 {strides = array<i32>} : memref<32x512x128xf32, #tpu.memory_space<vmem>>, vector<1x512x128xf32>,
    %get3A_48 = arith.constant 1 : index
    %get3A_49 = memref.load %arg1[%get3A_48] : memref<32xf32, #tpu.memory_space<smem>>
    %mul3A_50 = vector.broadcast %get3A_49 : f32 to vector<512x128xf32>
    %mul3A_51 = arith.mulf %max3A_36, %mul3A_50 : vector<512x128xf32>
    %swap3A_52 = arith.constant 1 : index
    %swap3A_53 = arith.constant 0 : index
    %swap3A_54 = arith.constant 0 : index
    %swap3A_55 = vector.load %arg11[%swap3A_52, %swap3A_53, %swap3A_54] : memref<32x512x128xf32, #tpu.memory_space<vmem>>, vector<1x512x128xf32>
    %swap3A_56 = vector.shape_cast %swap3A_55 : vector<1x512x128xf32> to vector<512x128xf32>
    %swap3A_57 = vector.shape_cast %mul3A_51 : vector<512x128xf32> to vector<1x512x128xf32>
    tpu.vector_store %arg11[%swap3A_52, %swap3A_53, %swap3A_54], %swap3A_57 {strides = array<i32>} : memref<32x512x128xf32, #tpu.memory_space<vmem>>, vector<1x512x128xf32>,
    %get3A_58 = arith.constant 2 : index
    %get3A_59 = memref.load %arg1[%get3A_58] : memref<32xf32, #tpu.memory_space<smem>>
    %mul3A_60 = vector.broadcast %get3A_59 : f32 to vector<512x128xf32>
    %mul3A_61 = arith.mulf %max3A_36, %mul3A_60 : vector<512x128xf32>
    %swap3A_62 = arith.constant 2 : index
    %swap3A_63 = arith.constant 0 : index
    %swap3A_64 = arith.constant 0 : index
    %swap3A_65 = vector.load %arg11[%swap3A_62, %swap3A_63, %swap3A_64] : memref<32x512x128xf32, #tpu.memory_space<vmem>>, vector<1x512x128xf32>
    %swap3A_66 = vector.shape_cast %swap3A_65 : vector<1x512x128xf32> to vector<512x128xf32>
    %swap3A_67 = vector.shape_cast %mul3A_61 : vector<512x128xf32> to vector<1x512x128xf32>
    tpu.vector_store %arg11[%swap3A_62, %swap3A_63, %swap3A_64], %swap3A_67 {strides = array<i32>} : memref<32x512x128xf32, #tpu.memory_space<vmem>>, vector<1x512x128xf32>,
    %get3A_68 = arith.constant 3 : index
    %get3A_69 = memref.load %arg1[%get3A_68] : memref<32xf32, #tpu.memory_space<smem>>
    %mul3A_70 = vector.broadcast %get3A_69 : f32 to vector<512x128xf32>
    %mul3A_71 = arith.mulf %max3A_36, %mul3A_70 : vector<512x128xf32>
    %swap3A_72 = arith.constant 3 : index
    %swap3A_73 = arith.constant 0 : index
    %swap3A_74 = arith.constant 0 : index
    %swap3A_75 = vector.load %arg11[%swap3A_72, %swap3A_73, %swap3A_74] : memref<32x512x128xf32, #tpu.memory_space<vmem>>, vector<1x512x128xf32>
    %swap3A_76 = vector.shape_cast %swap3A_75 : vector<1x512x128xf32> to vector<512x128xf32>
    %swap3A_77 = vector.shape_cast %mul3A_71 : vector<512x128xf32> to vector<1x512x128xf32>
    tpu.vector_store %arg11[%swap3A_72, %swap3A_73, %swap3A_74], %swap3A_77 {strides = array<i32>} : memref<32x512x128xf32, #tpu.memory_space<vmem>>, vector<1x512x128xf32>,
    %get3A_78 = arith.constant 4 : index
    %get3A_79 = memref.load %arg1[%get3A_78] : memref<32xf32, #tpu.memory_space<smem>>
    %mul3A_80 = vector.broadcast %get3A_79 : f32 to vector<512x128xf32>
    %mul3A_81 = arith.mulf %max3A_36, %mul3A_80 : vector<512x128xf32>
    %swap3A_82 = arith.constant 4 : index
    %swap3A_83 = arith.constant 0 : index
    %swap3A_84 = arith.constant 0 : index
    %swap3A_85 = vector.load %arg11[%swap3A_82, %swap3A_83, %swap3A_84] : memref<32x512x128xf32, #tpu.memory_space<vmem>>, vector<1x512x128xf32>
    %swap3A_86 = vector.shape_cast %swap3A_85 : vector<1x512x128xf32> to vector<512x128xf32>
    %swap3A_87 = vector.shape_cast %mul3A_81 : vector<512x128xf32> to vector<1x512x128xf32>
    tpu.vector_store %arg11[%swap3A_82, %swap3A_83, %swap3A_84], %swap3A_87 {strides = array<i32>} : memref<32x512x128xf32, #tpu.memory_space<vmem>>, vector<1x512x128xf32>,
    %get3A_88 = arith.constant 5 : index
    %get3A_89 = memref.load %arg1[%get3A_88] : memref<32xf32, #tpu.memory_space<smem>>
    %mul3A_90 = vector.broadcast %get3A_89 : f32 to vector<512x128xf32>
    %mul3A_91 = arith.mulf %max3A_36, %mul3A_90 : vector<512x128xf32>
    %swap3A_92 = arith.constant 5 : index
    %swap3A_93 = arith.constant 0 : index
    %swap3A_94 = arith.constant 0 : index
    %swap3A_95 = vector.load %arg11[%swap3A_92, %swap3A_93, %swap3A_94] : memref<32x512x128xf32, #tpu.memory_space<vmem>>, vector<1x512x128xf32>
    %swap3A_96 = vector.shape_cast %swap3A_95 : vector<1x512x128xf32> to vector<512x128xf32>
    %swap3A_97 = vector.shape_cast %mul3A_91 : vector<512x128xf32> to vector<1x512x128xf32>
    tpu.vector_store %arg11[%swap3A_92, %swap3A_93, %swap3A_94], %swap3A_97 {strides = array<i32>} : memref<32x512x128xf32, #tpu.memory_space<vmem>>, vector<1x512x128xf32>,
    %get3A_98 = arith.constant 6 : index
    %get3A_99 = memref.load %arg1[%get3A_98] : memref<32xf32, #tpu.memory_space<smem>>
    %mul3A_100 = vector.broadcast %get3A_99 : f32 to vector<512x128xf32>
    %mul3A_101 = arith.mulf %max3A_36, %mul3A_100 : vector<512x128xf32>
    %swap3A_102 = arith.constant 6 : index
    %swap3A_103 = arith.constant 0 : index
    %swap3A_104 = arith.constant 0 : index
    %swap3A_105 = vector.load %arg11[%swap3A_102, %swap3A_103, %swap3A_104] : memref<32x512x128xf32, #tpu.memory_space<vmem>>, vector<1x512x128xf32>
    %swap3A_106 = vector.shape_cast %swap3A_105 : vector<1x512x128xf32> to vector<512x128xf32>
    %swap3A_107 = vector.shape_cast %mul3A_101 : vector<512x128xf32> to vector<1x512x128xf32>
    tpu.vector_store %arg11[%swap3A_102, %swap3A_103, %swap3A_104], %swap3A_107 {strides = array<i32>} : memref<32x512x128xf32, #tpu.memory_space<vmem>>, vector<1x512x128xf32>,
    %get3A_108 = arith.constant 7 : index
    %get3A_109 = memref.load %arg1[%get3A_108] : memref<32xf32, #tpu.memory_space<smem>>
    %mul3A_110 = vector.broadcast %get3A_109 : f32 to vector<512x128xf32>
    %mul3A_111 = arith.mulf %max3A_36, %mul3A_110 : vector<512x128xf32>
    %swap3A_112 = arith.constant 7 : index
    %swap3A_113 = arith.constant 0 : index
    %swap3A_114 = arith.constant 0 : index
    %swap3A_115 = vector.load %arg11[%swap3A_112, %swap3A_113, %swap3A_114] : memref<32x512x128xf32, #tpu.memory_space<vmem>>, vector<1x512x128xf32>
    %swap3A_116 = vector.shape_cast %swap3A_115 : vector<1x512x128xf32> to vector<512x128xf32>
    %swap3A_117 = vector.shape_cast %mul3A_111 : vector<512x128xf32> to vector<1x512x128xf32>
    tpu.vector_store %arg11[%swap3A_112, %swap3A_113, %swap3A_114], %swap3A_117 {strides = array<i32>} : memref<32x512x128xf32, #tpu.memory_space<vmem>>, vector<1x512x128xf32>,
    %get3A_118 = arith.constant 8 : index
    %get3A_119 = memref.load %arg1[%get3A_118] : memref<32xf32, #tpu.memory_space<smem>>
    %mul3A_120 = vector.broadcast %get3A_119 : f32 to vector<512x128xf32>
    %mul3A_121 = arith.mulf %max3A_36, %mul3A_120 : vector<512x128xf32>
    %swap3A_122 = arith.constant 8 : index
    %swap3A_123 = arith.constant 0 : index
    %swap3A_124 = arith.constant 0 : index
    %swap3A_125 = vector.load %arg11[%swap3A_122, %swap3A_123, %swap3A_124] : memref<32x512x128xf32, #tpu.memory_space<vmem>>, vector<1x512x128xf32>
    %swap3A_126 = vector.shape_cast %swap3A_125 : vector<1x512x128xf32> to vector<512x128xf32>
    %swap3A_127 = vector.shape_cast %mul3A_121 : vector<512x128xf32> to vector<1x512x128xf32>
    tpu.vector_store %arg11[%swap3A_122, %swap3A_123, %swap3A_124], %swap3A_127 {strides = array<i32>} : memref<32x512x128xf32, #tpu.memory_space<vmem>>, vector<1x512x128xf32>,
    %get3A_128 = arith.constant 9 : index
    %get3A_129 = memref.load %arg1[%get3A_128] : memref<32xf32, #tpu.memory_space<smem>>
    %mul3A_130 = vector.broadcast %get3A_129 : f32 to vector<512x128xf32>
    %mul3A_131 = arith.mulf %max3A_36, %mul3A_130 : vector<512x128xf32>
    %swap3A_132 = arith.constant 9 : index
    %swap3A_133 = arith.constant 0 : index
    %swap3A_134 = arith.constant 0 : index
    %swap3A_135 = vector.load %arg11[%swap3A_132, %swap3A_133, %swap3A_134] : memref<32x512x128xf32, #tpu.memory_space<vmem>>, vector<1x512x128xf32>
    %swap3A_136 = vector.shape_cast %swap3A_135 : vector<1x512x128xf32> to vector<512x128xf32>
    %swap3A_137 = vector.shape_cast %mul3A_131 : vector<512x128xf32> to vector<1x512x128xf32>
    tpu.vector_store %arg11[%swap3A_132, %swap3A_133, %swap3A_134], %swap3A_137 {strides = array<i32>} : memref<32x512x128xf32, #tpu.memory_space<vmem>>, vector<1x512x128xf32>,
    %get3A_138 = arith.constant 10 : index
    %get3A_139 = memref.load %arg1[%get3A_138] : memref<32xf32, #tpu.memory_space<smem>>
    %mul3A_140 = vector.broadcast %get3A_139 : f32 to vector<512x128xf32>
    %mul3A_141 = arith.mulf %max3A_36, %mul3A_140 : vector<512x128xf32>
    %swap3A_142 = arith.constant 10 : index
    %swap3A_143 = arith.constant 0 : index
    %swap3A_144 = arith.constant 0 : index
    %swap3A_145 = vector.load %arg11[%swap3A_142, %swap3A_143, %swap3A_144] : memref<32x512x128xf32, #tpu.memory_space<vmem>>, vector<1x512x128xf32>
    %swap3A_146 = vector.shape_cast %swap3A_145 : vector<1x512x128xf32> to vector<512x128xf32>
    %swap3A_147 = vector.shape_cast %mul3A_141 : vector<512x128xf32> to vector<1x512x128xf32>
    tpu.vector_store %arg11[%swap3A_142, %swap3A_143, %swap3A_144], %swap3A_147 {strides = array<i32>} : memref<32x512x128xf32, #tpu.memory_space<vmem>>, vector<1x512x128xf32>,
    %get3A_148 = arith.constant 11 : index
    %get3A_149 = memref.load %arg1[%get3A_148] : memref<32xf32, #tpu.memory_space<smem>>
    %mul3A_150 = vector.broadcast %get3A_149 : f32 to vector<512x128xf32>
    %mul3A_151 = arith.mulf %max3A_36, %mul3A_150 : vector<512x128xf32>
    %swap3A_152 = arith.constant 11 : index
    %swap3A_153 = arith.constant 0 : index
    %swap3A_154 = arith.constant 0 : index
    %swap3A_155 = vector.load %arg11[%swap3A_152, %swap3A_153, %swap3A_154] : memref<32x512x128xf32, #tpu.memory_space<vmem>>, vector<1x512x128xf32>
    %swap3A_156 = vector.shape_cast %swap3A_155 : vector<1x512x128xf32> to vector<512x128xf32>
    %swap3A_157 = vector.shape_cast %mul3A_151 : vector<512x128xf32> to vector<1x512x128xf32>
    tpu.vector_store %arg11[%swap3A_152, %swap3A_153, %swap3A_154], %swap3A_157 {strides = array<i32>} : memref<32x512x128xf32, #tpu.memory_space<vmem>>, vector<1x512x128xf32>,
    %get3A_158 = arith.constant 12 : index
    %get3A_159 = memref.load %arg1[%get3A_158] : memref<32xf32, #tpu.memory_space<smem>>
    %mul3A_160 = vector.broadcast %get3A_159 : f32 to vector<512x128xf32>
    %mul3A_161 = arith.mulf %max3A_36, %mul3A_160 : vector<512x128xf32>
    %swap3A_162 = arith.constant 12 : index
    %swap3A_163 = arith.constant 0 : index
    %swap3A_164 = arith.constant 0 : index
    %swap3A_165 = vector.load %arg11[%swap3A_162, %swap3A_163, %swap3A_164] : memref<32x512x128xf32, #tpu.memory_space<vmem>>, vector<1x512x128xf32>
    %swap3A_166 = vector.shape_cast %swap3A_165 : vector<1x512x128xf32> to vector<512x128xf32>
    %swap3A_167 = vector.shape_cast %mul3A_161 : vector<512x128xf32> to vector<1x512x128xf32>
    tpu.vector_store %arg11[%swap3A_162, %swap3A_163, %swap3A_164], %swap3A_167 {strides = array<i32>} : memref<32x512x128xf32, #tpu.memory_space<vmem>>, vector<1x512x128xf32>,
    %get3A_168 = arith.constant 13 : index
    %get3A_169 = memref.load %arg1[%get3A_168] : memref<32xf32, #tpu.memory_space<smem>>
    %mul3A_170 = vector.broadcast %get3A_169 : f32 to vector<512x128xf32>
    %mul3A_171 = arith.mulf %max3A_36, %mul3A_170 : vector<512x128xf32>
    %swap3A_172 = arith.constant 13 : index
    %swap3A_173 = arith.constant 0 : index
    %swap3A_174 = arith.constant 0 : index
    %swap3A_175 = vector.load %arg11[%swap3A_172, %swap3A_173, %swap3A_174] : memref<32x512x128xf32, #tpu.memory_space<vmem>>, vector<1x512x128xf32>
    %swap3A_176 = vector.shape_cast %swap3A_175 : vector<1x512x128xf32> to vector<512x128xf32>
    %swap3A_177 = vector.shape_cast %mul3A_171 : vector<512x128xf32> to vector<1x512x128xf32>
    tpu.vector_store %arg11[%swap3A_172, %swap3A_173, %swap3A_174], %swap3A_177 {strides = array<i32>} : memref<32x512x128xf32, #tpu.memory_space<vmem>>, vector<1x512x128xf32>,
    %get3A_178 = arith.constant 14 : index
    %get3A_179 = memref.load %arg1[%get3A_178] : memref<32xf32, #tpu.memory_space<smem>>
    %mul3A_180 = vector.broadcast %get3A_179 : f32 to vector<512x128xf32>
    %mul3A_181 = arith.mulf %max3A_36, %mul3A_180 : vector<512x128xf32>
    %swap3A_182 = arith.constant 14 : index
    %swap3A_183 = arith.constant 0 : index
    %swap3A_184 = arith.constant 0 : index
    %swap3A_185 = vector.load %arg11[%swap3A_182, %swap3A_183, %swap3A_184] : memref<32x512x128xf32, #tpu.memory_space<vmem>>, vector<1x512x128xf32>
    %swap3A_186 = vector.shape_cast %swap3A_185 : vector<1x512x128xf32> to vector<512x128xf32>
    %swap3A_187 = vector.shape_cast %mul3A_181 : vector<512x128xf32> to vector<1x512x128xf32>
    tpu.vector_store %arg11[%swap3A_182, %swap3A_183, %swap3A_184], %swap3A_187 {strides = array<i32>} : memref<32x512x128xf32, #tpu.memory_space<vmem>>, vector<1x512x128xf32>,
    %get3A_188 = arith.constant 15 : index
    %get3A_189 = memref.load %arg1[%get3A_188] : memref<32xf32, #tpu.memory_space<smem>>
    %mul3A_190 = vector.broadcast %get3A_189 : f32 to vector<512x128xf32>
    %mul3A_191 = arith.mulf %max3A_36, %mul3A_190 : vector<512x128xf32>
    %swap3A_192 = arith.constant 15 : index
    %swap3A_193 = arith.constant 0 : index
    %swap3A_194 = arith.constant 0 : index
    %swap3A_195 = vector.load %arg11[%swap3A_192, %swap3A_193, %swap3A_194] : memref<32x512x128xf32, #tpu.memory_space<vmem>>, vector<1x512x128xf32>
    %swap3A_196 = vector.shape_cast %swap3A_195 : vector<1x512x128xf32> to vector<512x128xf32>
    %swap3A_197 = vector.shape_cast %mul3A_191 : vector<512x128xf32> to vector<1x512x128xf32>
    tpu.vector_store %arg11[%swap3A_192, %swap3A_193, %swap3A_194], %swap3A_197 {strides = array<i32>} : memref<32x512x128xf32, #tpu.memory_space<vmem>>, vector<1x512x128xf32>,
    %get3A_198 = arith.constant 16 : index
    %get3A_199 = memref.load %arg1[%get3A_198] : memref<32xf32, #tpu.memory_space<smem>>
    %mul3A_200 = vector.broadcast %get3A_199 : f32 to vector<512x128xf32>
    %mul3A_201 = arith.mulf %max3A_36, %mul3A_200 : vector<512x128xf32>
    %swap3A_202 = arith.constant 16 : index
    %swap3A_203 = arith.constant 0 : index
    %swap3A_204 = arith.constant 0 : index
    %swap3A_205 = vector.load %arg11[%swap3A_202, %swap3A_203, %swap3A_204] : memref<32x512x128xf32, #tpu.memory_space<vmem>>, vector<1x512x128xf32>
    %swap3A_206 = vector.shape_cast %swap3A_205 : vector<1x512x128xf32> to vector<512x128xf32>
    %swap3A_207 = vector.shape_cast %mul3A_201 : vector<512x128xf32> to vector<1x512x128xf32>
    tpu.vector_store %arg11[%swap3A_202, %swap3A_203, %swap3A_204], %swap3A_207 {strides = array<i32>} : memref<32x512x128xf32, #tpu.memory_space<vmem>>, vector<1x512x128xf32>,
    %get3A_208 = arith.constant 17 : index
    %get3A_209 = memref.load %arg1[%get3A_208] : memref<32xf32, #tpu.memory_space<smem>>
    %mul3A_210 = vector.broadcast %get3A_209 : f32 to vector<512x128xf32>
    %mul3A_211 = arith.mulf %max3A_36, %mul3A_210 : vector<512x128xf32>
    %swap3A_212 = arith.constant 17 : index
    %swap3A_213 = arith.constant 0 : index
    %swap3A_214 = arith.constant 0 : index
    %swap3A_215 = vector.load %arg11[%swap3A_212, %swap3A_213, %swap3A_214] : memref<32x512x128xf32, #tpu.memory_space<vmem>>, vector<1x512x128xf32>
    %swap3A_216 = vector.shape_cast %swap3A_215 : vector<1x512x128xf32> to vector<512x128xf32>
    %swap3A_217 = vector.shape_cast %mul3A_211 : vector<512x128xf32> to vector<1x512x128xf32>
    tpu.vector_store %arg11[%swap3A_212, %swap3A_213, %swap3A_214], %swap3A_217 {strides = array<i32>} : memref<32x512x128xf32, #tpu.memory_space<vmem>>, vector<1x512x128xf32>,
    %get3A_218 = arith.constant 18 : index
    %get3A_219 = memref.load %arg1[%get3A_218] : memref<32xf32, #tpu.memory_space<smem>>
    %mul3A_220 = vector.broadcast %get3A_219 : f32 to vector<512x128xf32>
    %mul3A_221 = arith.mulf %max3A_36, %mul3A_220 : vector<512x128xf32>
    %swap3A_222 = arith.constant 18 : index
    %swap3A_223 = arith.constant 0 : index
    %swap3A_224 = arith.constant 0 : index
    %swap3A_225 = vector.load %arg11[%swap3A_222, %swap3A_223, %swap3A_224] : memref<32x512x128xf32, #tpu.memory_space<vmem>>, vector<1x512x128xf32>
    %swap3A_226 = vector.shape_cast %swap3A_225 : vector<1x512x128xf32> to vector<512x128xf32>
    %swap3A_227 = vector.shape_cast %mul3A_221 : vector<512x128xf32> to vector<1x512x128xf32>
    tpu.vector_store %arg11[%swap3A_222, %swap3A_223, %swap3A_224], %swap3A_227 {strides = array<i32>} : memref<32x512x128xf32, #tpu.memory_space<vmem>>, vector<1x512x128xf32>,
    %get3A_228 = arith.constant 19 : index
    %get3A_229 = memref.load %arg1[%get3A_228] : memref<32xf32, #tpu.memory_space<smem>>
    %mul3A_230 = vector.broadcast %get3A_229 : f32 to vector<512x128xf32>
    %mul3A_231 = arith.mulf %max3A_36, %mul3A_230 : vector<512x128xf32>
    %swap3A_232 = arith.constant 19 : index
    %swap3A_233 = arith.constant 0 : index
    %swap3A_234 = arith.constant 0 : index
    %swap3A_235 = vector.load %arg11[%swap3A_232, %swap3A_233, %swap3A_234] : memref<32x512x128xf32, #tpu.memory_space<vmem>>, vector<1x512x128xf32>
    %swap3A_236 = vector.shape_cast %swap3A_235 : vector<1x512x128xf32> to vector<512x128xf32>
    %swap3A_237 = vector.shape_cast %mul3A_231 : vector<512x128xf32> to vector<1x512x128xf32>
    tpu.vector_store %arg11[%swap3A_232, %swap3A_233, %swap3A_234], %swap3A_237 {strides = array<i32>} : memref<32x512x128xf32, #tpu.memory_space<vmem>>, vector<1x512x128xf32>,
    %get3A_238 = arith.constant 20 : index
    %get3A_239 = memref.load %arg1[%get3A_238] : memref<32xf32, #tpu.memory_space<smem>>
    %mul3A_240 = vector.broadcast %get3A_239 : f32 to vector<512x128xf32>
    %mul3A_241 = arith.mulf %max3A_36, %mul3A_240 : vector<512x128xf32>
    %swap3A_242 = arith.constant 20 : index
    %swap3A_243 = arith.constant 0 : index
    %swap3A_244 = arith.constant 0 : index
    %swap3A_245 = vector.load %arg11[%swap3A_242, %swap3A_243, %swap3A_244] : memref<32x512x128xf32, #tpu.memory_space<vmem>>, vector<1x512x128xf32>
    %swap3A_246 = vector.shape_cast %swap3A_245 : vector<1x512x128xf32> to vector<512x128xf32>
    %swap3A_247 = vector.shape_cast %mul3A_241 : vector<512x128xf32> to vector<1x512x128xf32>
    tpu.vector_store %arg11[%swap3A_242, %swap3A_243, %swap3A_244], %swap3A_247 {strides = array<i32>} : memref<32x512x128xf32, #tpu.memory_space<vmem>>, vector<1x512x128xf32>,
    %get3A_248 = arith.constant 21 : index
    %get3A_249 = memref.load %arg1[%get3A_248] : memref<32xf32, #tpu.memory_space<smem>>
    %mul3A_250 = vector.broadcast %get3A_249 : f32 to vector<512x128xf32>
    %mul3A_251 = arith.mulf %max3A_36, %mul3A_250 : vector<512x128xf32>
    %swap3A_252 = arith.constant 21 : index
    %swap3A_253 = arith.constant 0 : index
    %swap3A_254 = arith.constant 0 : index
    %swap3A_255 = vector.load %arg11[%swap3A_252, %swap3A_253, %swap3A_254] : memref<32x512x128xf32, #tpu.memory_space<vmem>>, vector<1x512x128xf32>
    %swap3A_256 = vector.shape_cast %swap3A_255 : vector<1x512x128xf32> to vector<512x128xf32>
    %swap3A_257 = vector.shape_cast %mul3A_251 : vector<512x128xf32> to vector<1x512x128xf32>
    tpu.vector_store %arg11[%swap3A_252, %swap3A_253, %swap3A_254], %swap3A_257 {strides = array<i32>} : memref<32x512x128xf32, #tpu.memory_space<vmem>>, vector<1x512x128xf32>,
    %get3A_258 = arith.constant 22 : index
    %get3A_259 = memref.load %arg1[%get3A_258] : memref<32xf32, #tpu.memory_space<smem>>
    %mul3A_260 = vector.broadcast %get3A_259 : f32 to vector<512x128xf32>
    %mul3A_261 = arith.mulf %max3A_36, %mul3A_260 : vector<512x128xf32>
    %swap3A_262 = arith.constant 22 : index
    %swap3A_263 = arith.constant 0 : index
    %swap3A_264 = arith.constant 0 : index
    %swap3A_265 = vector.load %arg11[%swap3A_262, %swap3A_263, %swap3A_264] : memref<32x512x128xf32, #tpu.memory_space<vmem>>, vector<1x512x128xf32>
    %swap3A_266 = vector.shape_cast %swap3A_265 : vector<1x512x128xf32> to vector<512x128xf32>
    %swap3A_267 = vector.shape_cast %mul3A_261 : vector<512x128xf32> to vector<1x512x128xf32>
    tpu.vector_store %arg11[%swap3A_262, %swap3A_263, %swap3A_264], %swap3A_267 {strides = array<i32>} : memref<32x512x128xf32, #tpu.memory_space<vmem>>, vector<1x512x128xf32>,
    %get3A_268 = arith.constant 23 : index
    %get3A_269 = memref.load %arg1[%get3A_268] : memref<32xf32, #tpu.memory_space<smem>>
    %mul3A_270 = vector.broadcast %get3A_269 : f32 to vector<512x128xf32>
    %mul3A_271 = arith.mulf %max3A_36, %mul3A_270 : vector<512x128xf32>
    %swap3A_272 = arith.constant 23 : index
    %swap3A_273 = arith.constant 0 : index
    %swap3A_274 = arith.constant 0 : index
    %swap3A_275 = vector.load %arg11[%swap3A_272, %swap3A_273, %swap3A_274] : memref<32x512x128xf32, #tpu.memory_space<vmem>>, vector<1x512x128xf32>
    %swap3A_276 = vector.shape_cast %swap3A_275 : vector<1x512x128xf32> to vector<512x128xf32>
    %swap3A_277 = vector.shape_cast %mul3A_271 : vector<512x128xf32> to vector<1x512x128xf32>
    tpu.vector_store %arg11[%swap3A_272, %swap3A_273, %swap3A_274], %swap3A_277 {strides = array<i32>} : memref<32x512x128xf32, #tpu.memory_space<vmem>>, vector<1x512x128xf32>,
    %get3A_278 = arith.constant 24 : index
    %get3A_279 = memref.load %arg1[%get3A_278] : memref<32xf32, #tpu.memory_space<smem>>
    %mul3A_280 = vector.broadcast %get3A_279 : f32 to vector<512x128xf32>
    %mul3A_281 = arith.mulf %max3A_36, %mul3A_280 : vector<512x128xf32>
    %swap3A_282 = arith.constant 24 : index
    %swap3A_283 = arith.constant 0 : index
    %swap3A_284 = arith.constant 0 : index
    %swap3A_285 = vector.load %arg11[%swap3A_282, %swap3A_283, %swap3A_284] : memref<32x512x128xf32, #tpu.memory_space<vmem>>, vector<1x512x128xf32>
    %swap3A_286 = vector.shape_cast %swap3A_285 : vector<1x512x128xf32> to vector<512x128xf32>
    %swap3A_287 = vector.shape_cast %mul3A_281 : vector<512x128xf32> to vector<1x512x128xf32>
    tpu.vector_store %arg11[%swap3A_282, %swap3A_283, %swap3A_284], %swap3A_287 {strides = array<i32>} : memref<32x512x128xf32, #tpu.memory_space<vmem>>, vector<1x512x128xf32>,
    %get3A_288 = arith.constant 25 : index
    %get3A_289 = memref.load %arg1[%get3A_288] : memref<32xf32, #tpu.memory_space<smem>>
    %mul3A_290 = vector.broadcast %get3A_289 : f32 to vector<512x128xf32>
    %mul3A_291 = arith.mulf %max3A_36, %mul3A_290 : vector<512x128xf32>
    %swap3A_292 = arith.constant 25 : index
    %swap3A_293 = arith.constant 0 : index
    %swap3A_294 = arith.constant 0 : index
    %swap3A_295 = vector.load %arg11[%swap3A_292, %swap3A_293, %swap3A_294] : memref<32x512x128xf32, #tpu.memory_space<vmem>>, vector<1x512x128xf32>
    %swap3A_296 = vector.shape_cast %swap3A_295 : vector<1x512x128xf32> to vector<512x128xf32>
    %swap3A_297 = vector.shape_cast %mul3A_291 : vector<512x128xf32> to vector<1x512x128xf32>
    tpu.vector_store %arg11[%swap3A_292, %swap3A_293, %swap3A_294], %swap3A_297 {strides = array<i32>} : memref<32x512x128xf32, #tpu.memory_space<vmem>>, vector<1x512x128xf32>,
    %get3A_298 = arith.constant 26 : index
    %get3A_299 = memref.load %arg1[%get3A_298] : memref<32xf32, #tpu.memory_space<smem>>
    %mul3A_300 = vector.broadcast %get3A_299 : f32 to vector<512x128xf32>
    %mul3A_301 = arith.mulf %max3A_36, %mul3A_300 : vector<512x128xf32>
    %swap3A_302 = arith.constant 26 : index
    %swap3A_303 = arith.constant 0 : index
    %swap3A_304 = arith.constant 0 : index
    %swap3A_305 = vector.load %arg11[%swap3A_302, %swap3A_303, %swap3A_304] : memref<32x512x128xf32, #tpu.memory_space<vmem>>, vector<1x512x128xf32>
    %swap3A_306 = vector.shape_cast %swap3A_305 : vector<1x512x128xf32> to vector<512x128xf32>
    %swap3A_307 = vector.shape_cast %mul3A_301 : vector<512x128xf32> to vector<1x512x128xf32>
    tpu.vector_store %arg11[%swap3A_302, %swap3A_303, %swap3A_304], %swap3A_307 {strides = array<i32>} : memref<32x512x128xf32, #tpu.memory_space<vmem>>, vector<1x512x128xf32>,
    %get3A_308 = arith.constant 27 : index
    %get3A_309 = memref.load %arg1[%get3A_308] : memref<32xf32, #tpu.memory_space<smem>>
    %mul3A_310 = vector.broadcast %get3A_309 : f32 to vector<512x128xf32>
    %mul3A_311 = arith.mulf %max3A_36, %mul3A_310 : vector<512x128xf32>
    %swap3A_312 = arith.constant 27 : index
    %swap3A_313 = arith.constant 0 : index
    %swap3A_314 = arith.constant 0 : index
    %swap3A_315 = vector.load %arg11[%swap3A_312, %swap3A_313, %swap3A_314] : memref<32x512x128xf32, #tpu.memory_space<vmem>>, vector<1x512x128xf32>
    %swap3A_316 = vector.shape_cast %swap3A_315 : vector<1x512x128xf32> to vector<512x128xf32>
    %swap3A_317 = vector.shape_cast %mul3A_311 : vector<512x128xf32> to vector<1x512x128xf32>
    tpu.vector_store %arg11[%swap3A_312, %swap3A_313, %swap3A_314], %swap3A_317 {strides = array<i32>} : memref<32x512x128xf32, #tpu.memory_space<vmem>>, vector<1x512x128xf32>,
    %get3A_318 = arith.constant 28 : index
    %get3A_319 = memref.load %arg1[%get3A_318] : memref<32xf32, #tpu.memory_space<smem>>
    %mul3A_320 = vector.broadcast %get3A_319 : f32 to vector<512x128xf32>
    %mul3A_321 = arith.mulf %max3A_36, %mul3A_320 : vector<512x128xf32>
    %swap3A_322 = arith.constant 28 : index
    %swap3A_323 = arith.constant 0 : index
    %swap3A_324 = arith.constant 0 : index
    %swap3A_325 = vector.load %arg11[%swap3A_322, %swap3A_323, %swap3A_324] : memref<32x512x128xf32, #tpu.memory_space<vmem>>, vector<1x512x128xf32>
    %swap3A_326 = vector.shape_cast %swap3A_325 : vector<1x512x128xf32> to vector<512x128xf32>
    %swap3A_327 = vector.shape_cast %mul3A_321 : vector<512x128xf32> to vector<1x512x128xf32>
    tpu.vector_store %arg11[%swap3A_322, %swap3A_323, %swap3A_324], %swap3A_327 {strides = array<i32>} : memref<32x512x128xf32, #tpu.memory_space<vmem>>, vector<1x512x128xf32>,
    %get3A_328 = arith.constant 29 : index
    %get3A_329 = memref.load %arg1[%get3A_328] : memref<32xf32, #tpu.memory_space<smem>>
    %mul3A_330 = vector.broadcast %get3A_329 : f32 to vector<512x128xf32>
    %mul3A_331 = arith.mulf %max3A_36, %mul3A_330 : vector<512x128xf32>
    %swap3A_332 = arith.constant 29 : index
    %swap3A_333 = arith.constant 0 : index
    %swap3A_334 = arith.constant 0 : index
    %swap3A_335 = vector.load %arg11[%swap3A_332, %swap3A_333, %swap3A_334] : memref<32x512x128xf32, #tpu.memory_space<vmem>>, vector<1x512x128xf32>
    %swap3A_336 = vector.shape_cast %swap3A_335 : vector<1x512x128xf32> to vector<512x128xf32>
    %swap3A_337 = vector.shape_cast %mul3A_331 : vector<512x128xf32> to vector<1x512x128xf32>
    tpu.vector_store %arg11[%swap3A_332, %swap3A_333, %swap3A_334], %swap3A_337 {strides = array<i32>} : memref<32x512x128xf32, #tpu.memory_space<vmem>>, vector<1x512x128xf32>,
    %get3A_338 = arith.constant 30 : index
    %get3A_339 = memref.load %arg1[%get3A_338] : memref<32xf32, #tpu.memory_space<smem>>
    %mul3A_340 = vector.broadcast %get3A_339 : f32 to vector<512x128xf32>
    %mul3A_341 = arith.mulf %max3A_36, %mul3A_340 : vector<512x128xf32>
    %swap3A_342 = arith.constant 30 : index
    %swap3A_343 = arith.constant 0 : index
    %swap3A_344 = arith.constant 0 : index
    %swap3A_345 = vector.load %arg11[%swap3A_342, %swap3A_343, %swap3A_344] : memref<32x512x128xf32, #tpu.memory_space<vmem>>, vector<1x512x128xf32>
    %swap3A_346 = vector.shape_cast %swap3A_345 : vector<1x512x128xf32> to vector<512x128xf32>
    %swap3A_347 = vector.shape_cast %mul3A_341 : vector<512x128xf32> to vector<1x512x128xf32>
    tpu.vector_store %arg11[%swap3A_342, %swap3A_343, %swap3A_344], %swap3A_347 {strides = array<i32>} : memref<32x512x128xf32, #tpu.memory_space<vmem>>, vector<1x512x128xf32>,
    %get3A_348 = arith.constant 31 : index
    %get3A_349 = memref.load %arg1[%get3A_348] : memref<32xf32, #tpu.memory_space<smem>>
    %mul3A_350 = vector.broadcast %get3A_349 : f32 to vector<512x128xf32>
    %mul3A_351 = arith.mulf %max3A_36, %mul3A_350 : vector<512x128xf32>
    %swap3A_352 = arith.constant 31 : index
    %swap3A_353 = arith.constant 0 : index
    %swap3A_354 = arith.constant 0 : index
    %swap3A_355 = vector.load %arg11[%swap3A_352, %swap3A_353, %swap3A_354] : memref<32x512x128xf32, #tpu.memory_space<vmem>>, vector<1x512x128xf32>
    %swap3A_356 = vector.shape_cast %swap3A_355 : vector<1x512x128xf32> to vector<512x128xf32>
    %swap3A_357 = vector.shape_cast %mul3A_351 : vector<512x128xf32> to vector<1x512x128xf32>
    tpu.vector_store %arg11[%swap3A_352, %swap3A_353, %swap3A_354], %swap3A_357 {strides = array<i32>} : memref<32x512x128xf32, #tpu.memory_space<vmem>>, vector<1x512x128xf32>,
    return
  }
  func.func @transform_0(%arg0: i32) -> i32 {
    %c0_i32 = arith.constant 0 : i32
    %c0_i32_0 = arith.constant 0 : i32
    return %c0_i32 : i32
  }
  func.func @transform_1(%arg0: i32) -> (i32, i32) {
    %c0_i32 = arith.constant 0 : i32
    %c0_i32_0 = arith.constant 0 : i32
    return %arg0, %c0_i32 : i32, i32
  }
  func.func @transform_2(%arg0: i32) -> (i32, i32) {
    %c0_i32 = arith.constant 0 : i32
    %c0_i32_0 = arith.constant 0 : i32
    return %arg0, %c0_i32 : i32, i32
  }
  func.func @transform_3(%arg0: i32) -> (i32, i32) {
    %c0_i32 = arith.constant 0 : i32
    %c0_i32_0 = arith.constant 0 : i32
    return %arg0, %c0_i32 : i32, i32
  }
  func.func @transform_4(%arg0: i32) -> (i32, i32) {
    %c0_i32 = arith.constant 0 : i32
    %c0_i32_0 = arith.constant 0 : i32
    return %arg0, %c0_i32 : i32, i32
  }
  func.func @transform_5(%arg0: i32) -> (i32, i32) {
    %c0_i32 = arith.constant 0 : i32
    %c0_i32_0 = arith.constant 0 : i32
    %c0_i32_1 = arith.constant 0 : i32
    return %c0_i32, %c0_i32_0 : i32, i32
  }
  func.func @transform_6(%arg0: i32) -> (i32, i32) {
    %c0_i32 = arith.constant 0 : i32
    %c0_i32_0 = arith.constant 0 : i32
    %c0_i32_1 = arith.constant 0 : i32
    return %c0_i32, %c0_i32_0 : i32, i32
  }
  func.func @transform_7(%arg0: i32) -> (i32, i32) {
    %c0_i32 = arith.constant 0 : i32
    %c0_i32_0 = arith.constant 0 : i32
    %c0_i32_1 = arith.constant 0 : i32
    return %c0_i32, %c0_i32_0 : i32, i32
  }
  func.func @transform_8(%arg0: i32) -> (i32, i32) {
    %c0_i32 = arith.constant 0 : i32
    %c0_i32_0 = arith.constant 0 : i32
    %c0_i32_1 = arith.constant 0 : i32
    return %c0_i32, %c0_i32_0 : i32, i32
  }
  func.func @transform_9(%arg0: i32) -> (i32, i32) {
    %c0_i32 = arith.constant 0 : i32
    %c0_i32_0 = arith.constant 0 : i32
    return %arg0, %c0_i32 : i32, i32
  }
  func.func @transform_10(%arg0: i32) -> (i32, i32, i32) {
    %c0_i32 = arith.constant 0 : i32
    %c0_i32_0 = arith.constant 0 : i32
    %c0_i32_1 = arith.constant 0 : i32
    return %c0_i32, %arg0, %c0_i32_0 : i32, i32, i32
  }
}

module attributes {stable_mosaic.version = 14 : i64} {
  func.func @body(%arg0: i32, %arg1: memref<512x128xf32, #tpu.memory_space<vmem>>, %arg2: memref<512x128xf32, #tpu.memory_space<vmem>>, %arg3: memref<512x128xf32, #tpu.memory_space<vmem>>, %arg4: memref<512x1xf32, #tpu.memory_space<vmem>>, %arg5: memref<128x128xf32, #tpu.memory_space<vmem>>, %arg6: memref<128x128xf32, #tpu.memory_space<vmem>>, %arg7: memref<128x128xf32, #tpu.memory_space<vmem>>, %arg8: memref<1x128xf32, #tpu.memory_space<vmem>>, %arg9: memref<512x128xf32, #tpu.memory_space<vmem>>) attributes {dimension_semantics = [#tpu.dimension_semantics<arbitrary>], iteration_bounds = array<i64: 20>, scalar_prefetch = 0 : i64, scratch_operands = 0 : i64, tpu.core_type = #tpu.core_type<tc>, window_params = [{transform_indices = @transform_0, window_bounds = array<i64: 512, 128>}, {transform_indices = @transform_1, window_bounds = array<i64: 512, 128>}, {transform_indices = @transform_2, window_bounds = array<i64: 512, 128>}, {transform_indices = @transform_3, window_bounds = array<i64: 512, 1>}, {pipeline_mode = #tpu.pipeline_mode<synchronous>, transform_indices = @transform_4, window_bounds = array<i64: 128, 128>}, {pipeline_mode = #tpu.pipeline_mode<synchronous>, transform_indices = @transform_5, window_bounds = array<i64: 128, 128>}, {pipeline_mode = #tpu.pipeline_mode<synchronous>, transform_indices = @transform_6, window_bounds = array<i64: 128, 128>}, {pipeline_mode = #tpu.pipeline_mode<synchronous>, transform_indices = @transform_7, window_bounds = array<i64: 1, 128>}, {transform_indices = @transform_8, window_bounds = array<i64: 512, 128>}]} {
    %get3A = arith.constant 0 : index
    %get3A_0 = arith.constant 0 : index
    %get3A_1 = vector.load %arg1[%get3A, %get3A_0] : memref<512x128xf32, #tpu.memory_space<vmem>>, vector<512x128xf32>
    %get3A_2 = arith.constant 0 : index
    %get3A_3 = arith.constant 0 : index
    %get3A_4 = vector.load %arg5[%get3A_2, %get3A_3] : memref<128x128xf32, #tpu.memory_space<vmem>>, vector<128x128xf32>
    %dot_general3A = arith.constant dense<0.000000e+00> : vector<512x128xf32>
    %dot_general3A_5 = tpu.matmul %get3A_1, %get3A_4, %dot_general3A {dimension_numbers = #tpu.dot_dimension_numbers<[1], [0], [0], [1], [0, 0, 1, 1], [], []>, transpose_lhs_hint = false} : vector<512x128xf32>, vector<128x128xf32>, vector<512x128xf32> -> vector<512x128xf32>
    %get3A_6 = arith.constant 0 : index
    %get3A_7 = arith.constant 0 : index
    %get3A_8 = vector.load %arg2[%get3A_6, %get3A_7] : memref<512x128xf32, #tpu.memory_space<vmem>>, vector<512x128xf32>
    %get3A_9 = arith.constant 0 : index
    %get3A_10 = arith.constant 0 : index
    %get3A_11 = vector.load %arg6[%get3A_9, %get3A_10] : memref<128x128xf32, #tpu.memory_space<vmem>>, vector<128x128xf32>
    %dot_general3A_12 = arith.constant dense<0.000000e+00> : vector<512x128xf32>
    %dot_general3A_13 = tpu.matmul %get3A_8, %get3A_11, %dot_general3A_12 {dimension_numbers = #tpu.dot_dimension_numbers<[1], [0], [0], [1], [0, 0, 1, 1], [], []>, transpose_lhs_hint = false} : vector<512x128xf32>, vector<128x128xf32>, vector<512x128xf32> -> vector<512x128xf32>
    %add3A = arith.addf %dot_general3A_5, %dot_general3A_13 : vector<512x128xf32>
    %get3A_14 = arith.constant 0 : index
    %get3A_15 = arith.constant 0 : index
    %get3A_16 = vector.load %arg4[%get3A_14, %get3A_15] : memref<512x1xf32, #tpu.memory_space<vmem>>, vector<512x1xf32>
    %max3A = arith.constant 1.000000e+00 : f32
    %max3A_17 = vector.broadcast %max3A : f32 to vector<512x1xf32>
    %max3A_18 = arith.maximumf %get3A_16, %max3A_17 : vector<512x1xf32>
    %div3A = vector.broadcast %max3A_18 : vector<512x1xf32> to vector<512x128xf32>
    %div3A_19 = arith.divf %add3A, %div3A : vector<512x128xf32>
    %get3A_20 = arith.constant 0 : index
    %get3A_21 = arith.constant 0 : index
    %get3A_22 = vector.load %arg3[%get3A_20, %get3A_21] : memref<512x128xf32, #tpu.memory_space<vmem>>, vector<512x128xf32>
    %get3A_23 = arith.constant 0 : index
    %get3A_24 = arith.constant 0 : index
    %get3A_25 = vector.load %arg7[%get3A_23, %get3A_24] : memref<128x128xf32, #tpu.memory_space<vmem>>, vector<128x128xf32>
    %dot_general3A_26 = arith.constant dense<0.000000e+00> : vector<512x128xf32>
    %dot_general3A_27 = tpu.matmul %get3A_22, %get3A_25, %dot_general3A_26 {dimension_numbers = #tpu.dot_dimension_numbers<[1], [0], [0], [1], [0, 0, 1, 1], [], []>, transpose_lhs_hint = false} : vector<512x128xf32>, vector<128x128xf32>, vector<512x128xf32> -> vector<512x128xf32>
    %add3A_28 = arith.addf %div3A_19, %dot_general3A_27 : vector<512x128xf32>
    %get3A_29 = arith.constant 0 : index
    %get3A_30 = arith.constant 0 : index
    %get3A_31 = vector.load %arg8[%get3A_29, %get3A_30] : memref<1x128xf32, #tpu.memory_space<vmem>>, vector<1x128xf32>
    %add3A_32 = vector.broadcast %get3A_31 : vector<1x128xf32> to vector<512x128xf32>
    %add3A_33 = arith.addf %add3A_28, %add3A_32 : vector<512x128xf32>
    %swap3A = arith.constant 0 : index
    %swap3A_34 = arith.constant 0 : index
    %swap3A_35 = vector.load %arg9[%swap3A, %swap3A_34] : memref<512x128xf32, #tpu.memory_space<vmem>>, vector<512x128xf32>
    tpu.vector_store %arg9[%swap3A, %swap3A_34], %add3A_33 {strides = array<i32>} : memref<512x128xf32, #tpu.memory_space<vmem>>, vector<512x128xf32>,
    return
  }
  func.func @transform_0(%arg0: i32) -> (i32, i32) {
    %c0_i32 = arith.constant 0 : i32
    %c0_i32_0 = arith.constant 0 : i32
    return %arg0, %c0_i32 : i32, i32
  }
  func.func @transform_1(%arg0: i32) -> (i32, i32) {
    %c0_i32 = arith.constant 0 : i32
    %c0_i32_0 = arith.constant 0 : i32
    return %arg0, %c0_i32 : i32, i32
  }
  func.func @transform_2(%arg0: i32) -> (i32, i32) {
    %c0_i32 = arith.constant 0 : i32
    %c0_i32_0 = arith.constant 0 : i32
    return %arg0, %c0_i32 : i32, i32
  }
  func.func @transform_3(%arg0: i32) -> (i32, i32) {
    %c0_i32 = arith.constant 0 : i32
    %c0_i32_0 = arith.constant 0 : i32
    return %arg0, %c0_i32 : i32, i32
  }
  func.func @transform_4(%arg0: i32) -> (i32, i32) {
    %c0_i32 = arith.constant 0 : i32
    %c0_i32_0 = arith.constant 0 : i32
    %c0_i32_1 = arith.constant 0 : i32
    return %c0_i32, %c0_i32_0 : i32, i32
  }
  func.func @transform_5(%arg0: i32) -> (i32, i32) {
    %c0_i32 = arith.constant 0 : i32
    %c0_i32_0 = arith.constant 0 : i32
    %c0_i32_1 = arith.constant 0 : i32
    return %c0_i32, %c0_i32_0 : i32, i32
  }
  func.func @transform_6(%arg0: i32) -> (i32, i32) {
    %c0_i32 = arith.constant 0 : i32
    %c0_i32_0 = arith.constant 0 : i32
    %c0_i32_1 = arith.constant 0 : i32
    return %c0_i32, %c0_i32_0 : i32, i32
  }
  func.func @transform_7(%arg0: i32) -> (i32, i32) {
    %c0_i32 = arith.constant 0 : i32
    %c0_i32_0 = arith.constant 0 : i32
    %c0_i32_1 = arith.constant 0 : i32
    return %c0_i32, %c0_i32_0 : i32, i32
  }
  func.func @transform_8(%arg0: i32) -> (i32, i32) {
    %c0_i32 = arith.constant 0 : i32
    %c0_i32_0 = arith.constant 0 : i32
    return %arg0, %c0_i32 : i32, i32
  }
}

module attributes {stable_mosaic.version = 14 : i64} {
  func.func @body(%arg0: i32, %arg1: memref<512x128xf32, #tpu.memory_space<vmem>>, %arg2: memref<512x128xf32, #tpu.memory_space<vmem>>, %arg3: memref<512x1xi32, #tpu.memory_space<vmem>>, %arg4: memref<16x128xf32, #tpu.memory_space<vmem>>, %arg5: memref<512x1xf32, #tpu.memory_space<vmem>>) attributes {dimension_semantics = [#tpu.dimension_semantics<arbitrary>], iteration_bounds = array<i64: 32>, scalar_prefetch = 0 : i64, scratch_operands = 0 : i64, tpu.core_type = #tpu.core_type<tc>, window_params = [{transform_indices = @transform_0, window_bounds = array<i64: 512, 128>}, {transform_indices = @transform_1, window_bounds = array<i64: 512, 128>}, {transform_indices = @transform_2, window_bounds = array<i64: 512, 1>}, {pipeline_mode = #tpu.pipeline_mode<synchronous>, transform_indices = @transform_3, window_bounds = array<i64: 16, 128>}, {transform_indices = @transform_4, window_bounds = array<i64: 512, 1>}]} {
    %get3A = arith.constant 0 : index
    %get3A_0 = arith.constant 0 : index
    %get3A_1 = vector.load %arg1[%get3A, %get3A_0] : memref<512x128xf32, #tpu.memory_space<vmem>>, vector<512x128xf32>
    %get3A_2 = arith.constant 0 : index
    %get3A_3 = arith.constant 0 : index
    %get3A_4 = vector.load %arg2[%get3A_2, %get3A_3] : memref<512x128xf32, #tpu.memory_space<vmem>>, vector<512x128xf32>
    %get3A_5 = arith.constant 0 : index
    %get3A_6 = arith.constant 0 : index
    %get3A_7 = vector.load %arg3[%get3A_5, %get3A_6] : memref<512x1xi32, #tpu.memory_space<vmem>>, vector<512x1xi32>
    %broadcast_in_dim3A = arith.constant 0.000000e+00 : f32
    %broadcast_in_dim3A_8 = vector.broadcast %broadcast_in_dim3A : f32 to vector<512x128xf32>
    %eq3A = arith.constant 0 : i32
    %eq3A_9 = vector.broadcast %eq3A : i32 to vector<512x1xi32>
    %eq3A_10 = arith.cmpi eq, %get3A_7, %eq3A_9 : vector<512x1xi32>
    %jit3A = arith.constant 1.000000e+00 : f32
    %jit3A_11 = arith.constant 0.000000e+00 : f32
    %broadcast_in_dim3A_12 = vector.broadcast %jit3A : f32 to vector<512x1xf32>
    %broadcast_in_dim3A_13 = vector.broadcast %jit3A_11 : f32 to vector<512x1xf32>
    %select_n3A = arith.select %eq3A_10, %broadcast_in_dim3A_12, %broadcast_in_dim3A_13 : vector<512x1xi1>, vector<512x1xf32>
    %get3A_14 = arith.constant 0 : index
    %get3A_15 = arith.constant 0 : index
    %get3A_16 = vector.load %arg4[%get3A_14, %get3A_15] : memref<16x128xf32, #tpu.memory_space<vmem>>, vector<1x128xf32>
    %get3A_17 = vector.shape_cast %get3A_16 : vector<1x128xf32> to vector<128xf32>
    %broadcast_in_dim3A_18 = vector.shape_cast %get3A_17 : vector<128xf32> to vector<1x128xf32>
    %mul3A = vector.broadcast %select_n3A : vector<512x1xf32> to vector<512x128xf32>
    %mul3A_19 = vector.broadcast %broadcast_in_dim3A_18 : vector<1x128xf32> to vector<512x128xf32>
    %mul3A_20 = arith.mulf %mul3A, %mul3A_19 : vector<512x128xf32>
    %add3A = arith.addf %broadcast_in_dim3A_8, %mul3A_20 : vector<512x128xf32>
    %eq3A_21 = arith.constant 1 : i32
    %eq3A_22 = vector.broadcast %eq3A_21 : i32 to vector<512x1xi32>
    %eq3A_23 = arith.cmpi eq, %get3A_7, %eq3A_22 : vector<512x1xi32>
    %jit3A_24 = arith.constant 1.000000e+00 : f32
    %jit3A_25 = arith.constant 0.000000e+00 : f32
    %broadcast_in_dim3A_26 = vector.broadcast %jit3A_24 : f32 to vector<512x1xf32>
    %broadcast_in_dim3A_27 = vector.broadcast %jit3A_25 : f32 to vector<512x1xf32>
    %select_n3A_28 = arith.select %eq3A_23, %broadcast_in_dim3A_26, %broadcast_in_dim3A_27 : vector<512x1xi1>, vector<512x1xf32>
    %get3A_29 = arith.constant 1 : index
    %get3A_30 = arith.constant 0 : index
    %get3A_31 = vector.load %arg4[%get3A_29, %get3A_30] : memref<16x128xf32, #tpu.memory_space<vmem>>, vector<1x128xf32>
    %get3A_32 = vector.shape_cast %get3A_31 : vector<1x128xf32> to vector<128xf32>
    %broadcast_in_dim3A_33 = vector.shape_cast %get3A_32 : vector<128xf32> to vector<1x128xf32>
    %mul3A_34 = vector.broadcast %select_n3A_28 : vector<512x1xf32> to vector<512x128xf32>
    %mul3A_35 = vector.broadcast %broadcast_in_dim3A_33 : vector<1x128xf32> to vector<512x128xf32>
    %mul3A_36 = arith.mulf %mul3A_34, %mul3A_35 : vector<512x128xf32>
    %add3A_37 = arith.addf %add3A, %mul3A_36 : vector<512x128xf32>
    %eq3A_38 = arith.constant 2 : i32
    %eq3A_39 = vector.broadcast %eq3A_38 : i32 to vector<512x1xi32>
    %eq3A_40 = arith.cmpi eq, %get3A_7, %eq3A_39 : vector<512x1xi32>
    %jit3A_41 = arith.constant 1.000000e+00 : f32
    %jit3A_42 = arith.constant 0.000000e+00 : f32
    %broadcast_in_dim3A_43 = vector.broadcast %jit3A_41 : f32 to vector<512x1xf32>
    %broadcast_in_dim3A_44 = vector.broadcast %jit3A_42 : f32 to vector<512x1xf32>
    %select_n3A_45 = arith.select %eq3A_40, %broadcast_in_dim3A_43, %broadcast_in_dim3A_44 : vector<512x1xi1>, vector<512x1xf32>
    %get3A_46 = arith.constant 2 : index
    %get3A_47 = arith.constant 0 : index
    %get3A_48 = vector.load %arg4[%get3A_46, %get3A_47] : memref<16x128xf32, #tpu.memory_space<vmem>>, vector<1x128xf32>
    %get3A_49 = vector.shape_cast %get3A_48 : vector<1x128xf32> to vector<128xf32>
    %broadcast_in_dim3A_50 = vector.shape_cast %get3A_49 : vector<128xf32> to vector<1x128xf32>
    %mul3A_51 = vector.broadcast %select_n3A_45 : vector<512x1xf32> to vector<512x128xf32>
    %mul3A_52 = vector.broadcast %broadcast_in_dim3A_50 : vector<1x128xf32> to vector<512x128xf32>
    %mul3A_53 = arith.mulf %mul3A_51, %mul3A_52 : vector<512x128xf32>
    %add3A_54 = arith.addf %add3A_37, %mul3A_53 : vector<512x128xf32>
    %eq3A_55 = arith.constant 3 : i32
    %eq3A_56 = vector.broadcast %eq3A_55 : i32 to vector<512x1xi32>
    %eq3A_57 = arith.cmpi eq, %get3A_7, %eq3A_56 : vector<512x1xi32>
    %jit3A_58 = arith.constant 1.000000e+00 : f32
    %jit3A_59 = arith.constant 0.000000e+00 : f32
    %broadcast_in_dim3A_60 = vector.broadcast %jit3A_58 : f32 to vector<512x1xf32>
    %broadcast_in_dim3A_61 = vector.broadcast %jit3A_59 : f32 to vector<512x1xf32>
    %select_n3A_62 = arith.select %eq3A_57, %broadcast_in_dim3A_60, %broadcast_in_dim3A_61 : vector<512x1xi1>, vector<512x1xf32>
    %get3A_63 = arith.constant 3 : index
    %get3A_64 = arith.constant 0 : index
    %get3A_65 = vector.load %arg4[%get3A_63, %get3A_64] : memref<16x128xf32, #tpu.memory_space<vmem>>, vector<1x128xf32>
    %get3A_66 = vector.shape_cast %get3A_65 : vector<1x128xf32> to vector<128xf32>
    %broadcast_in_dim3A_67 = vector.shape_cast %get3A_66 : vector<128xf32> to vector<1x128xf32>
    %mul3A_68 = vector.broadcast %select_n3A_62 : vector<512x1xf32> to vector<512x128xf32>
    %mul3A_69 = vector.broadcast %broadcast_in_dim3A_67 : vector<1x128xf32> to vector<512x128xf32>
    %mul3A_70 = arith.mulf %mul3A_68, %mul3A_69 : vector<512x128xf32>
    %add3A_71 = arith.addf %add3A_54, %mul3A_70 : vector<512x128xf32>
    %eq3A_72 = arith.constant 4 : i32
    %eq3A_73 = vector.broadcast %eq3A_72 : i32 to vector<512x1xi32>
    %eq3A_74 = arith.cmpi eq, %get3A_7, %eq3A_73 : vector<512x1xi32>
    %jit3A_75 = arith.constant 1.000000e+00 : f32
    %jit3A_76 = arith.constant 0.000000e+00 : f32
    %broadcast_in_dim3A_77 = vector.broadcast %jit3A_75 : f32 to vector<512x1xf32>
    %broadcast_in_dim3A_78 = vector.broadcast %jit3A_76 : f32 to vector<512x1xf32>
    %select_n3A_79 = arith.select %eq3A_74, %broadcast_in_dim3A_77, %broadcast_in_dim3A_78 : vector<512x1xi1>, vector<512x1xf32>
    %get3A_80 = arith.constant 4 : index
    %get3A_81 = arith.constant 0 : index
    %get3A_82 = vector.load %arg4[%get3A_80, %get3A_81] : memref<16x128xf32, #tpu.memory_space<vmem>>, vector<1x128xf32>
    %get3A_83 = vector.shape_cast %get3A_82 : vector<1x128xf32> to vector<128xf32>
    %broadcast_in_dim3A_84 = vector.shape_cast %get3A_83 : vector<128xf32> to vector<1x128xf32>
    %mul3A_85 = vector.broadcast %select_n3A_79 : vector<512x1xf32> to vector<512x128xf32>
    %mul3A_86 = vector.broadcast %broadcast_in_dim3A_84 : vector<1x128xf32> to vector<512x128xf32>
    %mul3A_87 = arith.mulf %mul3A_85, %mul3A_86 : vector<512x128xf32>
    %add3A_88 = arith.addf %add3A_71, %mul3A_87 : vector<512x128xf32>
    %eq3A_89 = arith.constant 5 : i32
    %eq3A_90 = vector.broadcast %eq3A_89 : i32 to vector<512x1xi32>
    %eq3A_91 = arith.cmpi eq, %get3A_7, %eq3A_90 : vector<512x1xi32>
    %jit3A_92 = arith.constant 1.000000e+00 : f32
    %jit3A_93 = arith.constant 0.000000e+00 : f32
    %broadcast_in_dim3A_94 = vector.broadcast %jit3A_92 : f32 to vector<512x1xf32>
    %broadcast_in_dim3A_95 = vector.broadcast %jit3A_93 : f32 to vector<512x1xf32>
    %select_n3A_96 = arith.select %eq3A_91, %broadcast_in_dim3A_94, %broadcast_in_dim3A_95 : vector<512x1xi1>, vector<512x1xf32>
    %get3A_97 = arith.constant 5 : index
    %get3A_98 = arith.constant 0 : index
    %get3A_99 = vector.load %arg4[%get3A_97, %get3A_98] : memref<16x128xf32, #tpu.memory_space<vmem>>, vector<1x128xf32>
    %get3A_100 = vector.shape_cast %get3A_99 : vector<1x128xf32> to vector<128xf32>
    %broadcast_in_dim3A_101 = vector.shape_cast %get3A_100 : vector<128xf32> to vector<1x128xf32>
    %mul3A_102 = vector.broadcast %select_n3A_96 : vector<512x1xf32> to vector<512x128xf32>
    %mul3A_103 = vector.broadcast %broadcast_in_dim3A_101 : vector<1x128xf32> to vector<512x128xf32>
    %mul3A_104 = arith.mulf %mul3A_102, %mul3A_103 : vector<512x128xf32>
    %add3A_105 = arith.addf %add3A_88, %mul3A_104 : vector<512x128xf32>
    %eq3A_106 = arith.constant 6 : i32
    %eq3A_107 = vector.broadcast %eq3A_106 : i32 to vector<512x1xi32>
    %eq3A_108 = arith.cmpi eq, %get3A_7, %eq3A_107 : vector<512x1xi32>
    %jit3A_109 = arith.constant 1.000000e+00 : f32
    %jit3A_110 = arith.constant 0.000000e+00 : f32
    %broadcast_in_dim3A_111 = vector.broadcast %jit3A_109 : f32 to vector<512x1xf32>
    %broadcast_in_dim3A_112 = vector.broadcast %jit3A_110 : f32 to vector<512x1xf32>
    %select_n3A_113 = arith.select %eq3A_108, %broadcast_in_dim3A_111, %broadcast_in_dim3A_112 : vector<512x1xi1>, vector<512x1xf32>
    %get3A_114 = arith.constant 6 : index
    %get3A_115 = arith.constant 0 : index
    %get3A_116 = vector.load %arg4[%get3A_114, %get3A_115] : memref<16x128xf32, #tpu.memory_space<vmem>>, vector<1x128xf32>
    %get3A_117 = vector.shape_cast %get3A_116 : vector<1x128xf32> to vector<128xf32>
    %broadcast_in_dim3A_118 = vector.shape_cast %get3A_117 : vector<128xf32> to vector<1x128xf32>
    %mul3A_119 = vector.broadcast %select_n3A_113 : vector<512x1xf32> to vector<512x128xf32>
    %mul3A_120 = vector.broadcast %broadcast_in_dim3A_118 : vector<1x128xf32> to vector<512x128xf32>
    %mul3A_121 = arith.mulf %mul3A_119, %mul3A_120 : vector<512x128xf32>
    %add3A_122 = arith.addf %add3A_105, %mul3A_121 : vector<512x128xf32>
    %eq3A_123 = arith.constant 7 : i32
    %eq3A_124 = vector.broadcast %eq3A_123 : i32 to vector<512x1xi32>
    %eq3A_125 = arith.cmpi eq, %get3A_7, %eq3A_124 : vector<512x1xi32>
    %jit3A_126 = arith.constant 1.000000e+00 : f32
    %jit3A_127 = arith.constant 0.000000e+00 : f32
    %broadcast_in_dim3A_128 = vector.broadcast %jit3A_126 : f32 to vector<512x1xf32>
    %broadcast_in_dim3A_129 = vector.broadcast %jit3A_127 : f32 to vector<512x1xf32>
    %select_n3A_130 = arith.select %eq3A_125, %broadcast_in_dim3A_128, %broadcast_in_dim3A_129 : vector<512x1xi1>, vector<512x1xf32>
    %get3A_131 = arith.constant 7 : index
    %get3A_132 = arith.constant 0 : index
    %get3A_133 = vector.load %arg4[%get3A_131, %get3A_132] : memref<16x128xf32, #tpu.memory_space<vmem>>, vector<1x128xf32>
    %get3A_134 = vector.shape_cast %get3A_133 : vector<1x128xf32> to vector<128xf32>
    %broadcast_in_dim3A_135 = vector.shape_cast %get3A_134 : vector<128xf32> to vector<1x128xf32>
    %mul3A_136 = vector.broadcast %select_n3A_130 : vector<512x1xf32> to vector<512x128xf32>
    %mul3A_137 = vector.broadcast %broadcast_in_dim3A_135 : vector<1x128xf32> to vector<512x128xf32>
    %mul3A_138 = arith.mulf %mul3A_136, %mul3A_137 : vector<512x128xf32>
    %add3A_139 = arith.addf %add3A_122, %mul3A_138 : vector<512x128xf32>
    %eq3A_140 = arith.constant 8 : i32
    %eq3A_141 = vector.broadcast %eq3A_140 : i32 to vector<512x1xi32>
    %eq3A_142 = arith.cmpi eq, %get3A_7, %eq3A_141 : vector<512x1xi32>
    %jit3A_143 = arith.constant 1.000000e+00 : f32
    %jit3A_144 = arith.constant 0.000000e+00 : f32
    %broadcast_in_dim3A_145 = vector.broadcast %jit3A_143 : f32 to vector<512x1xf32>
    %broadcast_in_dim3A_146 = vector.broadcast %jit3A_144 : f32 to vector<512x1xf32>
    %select_n3A_147 = arith.select %eq3A_142, %broadcast_in_dim3A_145, %broadcast_in_dim3A_146 : vector<512x1xi1>, vector<512x1xf32>
    %get3A_148 = arith.constant 8 : index
    %get3A_149 = arith.constant 0 : index
    %get3A_150 = vector.load %arg4[%get3A_148, %get3A_149] : memref<16x128xf32, #tpu.memory_space<vmem>>, vector<1x128xf32>
    %get3A_151 = vector.shape_cast %get3A_150 : vector<1x128xf32> to vector<128xf32>
    %broadcast_in_dim3A_152 = vector.shape_cast %get3A_151 : vector<128xf32> to vector<1x128xf32>
    %mul3A_153 = vector.broadcast %select_n3A_147 : vector<512x1xf32> to vector<512x128xf32>
    %mul3A_154 = vector.broadcast %broadcast_in_dim3A_152 : vector<1x128xf32> to vector<512x128xf32>
    %mul3A_155 = arith.mulf %mul3A_153, %mul3A_154 : vector<512x128xf32>
    %add3A_156 = arith.addf %add3A_139, %mul3A_155 : vector<512x128xf32>
    %eq3A_157 = arith.constant 9 : i32
    %eq3A_158 = vector.broadcast %eq3A_157 : i32 to vector<512x1xi32>
    %eq3A_159 = arith.cmpi eq, %get3A_7, %eq3A_158 : vector<512x1xi32>
    %jit3A_160 = arith.constant 1.000000e+00 : f32
    %jit3A_161 = arith.constant 0.000000e+00 : f32
    %broadcast_in_dim3A_162 = vector.broadcast %jit3A_160 : f32 to vector<512x1xf32>
    %broadcast_in_dim3A_163 = vector.broadcast %jit3A_161 : f32 to vector<512x1xf32>
    %select_n3A_164 = arith.select %eq3A_159, %broadcast_in_dim3A_162, %broadcast_in_dim3A_163 : vector<512x1xi1>, vector<512x1xf32>
    %get3A_165 = arith.constant 9 : index
    %get3A_166 = arith.constant 0 : index
    %get3A_167 = vector.load %arg4[%get3A_165, %get3A_166] : memref<16x128xf32, #tpu.memory_space<vmem>>, vector<1x128xf32>
    %get3A_168 = vector.shape_cast %get3A_167 : vector<1x128xf32> to vector<128xf32>
    %broadcast_in_dim3A_169 = vector.shape_cast %get3A_168 : vector<128xf32> to vector<1x128xf32>
    %mul3A_170 = vector.broadcast %select_n3A_164 : vector<512x1xf32> to vector<512x128xf32>
    %mul3A_171 = vector.broadcast %broadcast_in_dim3A_169 : vector<1x128xf32> to vector<512x128xf32>
    %mul3A_172 = arith.mulf %mul3A_170, %mul3A_171 : vector<512x128xf32>
    %add3A_173 = arith.addf %add3A_156, %mul3A_172 : vector<512x128xf32>
    %eq3A_174 = arith.constant 10 : i32
    %eq3A_175 = vector.broadcast %eq3A_174 : i32 to vector<512x1xi32>
    %eq3A_176 = arith.cmpi eq, %get3A_7, %eq3A_175 : vector<512x1xi32>
    %jit3A_177 = arith.constant 1.000000e+00 : f32
    %jit3A_178 = arith.constant 0.000000e+00 : f32
    %broadcast_in_dim3A_179 = vector.broadcast %jit3A_177 : f32 to vector<512x1xf32>
    %broadcast_in_dim3A_180 = vector.broadcast %jit3A_178 : f32 to vector<512x1xf32>
    %select_n3A_181 = arith.select %eq3A_176, %broadcast_in_dim3A_179, %broadcast_in_dim3A_180 : vector<512x1xi1>, vector<512x1xf32>
    %get3A_182 = arith.constant 10 : index
    %get3A_183 = arith.constant 0 : index
    %get3A_184 = vector.load %arg4[%get3A_182, %get3A_183] : memref<16x128xf32, #tpu.memory_space<vmem>>, vector<1x128xf32>
    %get3A_185 = vector.shape_cast %get3A_184 : vector<1x128xf32> to vector<128xf32>
    %broadcast_in_dim3A_186 = vector.shape_cast %get3A_185 : vector<128xf32> to vector<1x128xf32>
    %mul3A_187 = vector.broadcast %select_n3A_181 : vector<512x1xf32> to vector<512x128xf32>
    %mul3A_188 = vector.broadcast %broadcast_in_dim3A_186 : vector<1x128xf32> to vector<512x128xf32>
    %mul3A_189 = arith.mulf %mul3A_187, %mul3A_188 : vector<512x128xf32>
    %add3A_190 = arith.addf %add3A_173, %mul3A_189 : vector<512x128xf32>
    %eq3A_191 = arith.constant 11 : i32
    %eq3A_192 = vector.broadcast %eq3A_191 : i32 to vector<512x1xi32>
    %eq3A_193 = arith.cmpi eq, %get3A_7, %eq3A_192 : vector<512x1xi32>
    %jit3A_194 = arith.constant 1.000000e+00 : f32
    %jit3A_195 = arith.constant 0.000000e+00 : f32
    %broadcast_in_dim3A_196 = vector.broadcast %jit3A_194 : f32 to vector<512x1xf32>
    %broadcast_in_dim3A_197 = vector.broadcast %jit3A_195 : f32 to vector<512x1xf32>
    %select_n3A_198 = arith.select %eq3A_193, %broadcast_in_dim3A_196, %broadcast_in_dim3A_197 : vector<512x1xi1>, vector<512x1xf32>
    %get3A_199 = arith.constant 11 : index
    %get3A_200 = arith.constant 0 : index
    %get3A_201 = vector.load %arg4[%get3A_199, %get3A_200] : memref<16x128xf32, #tpu.memory_space<vmem>>, vector<1x128xf32>
    %get3A_202 = vector.shape_cast %get3A_201 : vector<1x128xf32> to vector<128xf32>
    %broadcast_in_dim3A_203 = vector.shape_cast %get3A_202 : vector<128xf32> to vector<1x128xf32>
    %mul3A_204 = vector.broadcast %select_n3A_198 : vector<512x1xf32> to vector<512x128xf32>
    %mul3A_205 = vector.broadcast %broadcast_in_dim3A_203 : vector<1x128xf32> to vector<512x128xf32>
    %mul3A_206 = arith.mulf %mul3A_204, %mul3A_205 : vector<512x128xf32>
    %add3A_207 = arith.addf %add3A_190, %mul3A_206 : vector<512x128xf32>
    %eq3A_208 = arith.constant 12 : i32
    %eq3A_209 = vector.broadcast %eq3A_208 : i32 to vector<512x1xi32>
    %eq3A_210 = arith.cmpi eq, %get3A_7, %eq3A_209 : vector<512x1xi32>
    %jit3A_211 = arith.constant 1.000000e+00 : f32
    %jit3A_212 = arith.constant 0.000000e+00 : f32
    %broadcast_in_dim3A_213 = vector.broadcast %jit3A_211 : f32 to vector<512x1xf32>
    %broadcast_in_dim3A_214 = vector.broadcast %jit3A_212 : f32 to vector<512x1xf32>
    %select_n3A_215 = arith.select %eq3A_210, %broadcast_in_dim3A_213, %broadcast_in_dim3A_214 : vector<512x1xi1>, vector<512x1xf32>
    %get3A_216 = arith.constant 12 : index
    %get3A_217 = arith.constant 0 : index
    %get3A_218 = vector.load %arg4[%get3A_216, %get3A_217] : memref<16x128xf32, #tpu.memory_space<vmem>>, vector<1x128xf32>
    %get3A_219 = vector.shape_cast %get3A_218 : vector<1x128xf32> to vector<128xf32>
    %broadcast_in_dim3A_220 = vector.shape_cast %get3A_219 : vector<128xf32> to vector<1x128xf32>
    %mul3A_221 = vector.broadcast %select_n3A_215 : vector<512x1xf32> to vector<512x128xf32>
    %mul3A_222 = vector.broadcast %broadcast_in_dim3A_220 : vector<1x128xf32> to vector<512x128xf32>
    %mul3A_223 = arith.mulf %mul3A_221, %mul3A_222 : vector<512x128xf32>
    %add3A_224 = arith.addf %add3A_207, %mul3A_223 : vector<512x128xf32>
    %eq3A_225 = arith.constant 13 : i32
    %eq3A_226 = vector.broadcast %eq3A_225 : i32 to vector<512x1xi32>
    %eq3A_227 = arith.cmpi eq, %get3A_7, %eq3A_226 : vector<512x1xi32>
    %jit3A_228 = arith.constant 1.000000e+00 : f32
    %jit3A_229 = arith.constant 0.000000e+00 : f32
    %broadcast_in_dim3A_230 = vector.broadcast %jit3A_228 : f32 to vector<512x1xf32>
    %broadcast_in_dim3A_231 = vector.broadcast %jit3A_229 : f32 to vector<512x1xf32>
    %select_n3A_232 = arith.select %eq3A_227, %broadcast_in_dim3A_230, %broadcast_in_dim3A_231 : vector<512x1xi1>, vector<512x1xf32>
    %get3A_233 = arith.constant 13 : index
    %get3A_234 = arith.constant 0 : index
    %get3A_235 = vector.load %arg4[%get3A_233, %get3A_234] : memref<16x128xf32, #tpu.memory_space<vmem>>, vector<1x128xf32>
    %get3A_236 = vector.shape_cast %get3A_235 : vector<1x128xf32> to vector<128xf32>
    %broadcast_in_dim3A_237 = vector.shape_cast %get3A_236 : vector<128xf32> to vector<1x128xf32>
    %mul3A_238 = vector.broadcast %select_n3A_232 : vector<512x1xf32> to vector<512x128xf32>
    %mul3A_239 = vector.broadcast %broadcast_in_dim3A_237 : vector<1x128xf32> to vector<512x128xf32>
    %mul3A_240 = arith.mulf %mul3A_238, %mul3A_239 : vector<512x128xf32>
    %add3A_241 = arith.addf %add3A_224, %mul3A_240 : vector<512x128xf32>
    %eq3A_242 = arith.constant 14 : i32
    %eq3A_243 = vector.broadcast %eq3A_242 : i32 to vector<512x1xi32>
    %eq3A_244 = arith.cmpi eq, %get3A_7, %eq3A_243 : vector<512x1xi32>
    %jit3A_245 = arith.constant 1.000000e+00 : f32
    %jit3A_246 = arith.constant 0.000000e+00 : f32
    %broadcast_in_dim3A_247 = vector.broadcast %jit3A_245 : f32 to vector<512x1xf32>
    %broadcast_in_dim3A_248 = vector.broadcast %jit3A_246 : f32 to vector<512x1xf32>
    %select_n3A_249 = arith.select %eq3A_244, %broadcast_in_dim3A_247, %broadcast_in_dim3A_248 : vector<512x1xi1>, vector<512x1xf32>
    %get3A_250 = arith.constant 14 : index
    %get3A_251 = arith.constant 0 : index
    %get3A_252 = vector.load %arg4[%get3A_250, %get3A_251] : memref<16x128xf32, #tpu.memory_space<vmem>>, vector<1x128xf32>
    %get3A_253 = vector.shape_cast %get3A_252 : vector<1x128xf32> to vector<128xf32>
    %broadcast_in_dim3A_254 = vector.shape_cast %get3A_253 : vector<128xf32> to vector<1x128xf32>
    %mul3A_255 = vector.broadcast %select_n3A_249 : vector<512x1xf32> to vector<512x128xf32>
    %mul3A_256 = vector.broadcast %broadcast_in_dim3A_254 : vector<1x128xf32> to vector<512x128xf32>
    %mul3A_257 = arith.mulf %mul3A_255, %mul3A_256 : vector<512x128xf32>
    %add3A_258 = arith.addf %add3A_241, %mul3A_257 : vector<512x128xf32>
    %eq3A_259 = arith.constant 15 : i32
    %eq3A_260 = vector.broadcast %eq3A_259 : i32 to vector<512x1xi32>
    %eq3A_261 = arith.cmpi eq, %get3A_7, %eq3A_260 : vector<512x1xi32>
    %jit3A_262 = arith.constant 1.000000e+00 : f32
    %jit3A_263 = arith.constant 0.000000e+00 : f32
    %broadcast_in_dim3A_264 = vector.broadcast %jit3A_262 : f32 to vector<512x1xf32>
    %broadcast_in_dim3A_265 = vector.broadcast %jit3A_263 : f32 to vector<512x1xf32>
    %select_n3A_266 = arith.select %eq3A_261, %broadcast_in_dim3A_264, %broadcast_in_dim3A_265 : vector<512x1xi1>, vector<512x1xf32>
    %get3A_267 = arith.constant 15 : index
    %get3A_268 = arith.constant 0 : index
    %get3A_269 = vector.load %arg4[%get3A_267, %get3A_268] : memref<16x128xf32, #tpu.memory_space<vmem>>, vector<1x128xf32>
    %get3A_270 = vector.shape_cast %get3A_269 : vector<1x128xf32> to vector<128xf32>
    %broadcast_in_dim3A_271 = vector.shape_cast %get3A_270 : vector<128xf32> to vector<1x128xf32>
    %mul3A_272 = vector.broadcast %select_n3A_266 : vector<512x1xf32> to vector<512x128xf32>
    %mul3A_273 = vector.broadcast %broadcast_in_dim3A_271 : vector<1x128xf32> to vector<512x128xf32>
    %mul3A_274 = arith.mulf %mul3A_272, %mul3A_273 : vector<512x128xf32>
    %add3A_275 = arith.addf %add3A_258, %mul3A_274 : vector<512x128xf32>
    %slice3A = vector.extract_strided_slice %add3A_275 {offsets = [0, 0], sizes = [512, 64], strides = [1, 1]} : vector<512x128xf32> to vector<512x64xf32>
    %slice3A_276 = vector.extract_strided_slice %add3A_275 {offsets = [0, 64], sizes = [512, 64], strides = [1, 1]} : vector<512x128xf32> to vector<512x64xf32>
    %slice3A_277 = vector.extract_strided_slice %get3A_1 {offsets = [0, 0], sizes = [512, 64], strides = [1, 1]} : vector<512x128xf32> to vector<512x64xf32>
    %slice3A_278 = vector.extract_strided_slice %get3A_1 {offsets = [0, 64], sizes = [512, 64], strides = [1, 1]} : vector<512x128xf32> to vector<512x64xf32>
    %mul3A_279 = arith.mulf %slice3A_277, %slice3A : vector<512x64xf32>
    %mul3A_280 = arith.mulf %slice3A_278, %slice3A_276 : vector<512x64xf32>
    %sub3A = arith.subf %mul3A_279, %mul3A_280 : vector<512x64xf32>
    %slice3A_281 = vector.extract_strided_slice %get3A_4 {offsets = [0, 0], sizes = [512, 64], strides = [1, 1]} : vector<512x128xf32> to vector<512x64xf32>
    %sub3A_282 = arith.subf %sub3A, %slice3A_281 : vector<512x64xf32>
    %mul3A_283 = arith.mulf %slice3A_277, %slice3A_276 : vector<512x64xf32>
    %mul3A_284 = arith.mulf %slice3A_278, %slice3A : vector<512x64xf32>
    %add3A_285 = arith.addf %mul3A_283, %mul3A_284 : vector<512x64xf32>
    %slice3A_286 = vector.extract_strided_slice %get3A_4 {offsets = [0, 64], sizes = [512, 64], strides = [1, 1]} : vector<512x128xf32> to vector<512x64xf32>
    %sub3A_287 = arith.subf %add3A_285, %slice3A_286 : vector<512x64xf32>
    %mul3A_288 = arith.mulf %sub3A_282, %sub3A_282 : vector<512x64xf32>
    %mul3A_289 = arith.mulf %sub3A_287, %sub3A_287 : vector<512x64xf32>
    %add3A_290 = arith.addf %mul3A_288, %mul3A_289 : vector<512x64xf32>
    %sqrt3A = math.sqrt %add3A_290 : vector<512x64xf32>
    %reduce_sum3A = arith.constant dense<0.000000e+00> : vector<512xf32>
    %reduce_sum3A_291 = vector.multi_reduction <add>, %sqrt3A, %reduce_sum3A [1] : vector<512x64xf32> to vector<512xf32>
    %broadcast_in_dim3A_292 = vector.shape_cast %reduce_sum3A_291 : vector<512xf32> to vector<512x1xf32>
    %sub3A_293 = arith.constant 9.000000e+00 : f32
    %sub3A_294 = vector.broadcast %sub3A_293 : f32 to vector<512x1xf32>
    %sub3A_295 = arith.subf %sub3A_294, %broadcast_in_dim3A_292 : vector<512x1xf32>
    %swap3A = arith.constant 0 : index
    %swap3A_296 = arith.constant 0 : index
    %swap3A_297 = vector.load %arg5[%swap3A, %swap3A_296] : memref<512x1xf32, #tpu.memory_space<vmem>>, vector<512x1xf32>
    tpu.vector_store %arg5[%swap3A, %swap3A_296], %sub3A_295 {strides = array<i32>} : memref<512x1xf32, #tpu.memory_space<vmem>>, vector<512x1xf32>,
    return
  }
  func.func @transform_0(%arg0: i32) -> (i32, i32) {
    %c0_i32 = arith.constant 0 : i32
    %c0_i32_0 = arith.constant 0 : i32
    return %arg0, %c0_i32 : i32, i32
  }
  func.func @transform_1(%arg0: i32) -> (i32, i32) {
    %c0_i32 = arith.constant 0 : i32
    %c0_i32_0 = arith.constant 0 : i32
    return %arg0, %c0_i32 : i32, i32
  }
  func.func @transform_2(%arg0: i32) -> (i32, i32) {
    %c0_i32 = arith.constant 0 : i32
    %c0_i32_0 = arith.constant 0 : i32
    return %arg0, %c0_i32 : i32, i32
  }
  func.func @transform_3(%arg0: i32) -> (i32, i32) {
    %c0_i32 = arith.constant 0 : i32
    %c0_i32_0 = arith.constant 0 : i32
    %c0_i32_1 = arith.constant 0 : i32
    return %c0_i32, %c0_i32_0 : i32, i32
  }
  func.func @transform_4(%arg0: i32) -> (i32, i32) {
    %c0_i32 = arith.constant 0 : i32
    %c0_i32_0 = arith.constant 0 : i32
    return %arg0, %c0_i32 : i32, i32
  }
}

</mosaic_0001>

<sc_bundles>
// kernel: kernel.10.cloned.1.call-start
scs
__scs_entry_jumppad:
0x0: {  	(pc) =	sbr.rel $0x88, $3  }
0x1: {  	(tag) =	ssettag $0x0;
	lr =	simm.s32 $0x1  }
0x2: {  	[smem:$0x3F92] =	sst lr;
	_ =	strace $0xD0000000  }
0x3: {  	_ = 	snop  }
0x4: {  	_ = 	snop  }
0x5: {  	_ = 	snop  }
0x6: {  	_ = 	snop  }
0x7: {  	_ = 	snop  }
__scs_overlays_trampoline_lowered:
0x8: {  	[smem:$0x3FA1] =	sst s0  }
0x9: {  	[smem:$0x3FA2] =	sst s1  }
0xa: {  	[smem:$0x3FA3] =	sst s2  }
0xb: {  	[smem:$0x3FA4] =	sst s3  }
0xc: {  	[smem:$0x3FA5] =	sst s4  }
0xd: {  	[smem:$0x3FA6] =	sst s5  }
0xe: {  	[smem:$0x3FA7] =	sst s6  }
0xf: {  	[smem:$0x3FA8] =	sst s7  }
0x10: {  	[smem:$0x3FA9] =	sst s8  }
0x11: {  	[smem:$0x3FAA] =	sst s9;
	s0 =	simm.s32 @!p0 $0x0  }
0x12: {  	s1 =	sld [smem:$0x3F90];
	s0 =	simm.s32 @p0 $0x1  }
0x13: {  	[smem:$0x3FAB] =	sst s0;
	s0 =	simm.s32 @!p1 $0x0  }
0x14: {  	s2 =	sld [smem:$0x3F8F];
	s0 =	simm.s32 @p1 $0x1  }
0x15: {  	[smem:$0x3FAC] =	sst s0;
	s0 =	simm.s32 @!p2 $0x0  }
0x16: {  	s3 =	sld [smem:$0x3FDB];
	s0 =	simm.s32 @p2 $0x1  }
0x17: {  	s4 =	simm.s32 $0x1BF5;
	[smem:$0x3FAE] =	sst s0  }
0x18: {  	s0 =	sld [smem:$0x3F91];
	_ =	swait.ge [sflag:s4], $0x0  }
0x19: {  	s7 =	sld [smem:$0x3F92]  }
0x1a: {  	s8 =	sadd.s32 $0xFFFFE003, lr  }
0x1b: {  	s9 =	sadd.s32 $0xFFFFFEF7, lr;
	s5 =	simm.s32 $0xFFFFFFFF;
	p2 =	slt.u32 s8, $0xFFFFF086  }
0x1c: {  	p1 =	slt.u32 s9, $0xF7A;
	s5 =	simm.s32 @!p2 $0x0  }
0x1d: {  	s5 =	simm.s32 @p1 $0x1;
	p0 =	seq.s32 s7, s2  }
0x1e: {  	s7 =	smul.u32 @!p0 $0xF7A, s2;
	p2 =	seq.s32 @!p0 s5, $0x0  }
0x1f: {  	s9 =	smul.u32 $0xF7A, s1;
	s8 =	simm.s32 @!p0 $0x1BF5;
	p2 =	por !p2, p0  }
0x20: {  	[sflag:s8] =	ssyncset.s32 @!p0 $0xFFFFF086;
	s6 =	sadd.s32 @!p0 s3, s7;
	s7 =	simm.s32 @!p0 $0x108  }
0x21: {  	s3 =	sadd.s32 s3, s9;
	s6 =	sadd.s32 @!p0 $0x88, s6;
	s7 =	simm.s32 @p2 $0x1082  }
0x22: {  	[simem:s7], [sflag:s8] =	dma.local @!p0 [hbm:s6], $0xF7A  }
0x23: {  	s9 =	sor.u32 $0xD0000000, s2;
	s6 =	simm.s32 $0x108;
	_ =	swait.ge @!p0 [sflag:s8], $0x0  }
0x24: {  	s3 =	sadd.s32 $0x88, s3;
	s6 =	simm.s32 @!p1 $0x1082;
	[sflag:s4] =	ssyncset.s32 $0xFFFFF086  }
0x25: {  	[simem:s6], [sflag:s4] =	dma.local [hbm:s3], $0xF7A  }
0x26: {  	[smem:$0x3F92] =	sst s1;
	(tag) =	ssettag s2;
	_ =	strace s9  }
0x27: {  	s1 =	sld [smem:$0x3FA2]  }
0x28: {  	s2 =	sld [smem:$0x3FA3]  }
0x29: {  	s4 =	sld [smem:$0x3FA5]  }
0x2a: {  	p0 =	seq.s32 s5, $0x0;
	s5 =	sld [smem:$0x3FA6]  }
0x2b: {  	s6 =	sld [smem:$0x3FA7]  }
0x2c: {  	s7 =	sld [smem:$0x3FA8]  }
0x2d: {  	s3 =	simm.s32 $0x108;
	s8 =	sld [smem:$0x3FA9]  }
0x2e: {  	s3 =	simm.s32 @!p0 $0x1082;
	s9 =	sld [smem:$0x3FAA]  }
0x2f: {  	lr =	sadd.s32 s0, s3;
	s0 =	sld [smem:$0x3FA1]  }
0x30: {  	s3 =	sld [smem:$0x3FA4]  }
0x31: {  	[smem:$0x3FAD] =	sst s10  }
0x32: {  	s10 =	sld [smem:$0x3FAB];
	_ =	sdelay $0x3  }
0x33: {  	p0 =	seq.s32 s10, $0x1;
	s10 =	sld [smem:$0x3FAD];
	_ =	sdelay $0x3  }
0x34: {  	[smem:$0x3FAD] =	sst s10  }
0x35: {  	s10 =	sld [smem:$0x3FAC];
	_ =	sdelay $0x3  }
0x36: {  	p1 =	seq.s32 s10, $0x1;
	s10 =	sld [smem:$0x3FAD];
	_ =	sdelay $0x3  }
0x37: {  	[smem:$0x3FAD] =	sst s10  }
0x38: {  	s10 =	sld [smem:$0x3FAE]  }
0x39: {  	_ = 	snop;
	(pc) =	sbr.ind lr, $3  }
0x3a: {  	_ = 	snop  }
0x3b: {  	_ = 	snop  }
0x3c: {  	p2 =	seq.s32 s10, $0x1;
	s10 =	sld [smem:$0x3FAD]  }
0x3d: {  	_ =	shalt  }
0x3e: {  	_ =	shalt  }
0x3f: {  	_ =	shalt  }
0x40: {  	_ =	shalt  }
0x41: {  	_ =	shalt  }
0x42: {  	_ =	shalt  }
0x43: {  	_ =	shalt  }
0x44: {  	_ =	shalt  }
0x45: {  	_ =	shalt  }
0x46: {  	_ =	shalt  }
0x47: {  	_ =	shalt  }
0x48: {  	_ =	shalt  }
0x49: {  	_ =	shalt  }
0x4a: {  	_ =	shalt  }
0x4b: {  	_ =	shalt  }
0x4c: {  	_ =	shalt  }
0x4d: {  	_ =	shalt  }
0x4e: {  	_ =	shalt  }
0x4f: {  	_ =	shalt  }
0x50: {  	_ =	shalt  }
0x51: {  	_ =	shalt  }
0x52: {  	_ =	shalt  }
0x53: {  	_ =	shalt  }
0x54: {  	_ =	shalt  }
0x55: {  	_ =	shalt  }
0x56: {  	_ =	shalt  }
0x57: {  	_ =	shalt  }
0x58: {  	_ =	shalt  }
0x59: {  	_ =	shalt  }
0x5a: {  	_ =	shalt  }
0x5b: {  	_ =	shalt  }
0x5c: {  	_ =	shalt  }
0x5d: {  	_ =	shalt  }
0x5e: {  	_ =	shalt  }
0x5f: {  	_ =	shalt  }
0x60: {  	_ =	shalt  }
0x61: {  	_ =	shalt  }
0x62: {  	_ =	shalt  }
0x63: {  	_ =	shalt  }
0x64: {  	_ =	shalt  }
0x65: {  	_ =	shalt  }
0x66: {  	_ =	shalt  }
0x67: {  	_ =	shalt  }
0x68: {  	_ =	shalt  }
0x69: {  	_ =	shalt  }
0x6a: {  	_ =	shalt  }
0x6b: {  	_ =	shalt  }
0x6c: {  	_ =	shalt  }
0x6d: {  	_ =	shalt  }
0x6e: {  	_ =	shalt  }
0x6f: {  	_ =	shalt  }
0x70: {  	_ =	shalt  }
0x71: {  	_ =	shalt  }
0x72: {  	_ =	shalt  }
0x73: {  	_ =	shalt  }
0x74: {  	_ =	shalt  }
0x75: {  	_ =	shalt  }
0x76: {  	_ =	shalt  }
0x77: {  	_ =	shalt  }
0x78: {  	_ =	shalt  }
0x79: {  	_ =	shalt  }
0x7a: {  	_ =	shalt  }
0x7b: {  	_ =	shalt  }
0x7c: {  	_ =	shalt  }
0x7d: {  	_ =	shalt  }
0x7e: {  	_ =	shalt  }
0x7f: {  	_ =	shalt  }
0x80: {  	_ =	shalt  }
0x81: {  	_ =	shalt  }
0x82: {  	_ =	shalt  }
0x83: {  	_ =	shalt  }
0x84: {  	_ =	shalt  }
0x85: {  	_ =	shalt  }
0x86: {  	_ =	shalt  }
0x87: {  	_ =	shalt  }
.Lfunc_end0:
.L_simem_size_0:
called_computation_lowered:
.L_overlay_start_0:
0x88: {  	s2 =	sld [smem:$0x3FD9]  }
0x89: {  	s3 =	sld [smem:$0x3FFE];
	_ =	sdelay $0x1  }
0x8a: {  	s1 =	srdreg.scid  }
0x8b: {  	s0 =	sand.u32 $0x1, s1  }
0x8c: {  	s17 =	sshll.u32 s0, $0xA;
	s2 =	sadd.s32 s3, s2  }
0x8d: {  	s2 =	sadd.s32 s2, s17  }
0x8e: {  	[smem:$0x3FB9] =	sst s2  }
0x8f: {  	_ = 	snop  }
0x90: {  	s2 =	sld [smem:$0x3FD0];
	(tm) =	ssettm $0x1  }
0x91: {  	s18 =	sld [smem:$0x3FFB];
	_ =	sdelay $0x3  }
0x92: {  	_ =	strace s18  }
0x93: {  	s3 =	sld [smem:$0x3FFC];
	_ =	sdelay $0x3  }
0x94: {  	_ =	strace s3  }
0x95: {  	s3 =	sld [smem:$0x3FFD];
	_ =	sdelay $0x3  }
0x96: {  	_ =	strace s3  }
0x97: {  	_ =	strace $0x8FFFFFFF  }
0x98: {  	s19 =	sld [smem:$0x3FDB];
	_ =	sdelay $0x1  }
0x99: {  	s4 =	simm.s32 $_scs_section_size  }
0x9a: {  	s5 =	simm.s32 $_size__tile_overlayer_lowered;
	s6 =	simm.s32 $_tile_overlayer_lowered  }
0x9b: {  	s22 =	simm.s32 $0x1BFF;
	s21 =	sshll.u32 s6, $0x1;
	s3 =	sadd.s32 s4, s19  }
0x9c: {  	s7 =	simm.s32 $0x0;
	s20 =	sshll.u32 s5, $0x1;
	s5 =	sadd.s32 s21, s3  }
0x9d: {  	[timem:s7], [sflag:s22] =	dma.local [hbm:s5], s20  }
0x9e: {  	_ =	swait.ge [sflag:s22], s20  }
0x9f: {  	s4 =	ssub.s32 $0x0, s20;
	[sflag:s22] =	ssyncset.done $0x0  }
0xa0: {  	[sflag:s22] =	ssyncadd.s32 s4;
	_ =	sdelay $0x1  }
0xa1: {  	s23 =	simm.s32 $0x1B8B  }
0xa2: {  	_ =	swait.ge [sflag:s23], $0x1  }
0xa3: {  	[sflag:s23] =	ssyncset.done $0x0  }
0xa4: {  	s25 =	simm.s32 $0x1B8E;
	s24 =	sld [smem:$0x3FFE];
	[sflag:s23] =	ssyncadd.s32 $0xFFFFFFFF  }
0xa5: {  	s26 =	simm.s32 $execute0_lowered;
	[smem:$0x3FD2] =	sst s25  }
0xa6: {  	s5 =	sshll.u32 s26, $0x1;
	_ =	strace $0x80000046;
	[dreg:$0x1] =	wrdreg $0xFFFFFFFF  }
0xa7: {  	s28 =	simm.s32 $_size_execute0_lowered;
	s3 =	sadd.s32 s3, s5;
	[dreg:$0x0] =	wrdreg $0x0  }
0xa8: {  	s5 =	sshll.u32 s28, $0x1;
	[dreg:$0x2] =	wrdreg s3  }
0xa9: {  	[dreg:$0x3] =	wrdreg s5  }
0xaa: {  	[dreg:$0x4] =	wrdreg $0xC0  }
0xab: {  	_ =	task [dreg:s7], $0x5FFFF  }
0xac: {  	[dreg:$0x1] =	wrdreg $0xFFFFFFFF  }
0xad: {  	[dreg:$0x0] =	wrdreg $0x60  }
0xae: {  	[dreg:$0x2] =	wrdreg s24  }
0xaf: {  	[dreg:$0x3] =	wrdreg s2  }
0xb0: {  	[dreg:$0x4] =	wrdreg $0xA4800  }
0xb1: {  	[dreg:$0x5] =	wrdreg $0x1E4800  }
0xb2: {  	[dreg:$0x6] =	wrdreg $0x9  }
0xb3: {  	_ =	task.clear_ibuf [dreg:s7], $0x7FFFF;
	_ =	strace $0x90000046  }
0xb4: {  	s29 =	simm.s32 $0x9;
	_ =	strace $0x80000048  }
0xb5: {  	_ =	swait.ge [sflag:s29], $0x1  }
0xb6: {  	[sflag:s29] =	ssyncadd.s32 $0xFFFFFFFF  }
0xb7: {  	_ =	strace $0x90000048  }
0xb8: {  	_ =	sfence  }
0xb9: {  	s30 =	sld [smem:$0x0];
	_ =	sdelay $0x2  }
0xba: {  	s31 =	sshll.u32 s1, $0xD;
	s1 =	sshrl.u32 s1, $0x2  }
0xbb: {  	s3 =	sand.u32 $0x4000, s31;
	s1 =	sadd.s32 s1, s30  }
0xbc: {  	s0 =	sor.u32 s3, s0;
	s1 =	sshll.u32 s1, $0x11  }
0xbd: {  	s0 =	sor.u32 s1, s0  }
0xbe: {  	s0 =	sadd.s32 $0x8F2B, s0  }
0xbf: {  	[sflag:s0] =	ssyncadd.remote.s32 $0x1  }
0xc0: {  	_ =	sfence.sel $0xFFFF  }
0xc1: {  	[dreg:$0x0] =	wrdreg $0xFFFFFFFF;
	(pc) =	sbr.abs _section_cstart, $3  }
0xc2: {  	[dreg:$0x1] =	wrdreg $0xFFFFFFFF  }
0xc3: {  	_ =	task.clear_ibuf [dreg:s7], $0x2FFFF;
	_ =	strace $0x9FFFFFFF  }
0xc4: {  	(tm) =	ssettm $0x7FFFFFFF  }
0xc5: {  	_ =	shalt  }
tec
execute0_lowered:
.L_overlay_start_1:
0x0: {  	(tag) =	ssettag $0x1  }
0x1: {  	s0 =	rddreg [dreg:$0x0]  }
0x2: {  	s1 =	rddreg [dreg:$0x1]  }
0x3: {  	s2 =	rddreg [dreg:$0x2];
	s17 =	stileid.u32  }
0x4: {  	s3 =	rddreg [dreg:$0x3];
	s6 =	smul.u32 $0x14000, s17  }
0x5: {  	s5 =	srdreg.scid;
	s30 =	smul.u32 $0x280, s17  }
0x6: {  	s4 =	simm.s32 $0x0;
	s7 =	sand.u32 $0x1, s5;
	s14 =	smul.u32 $0x50000, s17  }
0x7: {  	[smem:$0x7FF] =	sst s4;
	s5 =	sadd.s32 $0x4B000, s0;
	s31 =	smul.u32 $0x4EC0, s17  }
0x8: {  	s9 =	sadd.s32 $0xF400, s0;
	s11 =	sadd.s32 $0x5400, s0;
	s28 =	smul.u32 $0x9D8, s17  }
0x9: {  	s19 =	sshll.u32 s17, $0x6;
	s8 =	smul.u32 $0x140000, s7;
	_ =	strace $0x80000047  }
0xa: {  	s13 =	ssub.s32 $0x2, s7;
	s16 =	smul.u32 $0x4EC00, s7;
	s10 =	sshrl.u32 s6, $0x3  }
0xb: {  	s12 =	sshrl.u32 s30, $0x3;
	s15 =	sshrl.u32 s13, $0x1;
	s14 =	sshrl.u32 s14, $0x2  }
0xc: {  	s18 =	sadd.s32 s30, s3;
	s21 =	sshrl.u32 s31, $0x3;
	s6 =	sadd.s32 s6, s8  }
0xd: {  	s10 =	sadd.s32 s10, s0;
	s14 =	sadd.s32 s14, s2;
	[dreg:$0xd] =	wrdreg s18  }
0xe: {  	s13 =	ssub.s32 s13, s15;
	s1 =	sadd.s32 s1, s12;
	[dreg:$0xa] =	wrdreg s14  }
0xf: {  	s20 =	sadd.s32 s31, s16;
	s10 =	sadd.s32 $0x54B000, s10;
	[dreg:$0xe] =	wrdreg s1  }
0x10: {  	s6 =	sshrl.u32 s6, $0x3;
	s14 =	sor.u32 $0x1C08, s19;
	[dreg:$0xb] =	wrdreg s10  }
0x11: {  	s22 =	sshrl.u32 s20, $0x3;
	s10 =	sadd.s32 s28, s11;
	[dreg:$0xc] =	wrdreg s14  }
0x12: {  	s6 =	sadd.s32 s6, s0;
	s15 =	sadd.s32 s9, s22;
	[dreg:$0x6] =	wrdreg s10  }
0x13: {  	s0 =	sadd.s32 s12, s0;
	s12 =	sadd.s32 s11, s21;
	[dreg:$0x10] =	wrdreg s15  }
0x14: {  	s24 =	sadd.s32 $0xA, s12;
	[dreg:$0xf] =	wrdreg s12  }
0x15: {  	s26 =	sadd.s32 $0xA, s15;
	[dreg:$0x11] =	wrdreg s24  }
0x16: {  	s23 =	sadd.s32 $0x320, s20;
	s29 =	sadd.s32 $0x14, s15;
	[dreg:$0x12] =	wrdreg s26  }
0x17: {  	s25 =	sshrl.u32 s23, $0x3;
	s30 =	sadd.s32 $0x14, s12;
	[dreg:$0x13] =	wrdreg s29  }
0x18: {  	s17 =	sadd.s32 $0x280, s20;
	s8 =	sadd.s32 s25, s9;
	[dreg:$0x14] =	wrdreg s30  }
0x19: {  	s1 =	sadd.s32 $0x230, s20;
	s31 =	sadd.s32 $0x1E, s15;
	[dreg:$0x5] =	wrdreg s8  }
0x1a: {  	s11 =	sadd.s32 $0x2D0, s20;
	s20 =	sadd.s32 $0x1E, s12;
	[dreg:$0x15] =	wrdreg s31  }
0x1b: {  	s21 =	sadd.s32 $0x28, s15;
	[dreg:$0x16] =	wrdreg s20  }
0x1c: {  	s1 =	sshrl.u32 s1, $0x3;
	s22 =	sadd.s32 $0x28, s12;
	[dreg:$0x17] =	wrdreg s21  }
0x1d: {  	s1 =	sadd.s32 s1, s9;
	[dreg:$0x18] =	wrdreg s22  }
0x1e: {  	s23 =	sadd.s32 $0x32, s15;
	[dreg:$0x9] =	wrdreg s1  }
0x1f: {  	p0 =	sne.s32 s7, $0x0;
	s25 =	sadd.s32 $0x573000, s6;
	[dreg:$0x19] =	wrdreg s23  }
0x20: {  	p1 =	seq.s32 s7, $0x0;
	s0 =	sadd.s32 $0x5C3000, s0;
	[dreg:$0x1b] =	wrdreg s25  }
0x21: {  	s16 =	sshrl.u32 s11, $0x3;
	s28 =	sadd.s32 $0x3C, s15;
	[dreg:$0x1c] =	wrdreg s0  }
0x22: {  	s10 =	sshrl.u32 s17, $0x3;
	s8 =	sadd.s32 s16, s9;
	[dreg:$0x1e] =	wrdreg s28  }
0x23: {  	s7 =	simm.s32 $0x8;
	s19 =	sadd.s32 s10, s9;
	[dreg:$0x7] =	wrdreg s8  }
0x24: {  	s11 =	simm.s32 $0x280;
	s24 =	sadd.s32 $0x32, s12;
	[dreg:$0x8] =	wrdreg s19  }
0x25: {  	s6 =	simm.s32 $0x80;
	s26 =	smax.u32 s13, $0x1;
	[dreg:$0x1a] =	wrdreg s24  }
0x26: {  	s29 =	sadd.s32 $0x9C4, s12;
	s30 =	sadd.s32 $0x9CE, s15;
	[dreg:$0x1d] =	wrdreg s26  }
0x27: {  	s31 =	sadd.s32 $0x9CE, s12;
	s13 =	simm.s32 $0x200;
	[dreg:$0x1f] =	wrdreg s29  }
0x28: {  	s10 =	simm.s32 $0x50;
	s15 =	simm.s32 $0x400;
	[smem:$0x7FC] =	sst s30  }
0x29: {  	s23 =	simm.s32 $0x4;
	s9 =	simm.s32 $0x0;
	[smem:$0x7FD] =	sst s31  }
0x2a: {  	v0 =	vimm.f32 $1.000000000e+00;
	s19 =	simm.s32 $0x2C00;
	s8 =	simm.s32 $0x2;
	s24 =	simm.s32 $0x5  }
.LBB2_1:
0x2b: {  	[smem:$0x7FA] =	sst s9  }
0x2c: {  	s0 =	rddreg [dreg:$0xa]  }
0x2d: {  	s26 =	rddreg [dreg:$0xb];
	s1 =	sshrl.u32 s0, $0x3  }
0x2e: {  	[smem:$0x7FB] =	sst s1  }
0x2f: {  	[spmem:s1], [sflag:s14] =	dma.local [hbm:s26], $0x2800  }
0x30: {  	_ =	swait.ge [sflag:s7], $0x2800  }
0x31: {  	[sflag:s7] =	ssyncset.done $0x0  }
0x32: {  	s1 =	sshrl.u32 s18, $0x3;
	s9 =	rddreg [dreg:$0xe];
	[sflag:s7] =	ssyncadd.s32 $0xFFFFD800  }
0x33: {  	[spmem:s1], [sflag:s14] =	dma.local [hbm:s9], $0x50  }
0x34: {  	_ =	swait.ge [sflag:s7], $0x50  }
0x35: {  	[sflag:s7] =	ssyncset.done $0x0  }
0x36: {  	[sflag:s7] =	ssyncadd.s32 $0xFFFFFFB0  }
0x37: {  	[tilespmem:$0xA400] =	vst v0  }
0x38: {  	[tilespmem:$0xA410] =	vst v0  }
0x39: {  	[tilespmem:$0xA420] =	vst v0  }
0x3a: {  	[tilespmem:$0xA430] =	vst v0  }
0x3b: {  	[tilespmem:$0xA440] =	vst v0  }
0x3c: {  	[bflag:$0x0] =	sbarrier.arrive $0xFFFF  }
0x3d: {  	s12 =	rddreg [dreg:$0xf]  }
0x3e: {  	[tilespmem:s13], [sflag:$0x3] =	stream.linear.gather [hbm4b:s12+s4], $0x50, $0x38;
	[tilespmem:$0x1E700] =	vst v63  }
0x3f: {  	s14 =	rddreg [dreg:$0x10]  }
0x40: {  	[tilespmem:s4], [sflag:$0x3] =	stream.linear.gather [hbm4b:s14+s4], $0x50, $0x38;
	[tilespmem:$0x1E700] =	vst v63  }
0x41: {  	s16 =	rddreg [dreg:$0x11]  }
0x42: {  	[tilespmem:s11], [sflag:$0x3] =	stream.linear.gather [hbm4b:s16+s4], $0x50, $0x38;
	[tilespmem:$0x1E700] =	vst v63  }
0x43: {  	s18 =	simm.s32 $0x3;
	s17 =	rddreg [dreg:$0x12]  }
0x44: {  	[tilespmem:s6], [sflag:$0x3] =	stream.linear.gather [hbm4b:s17+s4], $0x50, $0x38;
	[tilespmem:$0x1E700] =	vst v63  }
0x45: {  	_ =	swait.ge [sflag:s18], $0x50  }
0x46: {  	[sflag:s18] =	ssyncset.done $0x0  }
0x47: {  	[sflag:s18] =	ssyncadd.s32 $0xFFFFFFB0  }
0x48: {  	_ =	swait.ge [sflag:s18], $0x50  }
0x49: {  	[sflag:s18] =	ssyncset.done $0x0  }
0x4a: {  	[sflag:s18] =	ssyncadd.s32 $0xFFFFFFB0  }
0x4b: {  	_ =	swait.ge [sflag:s18], $0x50  }
0x4c: {  	[sflag:s18] =	ssyncset.done $0x0  }
0x4d: {  	[sflag:s18] =	ssyncadd.s32 $0xFFFFFFB0  }
0x4e: {  	_ =	swait.ge [sflag:s18], $0x50  }
0x4f: {  	[sflag:s18] =	ssyncset.done $0x0  }
0x50: {  	[sflag:s18] =	ssyncadd.s32 $0xFFFFFFB0  }
0x51: {  	[tilespmem:s15], [sflag:$0x1] =	stream.indirect.gather [hbm4b:s5+s10], $0x80, s4, s10, $0xb8;
	[tilespmem:$0x1E700] =	vst v63  }
0x52: {  	_ = 	snop  }
0x53: {  	[tilespmem:s19], [sflag:$0x2] =	stream.indirect.gather [hbm4b:s5+s10], $0x80, s6, s10, $0xb8;
	[tilespmem:$0x1E700] =	vst v63  }
0x54: {  	s14 =	simm.s32 $0x100;
	s21 =	rddreg [dreg:$0x13]  }
0x55: {  	[tilespmem:s14], [sflag:$0x3] =	stream.linear.gather [hbm4b:s21+s4], $0x50, $0x38;
	[tilespmem:$0x1E700] =	vst v63  }
0x56: {  	_ =	swait.ge [sflag:s18], $0x50  }
0x57: {  	[sflag:s18] =	ssyncset.done $0x0  }
0x58: {  	s22 =	simm.s32 $0x1;
	[sflag:s18] =	ssyncadd.s32 $0xFFFFFFB0  }
0x59: {  	_ =	swait.ge [sflag:s22], $0x2800  }
0x5a: {  	[sflag:s22] =	ssyncset.done $0x0  }
0x5b: {  	[sflag:s22] =	ssyncadd.s32 $0xFFFFD800  }
0x5c: {  	[spmem:s2] =	stream.indirect.scatter.add.f32 [tilespmem:s15], [sflag:$0x4], $0x80, s13, s10, $0xb8;
	[tilespmem:$0x1E700] =	vst v63  }
0x5d: {  	s28 =	simm.s32 @!p0 $0x50;
	s29 =	simm.s32 @!p0 $0x200;
	s30 =	simm.s32 @!p0 $0xA400  }
0x5e: {  	[spmem:s3] =	stream.indirect.scatter.add.f32 @!p0 [tilespmem:s30], [sflag:$0x6], $0x1, s29, s28, $0xb8;
	[tilespmem:$0x1E700] =	vst v63  }
0x5f: {  	s20 =	simm.s32 $0x5400  }
0x60: {  	[tilespmem:s20], [sflag:$0x1] =	stream.indirect.gather [hbm4b:s5+s10], $0x80, s14, s10, $0xb8;
	[tilespmem:$0x1E700] =	vst v63  }
0x61: {  	s26 =	simm.s32 $0x300;
	s25 =	rddreg [dreg:$0x14]  }
0x62: {  	[tilespmem:s26], [sflag:$0x3] =	stream.linear.gather [hbm4b:s25+s4], $0x50, $0x38;
	[tilespmem:$0x1E700] =	vst v63  }
0x63: {  	s7 =	rddreg [dreg:$0x15];
	s26 =	simm.s32 $0x180  }
0x64: {  	[tilespmem:s26], [sflag:$0x3] =	stream.linear.gather [hbm4b:s7+s4], $0x50, $0x38;
	[tilespmem:$0x1E700] =	vst v63  }
0x65: {  	_ =	swait.ge [sflag:s18], $0x50  }
0x66: {  	[sflag:s18] =	ssyncset.done $0x0  }
0x67: {  	[sflag:s18] =	ssyncadd.s32 $0xFFFFFFB0  }
0x68: {  	_ =	swait.ge [sflag:s18], $0x50  }
0x69: {  	[sflag:s18] =	ssyncset.done $0x0  }
0x6a: {  	[sflag:s18] =	ssyncadd.s32 $0xFFFFFFB0  }
0x6b: {  	_ =	swait.ge [sflag:s8], $0x2800  }
0x6c: {  	[sflag:s8] =	ssyncset.done $0x0  }
0x6d: {  	[sflag:s8] =	ssyncadd.s32 $0xFFFFD800  }
0x6e: {  	[spmem:s2] =	stream.indirect.scatter.add.f32 [tilespmem:s19], [sflag:$0x5], $0x80, s11, s10, $0xb8;
	[tilespmem:$0x1E700] =	vst v63  }
0x6f: {  	s11 =	simm.s32 @!p0 $0x280  }
0x70: {  	[spmem:s3] =	stream.indirect.scatter.add.f32 @!p0 [tilespmem:s30], [sflag:$0x7], $0x1, s11, s28, $0xb8;
	[tilespmem:$0x1E700] =	vst v63  }
0x71: {  	s8 =	simm.s32 $0x7C00  }
0x72: {  	[tilespmem:s8], [sflag:$0x2] =	stream.indirect.gather [hbm4b:s5+s10], $0x80, s26, s10, $0xb8;
	[tilespmem:$0x1E700] =	vst v63  }
0x73: {  	s12 =	simm.s32 $0x380;
	s9 =	rddreg [dreg:$0x16]  }
0x74: {  	[tilespmem:s12], [sflag:$0x3] =	stream.linear.gather [hbm4b:s9+s4], $0x50, $0x38;
	[tilespmem:$0x1E700] =	vst v63  }
0x75: {  	s16 =	rddreg [dreg:$0x17]  }
0x76: {  	[tilespmem:s4], [sflag:$0x3] =	stream.linear.gather [hbm4b:s16+s4], $0x50, $0x38;
	[tilespmem:$0x1E700] =	vst v63  }
0x77: {  	_ =	swait.ge [sflag:s23], $0x2800  }
0x78: {  	[sflag:s23] =	ssyncset.done $0x0  }
0x79: {  	s12 =	simm.s32 @p0 $0x3;
	[sflag:s23] =	ssyncadd.s32 $0xFFFFD800  }
0x7a: {  	_ =	swait.ge @p0 [sflag:s12], $0x50  }
0x7b: {  	[sflag:s12] =	ssyncset.done @p0 $0x0  }
0x7c: {  	[sflag:s12] =	ssyncadd.s32 @p0 $0xFFFFFFB0  }
0x7d: {  	_ =	swait.ge @p0 [sflag:s12], $0x50  }
0x7e: {  	[sflag:s12] =	ssyncset.done @p0 $0x0  }
0x7f: {  	s16 =	simm.s32 @p0 $0x1;
	[sflag:s12] =	ssyncadd.s32 @p0 $0xFFFFFFB0  }
0x80: {  	_ =	swait.ge @p0 [sflag:s16], $0x2800  }
0x81: {  	s0 =	simm.s32 @p0 $0x300;
	s1 =	simm.s32 @p0 $0x5400;
	[sflag:s16] =	ssyncset.done @p0 $0x0  }
0x82: {  	s8 =	simm.s32 @!p0 $0x6;
	s9 =	simm.s32 @p0 $0x50;
	[sflag:s16] =	ssyncadd.s32 @p0 $0xFFFFD800  }
0x83: {  	[spmem:s2] =	stream.indirect.scatter.add.f32 @p0 [tilespmem:s1], [sflag:$0x4], $0x80, s0, s9, $0xb8;
	[tilespmem:$0x1E700] =	vst v63  }
0x84: {  	_ =	swait.ge @!p0 [sflag:s8], $0x50  }
0x85: {  	[sflag:s8] =	ssyncset.done @!p0 $0x0  }
0x86: {  	s31 =	simm.s32 @!p0 $0x3;
	[sflag:s8] =	ssyncadd.s32 @!p0 $0xFFFFFFB0  }
0x87: {  	_ =	swait.ge @!p0 [sflag:s31], $0x50  }
0x88: {  	[sflag:s31] =	ssyncset.done @!p0 $0x0  }
0x89: {  	[sflag:s31] =	ssyncadd.s32 @!p0 $0xFFFFFFB0  }
0x8a: {  	_ =	swait.ge @!p0 [sflag:s31], $0x50  }
0x8b: {  	[sflag:s31] =	ssyncset.done @!p0 $0x0  }
0x8c: {  	s25 =	simm.s32 @!p0 $0x1;
	[sflag:s31] =	ssyncadd.s32 @!p0 $0xFFFFFFB0  }
0x8d: {  	_ =	swait.ge @!p0 [sflag:s25], $0x2800  }
0x8e: {  	[sflag:s25] =	ssyncset.done @!p0 $0x0  }
0x8f: {  	s7 =	simm.s32 @!p0 $0x300;
	s0 =	simm.s32 @!p0 $0x5400;
	[sflag:s25] =	ssyncadd.s32 @!p0 $0xFFFFD800  }
0x90: {  	[spmem:s2] =	stream.indirect.scatter.add.f32 @!p0 [tilespmem:s0], [sflag:$0x4], $0x80, s7, s28, $0xb8;
	[tilespmem:$0x1E700] =	vst v63  }
0x91: {  	_ = 	snop  }
0x92: {  	[spmem:s3] =	stream.indirect.scatter.add.f32 @!p0 [tilespmem:s30], [sflag:$0x6], $0x1, s7, s28, $0xb8;
	[tilespmem:$0x1E700] =	vst v63  }
0x93: {  	_ = 	snop  }
0x94: {  	[tilespmem:s15], [sflag:$0x1] =	stream.indirect.gather [hbm4b:s5+s10], $0x80, s4, s10, $0xb8;
	[tilespmem:$0x1E700] =	vst v63  }
0x95: {  	s17 =	rddreg [dreg:$0x18]  }
0x96: {  	[tilespmem:s13], [sflag:$0x3] =	stream.linear.gather [hbm4b:s17+s4], $0x50, $0x38;
	[tilespmem:$0x1E700] =	vst v63  }
0x97: {  	s18 =	rddreg [dreg:$0x19]  }
0x98: {  	[tilespmem:s6], [sflag:$0x3] =	stream.linear.gather [hbm4b:s18+s4], $0x50, $0x38;
	[tilespmem:$0x1E700] =	vst v63  }
0x99: {  	_ =	swait.ge [sflag:s24], $0x2800  }
0x9a: {  	[sflag:s24] =	ssyncset.done $0x0  }
0x9b: {  	[sflag:s24] =	ssyncadd.s32 $0xFFFFD800  }
0x9c: {  	_ =	swait.ge @p0 [sflag:s12], $0x50  }
0x9d: {  	[sflag:s12] =	ssyncset.done @p0 $0x0  }
0x9e: {  	[sflag:s12] =	ssyncadd.s32 @p0 $0xFFFFFFB0  }
0x9f: {  	_ =	swait.ge @p0 [sflag:s12], $0x50  }
0xa0: {  	[sflag:s12] =	ssyncset.done @p0 $0x0  }
0xa1: {  	s1 =	simm.s32 @p0 $0x2;
	[sflag:s12] =	ssyncadd.s32 @p0 $0xFFFFFFB0  }
0xa2: {  	_ =	swait.ge @p0 [sflag:s1], $0x2800  }
0xa3: {  	[sflag:s1] =	ssyncset.done @p0 $0x0  }
0xa4: {  	s0 =	simm.s32 @p0 $0x380;
	s17 =	simm.s32 @p0 $0x7C00;
	[sflag:s1] =	ssyncadd.s32 @p0 $0xFFFFD800  }
0xa5: {  	[spmem:s2] =	stream.indirect.scatter.add.f32 @p0 [tilespmem:s17], [sflag:$0x5], $0x80, s0, s9, $0xb8;
	[tilespmem:$0x1E700] =	vst v63  }
0xa6: {  	s17 =	simm.s32 @!p0 $0x7  }
0xa7: {  	_ =	swait.ge @!p0 [sflag:s17], $0x50  }
0xa8: {  	[sflag:s17] =	ssyncset.done @!p0 $0x0  }
0xa9: {  	[sflag:s17] =	ssyncadd.s32 @!p0 $0xFFFFFFB0  }
0xaa: {  	_ =	swait.ge @!p0 [sflag:s31], $0x50  }
0xab: {  	[sflag:s31] =	ssyncset.done @!p0 $0x0  }
0xac: {  	[sflag:s31] =	ssyncadd.s32 @!p0 $0xFFFFFFB0  }
0xad: {  	_ =	swait.ge @!p0 [sflag:s31], $0x50  }
0xae: {  	[sflag:s31] =	ssyncset.done @!p0 $0x0  }
0xaf: {  	s18 =	simm.s32 @!p0 $0x2;
	[sflag:s31] =	ssyncadd.s32 @!p0 $0xFFFFFFB0  }
0xb0: {  	_ =	swait.ge @!p0 [sflag:s18], $0x2800  }
0xb1: {  	[sflag:s18] =	ssyncset.done @!p0 $0x0  }
0xb2: {  	s22 =	simm.s32 @!p0 $0x380;
	s0 =	simm.s32 @!p0 $0x7C00;
	[sflag:s18] =	ssyncadd.s32 @!p0 $0xFFFFD800  }
0xb3: {  	[spmem:s2] =	stream.indirect.scatter.add.f32 @!p0 [tilespmem:s0], [sflag:$0x5], $0x80, s22, s28, $0xb8;
	[tilespmem:$0x1E700] =	vst v63  }
0xb4: {  	_ = 	snop  }
0xb5: {  	[spmem:s3] =	stream.indirect.scatter.add.f32 @!p0 [tilespmem:s30], [sflag:$0x7], $0x1, s22, s28, $0xb8;
	[tilespmem:$0x1E700] =	vst v63  }
0xb6: {  	_ = 	snop  }
0xb7: {  	[tilespmem:s19], [sflag:$0x2] =	stream.indirect.gather [hbm4b:s5+s10], $0x80, s6, s10, $0xb8;
	[tilespmem:$0x1E700] =	vst v63  }
0xb8: {  	s21 =	simm.s32 $0x280;
	s0 =	rddreg [dreg:$0x1a]  }
0xb9: {  	[tilespmem:s21], [sflag:$0x3] =	stream.linear.gather [hbm4b:s0+s4], $0x50, $0x38;
	[tilespmem:$0x1E700] =	vst v63  }
0xba: {  	s21 =	rddreg [dreg:$0x1e]  }
0xbb: {  	[tilespmem:s14], [sflag:$0x3] =	stream.linear.gather [hbm4b:s21+s4], $0x50, $0x38;
	[tilespmem:$0x1E700] =	vst v63  }
0xbc: {  	_ =	swait.ge [sflag:s23], $0x2800  }
0xbd: {  	[sflag:s23] =	ssyncset.done $0x0  }
0xbe: {  	[sflag:s23] =	ssyncadd.s32 $0xFFFFD800  }
0xbf: {  	_ =	swait.ge @p0 [sflag:s12], $0x50  }
0xc0: {  	[sflag:s12] =	ssyncset.done @p0 $0x0  }
0xc1: {  	[sflag:s12] =	ssyncadd.s32 @p0 $0xFFFFFFB0  }
0xc2: {  	_ =	swait.ge @p0 [sflag:s12], $0x50  }
0xc3: {  	[sflag:s12] =	ssyncset.done @p0 $0x0  }
0xc4: {  	[sflag:s12] =	ssyncadd.s32 @p0 $0xFFFFFFB0  }
0xc5: {  	_ =	swait.ge @p0 [sflag:s16], $0x2800  }
0xc6: {  	[sflag:s16] =	ssyncset.done @p0 $0x0  }
0xc7: {  	s0 =	simm.s32 @p0 $0x200;
	s21 =	simm.s32 @p0 $0x400;
	[sflag:s16] =	ssyncadd.s32 @p0 $0xFFFFD800  }
0xc8: {  	[spmem:s2] =	stream.indirect.scatter.add.f32 @p0 [tilespmem:s21], [sflag:$0x4], $0x80, s0, s9, $0xb8;
	[tilespmem:$0x1E700] =	vst v63  }
0xc9: {  	_ =	swait.ge @!p0 [sflag:s8], $0x50  }
0xca: {  	[sflag:s8] =	ssyncset.done @!p0 $0x0  }
0xcb: {  	[sflag:s8] =	ssyncadd.s32 @!p0 $0xFFFFFFB0  }
0xcc: {  	_ =	swait.ge @!p0 [sflag:s31], $0x50  }
0xcd: {  	[sflag:s31] =	ssyncset.done @!p0 $0x0  }
0xce: {  	[sflag:s31] =	ssyncadd.s32 @!p0 $0xFFFFFFB0  }
0xcf: {  	_ =	swait.ge @!p0 [sflag:s31], $0x50  }
0xd0: {  	[sflag:s31] =	ssyncset.done @!p0 $0x0  }
0xd1: {  	[sflag:s31] =	ssyncadd.s32 @!p0 $0xFFFFFFB0  }
0xd2: {  	_ =	swait.ge @!p0 [sflag:s25], $0x2800  }
0xd3: {  	[sflag:s25] =	ssyncset.done @!p0 $0x0  }
0xd4: {  	s0 =	simm.s32 @!p0 $0x400;
	[sflag:s25] =	ssyncadd.s32 @!p0 $0xFFFFD800  }
0xd5: {  	[spmem:s2] =	stream.indirect.scatter.add.f32 @!p0 [tilespmem:s0], [sflag:$0x4], $0x80, s29, s28, $0xb8;
	[tilespmem:$0x1E700] =	vst v63  }
0xd6: {  	s21 =	rddreg [dreg:$0x6]  }
0xd7: {  	[spmem:s3] =	stream.indirect.scatter.add.f32 @!p0 [tilespmem:s30], [sflag:$0x6], $0x1, s29, s28, $0xb8;
	[tilespmem:$0x1E700] =	vst v63  }
0xd8: {  	s0 =	sadd.s32 $0x0, s21  }
0xd9: {  	[tilespmem:s20], [sflag:$0x1] =	stream.indirect.gather [hbm4b:s5+s10], $0x80, s14, s10, $0xb8;
	[tilespmem:$0x1E700] =	vst v63  }
0xda: {  	s21 =	simm.s32 $0x300;
	s14 =	rddreg [dreg:$0x9];
	s20 =	sadd.s32 $0x3C, s0  }
0xdb: {  	[tilespmem:s21], [sflag:$0x3] =	stream.linear.gather [hbm4b:s20+s4], $0x50, $0x38;
	[tilespmem:$0x1E700] =	vst v63  }
0xdc: {  	s14 =	sadd.s32 $0x0, s14  }
0xdd: {  	[tilespmem:s26], [sflag:$0x3] =	stream.linear.gather [hbm4b:s14+s4], $0x50, $0x38;
	[tilespmem:$0x1E700] =	vst v63  }
0xde: {  	_ =	swait.ge [sflag:s24], $0x2800  }
0xdf: {  	[sflag:s24] =	ssyncset.done $0x0  }
0xe0: {  	[sflag:s24] =	ssyncadd.s32 $0xFFFFD800  }
0xe1: {  	_ =	swait.ge @p0 [sflag:s12], $0x50  }
0xe2: {  	[sflag:s12] =	ssyncset.done @p0 $0x0  }
0xe3: {  	[sflag:s12] =	ssyncadd.s32 @p0 $0xFFFFFFB0  }
0xe4: {  	_ =	swait.ge @p0 [sflag:s12], $0x50  }
0xe5: {  	[sflag:s12] =	ssyncset.done @p0 $0x0  }
0xe6: {  	[sflag:s12] =	ssyncadd.s32 @p0 $0xFFFFFFB0  }
0xe7: {  	_ =	swait.ge @p0 [sflag:s1], $0x2800  }
0xe8: {  	[sflag:s1] =	ssyncset.done @p0 $0x0  }
0xe9: {  	s20 =	simm.s32 @p0 $0x2C00;
	s14 =	simm.s32 @p0 $0x280;
	[sflag:s1] =	ssyncadd.s32 @p0 $0xFFFFD800  }
0xea: {  	[spmem:s2] =	stream.indirect.scatter.add.f32 @p0 [tilespmem:s20], [sflag:$0x5], $0x80, s14, s9, $0xb8;
	[tilespmem:$0x1E700] =	vst v63  }
0xeb: {  	_ =	swait.ge @!p0 [sflag:s17], $0x50  }
0xec: {  	[sflag:s17] =	ssyncset.done @!p0 $0x0  }
0xed: {  	[sflag:s17] =	ssyncadd.s32 @!p0 $0xFFFFFFB0  }
0xee: {  	_ =	swait.ge @!p0 [sflag:s31], $0x50  }
0xef: {  	[sflag:s31] =	ssyncset.done @!p0 $0x0  }
0xf0: {  	[sflag:s31] =	ssyncadd.s32 @!p0 $0xFFFFFFB0  }
0xf1: {  	_ =	swait.ge @!p0 [sflag:s31], $0x50  }
0xf2: {  	[sflag:s31] =	ssyncset.done @!p0 $0x0  }
0xf3: {  	[sflag:s31] =	ssyncadd.s32 @!p0 $0xFFFFFFB0  }
0xf4: {  	_ =	swait.ge @!p0 [sflag:s18], $0x2800  }
0xf5: {  	[sflag:s18] =	ssyncset.done @!p0 $0x0  }
0xf6: {  	s14 =	simm.s32 @!p0 $0x2C00;
	[sflag:s18] =	ssyncadd.s32 @!p0 $0xFFFFD800  }
0xf7: {  	[spmem:s2] =	stream.indirect.scatter.add.f32 @!p0 [tilespmem:s14], [sflag:$0x5], $0x80, s11, s28, $0xb8;
	[tilespmem:$0x1E700] =	vst v63  }
0xf8: {  	_ = 	snop  }
0xf9: {  	[spmem:s3] =	stream.indirect.scatter.add.f32 @!p0 [tilespmem:s30], [sflag:$0x7], $0x1, s11, s28, $0xb8;
	[tilespmem:$0x1E700] =	vst v63  }
0xfa: {  	s21 =	simm.s32 $0x7C00  }
0xfb: {  	[tilespmem:s21], [sflag:$0x2] =	stream.indirect.gather [hbm4b:s5+s10], $0x80, s26, s10, $0xb8;
	[tilespmem:$0x1E700] =	vst v63  }
0xfc: {  	s20 =	rddreg [dreg:$0x8];
	s14 =	sadd.s32 $0x46, s0;
	s21 =	simm.s32 $0x380  }
0xfd: {  	[tilespmem:s21], [sflag:$0x3] =	stream.linear.gather [hbm4b:s14+s4], $0x50, $0x38;
	[tilespmem:$0x1E700] =	vst v63  }
0xfe: {  	s20 =	sadd.s32 $0x0, s20  }
0xff: {  	[tilespmem:s4], [sflag:$0x3] =	stream.linear.gather [hbm4b:s20+s4], $0x50, $0x38;
	[tilespmem:$0x1E700] =	vst v63  }
0x100: {  	_ =	swait.ge [sflag:s23], $0x2800  }
0x101: {  	[sflag:s23] =	ssyncset.done $0x0  }
0x102: {  	[sflag:s23] =	ssyncadd.s32 $0xFFFFD800  }
0x103: {  	_ =	swait.ge @p0 [sflag:s12], $0x50  }
0x104: {  	[sflag:s12] =	ssyncset.done @p0 $0x0  }
0x105: {  	[sflag:s12] =	ssyncadd.s32 @p0 $0xFFFFFFB0  }
0x106: {  	_ =	swait.ge @p0 [sflag:s12], $0x50  }
0x107: {  	[sflag:s12] =	ssyncset.done @p0 $0x0  }
0x108: {  	[sflag:s12] =	ssyncadd.s32 @p0 $0xFFFFFFB0  }
0x109: {  	_ =	swait.ge @p0 [sflag:s16], $0x2800  }
0x10a: {  	[sflag:s16] =	ssyncset.done @p0 $0x0  }
0x10b: {  	s14 =	simm.s32 @p0 $0x5400;
	s20 =	simm.s32 @p0 $0x300;
	[sflag:s16] =	ssyncadd.s32 @p0 $0xFFFFD800  }
0x10c: {  	[spmem:s2] =	stream.indirect.scatter.add.f32 @p0 [tilespmem:s14], [sflag:$0x4], $0x80, s20, s9, $0xb8;
	[tilespmem:$0x1E700] =	vst v63  }
0x10d: {  	_ =	swait.ge @!p0 [sflag:s8], $0x50  }
0x10e: {  	[sflag:s8] =	ssyncset.done @!p0 $0x0  }
0x10f: {  	[sflag:s8] =	ssyncadd.s32 @!p0 $0xFFFFFFB0  }
0x110: {  	_ =	swait.ge @!p0 [sflag:s31], $0x50  }
0x111: {  	[sflag:s31] =	ssyncset.done @!p0 $0x0  }
0x112: {  	[sflag:s31] =	ssyncadd.s32 @!p0 $0xFFFFFFB0  }
0x113: {  	_ =	swait.ge @!p0 [sflag:s31], $0x50  }
0x114: {  	[sflag:s31] =	ssyncset.done @!p0 $0x0  }
0x115: {  	[sflag:s31] =	ssyncadd.s32 @!p0 $0xFFFFFFB0  }
0x116: {  	_ =	swait.ge @!p0 [sflag:s25], $0x2800  }
0x117: {  	[sflag:s25] =	ssyncset.done @!p0 $0x0  }
0x118: {  	s14 =	simm.s32 @!p0 $0x5400;
	[sflag:s25] =	ssyncadd.s32 @!p0 $0xFFFFD800  }
0x119: {  	[spmem:s2] =	stream.indirect.scatter.add.f32 @!p0 [tilespmem:s14], [sflag:$0x4], $0x80, s7, s28, $0xb8;
	[tilespmem:$0x1E700] =	vst v63  }
0x11a: {  	_ = 	snop  }
0x11b: {  	[spmem:s3] =	stream.indirect.scatter.add.f32 @!p0 [tilespmem:s30], [sflag:$0x6], $0x1, s7, s28, $0xb8;
	[tilespmem:$0x1E700] =	vst v63  }
0x11c: {  	_ = 	snop  }
0x11d: {  	[tilespmem:s15], [sflag:$0x1] =	stream.indirect.gather [hbm4b:s5+s10], $0x80, s4, s10, $0xb8;
	[tilespmem:$0x1E700] =	vst v63  }
0x11e: {  	s14 =	rddreg [dreg:$0x7];
	s15 =	sadd.s32 $0x50, s0  }
0x11f: {  	[tilespmem:s13], [sflag:$0x3] =	stream.linear.gather [hbm4b:s15+s4], $0x50, $0x38;
	[tilespmem:$0x1E700] =	vst v63  }
0x120: {  	s20 =	sadd.s32 $0x0, s14  }
0x121: {  	[tilespmem:s6], [sflag:$0x3] =	stream.linear.gather [hbm4b:s20+s4], $0x50, $0x38;
	[tilespmem:$0x1E700] =	vst v63  }
0x122: {  	_ =	swait.ge [sflag:s24], $0x2800  }
0x123: {  	[sflag:s24] =	ssyncset.done $0x0  }
0x124: {  	[sflag:s24] =	ssyncadd.s32 $0xFFFFD800  }
0x125: {  	_ =	swait.ge @p0 [sflag:s12], $0x50  }
0x126: {  	[sflag:s12] =	ssyncset.done @p0 $0x0  }
0x127: {  	[sflag:s12] =	ssyncadd.s32 @p0 $0xFFFFFFB0  }
0x128: {  	_ =	swait.ge @p0 [sflag:s12], $0x50  }
0x129: {  	[sflag:s12] =	ssyncset.done @p0 $0x0  }
0x12a: {  	[sflag:s12] =	ssyncadd.s32 @p0 $0xFFFFFFB0  }
0x12b: {  	_ =	swait.ge @p0 [sflag:s1], $0x2800  }
0x12c: {  	[sflag:s1] =	ssyncset.done @p0 $0x0  }
0x12d: {  	s14 =	simm.s32 @p0 $0x380;
	s13 =	simm.s32 @p0 $0x7C00;
	[sflag:s1] =	ssyncadd.s32 @p0 $0xFFFFD800  }
0x12e: {  	[spmem:s2] =	stream.indirect.scatter.add.f32 @p0 [tilespmem:s13], [sflag:$0x5], $0x80, s14, s9, $0xb8;
	[tilespmem:$0x1E700] =	vst v63  }
0x12f: {  	_ =	swait.ge @!p0 [sflag:s17], $0x50  }
0x130: {  	[sflag:s17] =	ssyncset.done @!p0 $0x0  }
0x131: {  	[sflag:s17] =	ssyncadd.s32 @!p0 $0xFFFFFFB0  }
0x132: {  	_ =	swait.ge @!p0 [sflag:s31], $0x50  }
0x133: {  	[sflag:s31] =	ssyncset.done @!p0 $0x0  }
0x134: {  	[sflag:s31] =	ssyncadd.s32 @!p0 $0xFFFFFFB0  }
0x135: {  	_ =	swait.ge @!p0 [sflag:s31], $0x50  }
0x136: {  	[sflag:s31] =	ssyncset.done @!p0 $0x0  }
0x137: {  	[sflag:s31] =	ssyncadd.s32 @!p0 $0xFFFFFFB0  }
0x138: {  	_ =	swait.ge @!p0 [sflag:s18], $0x2800  }
0x139: {  	[sflag:s18] =	ssyncset.done @!p0 $0x0  }
0x13a: {  	s13 =	simm.s32 @!p0 $0x7C00;
	[sflag:s18] =	ssyncadd.s32 @!p0 $0xFFFFD800  }
0x13b: {  	[spmem:s2] =	stream.indirect.scatter.add.f32 @!p0 [tilespmem:s13], [sflag:$0x5], $0x80, s22, s28, $0xb8;
	[tilespmem:$0x1E700] =	vst v63  }
0x13c: {  	_ = 	snop  }
0x13d: {  	[spmem:s3] =	stream.indirect.scatter.add.f32 @!p0 [tilespmem:s30], [sflag:$0x7], $0x1, s22, s28, $0xb8;
	[tilespmem:$0x1E700] =	vst v63  }
0x13e: {  	s26 =	simm.s32 $0x280;
	s0 =	sadd.s32 $0x5A, s0  }
0x13f: {  	[tilespmem:s19], [sflag:$0x2] =	stream.indirect.gather [hbm4b:s5+s10], $0x80, s6, s10, $0xb8;
	[tilespmem:$0x1E700] =	vst v63  }
0x140: {  	s15 =	simm.s32 $0x80;
	s20 =	simm.s32 $0x28;
	s21 =	rddreg [dreg:$0x5]  }
0x141: {  	[tilespmem:s26], [sflag:$0x3] =	stream.linear.gather [hbm4b:s0+s4], $0x50, $0x38;
	[tilespmem:$0x1E700] =	vst v63  }
0x142: {  	s6 =	simm.s32 $0x2C00;
	s26 =	sadd.s32 $0x0, s21;
	s21 =	simm.s32 $0x200  }
.LBB2_2:
0x143: {  	s14 =	simm.s32 $0x100  }
0x144: {  	[tilespmem:s14], [sflag:$0x3] =	stream.linear.gather [hbm4b:s26+s4], $0x50, $0x38;
	[tilespmem:$0x1E700] =	vst v63  }
0x145: {  	_ =	swait.ge [sflag:s23], $0x2800  }
0x146: {  	[sflag:s23] =	ssyncset.done $0x0  }
0x147: {  	[sflag:s23] =	ssyncadd.s32 $0xFFFFD800  }
0x148: {  	_ =	swait.ge @p0 [sflag:s12], $0x50  }
0x149: {  	[sflag:s12] =	ssyncset.done @p0 $0x0  }
0x14a: {  	[sflag:s12] =	ssyncadd.s32 @p0 $0xFFFFFFB0  }
0x14b: {  	_ =	swait.ge @p0 [sflag:s12], $0x50  }
0x14c: {  	[sflag:s12] =	ssyncset.done @p0 $0x0  }
0x14d: {  	[sflag:s12] =	ssyncadd.s32 @p0 $0xFFFFFFB0  }
0x14e: {  	_ =	swait.ge @p0 [sflag:s16], $0x2800  }
0x14f: {  	[sflag:s16] =	ssyncset.done @p0 $0x0  }
0x150: {  	s13 =	simm.s32 @p0 $0x200;
	s19 =	simm.s32 @p0 $0x400;
	[sflag:s16] =	ssyncadd.s32 @p0 $0xFFFFD800  }
0x151: {  	[spmem:s2] =	stream.indirect.scatter.add.f32 @p0 [tilespmem:s19], [sflag:$0x4], $0x80, s13, s9, $0xb8;
	[tilespmem:$0x1E700] =	vst v63  }
0x152: {  	_ =	swait.ge @!p0 [sflag:s8], $0x50  }
0x153: {  	[sflag:s8] =	ssyncset.done @!p0 $0x0  }
0x154: {  	[sflag:s8] =	ssyncadd.s32 @!p0 $0xFFFFFFB0  }
0x155: {  	_ =	swait.ge @!p0 [sflag:s31], $0x50  }
0x156: {  	[sflag:s31] =	ssyncset.done @!p0 $0x0  }
0x157: {  	[sflag:s31] =	ssyncadd.s32 @!p0 $0xFFFFFFB0  }
0x158: {  	_ =	swait.ge @!p0 [sflag:s31], $0x50  }
0x159: {  	[sflag:s31] =	ssyncset.done @!p0 $0x0  }
0x15a: {  	[sflag:s31] =	ssyncadd.s32 @!p0 $0xFFFFFFB0  }
0x15b: {  	_ =	swait.ge @!p0 [sflag:s25], $0x2800  }
0x15c: {  	[sflag:s25] =	ssyncset.done @!p0 $0x0  }
0x15d: {  	s13 =	simm.s32 @!p0 $0x400;
	[sflag:s25] =	ssyncadd.s32 @!p0 $0xFFFFD800  }
0x15e: {  	[spmem:s2] =	stream.indirect.scatter.add.f32 @!p0 [tilespmem:s13], [sflag:$0x4], $0x80, s29, s28, $0xb8;
	[tilespmem:$0x1E700] =	vst v63  }
0x15f: {  	s0 =	smov.u32 s20;
	s26 =	rddreg [dreg:$0x6]  }
0x160: {  	[spmem:s3] =	stream.indirect.scatter.add.f32 @!p0 [tilespmem:s30], [sflag:$0x6], $0x1, s29, s28, $0xb8;
	[tilespmem:$0x1E700] =	vst v63  }
0x161: {  	s19 =	simm.s32 $0x5400;
	s26 =	sadd.s32 s0, s26  }
0x162: {  	[tilespmem:s19], [sflag:$0x1] =	stream.indirect.gather [hbm4b:s5+s10], $0x80, s14, s10, $0xb8;
	[tilespmem:$0x1E700] =	vst v63  }
0x163: {  	s13 =	rddreg [dreg:$0x9];
	s14 =	sadd.s32 $0x3C, s26;
	s19 =	simm.s32 $0x300  }
0x164: {  	[tilespmem:s19], [sflag:$0x3] =	stream.linear.gather [hbm4b:s14+s4], $0x50, $0x38;
	[tilespmem:$0x1E700] =	vst v63  }
0x165: {  	s13 =	sadd.s32 s0, s13;
	s14 =	simm.s32 $0x180  }
0x166: {  	[tilespmem:s14], [sflag:$0x3] =	stream.linear.gather [hbm4b:s13+s4], $0x50, $0x38;
	[tilespmem:$0x1E700] =	vst v63  }
0x167: {  	_ =	swait.ge [sflag:s24], $0x2800  }
0x168: {  	[sflag:s24] =	ssyncset.done $0x0  }
0x169: {  	[sflag:s24] =	ssyncadd.s32 $0xFFFFD800  }
0x16a: {  	_ =	swait.ge @p0 [sflag:s12], $0x50  }
0x16b: {  	[sflag:s12] =	ssyncset.done @p0 $0x0  }
0x16c: {  	[sflag:s12] =	ssyncadd.s32 @p0 $0xFFFFFFB0  }
0x16d: {  	_ =	swait.ge @p0 [sflag:s12], $0x50  }
0x16e: {  	[sflag:s12] =	ssyncset.done @p0 $0x0  }
0x16f: {  	[sflag:s12] =	ssyncadd.s32 @p0 $0xFFFFFFB0  }
0x170: {  	_ =	swait.ge @p0 [sflag:s1], $0x2800  }
0x171: {  	[sflag:s1] =	ssyncset.done @p0 $0x0  }
0x172: {  	s19 =	simm.s32 @p0 $0x2C00;
	s13 =	simm.s32 @p0 $0x280;
	[sflag:s1] =	ssyncadd.s32 @p0 $0xFFFFD800  }
0x173: {  	[spmem:s2] =	stream.indirect.scatter.add.f32 @p0 [tilespmem:s19], [sflag:$0x5], $0x80, s13, s9, $0xb8;
	[tilespmem:$0x1E700] =	vst v63  }
0x174: {  	_ =	swait.ge @!p0 [sflag:s17], $0x50  }
0x175: {  	[sflag:s17] =	ssyncset.done @!p0 $0x0  }
0x176: {  	[sflag:s17] =	ssyncadd.s32 @!p0 $0xFFFFFFB0  }
0x177: {  	_ =	swait.ge @!p0 [sflag:s31], $0x50  }
0x178: {  	[sflag:s31] =	ssyncset.done @!p0 $0x0  }
0x179: {  	[sflag:s31] =	ssyncadd.s32 @!p0 $0xFFFFFFB0  }
0x17a: {  	_ =	swait.ge @!p0 [sflag:s31], $0x50  }
0x17b: {  	[sflag:s31] =	ssyncset.done @!p0 $0x0  }
0x17c: {  	[sflag:s31] =	ssyncadd.s32 @!p0 $0xFFFFFFB0  }
0x17d: {  	_ =	swait.ge @!p0 [sflag:s18], $0x2800  }
0x17e: {  	[sflag:s18] =	ssyncset.done @!p0 $0x0  }
0x17f: {  	s13 =	simm.s32 @!p0 $0x2C00;
	[sflag:s18] =	ssyncadd.s32 @!p0 $0xFFFFD800  }
0x180: {  	[spmem:s2] =	stream.indirect.scatter.add.f32 @!p0 [tilespmem:s13], [sflag:$0x5], $0x80, s11, s28, $0xb8;
	[tilespmem:$0x1E700] =	vst v63  }
0x181: {  	_ = 	snop  }
0x182: {  	[spmem:s3] =	stream.indirect.scatter.add.f32 @!p0 [tilespmem:s30], [sflag:$0x7], $0x1, s11, s28, $0xb8;
	[tilespmem:$0x1E700] =	vst v63  }
0x183: {  	s19 =	simm.s32 $0x7C00  }
0x184: {  	[tilespmem:s19], [sflag:$0x2] =	stream.indirect.gather [hbm4b:s5+s10], $0x80, s14, s10, $0xb8;
	[tilespmem:$0x1E700] =	vst v63  }
0x185: {  	s13 =	rddreg [dreg:$0x8];
	s14 =	sadd.s32 $0x46, s26;
	s19 =	simm.s32 $0x380  }
0x186: {  	[tilespmem:s19], [sflag:$0x3] =	stream.linear.gather [hbm4b:s14+s4], $0x50, $0x38;
	[tilespmem:$0x1E700] =	vst v63  }
0x187: {  	s13 =	sadd.s32 s0, s13  }
0x188: {  	[tilespmem:s4], [sflag:$0x3] =	stream.linear.gather [hbm4b:s13+s4], $0x50, $0x38;
	[tilespmem:$0x1E700] =	vst v63  }
0x189: {  	_ =	swait.ge [sflag:s23], $0x2800  }
0x18a: {  	[sflag:s23] =	ssyncset.done $0x0  }
0x18b: {  	[sflag:s23] =	ssyncadd.s32 $0xFFFFD800  }
0x18c: {  	_ =	swait.ge @p0 [sflag:s12], $0x50  }
0x18d: {  	[sflag:s12] =	ssyncset.done @p0 $0x0  }
0x18e: {  	[sflag:s12] =	ssyncadd.s32 @p0 $0xFFFFFFB0  }
0x18f: {  	_ =	swait.ge @p0 [sflag:s12], $0x50  }
0x190: {  	[sflag:s12] =	ssyncset.done @p0 $0x0  }
0x191: {  	[sflag:s12] =	ssyncadd.s32 @p0 $0xFFFFFFB0  }
0x192: {  	_ =	swait.ge @p0 [sflag:s16], $0x2800  }
0x193: {  	[sflag:s16] =	ssyncset.done @p0 $0x0  }
0x194: {  	s14 =	simm.s32 @p0 $0x5400;
	s13 =	simm.s32 @p0 $0x300;
	[sflag:s16] =	ssyncadd.s32 @p0 $0xFFFFD800  }
0x195: {  	[spmem:s2] =	stream.indirect.scatter.add.f32 @p0 [tilespmem:s14], [sflag:$0x4], $0x80, s13, s9, $0xb8;
	[tilespmem:$0x1E700] =	vst v63  }
0x196: {  	_ =	swait.ge @!p0 [sflag:s8], $0x50  }
0x197: {  	[sflag:s8] =	ssyncset.done @!p0 $0x0  }
0x198: {  	[sflag:s8] =	ssyncadd.s32 @!p0 $0xFFFFFFB0  }
0x199: {  	_ =	swait.ge @!p0 [sflag:s31], $0x50  }
0x19a: {  	[sflag:s31] =	ssyncset.done @!p0 $0x0  }
0x19b: {  	[sflag:s31] =	ssyncadd.s32 @!p0 $0xFFFFFFB0  }
0x19c: {  	_ =	swait.ge @!p0 [sflag:s31], $0x50  }
0x19d: {  	[sflag:s31] =	ssyncset.done @!p0 $0x0  }
0x19e: {  	[sflag:s31] =	ssyncadd.s32 @!p0 $0xFFFFFFB0  }
0x19f: {  	_ =	swait.ge @!p0 [sflag:s25], $0x2800  }
0x1a0: {  	[sflag:s25] =	ssyncset.done @!p0 $0x0  }
0x1a1: {  	s13 =	simm.s32 @!p0 $0x5400;
	[sflag:s25] =	ssyncadd.s32 @!p0 $0xFFFFD800  }
0x1a2: {  	[spmem:s2] =	stream.indirect.scatter.add.f32 @!p0 [tilespmem:s13], [sflag:$0x4], $0x80, s7, s28, $0xb8;
	[tilespmem:$0x1E700] =	vst v63  }
0x1a3: {  	_ = 	snop  }
0x1a4: {  	[spmem:s3] =	stream.indirect.scatter.add.f32 @!p0 [tilespmem:s30], [sflag:$0x6], $0x1, s7, s28, $0xb8;
	[tilespmem:$0x1E700] =	vst v63  }
0x1a5: {  	s19 =	simm.s32 $0x400  }
0x1a6: {  	[tilespmem:s19], [sflag:$0x1] =	stream.indirect.gather [hbm4b:s5+s10], $0x80, s4, s10, $0xb8;
	[tilespmem:$0x1E700] =	vst v63  }
0x1a7: {  	s13 =	rddreg [dreg:$0x7];
	s19 =	sadd.s32 $0x50, s26  }
0x1a8: {  	[tilespmem:s21], [sflag:$0x3] =	stream.linear.gather [hbm4b:s19+s4], $0x50, $0x38;
	[tilespmem:$0x1E700] =	vst v63  }
0x1a9: {  	s13 =	sadd.s32 s0, s13  }
0x1aa: {  	[tilespmem:s15], [sflag:$0x3] =	stream.linear.gather [hbm4b:s13+s4], $0x50, $0x38;
	[tilespmem:$0x1E700] =	vst v63  }
0x1ab: {  	_ =	swait.ge [sflag:s24], $0x2800  }
0x1ac: {  	[sflag:s24] =	ssyncset.done $0x0  }
0x1ad: {  	[sflag:s24] =	ssyncadd.s32 $0xFFFFD800  }
0x1ae: {  	_ =	swait.ge @p0 [sflag:s12], $0x50  }
0x1af: {  	[sflag:s12] =	ssyncset.done @p0 $0x0  }
0x1b0: {  	[sflag:s12] =	ssyncadd.s32 @p0 $0xFFFFFFB0  }
0x1b1: {  	_ =	swait.ge @p0 [sflag:s12], $0x50  }
0x1b2: {  	[sflag:s12] =	ssyncset.done @p0 $0x0  }
0x1b3: {  	[sflag:s12] =	ssyncadd.s32 @p0 $0xFFFFFFB0  }
0x1b4: {  	_ =	swait.ge @p0 [sflag:s1], $0x2800  }
0x1b5: {  	[sflag:s1] =	ssyncset.done @p0 $0x0  }
0x1b6: {  	s14 =	simm.s32 @p0 $0x7C00;
	s13 =	simm.s32 @p0 $0x380;
	[sflag:s1] =	ssyncadd.s32 @p0 $0xFFFFD800  }
0x1b7: {  	[spmem:s2] =	stream.indirect.scatter.add.f32 @p0 [tilespmem:s14], [sflag:$0x5], $0x80, s13, s9, $0xb8;
	[tilespmem:$0x1E700] =	vst v63  }
0x1b8: {  	_ =	swait.ge @!p0 [sflag:s17], $0x50  }
0x1b9: {  	[sflag:s17] =	ssyncset.done @!p0 $0x0  }
0x1ba: {  	[sflag:s17] =	ssyncadd.s32 @!p0 $0xFFFFFFB0  }
0x1bb: {  	_ =	swait.ge @!p0 [sflag:s31], $0x50  }
0x1bc: {  	[sflag:s31] =	ssyncset.done @!p0 $0x0  }
0x1bd: {  	[sflag:s31] =	ssyncadd.s32 @!p0 $0xFFFFFFB0  }
0x1be: {  	_ =	swait.ge @!p0 [sflag:s31], $0x50  }
0x1bf: {  	[sflag:s31] =	ssyncset.done @!p0 $0x0  }
0x1c0: {  	[sflag:s31] =	ssyncadd.s32 @!p0 $0xFFFFFFB0  }
0x1c1: {  	_ =	swait.ge @!p0 [sflag:s18], $0x2800  }
0x1c2: {  	[sflag:s18] =	ssyncset.done @!p0 $0x0  }
0x1c3: {  	s20 =	sadd.s32 $0x28, s20;
	s14 =	simm.s32 @!p0 $0x7C00;
	[sflag:s18] =	ssyncadd.s32 @!p0 $0xFFFFD800  }
0x1c4: {  	[spmem:s2] =	stream.indirect.scatter.add.f32 @!p0 [tilespmem:s14], [sflag:$0x5], $0x80, s22, s28, $0xb8;
	[tilespmem:$0x1E700] =	vst v63  }
0x1c5: {  	p2 =	sne.s32 s20, $0x988  }
0x1c6: {  	[spmem:s3] =	stream.indirect.scatter.add.f32 @!p0 [tilespmem:s30], [sflag:$0x7], $0x1, s22, s28, $0xb8;
	[tilespmem:$0x1E700] =	vst v63  }
.Ltmp0:
0x1c7: {  	_ = 	snop;
	(pc) =	sbr.rel @p2 .LBB2_2-.Ltmp0, $4  }
0x1c8: {  	s19 =	rddreg [dreg:$0x5]  }
0x1c9: {  	[tilespmem:s6], [sflag:$0x2] =	stream.indirect.gather [hbm4b:s5+s10], $0x80, s15, s10, $0xb8;
	[tilespmem:$0x1E700] =	vst v63  }
0x1ca: {  	s14 =	sadd.s32 $0x5A, s26;
	s26 =	sadd.s32 s0, s19;
	s19 =	simm.s32 $0x280  }
0x1cb: {  	[tilespmem:s19], [sflag:$0x3] =	stream.linear.gather [hbm4b:s14+s4], $0x50, $0x38;
	[tilespmem:$0x1E700] =	vst v63  }
0x1cc: {  	s6 =	simm.s32 $0x100  }
0x1cd: {  	[tilespmem:s6], [sflag:$0x3] =	stream.linear.gather [hbm4b:s26+s4], $0x50, $0x38;
	[tilespmem:$0x1E700] =	vst v63  }
0x1ce: {  	_ =	swait.ge [sflag:s23], $0x2800  }
0x1cf: {  	[sflag:s23] =	ssyncset.done $0x0  }
0x1d0: {  	s0 =	simm.s32 @p0 $0x3;
	[sflag:s23] =	ssyncadd.s32 $0xFFFFD800  }
0x1d1: {  	_ =	swait.ge @p0 [sflag:s0], $0x50  }
0x1d2: {  	[sflag:s0] =	ssyncset.done @p0 $0x0  }
0x1d3: {  	[sflag:s0] =	ssyncadd.s32 @p0 $0xFFFFFFB0  }
0x1d4: {  	_ =	swait.ge @p0 [sflag:s0], $0x50  }
0x1d5: {  	[sflag:s0] =	ssyncset.done @p0 $0x0  }
0x1d6: {  	s8 =	simm.s32 @p0 $0x1;
	[sflag:s0] =	ssyncadd.s32 @p0 $0xFFFFFFB0  }
0x1d7: {  	_ =	swait.ge @p0 [sflag:s8], $0x2800  }
0x1d8: {  	s9 =	simm.s32 @p0 $0x50;
	[sflag:s8] =	ssyncset.done @p0 $0x0  }
0x1d9: {  	s1 =	simm.s32 @p0 $0x200;
	s7 =	simm.s32 @p0 $0x400;
	[sflag:s8] =	ssyncadd.s32 @p0 $0xFFFFD800  }
0x1da: {  	[spmem:s2] =	stream.indirect.scatter.add.f32 @p0 [tilespmem:s7], [sflag:$0x4], $0x80, s1, s9, $0xb8;
	[tilespmem:$0x1E700] =	vst v63  }
0x1db: {  	s1 =	simm.s32 @!p0 $0x6  }
0x1dc: {  	_ =	swait.ge @!p0 [sflag:s1], $0x50  }
0x1dd: {  	[sflag:s1] =	ssyncset.done @!p0 $0x0  }
0x1de: {  	s7 =	simm.s32 @!p0 $0x3;
	[sflag:s1] =	ssyncadd.s32 @!p0 $0xFFFFFFB0  }
0x1df: {  	_ =	swait.ge @!p0 [sflag:s7], $0x50  }
0x1e0: {  	[sflag:s7] =	ssyncset.done @!p0 $0x0  }
0x1e1: {  	[sflag:s7] =	ssyncadd.s32 @!p0 $0xFFFFFFB0  }
0x1e2: {  	_ =	swait.ge @!p0 [sflag:s7], $0x50  }
0x1e3: {  	[sflag:s7] =	ssyncset.done @!p0 $0x0  }
0x1e4: {  	s11 =	simm.s32 @!p0 $0x1;
	[sflag:s7] =	ssyncadd.s32 @!p0 $0xFFFFFFB0  }
0x1e5: {  	_ =	swait.ge @!p0 [sflag:s11], $0x2800  }
0x1e6: {  	s12 =	simm.s32 @!p0 $0x50;
	[sflag:s11] =	ssyncset.done @!p0 $0x0  }
0x1e7: {  	s14 =	simm.s32 @!p0 $0x200;
	s13 =	simm.s32 @!p0 $0x400;
	[sflag:s11] =	ssyncadd.s32 @!p0 $0xFFFFD800  }
0x1e8: {  	[spmem:s2] =	stream.indirect.scatter.add.f32 @!p0 [tilespmem:s13], [sflag:$0x4], $0x80, s14, s12, $0xb8;
	[tilespmem:$0x1E700] =	vst v63  }
0x1e9: {  	s13 =	simm.s32 @!p0 $0xA400  }
0x1ea: {  	[spmem:s3] =	stream.indirect.scatter.add.f32 @!p0 [tilespmem:s13], [sflag:$0x6], $0x1, s14, s12, $0xb8;
	[tilespmem:$0x1E700] =	vst v63  }
0x1eb: {  	s17 =	simm.s32 $0x5400;
	s18 =	rddreg [dreg:$0x1f]  }
0x1ec: {  	[tilespmem:s17], [sflag:$0x1] =	stream.indirect.gather [hbm4b:s5+s10], $0x80, s6, s10, $0xb8;
	[tilespmem:$0x1E700] =	vst v63  }
0x1ed: {  	s19 =	simm.s32 $0x300;
	s20 =	sld [smem:$0x7FC]  }
0x1ee: {  	[tilespmem:s19], [sflag:$0x3] =	stream.linear.gather [hbm4b:s18+s4], $0x50, $0x38;
	[tilespmem:$0x1E700] =	vst v63  }
0x1ef: {  	s21 =	simm.s32 $0x180  }
0x1f0: {  	[tilespmem:s21], [sflag:$0x3] =	stream.linear.gather [hbm4b:s20+s4], $0x50, $0x38;
	[tilespmem:$0x1E700] =	vst v63  }
0x1f1: {  	_ =	swait.ge [sflag:s24], $0x2800  }
0x1f2: {  	[sflag:s24] =	ssyncset.done $0x0  }
0x1f3: {  	[sflag:s24] =	ssyncadd.s32 $0xFFFFD800  }
0x1f4: {  	_ =	swait.ge @p0 [sflag:s0], $0x50  }
0x1f5: {  	[sflag:s0] =	ssyncset.done @p0 $0x0  }
0x1f6: {  	[sflag:s0] =	ssyncadd.s32 @p0 $0xFFFFFFB0  }
0x1f7: {  	_ =	swait.ge @p0 [sflag:s0], $0x50  }
0x1f8: {  	[sflag:s0] =	ssyncset.done @p0 $0x0  }
0x1f9: {  	s14 =	simm.s32 @p0 $0x2;
	[sflag:s0] =	ssyncadd.s32 @p0 $0xFFFFFFB0  }
0x1fa: {  	_ =	swait.ge @p0 [sflag:s14], $0x2800  }
0x1fb: {  	[sflag:s14] =	ssyncset.done @p0 $0x0  }
0x1fc: {  	s15 =	simm.s32 @p0 $0x2C00;
	[sflag:s14] =	ssyncadd.s32 @p0 $0xFFFFD800;
	s14 =	simm.s32 @p0 $0x280  }
0x1fd: {  	[spmem:s2] =	stream.indirect.scatter.add.f32 @p0 [tilespmem:s15], [sflag:$0x5], $0x80, s14, s9, $0xb8;
	[tilespmem:$0x1E700] =	vst v63  }
0x1fe: {  	s14 =	simm.s32 @!p0 $0x7  }
0x1ff: {  	_ =	swait.ge @!p0 [sflag:s14], $0x50  }
0x200: {  	[sflag:s14] =	ssyncset.done @!p0 $0x0  }
0x201: {  	[sflag:s14] =	ssyncadd.s32 @!p0 $0xFFFFFFB0  }
0x202: {  	_ =	swait.ge @!p0 [sflag:s7], $0x50  }
0x203: {  	[sflag:s7] =	ssyncset.done @!p0 $0x0  }
0x204: {  	[sflag:s7] =	ssyncadd.s32 @!p0 $0xFFFFFFB0  }
0x205: {  	_ =	swait.ge @!p0 [sflag:s7], $0x50  }
0x206: {  	[sflag:s7] =	ssyncset.done @!p0 $0x0  }
0x207: {  	s16 =	simm.s32 @!p0 $0x2;
	[sflag:s7] =	ssyncadd.s32 @!p0 $0xFFFFFFB0  }
0x208: {  	_ =	swait.ge @!p0 [sflag:s16], $0x2800  }
0x209: {  	[sflag:s16] =	ssyncset.done @!p0 $0x0  }
0x20a: {  	s15 =	simm.s32 @!p0 $0x2C00;
	[sflag:s16] =	ssyncadd.s32 @!p0 $0xFFFFD800;
	s16 =	simm.s32 @!p0 $0x280  }
0x20b: {  	[spmem:s2] =	stream.indirect.scatter.add.f32 @!p0 [tilespmem:s15], [sflag:$0x5], $0x80, s16, s12, $0xb8;
	[tilespmem:$0x1E700] =	vst v63  }
0x20c: {  	_ = 	snop  }
0x20d: {  	[spmem:s3] =	stream.indirect.scatter.add.f32 @!p0 [tilespmem:s13], [sflag:$0x7], $0x1, s16, s12, $0xb8;
	[tilespmem:$0x1E700] =	vst v63  }
0x20e: {  	s22 =	simm.s32 $0x7C00;
	s25 =	sld [smem:$0x7FD]  }
0x20f: {  	[tilespmem:s22], [sflag:$0x2] =	stream.indirect.gather [hbm4b:s5+s10], $0x80, s21, s10, $0xb8;
	[tilespmem:$0x1E700] =	vst v63  }
0x210: {  	s26 =	simm.s32 $0x380  }
0x211: {  	[tilespmem:s26], [sflag:$0x3] =	stream.linear.gather [hbm4b:s25+s4], $0x50, $0x38;
	[tilespmem:$0x1E700] =	vst v63  }
0x212: {  	_ =	swait.ge [sflag:s23], $0x2800  }
0x213: {  	[sflag:s23] =	ssyncset.done $0x0  }
0x214: {  	[sflag:s23] =	ssyncadd.s32 $0xFFFFD800  }
0x215: {  	_ =	swait.ge @p0 [sflag:s0], $0x50  }
0x216: {  	[sflag:s0] =	ssyncset.done @p0 $0x0  }
0x217: {  	[sflag:s0] =	ssyncadd.s32 @p0 $0xFFFFFFB0  }
0x218: {  	_ =	swait.ge @p0 [sflag:s8], $0x2800  }
0x219: {  	[sflag:s8] =	ssyncset.done @p0 $0x0  }
0x21a: {  	s0 =	simm.s32 @p0 $0x300;
	[sflag:s8] =	ssyncadd.s32 @p0 $0xFFFFD800;
	s8 =	simm.s32 @p0 $0x5400  }
0x21b: {  	[spmem:s2] =	stream.indirect.scatter.add.f32 @p0 [tilespmem:s8], [sflag:$0x4], $0x80, s0, s9, $0xb8;
	[tilespmem:$0x1E700] =	vst v63  }
0x21c: {  	s0 =	simm.s32 @p0 $0x5  }
0x21d: {  	_ =	swait.ge @p0 [sflag:s0], $0x2800  }
0x21e: {  	[sflag:s0] =	ssyncset.done @p0 $0x0  }
0x21f: {  	[sflag:s0] =	ssyncadd.s32 @p0 $0xFFFFD800  }
0x220: {  	_ =	swait.ge @!p0 [sflag:s1], $0x50  }
0x221: {  	[sflag:s1] =	ssyncset.done @!p0 $0x0  }
0x222: {  	[sflag:s1] =	ssyncadd.s32 @!p0 $0xFFFFFFB0  }
0x223: {  	_ =	swait.ge @!p0 [sflag:s7], $0x50  }
0x224: {  	[sflag:s7] =	ssyncset.done @!p0 $0x0  }
0x225: {  	[sflag:s7] =	ssyncadd.s32 @!p0 $0xFFFFFFB0  }
0x226: {  	_ =	swait.ge @!p0 [sflag:s11], $0x2800  }
0x227: {  	[sflag:s11] =	ssyncset.done @!p0 $0x0  }
0x228: {  	s0 =	simm.s32 @!p0 $0x300;
	s1 =	simm.s32 @!p0 $0x5400;
	[sflag:s11] =	ssyncadd.s32 @!p0 $0xFFFFD800  }
0x229: {  	[spmem:s2] =	stream.indirect.scatter.add.f32 @!p0 [tilespmem:s1], [sflag:$0x4], $0x80, s0, s12, $0xb8;
	[tilespmem:$0x1E700] =	vst v63  }
0x22a: {  	_ = 	snop  }
0x22b: {  	[spmem:s3] =	stream.indirect.scatter.add.f32 @!p0 [tilespmem:s13], [sflag:$0x6], $0x1, s0, s12, $0xb8;
	[tilespmem:$0x1E700] =	vst v63  }
0x22c: {  	s0 =	simm.s32 @!p0 $0x5  }
0x22d: {  	_ =	swait.ge @!p0 [sflag:s0], $0x2800  }
0x22e: {  	[sflag:s0] =	ssyncset.done @!p0 $0x0  }
0x22f: {  	[sflag:s0] =	ssyncadd.s32 @!p0 $0xFFFFD800  }
0x230: {  	_ =	swait.ge @!p0 [sflag:s14], $0x50  }
0x231: {  	[sflag:s14] =	ssyncset.done @!p0 $0x0  }
0x232: {  	s8 =	simm.s32 $0x2;
	[sflag:s14] =	ssyncadd.s32 @!p0 $0xFFFFFFB0  }
0x233: {  	_ =	swait.ge [sflag:s8], $0x2800  }
0x234: {  	[sflag:s8] =	ssyncset.done $0x0  }
0x235: {  	[sflag:s8] =	ssyncadd.s32 $0xFFFFD800  }
0x236: {  	[spmem:s2] =	stream.indirect.scatter.add.f32 [tilespmem:s22], [sflag:$0x5], $0x80, s26, s10, $0xb8;
	[tilespmem:$0x1E700] =	vst v63  }
0x237: {  	s7 =	simm.s32 @p1 $0xA400;
	s1 =	simm.s32 @p1 $0x380;
	s0 =	simm.s32 @p1 $0x50  }
0x238: {  	[spmem:s3] =	stream.indirect.scatter.add.f32 @p1 [tilespmem:s7], [sflag:$0x7], $0x1, s1, s0, $0xb8;
	[tilespmem:$0x1E700] =	vst v63  }
0x239: {  	s0 =	simm.s32 @p1 $0x4  }
0x23a: {  	_ =	swait.ge @p1 [sflag:s0], $0x2800  }
0x23b: {  	[sflag:s0] =	ssyncset.done @p1 $0x0  }
0x23c: {  	[sflag:s0] =	ssyncadd.s32 @p1 $0xFFFFD800;
	s0 =	simm.s32 @p1 $0x6  }
0x23d: {  	_ =	swait.ge @p1 [sflag:s0], $0x50  }
0x23e: {  	[sflag:s0] =	ssyncset.done @p1 $0x0  }
0x23f: {  	[sflag:s0] =	ssyncadd.s32 @p1 $0xFFFFFFB0;
	s0 =	simm.s32 @p1 $0x5  }
0x240: {  	_ =	swait.ge @p1 [sflag:s0], $0x2800  }
0x241: {  	[sflag:s0] =	ssyncset.done @p1 $0x0  }
0x242: {  	[sflag:s0] =	ssyncadd.s32 @p1 $0xFFFFD800;
	s0 =	simm.s32 @p1 $0x7  }
0x243: {  	_ =	swait.ge @p1 [sflag:s0], $0x50  }
0x244: {  	[sflag:s0] =	ssyncset.done @p1 $0x0  }
0x245: {  	[sflag:s0] =	ssyncadd.s32 @p1 $0xFFFFFFB0;
	s0 =	simm.s32 @!p1 $0x4  }
0x246: {  	_ =	swait.ge @!p1 [sflag:s0], $0x2800  }
0x247: {  	[sflag:s0] =	ssyncset.done @!p1 $0x0  }
0x248: {  	[sflag:s0] =	ssyncadd.s32 @!p1 $0xFFFFD800;
	s0 =	simm.s32 @!p1 $0x5  }
0x249: {  	_ =	swait.ge @!p1 [sflag:s0], $0x2800  }
0x24a: {  	[sflag:s0] =	ssyncset.done @!p1 $0x0  }
0x24b: {  	[sflag:s0] =	ssyncadd.s32 @!p1 $0xFFFFD800  }
0x24c: {  	[bflag:$0x0] =	sbarrier.arrive $0xFFFF  }
0x24d: {  	s29 =	sld [smem:$0x7FB]  }
0x24e: {  	s14 =	rddreg [dreg:$0xc]  }
0x24f: {  	s7 =	simm.s32 $0x8;
	s28 =	rddreg [dreg:$0x1b]  }
0x250: {  	[hbm:s28], [sflag:s14] =	dma.local [spmem:s29], $0x2800  }
0x251: {  	_ =	swait.ge [sflag:s7], $0x2800  }
0x252: {  	[sflag:s7] =	ssyncset.done $0x0;
	s18 =	rddreg [dreg:$0xd]  }
0x253: {  	s1 =	rddreg [dreg:$0x1c];
	[sflag:s7] =	ssyncadd.s32 $0xFFFFD800;
	s0 =	sshrl.u32 @!p0 s18, $0x3  }
0x254: {  	[hbm:s1], [sflag:s14] =	dma.local @!p0 [spmem:s0], $0x50  }
0x255: {  	s0 =	simm.s32 @!p0 $0x8  }
0x256: {  	_ =	swait.ge @!p0 [sflag:s0], $0x50  }
0x257: {  	s30 =	sld [smem:$0x7FA];
	_ =	sdelay $0x2  }
0x258: {  	s31 =	rddreg [dreg:$0x1d];
	s9 =	sadd.s32 $0x1, s30  }
0x259: {  	p2 =	sne.s32 s9, s31  }
.Ltmp1:
0x25a: {  	_ = 	snop;
	(pc) =	sbr.rel @p2 .LBB2_1-.Ltmp1, $4  }
0x25b: {  	_ = 	snop  }
0x25c: {  	s6 =	simm.s32 $0x80  }
0x25d: {  	s19 =	simm.s32 $0x2C00;
	s15 =	simm.s32 $0x400;
	[sflag:s0] =	ssyncset.done @!p0 $0x0  }
0x25e: {  	s11 =	simm.s32 $0x280;
	s13 =	simm.s32 $0x200;
	[sflag:s0] =	ssyncadd.s32 @!p0 $0xFFFFFFB0  }
0x25f: {  	_ =	sfence.sel $0x180000  }
0x260: {  	[bflag:$0x0] =	sbarrier.arrive $0xFFFF  }
0x261: {  	_ =	strace $0x90000047  }
0x262: {  	s0 =	stileid.u32;
	[bflag:$0x2] =	sbarrier.arrive $0xFFFF  }
0x263: {  	p0 =	sne.s32 s0, $0x0;
	s0 =	rddreg [dreg:$0x4]  }
0x264: {  	s0 =	sadd.s32 @!p0 $0x100000, s0  }
0x265: {  	[sflag:s0] =	ssyncadd.tile.s32 @!p0 $0x1;
	_ =	shalt  }
.Lfunc_end2:
_tile_overlayer_lowered:
.L_overlay_start_2:
0x266: {  	(tag) =	ssettag $0x2  }
0x267: {  	s0 =	rddreg [dreg:$0x0];
	s2 =	stileid.u32  }
0x268: {  	s1 =	rddreg [dreg:$0x1];
	p0 =	sne.s32 s2, $0x0  }
0x269: {  	s3 =	rddreg [dreg:$0x2];
	[bflag:$0x3] =	sbarrier.arrive $0xFFFF;
	s2 =	simm.s32 @!p0 $0x1C08  }
0x26a: {  	[timem:s3], [sflag:s2] =	dma.local @!p0 [hbm:s0], s1  }
0x26b: {  	s0 =	simm.s32 @!p0 $0x8  }
0x26c: {  	_ =	swait.ge @!p0 [sflag:s0], s1  }
0x26d: {  	s1 =	ssub.s32 @!p0 $0x0, s1;
	[sflag:s0] =	ssyncset.done @!p0 $0x0  }
0x26e: {  	[sflag:s0] =	ssyncadd.s32 @!p0 s1  }
0x26f: {  	[bflag:$0x3] =	sbarrier.arrive $0xFFFF  }
0x270: {  	_ =	shalt  }

// kernel: kernel.13.cloned.1.call-start
scs
__scs_entry_jumppad:
0x0: {  	(pc) =	sbr.rel $0x88, $3  }
0x1: {  	(tag) =	ssettag $0x0;
	lr =	simm.s32 $0x1  }
0x2: {  	[smem:$0x3F92] =	sst lr;
	_ =	strace $0xD0000000  }
0x3: {  	_ = 	snop  }
0x4: {  	_ = 	snop  }
0x5: {  	_ = 	snop  }
0x6: {  	_ = 	snop  }
0x7: {  	_ = 	snop  }
__scs_overlays_trampoline_lowered:
0x8: {  	[smem:$0x3FA1] =	sst s0  }
0x9: {  	[smem:$0x3FA2] =	sst s1  }
0xa: {  	[smem:$0x3FA3] =	sst s2  }
0xb: {  	[smem:$0x3FA4] =	sst s3  }
0xc: {  	[smem:$0x3FA5] =	sst s4  }
0xd: {  	[smem:$0x3FA6] =	sst s5  }
0xe: {  	[smem:$0x3FA7] =	sst s6  }
0xf: {  	[smem:$0x3FA8] =	sst s7  }
0x10: {  	[smem:$0x3FA9] =	sst s8  }
0x11: {  	[smem:$0x3FAA] =	sst s9;
	s0 =	simm.s32 @!p0 $0x0  }
0x12: {  	s1 =	sld [smem:$0x3F90];
	s0 =	simm.s32 @p0 $0x1  }
0x13: {  	[smem:$0x3FAB] =	sst s0;
	s0 =	simm.s32 @!p1 $0x0  }
0x14: {  	s2 =	sld [smem:$0x3F8F];
	s0 =	simm.s32 @p1 $0x1  }
0x15: {  	[smem:$0x3FAC] =	sst s0;
	s0 =	simm.s32 @!p2 $0x0  }
0x16: {  	s3 =	sld [smem:$0x3FDB];
	s0 =	simm.s32 @p2 $0x1  }
0x17: {  	s4 =	simm.s32 $0x1BF5;
	[smem:$0x3FAE] =	sst s0  }
0x18: {  	s0 =	sld [smem:$0x3F91];
	_ =	swait.ge [sflag:s4], $0x0  }
0x19: {  	s7 =	sld [smem:$0x3F92]  }
0x1a: {  	s8 =	sadd.s32 $0xFFFFE003, lr  }
0x1b: {  	s9 =	sadd.s32 $0xFFFFFEF7, lr;
	s5 =	simm.s32 $0xFFFFFFFF;
	p2 =	slt.u32 s8, $0xFFFFF086  }
0x1c: {  	p1 =	slt.u32 s9, $0xF7A;
	s5 =	simm.s32 @!p2 $0x0  }
0x1d: {  	s5 =	simm.s32 @p1 $0x1;
	p0 =	seq.s32 s7, s2  }
0x1e: {  	s7 =	smul.u32 @!p0 $0xF7A, s2;
	p2 =	seq.s32 @!p0 s5, $0x0  }
0x1f: {  	s9 =	smul.u32 $0xF7A, s1;
	s8 =	simm.s32 @!p0 $0x1BF5;
	p2 =	por !p2, p0  }
0x20: {  	[sflag:s8] =	ssyncset.s32 @!p0 $0xFFFFF086;
	s6 =	sadd.s32 @!p0 s3, s7;
	s7 =	simm.s32 @!p0 $0x108  }
0x21: {  	s3 =	sadd.s32 s3, s9;
	s6 =	sadd.s32 @!p0 $0x88, s6;
	s7 =	simm.s32 @p2 $0x1082  }
0x22: {  	[simem:s7], [sflag:s8] =	dma.local @!p0 [hbm:s6], $0xF7A  }
0x23: {  	s9 =	sor.u32 $0xD0000000, s2;
	s6 =	simm.s32 $0x108;
	_ =	swait.ge @!p0 [sflag:s8], $0x0  }
0x24: {  	s3 =	sadd.s32 $0x88, s3;
	s6 =	simm.s32 @!p1 $0x1082;
	[sflag:s4] =	ssyncset.s32 $0xFFFFF086  }
0x25: {  	[simem:s6], [sflag:s4] =	dma.local [hbm:s3], $0xF7A  }
0x26: {  	[smem:$0x3F92] =	sst s1;
	(tag) =	ssettag s2;
	_ =	strace s9  }
0x27: {  	s1 =	sld [smem:$0x3FA2]  }
0x28: {  	s2 =	sld [smem:$0x3FA3]  }
0x29: {  	s4 =	sld [smem:$0x3FA5]  }
0x2a: {  	p0 =	seq.s32 s5, $0x0;
	s5 =	sld [smem:$0x3FA6]  }
0x2b: {  	s6 =	sld [smem:$0x3FA7]  }
0x2c: {  	s7 =	sld [smem:$0x3FA8]  }
0x2d: {  	s3 =	simm.s32 $0x108;
	s8 =	sld [smem:$0x3FA9]  }
0x2e: {  	s3 =	simm.s32 @!p0 $0x1082;
	s9 =	sld [smem:$0x3FAA]  }
0x2f: {  	lr =	sadd.s32 s0, s3;
	s0 =	sld [smem:$0x3FA1]  }
0x30: {  	s3 =	sld [smem:$0x3FA4]  }
0x31: {  	[smem:$0x3FAD] =	sst s10  }
0x32: {  	s10 =	sld [smem:$0x3FAB];
	_ =	sdelay $0x3  }
0x33: {  	p0 =	seq.s32 s10, $0x1;
	s10 =	sld [smem:$0x3FAD];
	_ =	sdelay $0x3  }
0x34: {  	[smem:$0x3FAD] =	sst s10  }
0x35: {  	s10 =	sld [smem:$0x3FAC];
	_ =	sdelay $0x3  }
0x36: {  	p1 =	seq.s32 s10, $0x1;
	s10 =	sld [smem:$0x3FAD];
	_ =	sdelay $0x3  }
0x37: {  	[smem:$0x3FAD] =	sst s10  }
0x38: {  	s10 =	sld [smem:$0x3FAE]  }
0x39: {  	_ = 	snop;
	(pc) =	sbr.ind lr, $3  }
0x3a: {  	_ = 	snop  }
0x3b: {  	_ = 	snop  }
0x3c: {  	p2 =	seq.s32 s10, $0x1;
	s10 =	sld [smem:$0x3FAD]  }
0x3d: {  	_ =	shalt  }
0x3e: {  	_ =	shalt  }
0x3f: {  	_ =	shalt  }
0x40: {  	_ =	shalt  }
0x41: {  	_ =	shalt  }
0x42: {  	_ =	shalt  }
0x43: {  	_ =	shalt  }
0x44: {  	_ =	shalt  }
0x45: {  	_ =	shalt  }
0x46: {  	_ =	shalt  }
0x47: {  	_ =	shalt  }
0x48: {  	_ =	shalt  }
0x49: {  	_ =	shalt  }
0x4a: {  	_ =	shalt  }
0x4b: {  	_ =	shalt  }
0x4c: {  	_ =	shalt  }
0x4d: {  	_ =	shalt  }
0x4e: {  	_ =	shalt  }
0x4f: {  	_ =	shalt  }
0x50: {  	_ =	shalt  }
0x51: {  	_ =	shalt  }
0x52: {  	_ =	shalt  }
0x53: {  	_ =	shalt  }
0x54: {  	_ =	shalt  }
0x55: {  	_ =	shalt  }
0x56: {  	_ =	shalt  }
0x57: {  	_ =	shalt  }
0x58: {  	_ =	shalt  }
0x59: {  	_ =	shalt  }
0x5a: {  	_ =	shalt  }
0x5b: {  	_ =	shalt  }
0x5c: {  	_ =	shalt  }
0x5d: {  	_ =	shalt  }
0x5e: {  	_ =	shalt  }
0x5f: {  	_ =	shalt  }
0x60: {  	_ =	shalt  }
0x61: {  	_ =	shalt  }
0x62: {  	_ =	shalt  }
0x63: {  	_ =	shalt  }
0x64: {  	_ =	shalt  }
0x65: {  	_ =	shalt  }
0x66: {  	_ =	shalt  }
0x67: {  	_ =	shalt  }
0x68: {  	_ =	shalt  }
0x69: {  	_ =	shalt  }
0x6a: {  	_ =	shalt  }
0x6b: {  	_ =	shalt  }
0x6c: {  	_ =	shalt  }
0x6d: {  	_ =	shalt  }
0x6e: {  	_ =	shalt  }
0x6f: {  	_ =	shalt  }
0x70: {  	_ =	shalt  }
0x71: {  	_ =	shalt  }
0x72: {  	_ =	shalt  }
0x73: {  	_ =	shalt  }
0x74: {  	_ =	shalt  }
0x75: {  	_ =	shalt  }
0x76: {  	_ =	shalt  }
0x77: {  	_ =	shalt  }
0x78: {  	_ =	shalt  }
0x79: {  	_ =	shalt  }
0x7a: {  	_ =	shalt  }
0x7b: {  	_ =	shalt  }
0x7c: {  	_ =	shalt  }
0x7d: {  	_ =	shalt  }
0x7e: {  	_ =	shalt  }
0x7f: {  	_ =	shalt  }
0x80: {  	_ =	shalt  }
0x81: {  	_ =	shalt  }
0x82: {  	_ =	shalt  }
0x83: {  	_ =	shalt  }
0x84: {  	_ =	shalt  }
0x85: {  	_ =	shalt  }
0x86: {  	_ =	shalt  }
0x87: {  	_ =	shalt  }
.Lfunc_end0:
.L_simem_size_0:
called_computation.1_lowered:
.L_overlay_start_0:
0x88: {  	s2 =	sld [smem:$0x3FD9]  }
0x89: {  	s3 =	sld [smem:$0x3FFE];
	_ =	sdelay $0x1  }
0x8a: {  	s1 =	srdreg.scid  }
0x8b: {  	s0 =	sand.u32 $0x1, s1  }
0x8c: {  	s16 =	sshll.u32 s0, $0xA;
	s2 =	sadd.s32 s3, s2  }
0x8d: {  	s2 =	sadd.s32 s2, s16  }
0x8e: {  	[smem:$0x3FB9] =	sst s2  }
0x8f: {  	_ = 	snop  }
0x90: {  	(tm) =	ssettm $0x1  }
0x91: {  	s17 =	sld [smem:$0x3FFB];
	_ =	sdelay $0x3  }
0x92: {  	_ =	strace s17  }
0x93: {  	s2 =	sld [smem:$0x3FFC];
	_ =	sdelay $0x3  }
0x94: {  	_ =	strace s2  }
0x95: {  	s2 =	sld [smem:$0x3FFD];
	_ =	sdelay $0x3  }
0x96: {  	_ =	strace s2  }
0x97: {  	_ =	strace $0x8FFFFFFF  }
0x98: {  	s18 =	sld [smem:$0x3FDB];
	_ =	sdelay $0x1  }
0x99: {  	s19 =	simm.s32 $_scs_section_size  }
0x9a: {  	s4 =	simm.s32 $_size__tile_overlayer_lowered;
	s5 =	simm.s32 $_tile_overlayer_lowered  }
0x9b: {  	s22 =	simm.s32 $0x1BFF;
	s21 =	sshll.u32 s5, $0x1;
	s2 =	sadd.s32 s19, s18  }
0x9c: {  	s6 =	simm.s32 $0x0;
	s20 =	sshll.u32 s4, $0x1;
	s4 =	sadd.s32 s21, s2  }
0x9d: {  	[timem:s6], [sflag:s22] =	dma.local [hbm:s4], s20  }
0x9e: {  	_ =	swait.ge [sflag:s22], s20  }
0x9f: {  	s3 =	ssub.s32 $0x0, s20;
	[sflag:s22] =	ssyncset.done $0x0  }
0xa0: {  	[sflag:s22] =	ssyncadd.s32 s3;
	_ =	sdelay $0x1  }
0xa1: {  	s23 =	simm.s32 $0x1B8B  }
0xa2: {  	_ =	swait.ge [sflag:s23], $0x1  }
0xa3: {  	[sflag:s23] =	ssyncset.done $0x0  }
0xa4: {  	s25 =	simm.s32 $0x1B8E;
	s24 =	sld [smem:$0x3FFE];
	[sflag:s23] =	ssyncadd.s32 $0xFFFFFFFF  }
0xa5: {  	s26 =	simm.s32 $execute0_lowered;
	[smem:$0x3FD2] =	sst s25  }
0xa6: {  	s4 =	sshll.u32 s26, $0x1;
	_ =	strace $0x80000049;
	[dreg:$0x1] =	wrdreg $0xFFFFFFFF  }
0xa7: {  	s28 =	simm.s32 $_size_execute0_lowered;
	s2 =	sadd.s32 s2, s4;
	[dreg:$0x0] =	wrdreg $0x0  }
0xa8: {  	s4 =	sshll.u32 s28, $0x1;
	[dreg:$0x2] =	wrdreg s2  }
0xa9: {  	[dreg:$0x3] =	wrdreg s4  }
0xaa: {  	[dreg:$0x4] =	wrdreg $0xC0  }
0xab: {  	_ =	task [dreg:s6], $0x5FFFF  }
0xac: {  	[dreg:$0x1] =	wrdreg $0xFFFFFFFF  }
0xad: {  	[dreg:$0x0] =	wrdreg $0x60  }
0xae: {  	[dreg:$0x2] =	wrdreg s24  }
0xaf: {  	[dreg:$0x3] =	wrdreg $0xA4800  }
0xb0: {  	[dreg:$0x4] =	wrdreg $0x9  }
0xb1: {  	_ =	task.clear_ibuf [dreg:s6], $0x5FFFF;
	_ =	strace $0x90000049  }
0xb2: {  	s29 =	simm.s32 $0x9;
	_ =	strace $0x8000004B  }
0xb3: {  	_ =	swait.ge [sflag:s29], $0x1  }
0xb4: {  	[sflag:s29] =	ssyncadd.s32 $0xFFFFFFFF  }
0xb5: {  	_ =	strace $0x9000004B  }
0xb6: {  	_ =	sfence  }
0xb7: {  	s30 =	sld [smem:$0x0];
	_ =	sdelay $0x2  }
0xb8: {  	s31 =	sshll.u32 s1, $0xD;
	s1 =	sshrl.u32 s1, $0x2  }
0xb9: {  	s3 =	sand.u32 $0x4000, s31;
	s1 =	sadd.s32 s1, s30  }
0xba: {  	s0 =	sor.u32 s3, s0;
	s1 =	sshll.u32 s1, $0x11  }
0xbb: {  	s0 =	sor.u32 s1, s0  }
0xbc: {  	s0 =	sadd.s32 $0x8F2B, s0  }
0xbd: {  	[sflag:s0] =	ssyncadd.remote.s32 $0x1  }
0xbe: {  	_ =	sfence.sel $0xFFFF  }
0xbf: {  	[dreg:$0x0] =	wrdreg $0xFFFFFFFF;
	(pc) =	sbr.abs _section_cstart, $3  }
0xc0: {  	[dreg:$0x1] =	wrdreg $0xFFFFFFFF  }
0xc1: {  	_ =	task.clear_ibuf [dreg:s6], $0x2FFFF;
	_ =	strace $0x9FFFFFFF  }
0xc2: {  	(tm) =	ssettm $0x7FFFFFFF  }
0xc3: {  	_ =	shalt  }
tec
execute0_lowered:
.L_overlay_start_1:
0x0: {  	(tag) =	ssettag $0x1  }
0x1: {  	s0 =	rddreg [dreg:$0x0]  }
0x2: {  	s2 =	rddreg [dreg:$0x1];
	s3 =	simm.s32 $0x0;
	s12 =	stileid.u32  }
0x3: {  	s1 =	srdreg.scid;
	s28 =	simm.s32 $0x6;
	s29 =	simm.s32 $0x200  }
0x4: {  	s30 =	simm.s32 $0x280;
	s31 =	simm.s32 $0x80;
	s5 =	smul.u32 $0x14000, s12  }
0x5: {  	[smem:$0x7FF] =	sst s3;
	s1 =	sand.u32 $0x1, s1;
	s9 =	smul.u32 $0x50000, s12  }
0x6: {  	s4 =	sadd.s32 $0x573000, s0;
	s6 =	sadd.s32 $0xF400, s0;
	s17 =	smul.u32 $0x4EC0, s12  }
0x7: {  	s10 =	sadd.s32 $0x5400, s0;
	s20 =	sshll.u32 s12, $0x6;
	s12 =	smul.u32 $0x9D8, s12  }
0x8: {  	_ =	strace $0x8000004A;
	s7 =	smul.u32 $0x140000, s1;
	s11 =	ssub.s32 $0x2, s1  }
0x9: {  	s1 =	smul.u32 $0x4EC00, s1;
	s8 =	sshrl.u32 s5, $0x3;
	s18 =	sshrl.u32 s11, $0x1  }
0xa: {  	s9 =	sshrl.u32 s9, $0x2;
	s8 =	sadd.s32 s8, s0;
	s5 =	sadd.s32 s5, s7  }
0xb: {  	s9 =	sadd.s32 s9, s2;
	s1 =	sadd.s32 s17, s1;
	s7 =	sshrl.u32 s17, $0x3  }
0xc: {  	s5 =	sshrl.u32 s5, $0x3;
	[dreg:$0x7] =	wrdreg s9;
	s8 =	sadd.s32 $0x54B000, s8  }
0xd: {  	s19 =	sshrl.u32 s1, $0x3;
	s7 =	sadd.s32 s10, s7;
	s9 =	sor.u32 $0x1C06, s20  }
0xe: {  	s25 =	sadd.s32 $0x320, s1;
	s10 =	sadd.s32 s12, s10;
	[dreg:$0x8] =	wrdreg s8  }
0xf: {  	s16 =	sadd.s32 $0x2D0, s1;
	s12 =	simm.s32 $0x5400;
	[dreg:$0x4] =	wrdreg s10  }
0x10: {  	s0 =	sadd.s32 s5, s0;
	s21 =	sadd.s32 $0xA, s7;
	[dreg:$0x9] =	wrdreg s7  }
0x11: {  	s5 =	ssub.s32 s11, s18;
	s24 =	sadd.s32 $0x14, s7;
	[dreg:$0xa] =	wrdreg s21  }
0x12: {  	s8 =	sadd.s32 s6, s19;
	s26 =	sadd.s32 $0x1E, s7;
	[dreg:$0xd] =	wrdreg s24  }
0x13: {  	s11 =	sshrl.u32 s25, $0x3;
	s15 =	sadd.s32 $0x28, s7;
	[dreg:$0xf] =	wrdreg s26  }
0x14: {  	s19 =	sadd.s32 $0x280, s1;
	s20 =	sadd.s32 $0x32, s7;
	[dreg:$0x11] =	wrdreg s15  }
0x15: {  	s1 =	sadd.s32 $0x230, s1;
	s22 =	sadd.s32 $0xA, s8;
	[dreg:$0x13] =	wrdreg s20  }
0x16: {  	s23 =	sadd.s32 $0x14, s8;
	s13 =	sadd.s32 $0x1E, s8;
	[dreg:$0xb] =	wrdreg s22  }
0x17: {  	s14 =	sadd.s32 $0x28, s8;
	s11 =	sadd.s32 s11, s6;
	[dreg:$0xc] =	wrdreg s23  }
0x18: {  	s17 =	sadd.s32 $0x32, s8;
	s21 =	sshrl.u32 s19, $0x3;
	[dreg:$0xe] =	wrdreg s13  }
0x19: {  	s1 =	sshrl.u32 s1, $0x3;
	s24 =	sadd.s32 $0x9CE, s8;
	[dreg:$0x10] =	wrdreg s14  }
0x1a: {  	s0 =	sadd.s32 $0x73600, s0;
	s25 =	smax.u32 s5, $0x1;
	[dreg:$0x3] =	wrdreg s11  }
0x1b: {  	s26 =	sadd.s32 $0x9CE, s7;
	s5 =	simm.s32 $0x400;
	[dreg:$0x12] =	wrdreg s17  }
0x1c: {  	s15 =	simm.s32 $0x2;
	s19 =	simm.s32 $0x5;
	[dreg:$0x16] =	wrdreg s24  }
0x1d: {  	s20 =	simm.s32 $0x0;
	s11 =	sshrl.u32 s16, $0x3;
	[dreg:$0x17] =	wrdreg s0  }
0x1e: {  	s22 =	sadd.s32 $0x3C, s8;
	s10 =	sadd.s32 s21, s6;
	[dreg:$0x18] =	wrdreg s25  }
0x1f: {  	s23 =	sadd.s32 $0x9C4, s7;
	[dreg:$0x19] =	wrdreg s26;
	s0 =	simm.s32 $0x3  }
0x20: {  	s13 =	simm.s32 $0x300;
	s14 =	simm.s32 $0x180;
	[dreg:$0x14] =	wrdreg s22  }
0x21: {  	s16 =	simm.s32 $0x7C00;
	s17 =	simm.s32 $0x380;
	[dreg:$0x6] =	wrdreg s10  }
0x22: {  	s18 =	sadd.s32 s11, s6;
	[dreg:$0x15] =	wrdreg s23;
	s22 =	sadd.s32 s1, s6  }
0x23: {  	s1 =	simm.s32 $0x50;
	s6 =	simm.s32 $0x2C00;
	s10 =	simm.s32 $0x100  }
0x24: {  	v0 =	vimm.f32 $1.000000000e+00;
	s11 =	simm.s32 $0x1;
	[dreg:$0x5] =	wrdreg s18;
	s18 =	simm.s32 $0x4  }
.LBB2_1:
0x25: {  	s7 =	rddreg [dreg:$0x7]  }
0x26: {  	s25 =	rddreg [dreg:$0x8];
	s21 =	sshrl.u32 s7, $0x3  }
0x27: {  	[spmem:s21], [sflag:s9] =	dma.local [hbm:s25], $0x2800  }
0x28: {  	_ =	swait.ge [sflag:s28], $0x2800  }
0x29: {  	[sflag:s28] =	ssyncset.done $0x0  }
0x2a: {  	[sflag:s28] =	ssyncadd.s32 $0xFFFFD800  }
0x2b: {  	[tilespmem:$0xA400] =	vst v0  }
0x2c: {  	[tilespmem:$0xA410] =	vst v0  }
0x2d: {  	[tilespmem:$0xA420] =	vst v0  }
0x2e: {  	[tilespmem:$0xA430] =	vst v0  }
0x2f: {  	[tilespmem:$0xA440] =	vst v0  }
0x30: {  	[bflag:$0x0] =	sbarrier.arrive $0xFFFF  }
0x31: {  	s26 =	rddreg [dreg:$0x9]  }
0x32: {  	[tilespmem:s29], [sflag:$0x3] =	stream.linear.gather [hbm4b:s26+s3], $0x50, $0x38;
	[tilespmem:$0x1E480] =	vst v63  }
0x33: {  	_ = 	snop  }
0x34: {  	[tilespmem:s3], [sflag:$0x3] =	stream.linear.gather [hbm4b:s8+s3], $0x50, $0x38;
	[tilespmem:$0x1E480] =	vst v63  }
0x35: {  	s23 =	rddreg [dreg:$0xa]  }
0x36: {  	[tilespmem:s30], [sflag:$0x3] =	stream.linear.gather [hbm4b:s23+s3], $0x50, $0x38;
	[tilespmem:$0x1E480] =	vst v63  }
0x37: {  	s24 =	rddreg [dreg:$0xb]  }
0x38: {  	[tilespmem:s31], [sflag:$0x3] =	stream.linear.gather [hbm4b:s24+s3], $0x50, $0x38;
	[tilespmem:$0x1E480] =	vst v63  }
0x39: {  	_ =	swait.ge [sflag:s0], $0x50  }
0x3a: {  	[sflag:s0] =	ssyncset.done $0x0  }
0x3b: {  	[sflag:s0] =	ssyncadd.s32 $0xFFFFFFB0  }
0x3c: {  	_ =	swait.ge [sflag:s0], $0x50  }
0x3d: {  	[sflag:s0] =	ssyncset.done $0x0  }
0x3e: {  	[sflag:s0] =	ssyncadd.s32 $0xFFFFFFB0  }
0x3f: {  	_ =	swait.ge [sflag:s0], $0x50  }
0x40: {  	[sflag:s0] =	ssyncset.done $0x0  }
0x41: {  	[sflag:s0] =	ssyncadd.s32 $0xFFFFFFB0  }
0x42: {  	_ =	swait.ge [sflag:s0], $0x50  }
0x43: {  	[sflag:s0] =	ssyncset.done $0x0  }
0x44: {  	[sflag:s0] =	ssyncadd.s32 $0xFFFFFFB0  }
0x45: {  	[tilespmem:s5], [sflag:$0x1] =	stream.indirect.gather [hbm4b:s4+s1], $0x80, s3, s1, $0xb8;
	[tilespmem:$0x1E480] =	vst v63  }
0x46: {  	_ = 	snop  }
0x47: {  	[tilespmem:s6], [sflag:$0x2] =	stream.indirect.gather [hbm4b:s4+s1], $0x80, s31, s1, $0xb8;
	[tilespmem:$0x1E480] =	vst v63  }
0x48: {  	s25 =	rddreg [dreg:$0xc]  }
0x49: {  	[tilespmem:s10], [sflag:$0x3] =	stream.linear.gather [hbm4b:s25+s3], $0x50, $0x38;
	[tilespmem:$0x1E480] =	vst v63  }
0x4a: {  	_ =	swait.ge [sflag:s0], $0x50  }
0x4b: {  	[sflag:s0] =	ssyncset.done $0x0  }
0x4c: {  	[sflag:s0] =	ssyncadd.s32 $0xFFFFFFB0  }
0x4d: {  	_ =	swait.ge [sflag:s11], $0x2800  }
0x4e: {  	[sflag:s11] =	ssyncset.done $0x0  }
0x4f: {  	[sflag:s11] =	ssyncadd.s32 $0xFFFFD800  }
0x50: {  	[spmem:s2] =	stream.indirect.scatter.add.f32 [tilespmem:s5], [sflag:$0x4], $0x80, s29, s1, $0xb8;
	[tilespmem:$0x1E480] =	vst v63  }
0x51: {  	_ = 	snop  }
0x52: {  	[tilespmem:s12], [sflag:$0x1] =	stream.indirect.gather [hbm4b:s4+s1], $0x80, s10, s1, $0xb8;
	[tilespmem:$0x1E480] =	vst v63  }
0x53: {  	s26 =	rddreg [dreg:$0xd]  }
0x54: {  	[tilespmem:s13], [sflag:$0x3] =	stream.linear.gather [hbm4b:s26+s3], $0x50, $0x38;
	[tilespmem:$0x1E480] =	vst v63  }
0x55: {  	s23 =	rddreg [dreg:$0xe]  }
0x56: {  	[tilespmem:s14], [sflag:$0x3] =	stream.linear.gather [hbm4b:s23+s3], $0x50, $0x38;
	[tilespmem:$0x1E480] =	vst v63  }
0x57: {  	_ =	swait.ge [sflag:s0], $0x50  }
0x58: {  	[sflag:s0] =	ssyncset.done $0x0  }
0x59: {  	[sflag:s0] =	ssyncadd.s32 $0xFFFFFFB0  }
0x5a: {  	_ =	swait.ge [sflag:s0], $0x50  }
0x5b: {  	[sflag:s0] =	ssyncset.done $0x0  }
0x5c: {  	[sflag:s0] =	ssyncadd.s32 $0xFFFFFFB0  }
0x5d: {  	_ =	swait.ge [sflag:s15], $0x2800  }
0x5e: {  	[sflag:s15] =	ssyncset.done $0x0  }
0x5f: {  	[sflag:s15] =	ssyncadd.s32 $0xFFFFD800  }
0x60: {  	[spmem:s2] =	stream.indirect.scatter.add.f32 [tilespmem:s6], [sflag:$0x5], $0x80, s30, s1, $0xb8;
	[tilespmem:$0x1E480] =	vst v63  }
0x61: {  	_ = 	snop  }
0x62: {  	[tilespmem:s16], [sflag:$0x2] =	stream.indirect.gather [hbm4b:s4+s1], $0x80, s14, s1, $0xb8;
	[tilespmem:$0x1E480] =	vst v63  }
0x63: {  	s24 =	rddreg [dreg:$0xf]  }
0x64: {  	[tilespmem:s17], [sflag:$0x3] =	stream.linear.gather [hbm4b:s24+s3], $0x50, $0x38;
	[tilespmem:$0x1E480] =	vst v63  }
0x65: {  	s25 =	rddreg [dreg:$0x10]  }
0x66: {  	[tilespmem:s3], [sflag:$0x3] =	stream.linear.gather [hbm4b:s25+s3], $0x50, $0x38;
	[tilespmem:$0x1E480] =	vst v63  }
0x67: {  	_ =	swait.ge [sflag:s18], $0x2800  }
0x68: {  	[sflag:s18] =	ssyncset.done $0x0  }
0x69: {  	[sflag:s18] =	ssyncadd.s32 $0xFFFFD800  }
0x6a: {  	_ =	swait.ge [sflag:s0], $0x50  }
0x6b: {  	[sflag:s0] =	ssyncset.done $0x0  }
0x6c: {  	[sflag:s0] =	ssyncadd.s32 $0xFFFFFFB0  }
0x6d: {  	_ =	swait.ge [sflag:s0], $0x50  }
0x6e: {  	[sflag:s0] =	ssyncset.done $0x0  }
0x6f: {  	[sflag:s0] =	ssyncadd.s32 $0xFFFFFFB0  }
0x70: {  	_ =	swait.ge [sflag:s11], $0x2800  }
0x71: {  	[sflag:s11] =	ssyncset.done $0x0  }
0x72: {  	[sflag:s11] =	ssyncadd.s32 $0xFFFFD800  }
0x73: {  	[spmem:s2] =	stream.indirect.scatter.add.f32 [tilespmem:s12], [sflag:$0x4], $0x80, s13, s1, $0xb8;
	[tilespmem:$0x1E480] =	vst v63  }
0x74: {  	_ = 	snop  }
0x75: {  	[tilespmem:s5], [sflag:$0x1] =	stream.indirect.gather [hbm4b:s4+s1], $0x80, s3, s1, $0xb8;
	[tilespmem:$0x1E480] =	vst v63  }
0x76: {  	s26 =	rddreg [dreg:$0x11]  }
0x77: {  	[tilespmem:s29], [sflag:$0x3] =	stream.linear.gather [hbm4b:s26+s3], $0x50, $0x38;
	[tilespmem:$0x1E480] =	vst v63  }
0x78: {  	s23 =	rddreg [dreg:$0x12]  }
0x79: {  	[tilespmem:s31], [sflag:$0x3] =	stream.linear.gather [hbm4b:s23+s3], $0x50, $0x38;
	[tilespmem:$0x1E480] =	vst v63  }
0x7a: {  	_ =	swait.ge [sflag:s19], $0x2800  }
0x7b: {  	[sflag:s19] =	ssyncset.done $0x0  }
0x7c: {  	[sflag:s19] =	ssyncadd.s32 $0xFFFFD800  }
0x7d: {  	_ =	swait.ge [sflag:s0], $0x50  }
0x7e: {  	[sflag:s0] =	ssyncset.done $0x0  }
0x7f: {  	[sflag:s0] =	ssyncadd.s32 $0xFFFFFFB0  }
0x80: {  	_ =	swait.ge [sflag:s0], $0x50  }
0x81: {  	[sflag:s0] =	ssyncset.done $0x0  }
0x82: {  	[sflag:s0] =	ssyncadd.s32 $0xFFFFFFB0  }
0x83: {  	_ =	swait.ge [sflag:s15], $0x2800  }
0x84: {  	[sflag:s15] =	ssyncset.done $0x0  }
0x85: {  	[sflag:s15] =	ssyncadd.s32 $0xFFFFD800  }
0x86: {  	[spmem:s2] =	stream.indirect.scatter.add.f32 [tilespmem:s16], [sflag:$0x5], $0x80, s17, s1, $0xb8;
	[tilespmem:$0x1E480] =	vst v63  }
0x87: {  	_ = 	snop  }
0x88: {  	[tilespmem:s6], [sflag:$0x2] =	stream.indirect.gather [hbm4b:s4+s1], $0x80, s31, s1, $0xb8;
	[tilespmem:$0x1E480] =	vst v63  }
0x89: {  	s24 =	rddreg [dreg:$0x13]  }
0x8a: {  	[tilespmem:s30], [sflag:$0x3] =	stream.linear.gather [hbm4b:s24+s3], $0x50, $0x38;
	[tilespmem:$0x1E480] =	vst v63  }
0x8b: {  	s25 =	rddreg [dreg:$0x14]  }
0x8c: {  	[tilespmem:s10], [sflag:$0x3] =	stream.linear.gather [hbm4b:s25+s3], $0x50, $0x38;
	[tilespmem:$0x1E480] =	vst v63  }
0x8d: {  	_ =	swait.ge [sflag:s18], $0x2800  }
0x8e: {  	[sflag:s18] =	ssyncset.done $0x0  }
0x8f: {  	[sflag:s18] =	ssyncadd.s32 $0xFFFFD800  }
0x90: {  	_ =	swait.ge [sflag:s0], $0x50  }
0x91: {  	[sflag:s0] =	ssyncset.done $0x0  }
0x92: {  	[sflag:s0] =	ssyncadd.s32 $0xFFFFFFB0  }
0x93: {  	_ =	swait.ge [sflag:s0], $0x50  }
0x94: {  	[sflag:s0] =	ssyncset.done $0x0  }
0x95: {  	[sflag:s0] =	ssyncadd.s32 $0xFFFFFFB0  }
0x96: {  	_ =	swait.ge [sflag:s11], $0x2800  }
0x97: {  	[sflag:s11] =	ssyncset.done $0x0  }
0x98: {  	s23 =	rddreg [dreg:$0x4];
	[sflag:s11] =	ssyncadd.s32 $0xFFFFD800  }
0x99: {  	[spmem:s2] =	stream.indirect.scatter.add.f32 [tilespmem:s5], [sflag:$0x4], $0x80, s29, s1, $0xb8;
	[tilespmem:$0x1E480] =	vst v63  }
0x9a: {  	s23 =	sadd.s32 $0x0, s23  }
0x9b: {  	[tilespmem:s12], [sflag:$0x1] =	stream.indirect.gather [hbm4b:s4+s1], $0x80, s10, s1, $0xb8;
	[tilespmem:$0x1E480] =	vst v63  }
0x9c: {  	s24 =	sadd.s32 $0x3C, s23  }
0x9d: {  	[tilespmem:s13], [sflag:$0x3] =	stream.linear.gather [hbm4b:s24+s3], $0x50, $0x38;
	[tilespmem:$0x1E480] =	vst v63  }
0x9e: {  	s26 =	sadd.s32 $0x0, s22  }
0x9f: {  	[tilespmem:s14], [sflag:$0x3] =	stream.linear.gather [hbm4b:s26+s3], $0x50, $0x38;
	[tilespmem:$0x1E480] =	vst v63  }
0xa0: {  	_ =	swait.ge [sflag:s19], $0x2800  }
0xa1: {  	[sflag:s19] =	ssyncset.done $0x0  }
0xa2: {  	[sflag:s19] =	ssyncadd.s32 $0xFFFFD800  }
0xa3: {  	_ =	swait.ge [sflag:s0], $0x50  }
0xa4: {  	[sflag:s0] =	ssyncset.done $0x0  }
0xa5: {  	[sflag:s0] =	ssyncadd.s32 $0xFFFFFFB0  }
0xa6: {  	_ =	swait.ge [sflag:s0], $0x50  }
0xa7: {  	[sflag:s0] =	ssyncset.done $0x0  }
0xa8: {  	[sflag:s0] =	ssyncadd.s32 $0xFFFFFFB0  }
0xa9: {  	_ =	swait.ge [sflag:s15], $0x2800  }
0xaa: {  	[sflag:s15] =	ssyncset.done $0x0  }
0xab: {  	[sflag:s15] =	ssyncadd.s32 $0xFFFFD800  }
0xac: {  	[spmem:s2] =	stream.indirect.scatter.add.f32 [tilespmem:s6], [sflag:$0x5], $0x80, s30, s1, $0xb8;
	[tilespmem:$0x1E480] =	vst v63  }
0xad: {  	_ = 	snop  }
0xae: {  	[tilespmem:s16], [sflag:$0x2] =	stream.indirect.gather [hbm4b:s4+s1], $0x80, s14, s1, $0xb8;
	[tilespmem:$0x1E480] =	vst v63  }
0xaf: {  	s25 =	sadd.s32 $0x46, s23;
	s7 =	rddreg [dreg:$0x6]  }
0xb0: {  	[tilespmem:s17], [sflag:$0x3] =	stream.linear.gather [hbm4b:s25+s3], $0x50, $0x38;
	[tilespmem:$0x1E480] =	vst v63  }
0xb1: {  	s24 =	sadd.s32 $0x0, s7  }
0xb2: {  	[tilespmem:s3], [sflag:$0x3] =	stream.linear.gather [hbm4b:s24+s3], $0x50, $0x38;
	[tilespmem:$0x1E480] =	vst v63  }
0xb3: {  	_ =	swait.ge [sflag:s18], $0x2800  }
0xb4: {  	[sflag:s18] =	ssyncset.done $0x0  }
0xb5: {  	[sflag:s18] =	ssyncadd.s32 $0xFFFFD800  }
0xb6: {  	_ =	swait.ge [sflag:s0], $0x50  }
0xb7: {  	[sflag:s0] =	ssyncset.done $0x0  }
0xb8: {  	[sflag:s0] =	ssyncadd.s32 $0xFFFFFFB0  }
0xb9: {  	_ =	swait.ge [sflag:s0], $0x50  }
0xba: {  	[sflag:s0] =	ssyncset.done $0x0  }
0xbb: {  	[sflag:s0] =	ssyncadd.s32 $0xFFFFFFB0  }
0xbc: {  	_ =	swait.ge [sflag:s11], $0x2800  }
0xbd: {  	[sflag:s11] =	ssyncset.done $0x0  }
0xbe: {  	[sflag:s11] =	ssyncadd.s32 $0xFFFFD800  }
0xbf: {  	[spmem:s2] =	stream.indirect.scatter.add.f32 [tilespmem:s12], [sflag:$0x4], $0x80, s13, s1, $0xb8;
	[tilespmem:$0x1E480] =	vst v63  }
0xc0: {  	_ = 	snop  }
0xc1: {  	[tilespmem:s5], [sflag:$0x1] =	stream.indirect.gather [hbm4b:s4+s1], $0x80, s3, s1, $0xb8;
	[tilespmem:$0x1E480] =	vst v63  }
0xc2: {  	s7 =	sadd.s32 $0x50, s23;
	s26 =	rddreg [dreg:$0x5]  }
0xc3: {  	[tilespmem:s29], [sflag:$0x3] =	stream.linear.gather [hbm4b:s7+s3], $0x50, $0x38;
	[tilespmem:$0x1E480] =	vst v63  }
0xc4: {  	s24 =	sadd.s32 $0x0, s26  }
0xc5: {  	[tilespmem:s31], [sflag:$0x3] =	stream.linear.gather [hbm4b:s24+s3], $0x50, $0x38;
	[tilespmem:$0x1E480] =	vst v63  }
0xc6: {  	_ =	swait.ge [sflag:s19], $0x2800  }
0xc7: {  	[sflag:s19] =	ssyncset.done $0x0  }
0xc8: {  	[sflag:s19] =	ssyncadd.s32 $0xFFFFD800  }
0xc9: {  	_ =	swait.ge [sflag:s0], $0x50  }
0xca: {  	[sflag:s0] =	ssyncset.done $0x0  }
0xcb: {  	[sflag:s0] =	ssyncadd.s32 $0xFFFFFFB0  }
0xcc: {  	_ =	swait.ge [sflag:s0], $0x50  }
0xcd: {  	[sflag:s0] =	ssyncset.done $0x0  }
0xce: {  	[sflag:s0] =	ssyncadd.s32 $0xFFFFFFB0  }
0xcf: {  	_ =	swait.ge [sflag:s15], $0x2800  }
0xd0: {  	[sflag:s15] =	ssyncset.done $0x0  }
0xd1: {  	[sflag:s15] =	ssyncadd.s32 $0xFFFFD800  }
0xd2: {  	[spmem:s2] =	stream.indirect.scatter.add.f32 [tilespmem:s16], [sflag:$0x5], $0x80, s17, s1, $0xb8;
	[tilespmem:$0x1E480] =	vst v63  }
0xd3: {  	_ = 	snop  }
0xd4: {  	[tilespmem:s6], [sflag:$0x2] =	stream.indirect.gather [hbm4b:s4+s1], $0x80, s31, s1, $0xb8;
	[tilespmem:$0x1E480] =	vst v63  }
0xd5: {  	s23 =	sadd.s32 $0x5A, s23;
	s26 =	rddreg [dreg:$0x3]  }
0xd6: {  	[tilespmem:s30], [sflag:$0x3] =	stream.linear.gather [hbm4b:s23+s3], $0x50, $0x38;
	[tilespmem:$0x1E480] =	vst v63  }
0xd7: {  	s25 =	sadd.s32 $0x0, s26;
	s23 =	simm.s32 $0x28  }
.LBB2_2:
0xd8: {  	[tilespmem:s10], [sflag:$0x3] =	stream.linear.gather [hbm4b:s25+s3], $0x50, $0x38;
	[tilespmem:$0x1E480] =	vst v63  }
0xd9: {  	_ =	swait.ge [sflag:s18], $0x2800  }
0xda: {  	[sflag:s18] =	ssyncset.done $0x0  }
0xdb: {  	[sflag:s18] =	ssyncadd.s32 $0xFFFFD800  }
0xdc: {  	_ =	swait.ge [sflag:s0], $0x50  }
0xdd: {  	[sflag:s0] =	ssyncset.done $0x0  }
0xde: {  	[sflag:s0] =	ssyncadd.s32 $0xFFFFFFB0  }
0xdf: {  	_ =	swait.ge [sflag:s0], $0x50  }
0xe0: {  	[sflag:s0] =	ssyncset.done $0x0  }
0xe1: {  	[sflag:s0] =	ssyncadd.s32 $0xFFFFFFB0  }
0xe2: {  	_ =	swait.ge [sflag:s11], $0x2800  }
0xe3: {  	[sflag:s11] =	ssyncset.done $0x0  }
0xe4: {  	s24 =	smov.u32 s23;
	s26 =	rddreg [dreg:$0x4];
	[sflag:s11] =	ssyncadd.s32 $0xFFFFD800  }
0xe5: {  	[spmem:s2] =	stream.indirect.scatter.add.f32 [tilespmem:s5], [sflag:$0x4], $0x80, s29, s1, $0xb8;
	[tilespmem:$0x1E480] =	vst v63  }
0xe6: {  	s25 =	sadd.s32 s24, s26  }
0xe7: {  	[tilespmem:s12], [sflag:$0x1] =	stream.indirect.gather [hbm4b:s4+s1], $0x80, s10, s1, $0xb8;
	[tilespmem:$0x1E480] =	vst v63  }
0xe8: {  	s26 =	sadd.s32 $0x3C, s25  }
0xe9: {  	[tilespmem:s13], [sflag:$0x3] =	stream.linear.gather [hbm4b:s26+s3], $0x50, $0x38;
	[tilespmem:$0x1E480] =	vst v63  }
0xea: {  	s7 =	sadd.s32 s24, s22  }
0xeb: {  	[tilespmem:s14], [sflag:$0x3] =	stream.linear.gather [hbm4b:s7+s3], $0x50, $0x38;
	[tilespmem:$0x1E480] =	vst v63  }
0xec: {  	_ =	swait.ge [sflag:s19], $0x2800  }
0xed: {  	[sflag:s19] =	ssyncset.done $0x0  }
0xee: {  	[sflag:s19] =	ssyncadd.s32 $0xFFFFD800  }
0xef: {  	_ =	swait.ge [sflag:s0], $0x50  }
0xf0: {  	[sflag:s0] =	ssyncset.done $0x0  }
0xf1: {  	[sflag:s0] =	ssyncadd.s32 $0xFFFFFFB0  }
0xf2: {  	_ =	swait.ge [sflag:s0], $0x50  }
0xf3: {  	[sflag:s0] =	ssyncset.done $0x0  }
0xf4: {  	[sflag:s0] =	ssyncadd.s32 $0xFFFFFFB0  }
0xf5: {  	_ =	swait.ge [sflag:s15], $0x2800  }
0xf6: {  	[sflag:s15] =	ssyncset.done $0x0  }
0xf7: {  	[sflag:s15] =	ssyncadd.s32 $0xFFFFD800  }
0xf8: {  	[spmem:s2] =	stream.indirect.scatter.add.f32 [tilespmem:s6], [sflag:$0x5], $0x80, s30, s1, $0xb8;
	[tilespmem:$0x1E480] =	vst v63  }
0xf9: {  	_ = 	snop  }
0xfa: {  	[tilespmem:s16], [sflag:$0x2] =	stream.indirect.gather [hbm4b:s4+s1], $0x80, s14, s1, $0xb8;
	[tilespmem:$0x1E480] =	vst v63  }
0xfb: {  	s26 =	sadd.s32 $0x46, s25;
	s7 =	rddreg [dreg:$0x6]  }
0xfc: {  	[tilespmem:s17], [sflag:$0x3] =	stream.linear.gather [hbm4b:s26+s3], $0x50, $0x38;
	[tilespmem:$0x1E480] =	vst v63  }
0xfd: {  	s7 =	sadd.s32 s24, s7  }
0xfe: {  	[tilespmem:s3], [sflag:$0x3] =	stream.linear.gather [hbm4b:s7+s3], $0x50, $0x38;
	[tilespmem:$0x1E480] =	vst v63  }
0xff: {  	_ =	swait.ge [sflag:s18], $0x2800  }
0x100: {  	[sflag:s18] =	ssyncset.done $0x0  }
0x101: {  	[sflag:s18] =	ssyncadd.s32 $0xFFFFD800  }
0x102: {  	_ =	swait.ge [sflag:s0], $0x50  }
0x103: {  	[sflag:s0] =	ssyncset.done $0x0  }
0x104: {  	[sflag:s0] =	ssyncadd.s32 $0xFFFFFFB0  }
0x105: {  	_ =	swait.ge [sflag:s0], $0x50  }
0x106: {  	[sflag:s0] =	ssyncset.done $0x0  }
0x107: {  	[sflag:s0] =	ssyncadd.s32 $0xFFFFFFB0  }
0x108: {  	_ =	swait.ge [sflag:s11], $0x2800  }
0x109: {  	[sflag:s11] =	ssyncset.done $0x0  }
0x10a: {  	[sflag:s11] =	ssyncadd.s32 $0xFFFFD800  }
0x10b: {  	[spmem:s2] =	stream.indirect.scatter.add.f32 [tilespmem:s12], [sflag:$0x4], $0x80, s13, s1, $0xb8;
	[tilespmem:$0x1E480] =	vst v63  }
0x10c: {  	_ = 	snop  }
0x10d: {  	[tilespmem:s5], [sflag:$0x1] =	stream.indirect.gather [hbm4b:s4+s1], $0x80, s3, s1, $0xb8;
	[tilespmem:$0x1E480] =	vst v63  }
0x10e: {  	s26 =	sadd.s32 $0x50, s25;
	s7 =	rddreg [dreg:$0x5]  }
0x10f: {  	[tilespmem:s29], [sflag:$0x3] =	stream.linear.gather [hbm4b:s26+s3], $0x50, $0x38;
	[tilespmem:$0x1E480] =	vst v63  }
0x110: {  	s7 =	sadd.s32 s24, s7  }
0x111: {  	[tilespmem:s31], [sflag:$0x3] =	stream.linear.gather [hbm4b:s7+s3], $0x50, $0x38;
	[tilespmem:$0x1E480] =	vst v63  }
0x112: {  	_ =	swait.ge [sflag:s19], $0x2800  }
0x113: {  	[sflag:s19] =	ssyncset.done $0x0  }
0x114: {  	[sflag:s19] =	ssyncadd.s32 $0xFFFFD800  }
0x115: {  	_ =	swait.ge [sflag:s0], $0x50  }
0x116: {  	[sflag:s0] =	ssyncset.done $0x0  }
0x117: {  	[sflag:s0] =	ssyncadd.s32 $0xFFFFFFB0  }
0x118: {  	_ =	swait.ge [sflag:s0], $0x50  }
0x119: {  	[sflag:s0] =	ssyncset.done $0x0  }
0x11a: {  	[sflag:s0] =	ssyncadd.s32 $0xFFFFFFB0  }
0x11b: {  	_ =	swait.ge [sflag:s15], $0x2800  }
0x11c: {  	[sflag:s15] =	ssyncset.done $0x0  }
0x11d: {  	p0 =	sne.s32 s23, $0x960;
	[sflag:s15] =	ssyncadd.s32 $0xFFFFD800  }
0x11e: {  	[spmem:s2] =	stream.indirect.scatter.add.f32 [tilespmem:s16], [sflag:$0x5], $0x80, s17, s1, $0xb8;
	[tilespmem:$0x1E480] =	vst v63  }
.Ltmp0:
0x11f: {  	_ = 	snop;
	(pc) =	sbr.rel @p0 .LBB2_2-.Ltmp0, $4  }
0x120: {  	s7 =	rddreg [dreg:$0x3]  }
0x121: {  	[tilespmem:s6], [sflag:$0x2] =	stream.indirect.gather [hbm4b:s4+s1], $0x80, s31, s1, $0xb8;
	[tilespmem:$0x1E480] =	vst v63  }
0x122: {  	s23 =	sadd.s32 $0x28, s23;
	s26 =	sadd.s32 $0x5A, s25;
	s25 =	sadd.s32 s24, s7  }
0x123: {  	[tilespmem:s30], [sflag:$0x3] =	stream.linear.gather [hbm4b:s26+s3], $0x50, $0x38;
	[tilespmem:$0x1E480] =	vst v63  }
0x124: {  	[tilespmem:s10], [sflag:$0x3] =	stream.linear.gather [hbm4b:s25+s3], $0x50, $0x38;
	[tilespmem:$0x1E480] =	vst v63  }
0x125: {  	_ =	swait.ge [sflag:s18], $0x2800  }
0x126: {  	[sflag:s18] =	ssyncset.done $0x0  }
0x127: {  	[sflag:s18] =	ssyncadd.s32 $0xFFFFD800  }
0x128: {  	_ =	swait.ge [sflag:s0], $0x50  }
0x129: {  	[sflag:s0] =	ssyncset.done $0x0  }
0x12a: {  	[sflag:s0] =	ssyncadd.s32 $0xFFFFFFB0  }
0x12b: {  	_ =	swait.ge [sflag:s0], $0x50  }
0x12c: {  	[sflag:s0] =	ssyncset.done $0x0  }
0x12d: {  	[sflag:s0] =	ssyncadd.s32 $0xFFFFFFB0  }
0x12e: {  	_ =	swait.ge [sflag:s11], $0x2800  }
0x12f: {  	[sflag:s11] =	ssyncset.done $0x0  }
0x130: {  	[sflag:s11] =	ssyncadd.s32 $0xFFFFD800  }
0x131: {  	[spmem:s2] =	stream.indirect.scatter.add.f32 [tilespmem:s5], [sflag:$0x4], $0x80, s29, s1, $0xb8;
	[tilespmem:$0x1E480] =	vst v63  }
0x132: {  	_ = 	snop  }
0x133: {  	[tilespmem:s12], [sflag:$0x1] =	stream.indirect.gather [hbm4b:s4+s1], $0x80, s10, s1, $0xb8;
	[tilespmem:$0x1E480] =	vst v63  }
0x134: {  	s7 =	rddreg [dreg:$0x15]  }
0x135: {  	[tilespmem:s13], [sflag:$0x3] =	stream.linear.gather [hbm4b:s7+s3], $0x50, $0x38;
	[tilespmem:$0x1E480] =	vst v63  }
0x136: {  	s23 =	rddreg [dreg:$0x16]  }
0x137: {  	[tilespmem:s14], [sflag:$0x3] =	stream.linear.gather [hbm4b:s23+s3], $0x50, $0x38;
	[tilespmem:$0x1E480] =	vst v63  }
0x138: {  	_ =	swait.ge [sflag:s19], $0x2800  }
0x139: {  	[sflag:s19] =	ssyncset.done $0x0  }
0x13a: {  	[sflag:s19] =	ssyncadd.s32 $0xFFFFD800  }
0x13b: {  	_ =	swait.ge [sflag:s0], $0x50  }
0x13c: {  	[sflag:s0] =	ssyncset.done $0x0  }
0x13d: {  	[sflag:s0] =	ssyncadd.s32 $0xFFFFFFB0  }
0x13e: {  	_ =	swait.ge [sflag:s0], $0x50  }
0x13f: {  	[sflag:s0] =	ssyncset.done $0x0  }
0x140: {  	[sflag:s0] =	ssyncadd.s32 $0xFFFFFFB0  }
0x141: {  	_ =	swait.ge [sflag:s15], $0x2800  }
0x142: {  	[sflag:s15] =	ssyncset.done $0x0  }
0x143: {  	[sflag:s15] =	ssyncadd.s32 $0xFFFFD800  }
0x144: {  	[spmem:s2] =	stream.indirect.scatter.add.f32 [tilespmem:s6], [sflag:$0x5], $0x80, s30, s1, $0xb8;
	[tilespmem:$0x1E480] =	vst v63  }
0x145: {  	_ = 	snop  }
0x146: {  	[tilespmem:s16], [sflag:$0x2] =	stream.indirect.gather [hbm4b:s4+s1], $0x80, s14, s1, $0xb8;
	[tilespmem:$0x1E480] =	vst v63  }
0x147: {  	s24 =	rddreg [dreg:$0x19]  }
0x148: {  	[tilespmem:s17], [sflag:$0x3] =	stream.linear.gather [hbm4b:s24+s3], $0x50, $0x38;
	[tilespmem:$0x1E480] =	vst v63  }
0x149: {  	_ =	swait.ge [sflag:s18], $0x2800  }
0x14a: {  	[sflag:s18] =	ssyncset.done $0x0  }
0x14b: {  	[sflag:s18] =	ssyncadd.s32 $0xFFFFD800  }
0x14c: {  	_ =	swait.ge [sflag:s0], $0x50  }
0x14d: {  	[sflag:s0] =	ssyncset.done $0x0  }
0x14e: {  	[sflag:s0] =	ssyncadd.s32 $0xFFFFFFB0  }
0x14f: {  	_ =	swait.ge [sflag:s11], $0x2800  }
0x150: {  	[sflag:s11] =	ssyncset.done $0x0  }
0x151: {  	[sflag:s11] =	ssyncadd.s32 $0xFFFFD800  }
0x152: {  	[spmem:s2] =	stream.indirect.scatter.add.f32 [tilespmem:s12], [sflag:$0x4], $0x80, s13, s1, $0xb8;
	[tilespmem:$0x1E480] =	vst v63  }
0x153: {  	_ =	swait.ge [sflag:s19], $0x2800  }
0x154: {  	[sflag:s19] =	ssyncset.done $0x0  }
0x155: {  	[sflag:s19] =	ssyncadd.s32 $0xFFFFD800  }
0x156: {  	_ =	swait.ge [sflag:s15], $0x2800  }
0x157: {  	[sflag:s15] =	ssyncset.done $0x0  }
0x158: {  	[sflag:s15] =	ssyncadd.s32 $0xFFFFD800  }
0x159: {  	[spmem:s2] =	stream.indirect.scatter.add.f32 [tilespmem:s16], [sflag:$0x5], $0x80, s17, s1, $0xb8;
	[tilespmem:$0x1E480] =	vst v63  }
0x15a: {  	_ =	swait.ge [sflag:s18], $0x2800  }
0x15b: {  	[sflag:s18] =	ssyncset.done $0x0  }
0x15c: {  	[sflag:s18] =	ssyncadd.s32 $0xFFFFD800  }
0x15d: {  	_ =	swait.ge [sflag:s19], $0x2800  }
0x15e: {  	[sflag:s19] =	ssyncset.done $0x0  }
0x15f: {  	[sflag:s19] =	ssyncadd.s32 $0xFFFFD800  }
0x160: {  	[bflag:$0x0] =	sbarrier.arrive $0xFFFF  }
0x161: {  	s25 =	rddreg [dreg:$0x17]  }
0x162: {  	[hbm:s25], [sflag:s9] =	dma.local [spmem:s21], $0x2800  }
0x163: {  	_ =	swait.ge [sflag:s28], $0x2800  }
0x164: {  	s20 =	sadd.s32 $0x1, s20;
	s26 =	rddreg [dreg:$0x18]  }
0x165: {  	p0 =	sne.s32 s20, s26  }
.Ltmp1:
0x166: {  	_ = 	snop;
	(pc) =	sbr.rel @p0 .LBB2_1-.Ltmp1, $3  }
0x167: {  	_ =	sdelay $0x1  }
0x168: {  	[sflag:s28] =	ssyncset.done $0x0  }
0x169: {  	[sflag:s28] =	ssyncadd.s32 $0xFFFFD800  }
0x16a: {  	_ =	sfence.sel $0x180000  }
0x16b: {  	[bflag:$0x0] =	sbarrier.arrive $0xFFFF  }
0x16c: {  	_ =	strace $0x9000004A  }
0x16d: {  	s0 =	stileid.u32;
	[bflag:$0x2] =	sbarrier.arrive $0xFFFF  }
0x16e: {  	p0 =	sne.s32 s0, $0x0;
	s0 =	rddreg [dreg:$0x2]  }
0x16f: {  	s0 =	sadd.s32 @!p0 $0x100000, s0  }
0x170: {  	[sflag:s0] =	ssyncadd.tile.s32 @!p0 $0x1;
	_ =	shalt  }
.Lfunc_end2:
_tile_overlayer_lowered:
.L_overlay_start_2:
0x171: {  	(tag) =	ssettag $0x2  }
0x172: {  	s0 =	rddreg [dreg:$0x0];
	s2 =	stileid.u32  }
0x173: {  	s1 =	rddreg [dreg:$0x1];
	p0 =	sne.s32 s2, $0x0  }
0x174: {  	s3 =	rddreg [dreg:$0x2];
	[bflag:$0x3] =	sbarrier.arrive $0xFFFF;
	s2 =	simm.s32 @!p0 $0x1C06  }
0x175: {  	[timem:s3], [sflag:s2] =	dma.local @!p0 [hbm:s0], s1  }
0x176: {  	s0 =	simm.s32 @!p0 $0x6  }
0x177: {  	_ =	swait.ge @!p0 [sflag:s0], s1  }
0x178: {  	s1 =	ssub.s32 @!p0 $0x0, s1;
	[sflag:s0] =	ssyncset.done @!p0 $0x0  }
0x179: {  	[sflag:s0] =	ssyncadd.s32 @!p0 s1  }
0x17a: {  	[bflag:$0x3] =	sbarrier.arrive $0xFFFF  }
0x17b: {  	_ =	shalt  }

// kernel: kernel.16.cloned.1.call-start
scs
__scs_entry_jumppad:
0x0: {  	(pc) =	sbr.rel $0x88, $3  }
0x1: {  	(tag) =	ssettag $0x0;
	lr =	simm.s32 $0x1  }
0x2: {  	[smem:$0x3F92] =	sst lr;
	_ =	strace $0xD0000000  }
0x3: {  	_ = 	snop  }
0x4: {  	_ = 	snop  }
0x5: {  	_ = 	snop  }
0x6: {  	_ = 	snop  }
0x7: {  	_ = 	snop  }
__scs_overlays_trampoline_lowered:
0x8: {  	[smem:$0x3FA1] =	sst s0  }
0x9: {  	[smem:$0x3FA2] =	sst s1  }
0xa: {  	[smem:$0x3FA3] =	sst s2  }
0xb: {  	[smem:$0x3FA4] =	sst s3  }
0xc: {  	[smem:$0x3FA5] =	sst s4  }
0xd: {  	[smem:$0x3FA6] =	sst s5  }
0xe: {  	[smem:$0x3FA7] =	sst s6  }
0xf: {  	[smem:$0x3FA8] =	sst s7  }
0x10: {  	[smem:$0x3FA9] =	sst s8  }
0x11: {  	[smem:$0x3FAA] =	sst s9;
	s0 =	simm.s32 @!p0 $0x0  }
0x12: {  	s1 =	sld [smem:$0x3F90];
	s0 =	simm.s32 @p0 $0x1  }
0x13: {  	[smem:$0x3FAB] =	sst s0;
	s0 =	simm.s32 @!p1 $0x0  }
0x14: {  	s2 =	sld [smem:$0x3F8F];
	s0 =	simm.s32 @p1 $0x1  }
0x15: {  	[smem:$0x3FAC] =	sst s0;
	s0 =	simm.s32 @!p2 $0x0  }
0x16: {  	s3 =	sld [smem:$0x3FDB];
	s0 =	simm.s32 @p2 $0x1  }
0x17: {  	s4 =	simm.s32 $0x1BF5;
	[smem:$0x3FAE] =	sst s0  }
0x18: {  	s0 =	sld [smem:$0x3F91];
	_ =	swait.ge [sflag:s4], $0x0  }
0x19: {  	s7 =	sld [smem:$0x3F92]  }
0x1a: {  	s8 =	sadd.s32 $0xFFFFE003, lr  }
0x1b: {  	s9 =	sadd.s32 $0xFFFFFEF7, lr;
	s5 =	simm.s32 $0xFFFFFFFF;
	p2 =	slt.u32 s8, $0xFFFFF086  }
0x1c: {  	p1 =	slt.u32 s9, $0xF7A;
	s5 =	simm.s32 @!p2 $0x0  }
0x1d: {  	s5 =	simm.s32 @p1 $0x1;
	p0 =	seq.s32 s7, s2  }
0x1e: {  	s7 =	smul.u32 @!p0 $0xF7A, s2;
	p2 =	seq.s32 @!p0 s5, $0x0  }
0x1f: {  	s9 =	smul.u32 $0xF7A, s1;
	s8 =	simm.s32 @!p0 $0x1BF5;
	p2 =	por !p2, p0  }
0x20: {  	[sflag:s8] =	ssyncset.s32 @!p0 $0xFFFFF086;
	s6 =	sadd.s32 @!p0 s3, s7;
	s7 =	simm.s32 @!p0 $0x108  }
0x21: {  	s3 =	sadd.s32 s3, s9;
	s6 =	sadd.s32 @!p0 $0x88, s6;
	s7 =	simm.s32 @p2 $0x1082  }
0x22: {  	[simem:s7], [sflag:s8] =	dma.local @!p0 [hbm:s6], $0xF7A  }
0x23: {  	s9 =	sor.u32 $0xD0000000, s2;
	s6 =	simm.s32 $0x108;
	_ =	swait.ge @!p0 [sflag:s8], $0x0  }
0x24: {  	s3 =	sadd.s32 $0x88, s3;
	s6 =	simm.s32 @!p1 $0x1082;
	[sflag:s4] =	ssyncset.s32 $0xFFFFF086  }
0x25: {  	[simem:s6], [sflag:s4] =	dma.local [hbm:s3], $0xF7A  }
0x26: {  	[smem:$0x3F92] =	sst s1;
	(tag) =	ssettag s2;
	_ =	strace s9  }
0x27: {  	s1 =	sld [smem:$0x3FA2]  }
0x28: {  	s2 =	sld [smem:$0x3FA3]  }
0x29: {  	s4 =	sld [smem:$0x3FA5]  }
0x2a: {  	p0 =	seq.s32 s5, $0x0;
	s5 =	sld [smem:$0x3FA6]  }
0x2b: {  	s6 =	sld [smem:$0x3FA7]  }
0x2c: {  	s7 =	sld [smem:$0x3FA8]  }
0x2d: {  	s3 =	simm.s32 $0x108;
	s8 =	sld [smem:$0x3FA9]  }
0x2e: {  	s3 =	simm.s32 @!p0 $0x1082;
	s9 =	sld [smem:$0x3FAA]  }
0x2f: {  	lr =	sadd.s32 s0, s3;
	s0 =	sld [smem:$0x3FA1]  }
0x30: {  	s3 =	sld [smem:$0x3FA4]  }
0x31: {  	[smem:$0x3FAD] =	sst s10  }
0x32: {  	s10 =	sld [smem:$0x3FAB];
	_ =	sdelay $0x3  }
0x33: {  	p0 =	seq.s32 s10, $0x1;
	s10 =	sld [smem:$0x3FAD];
	_ =	sdelay $0x3  }
0x34: {  	[smem:$0x3FAD] =	sst s10  }
0x35: {  	s10 =	sld [smem:$0x3FAC];
	_ =	sdelay $0x3  }
0x36: {  	p1 =	seq.s32 s10, $0x1;
	s10 =	sld [smem:$0x3FAD];
	_ =	sdelay $0x3  }
0x37: {  	[smem:$0x3FAD] =	sst s10  }
0x38: {  	s10 =	sld [smem:$0x3FAE]  }
0x39: {  	_ = 	snop;
	(pc) =	sbr.ind lr, $3  }
0x3a: {  	_ = 	snop  }
0x3b: {  	_ = 	snop  }
0x3c: {  	p2 =	seq.s32 s10, $0x1;
	s10 =	sld [smem:$0x3FAD]  }
0x3d: {  	_ =	shalt  }
0x3e: {  	_ =	shalt  }
0x3f: {  	_ =	shalt  }
0x40: {  	_ =	shalt  }
0x41: {  	_ =	shalt  }
0x42: {  	_ =	shalt  }
0x43: {  	_ =	shalt  }
0x44: {  	_ =	shalt  }
0x45: {  	_ =	shalt  }
0x46: {  	_ =	shalt  }
0x47: {  	_ =	shalt  }
0x48: {  	_ =	shalt  }
0x49: {  	_ =	shalt  }
0x4a: {  	_ =	shalt  }
0x4b: {  	_ =	shalt  }
0x4c: {  	_ =	shalt  }
0x4d: {  	_ =	shalt  }
0x4e: {  	_ =	shalt  }
0x4f: {  	_ =	shalt  }
0x50: {  	_ =	shalt  }
0x51: {  	_ =	shalt  }
0x52: {  	_ =	shalt  }
0x53: {  	_ =	shalt  }
0x54: {  	_ =	shalt  }
0x55: {  	_ =	shalt  }
0x56: {  	_ =	shalt  }
0x57: {  	_ =	shalt  }
0x58: {  	_ =	shalt  }
0x59: {  	_ =	shalt  }
0x5a: {  	_ =	shalt  }
0x5b: {  	_ =	shalt  }
0x5c: {  	_ =	shalt  }
0x5d: {  	_ =	shalt  }
0x5e: {  	_ =	shalt  }
0x5f: {  	_ =	shalt  }
0x60: {  	_ =	shalt  }
0x61: {  	_ =	shalt  }
0x62: {  	_ =	shalt  }
0x63: {  	_ =	shalt  }
0x64: {  	_ =	shalt  }
0x65: {  	_ =	shalt  }
0x66: {  	_ =	shalt  }
0x67: {  	_ =	shalt  }
0x68: {  	_ =	shalt  }
0x69: {  	_ =	shalt  }
0x6a: {  	_ =	shalt  }
0x6b: {  	_ =	shalt  }
0x6c: {  	_ =	shalt  }
0x6d: {  	_ =	shalt  }
0x6e: {  	_ =	shalt  }
0x6f: {  	_ =	shalt  }
0x70: {  	_ =	shalt  }
0x71: {  	_ =	shalt  }
0x72: {  	_ =	shalt  }
0x73: {  	_ =	shalt  }
0x74: {  	_ =	shalt  }
0x75: {  	_ =	shalt  }
0x76: {  	_ =	shalt  }
0x77: {  	_ =	shalt  }
0x78: {  	_ =	shalt  }
0x79: {  	_ =	shalt  }
0x7a: {  	_ =	shalt  }
0x7b: {  	_ =	shalt  }
0x7c: {  	_ =	shalt  }
0x7d: {  	_ =	shalt  }
0x7e: {  	_ =	shalt  }
0x7f: {  	_ =	shalt  }
0x80: {  	_ =	shalt  }
0x81: {  	_ =	shalt  }
0x82: {  	_ =	shalt  }
0x83: {  	_ =	shalt  }
0x84: {  	_ =	shalt  }
0x85: {  	_ =	shalt  }
0x86: {  	_ =	shalt  }
0x87: {  	_ =	shalt  }
.Lfunc_end0:
.L_simem_size_0:
called_computation.2_lowered:
.L_overlay_start_0:
0x88: {  	s2 =	sld [smem:$0x3FD9]  }
0x89: {  	s3 =	sld [smem:$0x3FFE];
	_ =	sdelay $0x1  }
0x8a: {  	s1 =	srdreg.scid  }
0x8b: {  	s0 =	sand.u32 $0x1, s1  }
0x8c: {  	s17 =	sshll.u32 s0, $0xA;
	s2 =	sadd.s32 s3, s2  }
0x8d: {  	s2 =	sadd.s32 s2, s17  }
0x8e: {  	[smem:$0x3FB9] =	sst s2  }
0x8f: {  	_ = 	snop  }
0x90: {  	s2 =	sld [smem:$0x3FBD]  }
0x91: {  	s18 =	sld [smem:$0x3FBB];
	(tm) =	ssettm $0x1  }
0x92: {  	s4 =	sld [smem:$0x3FFB];
	_ =	sdelay $0x3  }
0x93: {  	_ =	strace s4  }
0x94: {  	s4 =	sld [smem:$0x3FFC];
	_ =	sdelay $0x3  }
0x95: {  	_ =	strace s4  }
0x96: {  	s4 =	sld [smem:$0x3FFD];
	_ =	sdelay $0x3  }
0x97: {  	_ =	strace s4  }
0x98: {  	_ =	strace $0x8FFFFFFF  }
0x99: {  	s19 =	sld [smem:$0x3FDB];
	_ =	sdelay $0x1  }
0x9a: {  	s5 =	simm.s32 $_scs_section_size  }
0x9b: {  	s6 =	simm.s32 $_size__tile_overlayer_lowered;
	s7 =	simm.s32 $_tile_overlayer_lowered  }
0x9c: {  	s22 =	simm.s32 $0x1BFF;
	s21 =	sshll.u32 s7, $0x1;
	s4 =	sadd.s32 s5, s19  }
0x9d: {  	s8 =	simm.s32 $0x0;
	s20 =	sshll.u32 s6, $0x1;
	s6 =	sadd.s32 s21, s4  }
0x9e: {  	[timem:s8], [sflag:s22] =	dma.local [hbm:s6], s20  }
0x9f: {  	_ =	swait.ge [sflag:s22], s20  }
0xa0: {  	s5 =	ssub.s32 $0x0, s20;
	[sflag:s22] =	ssyncset.done $0x0  }
0xa1: {  	[sflag:s22] =	ssyncadd.s32 s5;
	_ =	sdelay $0x1  }
0xa2: {  	s23 =	simm.s32 $0x1B8B  }
0xa3: {  	_ =	swait.ge [sflag:s23], $0x1  }
0xa4: {  	[sflag:s23] =	ssyncset.done $0x0  }
0xa5: {  	s25 =	simm.s32 $0x1B8E;
	s24 =	sld [smem:$0x3FFE];
	[sflag:s23] =	ssyncadd.s32 $0xFFFFFFFF  }
0xa6: {  	s26 =	simm.s32 $execute0_lowered;
	[smem:$0x3FD2] =	sst s25  }
0xa7: {  	s6 =	sshll.u32 s26, $0x1;
	_ =	strace $0x8000004C;
	[dreg:$0x1] =	wrdreg $0xFFFFFFFF  }
0xa8: {  	s28 =	simm.s32 $_size_execute0_lowered;
	s4 =	sadd.s32 s4, s6;
	[dreg:$0x0] =	wrdreg $0x0  }
0xa9: {  	s6 =	sshll.u32 s28, $0x1;
	[dreg:$0x2] =	wrdreg s4  }
0xaa: {  	[dreg:$0x3] =	wrdreg s6  }
0xab: {  	[dreg:$0x4] =	wrdreg $0xC0  }
0xac: {  	_ =	task [dreg:s8], $0x5FFFF  }
0xad: {  	[dreg:$0x1] =	wrdreg $0xFFFFFFFF  }
0xae: {  	[dreg:$0x0] =	wrdreg $0x60  }
0xaf: {  	[dreg:$0x2] =	wrdreg s24  }
0xb0: {  	[dreg:$0x3] =	wrdreg s2  }
0xb1: {  	[dreg:$0x4] =	wrdreg s18  }
0xb2: {  	[dreg:$0x5] =	wrdreg $0x9  }
0xb3: {  	_ =	task.clear_ibuf [dreg:s8], $0x6FFFF;
	_ =	strace $0x9000004C  }
0xb4: {  	s29 =	simm.s32 $0x9;
	_ =	strace $0x8000004E  }
0xb5: {  	_ =	swait.ge [sflag:s29], $0x1  }
0xb6: {  	[sflag:s29] =	ssyncadd.s32 $0xFFFFFFFF  }
0xb7: {  	_ =	strace $0x9000004E  }
0xb8: {  	_ =	sfence  }
0xb9: {  	s30 =	sld [smem:$0x0];
	_ =	sdelay $0x2  }
0xba: {  	s31 =	sshll.u32 s1, $0xD;
	s1 =	sshrl.u32 s1, $0x2  }
0xbb: {  	s3 =	sand.u32 $0x4000, s31;
	s1 =	sadd.s32 s1, s30  }
0xbc: {  	s0 =	sor.u32 s3, s0;
	s1 =	sshll.u32 s1, $0x11  }
0xbd: {  	s0 =	sor.u32 s1, s0  }
0xbe: {  	s0 =	sadd.s32 $0x8F2B, s0  }
0xbf: {  	[sflag:s0] =	ssyncadd.remote.s32 $0x1  }
0xc0: {  	_ =	sfence.sel $0xFFFF  }
0xc1: {  	[dreg:$0x0] =	wrdreg $0xFFFFFFFF;
	(pc) =	sbr.abs _section_cstart, $3  }
0xc2: {  	[dreg:$0x1] =	wrdreg $0xFFFFFFFF  }
0xc3: {  	_ =	task.clear_ibuf [dreg:s8], $0x2FFFF;
	_ =	strace $0x9FFFFFFF  }
0xc4: {  	(tm) =	ssettm $0x7FFFFFFF  }
0xc5: {  	_ =	shalt  }
tec
execute0_lowered:
.L_overlay_start_1:
0x0: {  	(tag) =	ssettag $0x1  }
0x1: {  	s17 =	rddreg [dreg:$0x0];
	s1 =	srdreg.scid  }
0x2: {  	s22 =	rddreg [dreg:$0x1];
	s0 =	stileid.u32;
	s26 =	sand.u32 $0x1, s1  }
0x3: {  	s23 =	rddreg [dreg:$0x2];
	s3 =	sshll.u32 s0, $0xA;
	s4 =	sshll.u32 s26, $0x9  }
0x4: {  	s2 =	simm.s32 $0x0;
	s1 =	rddreg [dreg:$0x3];
	s24 =	sor.u32 s4, s3  }
0x5: {  	[smem:$0x7FF] =	sst s2;
	s5 =	sshrl.u32 s24, $0x3  }
0x6: {  	_ =	strace $0x8000004D;
	s3 =	simm.s32 $0x3;
	s4 =	sadd.s32 s22, s5  }
0x7: {  	[tilespmem:s2], [sflag:$0x3] =	stream.linear.gather [hbm4b:s4+s2], $0x80, $0x38;
	[tilespmem:$0x10100] =	vst v63  }
0x8: {  	_ =	swait.ge [sflag:s3], $0x80  }
0x9: {  	[sflag:s3] =	ssyncset.done $0x0  }
0xa: {  	s6 =	simm.s32 $0x80;
	s5 =	sadd.s32 s23, s5;
	[sflag:s3] =	ssyncadd.s32 $0xFFFFFF80  }
0xb: {  	[tilespmem:s6], [sflag:$0x3] =	stream.linear.gather [hbm4b:s5+s2], $0x80, $0x38;
	[tilespmem:$0x10100] =	vst v63  }
0xc: {  	_ =	swait.ge [sflag:s3], $0x80  }
0xd: {  	[sflag:s3] =	ssyncset.done $0x0  }
0xe: {  	s8 =	simm.s32 $0x100;
	s7 =	sadd.s32 $0xF400, s17;
	[sflag:s3] =	ssyncadd.s32 $0xFFFFFF80  }
0xf: {  	[tilespmem:s8], [sflag:$0x1] =	stream.indirect.gather [hbm4b:s7+s6], $0x80, s2, s6, $0xb8;
	[tilespmem:$0x10100] =	vst v63  }
0x10: {  	s9 =	simm.s32 $0x8100;
	s10 =	simm.s32 $0x1  }
0x11: {  	[tilespmem:s9], [sflag:$0x2] =	stream.indirect.gather [hbm4b:s7+s6], $0x80, s6, s6, $0xb8;
	[tilespmem:$0x10100] =	vst v63  }
0x12: {  	_ =	swait.ge [sflag:s10], $0x4000  }
0x13: {  	[sflag:s10] =	ssyncset.done $0x0  }
0x14: {  	s11 =	simm.s32 $0x2;
	[sflag:s10] =	ssyncadd.s32 $0xFFFFC000  }
0x15: {  	s20 =	sor.u32 $0x80, s24;
	_ =	swait.ge [sflag:s11], $0x4000  }
0x16: {  	s13 =	sshrl.u32 s20, $0x3;
	[sflag:s11] =	ssyncset.done $0x0  }
0x17: {  	s12 =	sadd.s32 s22, s13;
	[sflag:s11] =	ssyncadd.s32 $0xFFFFC000  }
0x18: {  	[tilespmem:s2], [sflag:$0x3] =	stream.linear.gather [hbm4b:s12+s2], $0x80, $0x38;
	[tilespmem:$0x10100] =	vst v63  }
0x19: {  	_ =	swait.ge [sflag:s3], $0x80  }
0x1a: {  	[sflag:s3] =	ssyncset.done $0x0  }
0x1b: {  	s13 =	sadd.s32 s23, s13;
	[sflag:s3] =	ssyncadd.s32 $0xFFFFFF80  }
0x1c: {  	[tilespmem:s6], [sflag:$0x3] =	stream.linear.gather [hbm4b:s13+s2], $0x80, $0x38;
	[tilespmem:$0x10100] =	vst v63  }
0x1d: {  	_ =	swait.ge [sflag:s3], $0x80  }
0x1e: {  	[sflag:s3] =	ssyncset.done $0x0  }
0x1f: {  	s14 =	simm.s32 $0x4100;
	[sflag:s3] =	ssyncadd.s32 $0xFFFFFF80  }
0x20: {  	[tilespmem:s14], [sflag:$0x1] =	stream.indirect.gather [hbm4b:s7+s6], $0x80, s2, s6, $0xb8;
	[tilespmem:$0x10100] =	vst v63  }
0x21: {  	s15 =	simm.s32 $0xC100;
	s28 =	sadd.s32 $0x37400, s17;
	s18 =	sshll.u32 s24, $0x4  }
0x22: {  	[tilespmem:s15], [sflag:$0x2] =	stream.indirect.gather [hbm4b:s7+s6], $0x80, s6, s6, $0xb8;
	[tilespmem:$0x10100] =	vst v63  }
0x23: {  	s16 =	sadd.s32 s28, s18  }
0x24: {  	[hbm4b:s16+s2] =	stream.linear.scatter [tilespmem:s8], [sflag:$0x3], $0x4000, $0x38;
	[tilespmem:$0x10100] =	vst v63  }
0x25: {  	_ =	swait.ge [sflag:s3], $0x4000  }
0x26: {  	s29 =	sadd.s32 $0x77400, s17;
	[sflag:s3] =	ssyncset.done $0x0  }
0x27: {  	s17 =	sadd.s32 s29, s18;
	[sflag:s3] =	ssyncadd.s32 $0xFFFFC000  }
0x28: {  	[hbm4b:s17+s2] =	stream.linear.scatter [tilespmem:s9], [sflag:$0x3], $0x4000, $0x38;
	[tilespmem:$0x10100] =	vst v63  }
0x29: {  	_ =	swait.ge [sflag:s3], $0x4000  }
0x2a: {  	[sflag:s3] =	ssyncset.done $0x0  }
0x2b: {  	[sflag:s3] =	ssyncadd.s32 $0xFFFFC000  }
0x2c: {  	_ =	swait.ge [sflag:s10], $0x4000  }
0x2d: {  	[sflag:s10] =	ssyncset.done $0x0  }
0x2e: {  	[sflag:s10] =	ssyncadd.s32 $0xFFFFC000  }
0x2f: {  	s25 =	sor.u32 $0x100, s24;
	_ =	swait.ge [sflag:s11], $0x4000  }
0x30: {  	s19 =	sshrl.u32 s25, $0x3;
	[sflag:s11] =	ssyncset.done $0x0  }
0x31: {  	s18 =	sadd.s32 s22, s19;
	[sflag:s11] =	ssyncadd.s32 $0xFFFFC000  }
0x32: {  	[tilespmem:s2], [sflag:$0x3] =	stream.linear.gather [hbm4b:s18+s2], $0x80, $0x38;
	[tilespmem:$0x10100] =	vst v63  }
0x33: {  	_ =	swait.ge [sflag:s3], $0x80  }
0x34: {  	[sflag:s3] =	ssyncset.done $0x0  }
0x35: {  	s19 =	sadd.s32 s23, s19;
	[sflag:s3] =	ssyncadd.s32 $0xFFFFFF80  }
0x36: {  	[tilespmem:s6], [sflag:$0x3] =	stream.linear.gather [hbm4b:s19+s2], $0x80, $0x38;
	[tilespmem:$0x10100] =	vst v63  }
0x37: {  	_ =	swait.ge [sflag:s3], $0x80  }
0x38: {  	[sflag:s3] =	ssyncset.done $0x0  }
0x39: {  	[sflag:s3] =	ssyncadd.s32 $0xFFFFFF80  }
0x3a: {  	[tilespmem:s8], [sflag:$0x1] =	stream.indirect.gather [hbm4b:s7+s6], $0x80, s2, s6, $0xb8;
	[tilespmem:$0x10100] =	vst v63  }
0x3b: {  	s21 =	sshll.u32 s20, $0x4  }
0x3c: {  	[tilespmem:s9], [sflag:$0x2] =	stream.indirect.gather [hbm4b:s7+s6], $0x80, s6, s6, $0xb8;
	[tilespmem:$0x10100] =	vst v63  }
0x3d: {  	s20 =	sadd.s32 s28, s21  }
0x3e: {  	[hbm4b:s20+s2] =	stream.linear.scatter [tilespmem:s14], [sflag:$0x3], $0x4000, $0x38;
	[tilespmem:$0x10100] =	vst v63  }
0x3f: {  	_ =	swait.ge [sflag:s3], $0x4000  }
0x40: {  	[sflag:s3] =	ssyncset.done $0x0  }
0x41: {  	s21 =	sadd.s32 s29, s21;
	[sflag:s3] =	ssyncadd.s32 $0xFFFFC000  }
0x42: {  	[hbm4b:s21+s2] =	stream.linear.scatter [tilespmem:s15], [sflag:$0x3], $0x4000, $0x38;
	[tilespmem:$0x10100] =	vst v63  }
0x43: {  	_ =	swait.ge [sflag:s3], $0x4000  }
0x44: {  	[sflag:s3] =	ssyncset.done $0x0  }
0x45: {  	[sflag:s3] =	ssyncadd.s32 $0xFFFFC000  }
0x46: {  	_ =	swait.ge [sflag:s10], $0x4000  }
0x47: {  	[sflag:s10] =	ssyncset.done $0x0  }
0x48: {  	[sflag:s10] =	ssyncadd.s32 $0xFFFFC000  }
0x49: {  	s30 =	sor.u32 $0x180, s24;
	_ =	swait.ge [sflag:s11], $0x4000  }
0x4a: {  	s24 =	sshrl.u32 s30, $0x3;
	[sflag:s11] =	ssyncset.done $0x0  }
0x4b: {  	s22 =	sadd.s32 s22, s24;
	[sflag:s11] =	ssyncadd.s32 $0xFFFFC000  }
0x4c: {  	[tilespmem:s2], [sflag:$0x3] =	stream.linear.gather [hbm4b:s22+s2], $0x80, $0x38;
	[tilespmem:$0x10100] =	vst v63  }
0x4d: {  	_ =	swait.ge [sflag:s3], $0x80  }
0x4e: {  	[sflag:s3] =	ssyncset.done $0x0  }
0x4f: {  	s23 =	sadd.s32 s23, s24;
	[sflag:s3] =	ssyncadd.s32 $0xFFFFFF80  }
0x50: {  	[tilespmem:s6], [sflag:$0x3] =	stream.linear.gather [hbm4b:s23+s2], $0x80, $0x38;
	[tilespmem:$0x10100] =	vst v63  }
0x51: {  	_ =	swait.ge [sflag:s3], $0x80  }
0x52: {  	[sflag:s3] =	ssyncset.done $0x0  }
0x53: {  	[sflag:s3] =	ssyncadd.s32 $0xFFFFFF80  }
0x54: {  	[tilespmem:s14], [sflag:$0x1] =	stream.indirect.gather [hbm4b:s7+s6], $0x80, s2, s6, $0xb8;
	[tilespmem:$0x10100] =	vst v63  }
0x55: {  	s25 =	sshll.u32 s25, $0x4  }
0x56: {  	[tilespmem:s15], [sflag:$0x2] =	stream.indirect.gather [hbm4b:s7+s6], $0x80, s6, s6, $0xb8;
	[tilespmem:$0x10100] =	vst v63  }
0x57: {  	s24 =	sadd.s32 s28, s25  }
0x58: {  	[hbm4b:s24+s2] =	stream.linear.scatter [tilespmem:s8], [sflag:$0x3], $0x4000, $0x38;
	[tilespmem:$0x10100] =	vst v63  }
0x59: {  	_ =	swait.ge [sflag:s3], $0x4000  }
0x5a: {  	[sflag:s3] =	ssyncset.done $0x0  }
0x5b: {  	s25 =	sadd.s32 s29, s25;
	[sflag:s3] =	ssyncadd.s32 $0xFFFFC000  }
0x5c: {  	[hbm4b:s25+s2] =	stream.linear.scatter [tilespmem:s9], [sflag:$0x3], $0x4000, $0x38;
	[tilespmem:$0x10100] =	vst v63  }
0x5d: {  	_ =	swait.ge [sflag:s3], $0x4000  }
0x5e: {  	[sflag:s3] =	ssyncset.done $0x0  }
0x5f: {  	[sflag:s3] =	ssyncadd.s32 $0xFFFFC000  }
0x60: {  	_ =	swait.ge [sflag:s10], $0x4000  }
0x61: {  	[sflag:s10] =	ssyncset.done $0x0  }
0x62: {  	s31 =	ssub.s32 $0x2, s26;
	s30 =	sshll.u32 s30, $0x4;
	[sflag:s10] =	ssyncadd.s32 $0xFFFFC000  }
0x63: {  	s26 =	sadd.s32 s28, s30;
	s28 =	sshrl.u32 s31, $0x1;
	_ =	swait.ge [sflag:s11], $0x4000  }
0x64: {  	s31 =	ssub.s32 s31, s28;
	[sflag:s11] =	ssyncset.done $0x0  }
0x65: {  	s28 =	sadd.s32 s29, s30;
	s29 =	smax.u32 s31, $0x1;
	[sflag:s11] =	ssyncadd.s32 $0xFFFFC000  }
0x66: {  	[hbm4b:s26+s2] =	stream.linear.scatter [tilespmem:s14], [sflag:$0x3], $0x4000, $0x38;
	[tilespmem:$0x10100] =	vst v63  }
0x67: {  	p0 =	sne.s32 s29, $0x1;
	_ =	swait.ge [sflag:s3], $0x4000  }
.Ltmp0:
0x68: {  	[sflag:s3] =	ssyncset.done $0x0;
	(pc) =	sbr.rel @!p0 .LBB2_2-.Ltmp0, $4  }
0x69: {  	[sflag:s3] =	ssyncadd.s32 $0xFFFFC000  }
0x6a: {  	[hbm4b:s28+s2] =	stream.linear.scatter [tilespmem:s15], [sflag:$0x3], $0x4000, $0x38;
	[tilespmem:$0x10100] =	vst v63  }
0x6b: {  	_ =	swait.ge [sflag:s3], $0x4000  }
0x6c: {  	s29 =	sadd.s32 $0xFFFFFFFF, s29;
	[sflag:s3] =	ssyncset.done $0x0  }
.LBB2_1:
0x6d: {  	p0 =	sne.s32 s29, $0x1;
	s29 =	sadd.s32 $0xFFFFFFFF, s29;
	[sflag:s3] =	ssyncadd.s32 $0xFFFFC000  }
0x6e: {  	[tilespmem:s2], [sflag:$0x3] =	stream.linear.gather [hbm4b:s4+s2], $0x80, $0x38;
	[tilespmem:$0x10100] =	vst v63  }
0x6f: {  	_ =	swait.ge [sflag:s3], $0x80  }
0x70: {  	[sflag:s3] =	ssyncset.done $0x0  }
0x71: {  	[sflag:s3] =	ssyncadd.s32 $0xFFFFFF80  }
0x72: {  	[tilespmem:s6], [sflag:$0x3] =	stream.linear.gather [hbm4b:s5+s2], $0x80, $0x38;
	[tilespmem:$0x10100] =	vst v63  }
0x73: {  	_ =	swait.ge [sflag:s3], $0x80  }
0x74: {  	[sflag:s3] =	ssyncset.done $0x0  }
0x75: {  	[sflag:s3] =	ssyncadd.s32 $0xFFFFFF80  }
0x76: {  	[tilespmem:s8], [sflag:$0x1] =	stream.indirect.gather [hbm4b:s7+s6], $0x80, s2, s6, $0xb8;
	[tilespmem:$0x10100] =	vst v63  }
0x77: {  	_ = 	snop  }
0x78: {  	[tilespmem:s9], [sflag:$0x2] =	stream.indirect.gather [hbm4b:s7+s6], $0x80, s6, s6, $0xb8;
	[tilespmem:$0x10100] =	vst v63  }
0x79: {  	_ =	swait.ge [sflag:s10], $0x4000  }
0x7a: {  	[sflag:s10] =	ssyncset.done $0x0  }
0x7b: {  	[sflag:s10] =	ssyncadd.s32 $0xFFFFC000  }
0x7c: {  	_ =	swait.ge [sflag:s11], $0x4000  }
0x7d: {  	[sflag:s11] =	ssyncset.done $0x0  }
0x7e: {  	[sflag:s11] =	ssyncadd.s32 $0xFFFFC000  }
0x7f: {  	[tilespmem:s2], [sflag:$0x3] =	stream.linear.gather [hbm4b:s12+s2], $0x80, $0x38;
	[tilespmem:$0x10100] =	vst v63  }
0x80: {  	_ =	swait.ge [sflag:s3], $0x80  }
0x81: {  	[sflag:s3] =	ssyncset.done $0x0  }
0x82: {  	[sflag:s3] =	ssyncadd.s32 $0xFFFFFF80  }
0x83: {  	[tilespmem:s6], [sflag:$0x3] =	stream.linear.gather [hbm4b:s13+s2], $0x80, $0x38;
	[tilespmem:$0x10100] =	vst v63  }
0x84: {  	_ =	swait.ge [sflag:s3], $0x80  }
0x85: {  	[sflag:s3] =	ssyncset.done $0x0  }
0x86: {  	[sflag:s3] =	ssyncadd.s32 $0xFFFFFF80  }
0x87: {  	[tilespmem:s14], [sflag:$0x1] =	stream.indirect.gather [hbm4b:s7+s6], $0x80, s2, s6, $0xb8;
	[tilespmem:$0x10100] =	vst v63  }
0x88: {  	_ = 	snop  }
0x89: {  	[tilespmem:s15], [sflag:$0x2] =	stream.indirect.gather [hbm4b:s7+s6], $0x80, s6, s6, $0xb8;
	[tilespmem:$0x10100] =	vst v63  }
0x8a: {  	_ = 	snop  }
0x8b: {  	[hbm4b:s16+s2] =	stream.linear.scatter [tilespmem:s8], [sflag:$0x3], $0x4000, $0x38;
	[tilespmem:$0x10100] =	vst v63  }
0x8c: {  	_ =	swait.ge [sflag:s3], $0x4000  }
0x8d: {  	[sflag:s3] =	ssyncset.done $0x0  }
0x8e: {  	[sflag:s3] =	ssyncadd.s32 $0xFFFFC000  }
0x8f: {  	[hbm4b:s17+s2] =	stream.linear.scatter [tilespmem:s9], [sflag:$0x3], $0x4000, $0x38;
	[tilespmem:$0x10100] =	vst v63  }
0x90: {  	_ =	swait.ge [sflag:s3], $0x4000  }
0x91: {  	[sflag:s3] =	ssyncset.done $0x0  }
0x92: {  	[sflag:s3] =	ssyncadd.s32 $0xFFFFC000  }
0x93: {  	_ =	swait.ge [sflag:s10], $0x4000  }
0x94: {  	[sflag:s10] =	ssyncset.done $0x0  }
0x95: {  	[sflag:s10] =	ssyncadd.s32 $0xFFFFC000  }
0x96: {  	_ =	swait.ge [sflag:s11], $0x4000  }
0x97: {  	[sflag:s11] =	ssyncset.done $0x0  }
0x98: {  	[sflag:s11] =	ssyncadd.s32 $0xFFFFC000  }
0x99: {  	[tilespmem:s2], [sflag:$0x3] =	stream.linear.gather [hbm4b:s18+s2], $0x80, $0x38;
	[tilespmem:$0x10100] =	vst v63  }
0x9a: {  	_ =	swait.ge [sflag:s3], $0x80  }
0x9b: {  	[sflag:s3] =	ssyncset.done $0x0  }
0x9c: {  	[sflag:s3] =	ssyncadd.s32 $0xFFFFFF80  }
0x9d: {  	[tilespmem:s6], [sflag:$0x3] =	stream.linear.gather [hbm4b:s19+s2], $0x80, $0x38;
	[tilespmem:$0x10100] =	vst v63  }
0x9e: {  	_ =	swait.ge [sflag:s3], $0x80  }
0x9f: {  	[sflag:s3] =	ssyncset.done $0x0  }
0xa0: {  	[sflag:s3] =	ssyncadd.s32 $0xFFFFFF80  }
0xa1: {  	[tilespmem:s8], [sflag:$0x1] =	stream.indirect.gather [hbm4b:s7+s6], $0x80, s2, s6, $0xb8;
	[tilespmem:$0x10100] =	vst v63  }
0xa2: {  	_ = 	snop  }
0xa3: {  	[tilespmem:s9], [sflag:$0x2] =	stream.indirect.gather [hbm4b:s7+s6], $0x80, s6, s6, $0xb8;
	[tilespmem:$0x10100] =	vst v63  }
0xa4: {  	_ = 	snop  }
0xa5: {  	[hbm4b:s20+s2] =	stream.linear.scatter [tilespmem:s14], [sflag:$0x3], $0x4000, $0x38;
	[tilespmem:$0x10100] =	vst v63  }
0xa6: {  	_ =	swait.ge [sflag:s3], $0x4000  }
0xa7: {  	[sflag:s3] =	ssyncset.done $0x0  }
0xa8: {  	[sflag:s3] =	ssyncadd.s32 $0xFFFFC000  }
0xa9: {  	[hbm4b:s21+s2] =	stream.linear.scatter [tilespmem:s15], [sflag:$0x3], $0x4000, $0x38;
	[tilespmem:$0x10100] =	vst v63  }
0xaa: {  	_ =	swait.ge [sflag:s3], $0x4000  }
0xab: {  	[sflag:s3] =	ssyncset.done $0x0  }
0xac: {  	[sflag:s3] =	ssyncadd.s32 $0xFFFFC000  }
0xad: {  	_ =	swait.ge [sflag:s10], $0x4000  }
0xae: {  	[sflag:s10] =	ssyncset.done $0x0  }
0xaf: {  	[sflag:s10] =	ssyncadd.s32 $0xFFFFC000  }
0xb0: {  	_ =	swait.ge [sflag:s11], $0x4000  }
0xb1: {  	[sflag:s11] =	ssyncset.done $0x0  }
0xb2: {  	[sflag:s11] =	ssyncadd.s32 $0xFFFFC000  }
0xb3: {  	[tilespmem:s2], [sflag:$0x3] =	stream.linear.gather [hbm4b:s22+s2], $0x80, $0x38;
	[tilespmem:$0x10100] =	vst v63  }
0xb4: {  	_ =	swait.ge [sflag:s3], $0x80  }
0xb5: {  	[sflag:s3] =	ssyncset.done $0x0  }
0xb6: {  	[sflag:s3] =	ssyncadd.s32 $0xFFFFFF80  }
0xb7: {  	[tilespmem:s6], [sflag:$0x3] =	stream.linear.gather [hbm4b:s23+s2], $0x80, $0x38;
	[tilespmem:$0x10100] =	vst v63  }
0xb8: {  	_ =	swait.ge [sflag:s3], $0x80  }
0xb9: {  	[sflag:s3] =	ssyncset.done $0x0  }
0xba: {  	[sflag:s3] =	ssyncadd.s32 $0xFFFFFF80  }
0xbb: {  	[tilespmem:s14], [sflag:$0x1] =	stream.indirect.gather [hbm4b:s7+s6], $0x80, s2, s6, $0xb8;
	[tilespmem:$0x10100] =	vst v63  }
0xbc: {  	_ = 	snop  }
0xbd: {  	[tilespmem:s15], [sflag:$0x2] =	stream.indirect.gather [hbm4b:s7+s6], $0x80, s6, s6, $0xb8;
	[tilespmem:$0x10100] =	vst v63  }
0xbe: {  	_ = 	snop  }
0xbf: {  	[hbm4b:s24+s2] =	stream.linear.scatter [tilespmem:s8], [sflag:$0x3], $0x4000, $0x38;
	[tilespmem:$0x10100] =	vst v63  }
0xc0: {  	_ =	swait.ge [sflag:s3], $0x4000  }
0xc1: {  	[sflag:s3] =	ssyncset.done $0x0  }
0xc2: {  	[sflag:s3] =	ssyncadd.s32 $0xFFFFC000  }
0xc3: {  	[hbm4b:s25+s2] =	stream.linear.scatter [tilespmem:s9], [sflag:$0x3], $0x4000, $0x38;
	[tilespmem:$0x10100] =	vst v63  }
0xc4: {  	_ =	swait.ge [sflag:s3], $0x4000  }
0xc5: {  	[sflag:s3] =	ssyncset.done $0x0  }
0xc6: {  	[sflag:s3] =	ssyncadd.s32 $0xFFFFC000  }
0xc7: {  	_ =	swait.ge [sflag:s10], $0x4000  }
0xc8: {  	[sflag:s10] =	ssyncset.done $0x0  }
0xc9: {  	[sflag:s10] =	ssyncadd.s32 $0xFFFFC000  }
0xca: {  	_ =	swait.ge [sflag:s11], $0x4000  }
0xcb: {  	[sflag:s11] =	ssyncset.done $0x0  }
0xcc: {  	[sflag:s11] =	ssyncadd.s32 $0xFFFFC000  }
0xcd: {  	[hbm4b:s26+s2] =	stream.linear.scatter [tilespmem:s14], [sflag:$0x3], $0x4000, $0x38;
	[tilespmem:$0x10100] =	vst v63  }
0xce: {  	_ =	swait.ge [sflag:s3], $0x4000  }
.Ltmp1:
0xcf: {  	[sflag:s3] =	ssyncset.done $0x0;
	(pc) =	sbr.rel @p0 .LBB2_1-.Ltmp1, $4  }
0xd0: {  	[sflag:s3] =	ssyncadd.s32 $0xFFFFC000  }
0xd1: {  	[hbm4b:s28+s2] =	stream.linear.scatter [tilespmem:s15], [sflag:$0x3], $0x4000, $0x38;
	[tilespmem:$0x10100] =	vst v63  }
0xd2: {  	_ =	swait.ge [sflag:s3], $0x4000  }
0xd3: {  	[sflag:s3] =	ssyncset.done $0x0  }
.LBB2_2:
0xd4: {  	[sflag:s3] =	ssyncadd.s32 $0xFFFFC000  }
0xd5: {  	_ =	sfence.sel $0x180000  }
0xd6: {  	[bflag:$0x0] =	sbarrier.arrive $0xFFFF  }
0xd7: {  	p0 =	sne.s32 s0, $0x0;
	_ =	strace $0x9000004D  }
0xd8: {  	s0 =	sadd.s32 @!p0 $0x100000, s1;
	[bflag:$0x2] =	sbarrier.arrive $0xFFFF  }
0xd9: {  	[sflag:s0] =	ssyncadd.tile.s32 @!p0 $0x1;
	_ =	shalt  }
.Lfunc_end2:
_tile_overlayer_lowered:
.L_overlay_start_2:
0xda: {  	(tag) =	ssettag $0x2  }
0xdb: {  	s0 =	rddreg [dreg:$0x0];
	s2 =	stileid.u32  }
0xdc: {  	s1 =	rddreg [dreg:$0x1];
	p0 =	sne.s32 s2, $0x0  }
0xdd: {  	s3 =	rddreg [dreg:$0x2];
	[bflag:$0x3] =	sbarrier.arrive $0xFFFF;
	s2 =	simm.s32 @!p0 $0x1C03  }
0xde: {  	[timem:s3], [sflag:s2] =	dma.local @!p0 [hbm:s0], s1  }
0xdf: {  	s0 =	simm.s32 @!p0 $0x3  }
0xe0: {  	_ =	swait.ge @!p0 [sflag:s0], s1  }
0xe1: {  	s1 =	ssub.s32 @!p0 $0x0, s1;
	[sflag:s0] =	ssyncset.done @!p0 $0x0  }
0xe2: {  	[sflag:s0] =	ssyncadd.s32 @!p0 s1  }
0xe3: {  	[bflag:$0x3] =	sbarrier.arrive $0xFFFF  }
0xe4: {  	_ =	shalt  }

</sc_bundles>
